<compile_context>
chip_gen: v7x
topology: tpu7x:2x2x1
jax: 0.10.2.dev20260603
libtpu: 0.0.44.dev20260713+nightly
codegen_flags: <defaults>
</compile_context>

<pallas_src>
import functools

import jax
import jax.numpy as jnp
from jax import lax
from jax.experimental import pallas as pl
from jax.experimental.pallas import tpu as pltpu
from jax.experimental.pallas import tpu_sc as plsc

N = 10000
D = 256
DE = 16
L = 3

NC = 2
NS = 16
HALF = D // 2
CHUNK = 128
CHUNKS_B = 80
CHUNKS_A = 40
E_PAD = NS * CHUNKS_B * CHUNK
N_PAD = 10240
RPT = N_PAD // NS
EF_W = 128

_MESH = plsc.VectorSubcoreMesh(core_axis_name="c", subcore_axis_name="s")


@functools.partial(
    pl.kernel,
    out_type=jax.ShapeDtypeStruct((NC, N_PAD, EF_W), jnp.float32),
    mesh=_MESH,
    scratch_types=[
        pltpu.VMEM((CHUNKS_A, CHUNK), jnp.int32),
        pltpu.VMEM((CHUNK, EF_W), jnp.float32),
        pltpu.VMEM((CHUNK, EF_W), jnp.float32),
        pltpu.VMEM_SHARED((N_PAD, EF_W), jnp.float32),
        pltpu.SemaphoreType.DMA,
        pltpu.SemaphoreType.DMA,
        pltpu.SemaphoreType.DMA,
        pltpu.SemaphoreType.DMA,
    ],
)
def _edge_segsum(ef_hbm, dst_hbm, zero_hbm, out_hbm, dst_v, ef0, ef1, acc,
                 gs0, gs1, ss0, ss1):
    c = lax.axis_index("c")
    s = lax.axis_index("s")
    pltpu.sync_copy(zero_hbm, acc.at[pl.ds(s * RPT, RPT)])
    pltpu.sync_copy(dst_hbm.at[c, s], dst_v)
    plsc.subcore_barrier()

    bufs = (ef0, ef1)
    gsems = (gs0, gs1)
    ssems = (ss0, ss1)
    pltpu.async_copy(ef_hbm.at[c, s, 0], ef0, gs0)
    pltpu.async_copy(ef_hbm.at[c, s, 1], ef1, gs1)

    def body(i, carry):
        j = i * 2
        for b in range(2):
            jj = j + b
            pltpu.make_async_copy(ef_hbm.at[c, s, jj], bufs[b], gsems[b]).wait()
            pltpu.async_copy(bufs[b], acc.at[dst_v.at[jj]], ssems[b], add=True)
        for b in range(2):
            jj = j + b
            pltpu.make_async_copy(bufs[b], acc.at[dst_v.at[jj]], ssems[b]).wait()

            @pl.when(jj + 2 < CHUNKS_A)
            def _():
                pltpu.async_copy(ef_hbm.at[c, s, jj + 2], bufs[b], gsems[b])

        return carry

    lax.fori_loop(0, CHUNKS_A // 2, body, 0)
    plsc.subcore_barrier()
    pltpu.sync_copy(acc.at[pl.ds(s * RPT, RPT)], out_hbm.at[c, pl.ds(s * RPT, RPT)])


@functools.partial(
    pl.kernel,
    out_type=(
        jax.ShapeDtypeStruct((N_PAD, HALF), jnp.float32),
        jax.ShapeDtypeStruct((N_PAD, HALF), jnp.float32),
    ),
    mesh=_MESH,
    scratch_types=[
        pltpu.VMEM((CHUNKS_B // 2, CHUNK), jnp.int32),
        pltpu.VMEM((CHUNKS_B // 2, CHUNK), jnp.int32),
        pltpu.VMEM((CHUNK, HALF), jnp.float32),
        pltpu.VMEM((CHUNK, HALF), jnp.float32),
        pltpu.VMEM_SHARED((N_PAD, HALF), jnp.float32),
        pltpu.SemaphoreType.DMA,
        pltpu.SemaphoreType.DMA,
        pltpu.SemaphoreType.DMA,
        pltpu.SemaphoreType.DMA,
    ],
)
def _gather_segsum(xlo_hbm, xhi_hbm, src_hbm, dst_hbm, zero_hbm,
                   glo_hbm, ghi_hbm,
                   src_v, dst_v, rows0, rows1, acc, gs0, gs1, gs2, gs3):
    c = lax.axis_index("c")
    s = lax.axis_index("s")
    half_chunks = CHUNKS_B // 2
    HC = CHUNK // 2
    pltpu.sync_copy(zero_hbm, acc.at[pl.ds(s * RPT, RPT)])
    plsc.subcore_barrier()

    def run(x_hbm, g_hbm):
        bufs = (rows0, rows1)
        gsems = ((gs0, gs1), (gs2, gs3))
        nb = 2

        def fire(jj, b):
            for h in range(2):
                pltpu.async_copy(
                    x_hbm.at[src_v.at[jj, pl.ds(h * HC, HC)]],
                    bufs[b].at[pl.ds(h * HC, HC)],
                    gsems[b][h])

        def drain(jj, b):
            for h in range(2):
                pltpu.make_async_copy(
                    x_hbm.at[src_v.at[jj, pl.ds(h * HC, HC)]],
                    bufs[b].at[pl.ds(h * HC, HC)],
                    gsems[b][h]).wait()

        for phase in range(2):
            base = phase * half_chunks
            pltpu.sync_copy(src_hbm.at[s, pl.ds(base, half_chunks)], src_v)
            pltpu.sync_copy(dst_hbm.at[s, pl.ds(base, half_chunks)], dst_v)
            for b in range(nb):
                fire(b, b)

            def outer(i, carry):
                j = i * nb
                for b in range(nb):
                    jj = j + b
                    drain(jj, b)
                    pltpu.sync_copy(bufs[b], acc.at[dst_v.at[jj]], add=True)

                    @pl.when(jj + nb < half_chunks)
                    def _():
                        fire(jj + nb, b)

                return carry

            lax.fori_loop(0, half_chunks // nb, outer, 0)
        plsc.subcore_barrier()
        pltpu.sync_copy(acc.at[pl.ds(s * RPT, RPT)], g_hbm.at[pl.ds(s * RPT, RPT)])

    @pl.when(c == 0)
    def _():
        run(xlo_hbm, glo_hbm)

    @pl.when(c == 1)
    def _():
        run(xhi_hbm, ghi_hbm)


BLK = 2000


def _tc_body(split, xlo, xhi, glo, ghi, ge, wx0, wx1, wea, gam, bet, *outs):
    hp = lax.Precision.HIGHEST
    f32 = jnp.float32
    agg = (
        jnp.dot(glo[...], wx0[...], precision=hp, preferred_element_type=f32)
        + jnp.dot(ghi[...], wx1[...], precision=hp, preferred_element_type=f32)
        + jnp.dot(ge[0] + ge[1], wea[...], precision=hp, preferred_element_type=f32)
    )
    x = jnp.concatenate([xlo[...], xhi[...]], axis=1)
    h = x + agg
    mu = jnp.mean(h, axis=1, keepdims=True)
    hc = h - mu
    var = jnp.mean(hc * hc, axis=1, keepdims=True)
    y = hc * lax.rsqrt(var + 1e-5) * gam[...] + bet[...]
    y = jnp.maximum(y, 0.0)
    if split:
        outs[0][...] = y[:, :HALF]
        outs[1][...] = y[:, HALF:]
    else:
        outs[0][...] = y


def _make_tc(split):
    in_specs = [
        pl.BlockSpec((BLK, HALF), lambda i: (i, 0)),
        pl.BlockSpec((BLK, HALF), lambda i: (i, 0)),
        pl.BlockSpec((BLK, HALF), lambda i: (i, 0)),
        pl.BlockSpec((BLK, HALF), lambda i: (i, 0)),
        pl.BlockSpec((NC, BLK, EF_W), lambda i: (0, i, 0)),
        pl.BlockSpec((HALF, D), lambda i: (0, 0)),
        pl.BlockSpec((HALF, D), lambda i: (0, 0)),
        pl.BlockSpec((EF_W, D), lambda i: (0, 0)),
        pl.BlockSpec((1, D), lambda i: (0, 0)),
        pl.BlockSpec((1, D), lambda i: (0, 0)),
    ]
    if split:
        out_shape = (
            jax.ShapeDtypeStruct((N, HALF), jnp.float32),
            jax.ShapeDtypeStruct((N, HALF), jnp.float32),
        )
        out_specs = (
            pl.BlockSpec((BLK, HALF), lambda i: (i, 0)),
            pl.BlockSpec((BLK, HALF), lambda i: (i, 0)),
        )
    else:
        out_shape = jax.ShapeDtypeStruct((N, D), jnp.float32)
        out_specs = pl.BlockSpec((BLK, D), lambda i: (i, 0))
    return pl.pallas_call(
        functools.partial(_tc_body, split),
        grid=(N // BLK,),
        in_specs=in_specs,
        out_specs=out_specs,
        out_shape=out_shape,
    )


_tc_split = _make_tc(True)
_tc_final = _make_tc(False)


def kernel(node_features, edge_index, edge_features, Ws, bs, gammas, betas):
    src = edge_index[0].astype(jnp.int32)
    dst = edge_index[1].astype(jnp.int32)
    e = src.shape[0]
    pad = E_PAD - e

    srcp = jnp.concatenate([src, jnp.zeros((pad,), jnp.int32)])
    dstp = jnp.concatenate([dst, jnp.full((pad,), N, jnp.int32)])
    src_b = srcp.reshape(NS, CHUNKS_B, CHUNK)
    dst_b = dstp.reshape(NS, CHUNKS_B, CHUNK)
    dst_a = dstp.reshape(NC, NS, CHUNKS_A, CHUNK)

    ef_aug = jnp.concatenate(
        [edge_features,
         jnp.ones((e, 1), jnp.float32),
         jnp.zeros((e, EF_W - DE - 1), jnp.float32)], axis=1)
    ef_a = jnp.concatenate([ef_aug, jnp.zeros((pad, EF_W), jnp.float32)], axis=0)
    ef_a = ef_a.reshape(NC, NS, CHUNKS_A, CHUNK, EF_W)

    z_ef = jnp.zeros((RPT, EF_W), jnp.float32)
    z_half = jnp.zeros((RPT, HALF), jnp.float32)

    ge = _edge_segsum(ef_a, dst_a, z_ef)

    xlo = node_features[:, :HALF]
    xhi = node_features[:, HALF:]
    out = None
    for i in range(L):
        w = Ws[i]
        wx0 = w[:HALF]
        wx1 = w[HALF:D]
        wea = jnp.concatenate(
            [w[D:], bs[i][None, :], jnp.zeros((EF_W - DE - 1, D), jnp.float32)],
            axis=0)
        gam = gammas[i][None, :]
        bet = betas[i][None, :]
        glo, ghi = _gather_segsum(xlo, xhi, src_b, dst_b, z_half)
        if i < L - 1:
            xlo, xhi = _tc_split(xlo, xhi, glo, ghi, ge, wx0, wx1, wea, gam, bet)
        else:
            out = _tc_final(xlo, xhi, glo, ghi, ge, wx0, wx1, wea, gam, bet)
    return out

# --- scband reference (transcript-rebuilt; emitter-appended) ---
"""Pipeline reference for scband-supply-network-gnn-77687368450186 (READ-ONLY COPY).

The authoritative reference and input builder live on the scoring server;
editing this copy changes nothing except your own understanding.
"""

import jax, jax.numpy as jnp
import numpy as np

N = 10000
E = 160000
D = 256
DE = 16
L = 3


def setup_inputs(seed: int = 0) -> dict:
    key = jax.random.key(seed)
    k1, k2, k3, k4 = jax.random.split(key, 4)
    node_features = jax.random.normal(k1, (N, D), dtype=jnp.float32)
    edge_index = jax.random.randint(k2, (2, E), 0, N)
    edge_features = jax.random.normal(k3, (E, DE), dtype=jnp.float32)
    # Per-layer Linear(node_dim+edge_dim -> node_dim) weights (stored as [in, out]) and biases
    wkeys = jax.random.split(k4, L)
    Ws = jnp.stack([jax.random.normal(wkeys[i], (D + DE, D), dtype=jnp.float32) * (1.0 / np.sqrt(D + DE)) for i in range(L)])
    bs = jnp.zeros((L, D), dtype=jnp.float32)
    # Per-layer LayerNorm affine params
    gammas = jnp.ones((L, D), dtype=jnp.float32)
    betas = jnp.zeros((L, D), dtype=jnp.float32)
    return {"node_features": node_features, "edge_index": edge_index, "edge_features": edge_features, "Ws": Ws, "bs": bs, "gammas": gammas, "betas": betas}


def reference(node_features, edge_index, edge_features, Ws, bs, gammas, betas):
    x = node_features
    src = edge_index[0]
    dst = edge_index[1]
    for i in range(L):
        # message: concat(gathered source features, edge features) -> linear
        msgs = jnp.concatenate([jnp.take(x, src, axis=0), edge_features], axis=-1) @ Ws[i] + bs[i]
        # scatter-add aggregation onto target nodes
        agg = jnp.zeros_like(x).at[dst].add(msgs)
        x = x + agg
        # LayerNorm
        mu = jnp.mean(x, axis=-1, keepdims=True)
        var = jnp.var(x, axis=-1, keepdims=True)
        x = (x - mu) / jnp.sqrt(var + 1e-5) * gammas[i] + betas[i]
        x = jax.nn.relu(x)
        # dropout p=0.0 -> identity
    return x

if __name__ == "__main__":
    import jax
    _d = setup_inputs()
    print(jax.jit(kernel)(*tuple(_d.values())))

</pallas_src>

<mosaic_0001>
#map = affine_map<(d0, d1) -> (0, 0)>
#map1 = affine_map<(d0, d1) -> (0, 0, 0)>
module attributes {stable_mosaic.version = 14 : i64} {
  func.func @_gather_segsum(%arg0: i32, %arg1: i32, %arg2: memref<10000x128xf32, #tpu.memory_space<hbm>>, %arg3: memref<10000x128xf32, #tpu.memory_space<hbm>>, %arg4: memref<16x80x128xi32, #tpu.memory_space<hbm>>, %arg5: memref<16x80x128xi32, #tpu.memory_space<hbm>>, %arg6: memref<640x128xf32, #tpu.memory_space<hbm>>, %arg7: memref<10240x128xf32, #tpu.memory_space<hbm>>, %arg8: memref<10240x128xf32, #tpu.memory_space<hbm>>, %arg9: memref<40x128xi32, #tpu.memory_space<vmem>>, %arg10: memref<40x128xi32, #tpu.memory_space<vmem>>, %arg11: memref<128x128xf32, #tpu.memory_space<vmem>>, %arg12: memref<128x128xf32, #tpu.memory_space<vmem>>, %arg13: memref<10240x128xf32, #tpu.memory_space<vmem_shared>>, %arg14: memref<!tpu.dma_semaphore, #tpu.memory_space<semaphore_mem>>, %arg15: memref<!tpu.dma_semaphore, #tpu.memory_space<semaphore_mem>>, %arg16: memref<!tpu.dma_semaphore, #tpu.memory_space<semaphore_mem>>, %arg17: memref<!tpu.dma_semaphore, #tpu.memory_space<semaphore_mem>>) attributes {dimension_semantics = [#tpu.dimension_semantics<core_parallel>, #tpu.dimension_semantics<subcore_parallel>], iteration_bounds = array<i64: 2, 16>, scalar_prefetch = 0 : i64, scratch_operands = 9 : i64, tpu.core_type = #tpu.core_type<sc_vector_subcore>, window_params = [{transform_indices = #map}, {transform_indices = #map}, {transform_indices = #map1}, {transform_indices = #map1}, {transform_indices = #map}, {transform_indices = #map}, {transform_indices = #map}]} {
    %mul3A = arith.constant 640 : i32
    %mul3A_0 = arith.muli %arg1, %mul3A : i32
    "tpu.region"() ({
      %run_scoped3A = tpu.sem_alloc : memref<!tpu.dma_semaphore, #tpu.memory_space<semaphore_mem>>
      %dma_start3A = arith.constant 0 : i32
      %dma_start3A_8 = tpu.memref_slice %arg13[%mul3A_0, %dma_start3A] : memref<10240x128xf32, #tpu.memory_space<vmem_shared>> -> memref<640x128xf32, #tpu.memory_space<vmem_shared>>
      tpu.enqueue_dma source(%arg6 : memref<640x128xf32, #tpu.memory_space<hbm>>) target(%dma_start3A_8 : memref<640x128xf32, #tpu.memory_space<vmem_shared>>) target_semaphore(%run_scoped3A : memref<!tpu.dma_semaphore, #tpu.memory_space<semaphore_mem>>)
      %dma_wait3A = arith.constant 0 : i32
      %dma_wait3A_9 = tpu.memref_slice %arg13[%mul3A_0, %dma_wait3A] : memref<10240x128xf32, #tpu.memory_space<vmem_shared>> -> memref<640x128xf32, #tpu.memory_space<vmem_shared>>
      tpu.wait_dma2 semaphore(%run_scoped3A : memref<!tpu.dma_semaphore, #tpu.memory_space<semaphore_mem>>) src(%arg6 : memref<640x128xf32, #tpu.memory_space<hbm>>) dst(%dma_wait3A_9 : memref<640x128xf32, #tpu.memory_space<vmem_shared>>)
      tpu.yield
    }) : () -> ()
    %barrier3A = arith.constant 0 : index
    tpu.barrier barrier_id(%barrier3A)
    %eq3A = arith.constant 0 : i32
    %eq3A_1 = arith.cmpi eq, %arg0, %eq3A : i32
    %convert_element_type3A = arith.extui %eq3A_1 : i1 to i32
    %cond3A = arith.constant 0 : i32
    %cond3A_2 = arith.cmpi ne, %convert_element_type3A, %cond3A : i32
    scf.if %cond3A_2 {
      "tpu.region"() ({
        %run_scoped3A = tpu.sem_alloc : memref<!tpu.dma_semaphore, #tpu.memory_space<semaphore_mem>>
        %dma_start3A_103 = arith.constant 0 : i32
        %dma_start3A_104 = arith.constant 0 : i32
        %dma_start3A_105 = tpu.memref_slice %arg4[%arg1, %dma_start3A_103, %dma_start3A_104] : memref<16x80x128xi32, #tpu.memory_space<hbm>> -> memref<1x40x128xi32, #tpu.memory_space<hbm>>
        %dma_start3A_106 = tpu.memref_squeeze %dma_start3A_105 : memref<1x40x128xi32, #tpu.memory_space<hbm>> -> memref<40x128xi32, #tpu.memory_space<hbm>>
        %dma_start3A_107 = arith.constant 0 : i32
        %dma_start3A_108 = arith.constant 0 : i32
        %dma_start3A_109 = tpu.memref_slice %arg4[%arg1, %dma_start3A_107, %dma_start3A_108] : memref<16x80x128xi32, #tpu.memory_space<hbm>> -> memref<1x40x128xi32, #tpu.memory_space<hbm>>
        %dma_start3A_110 = tpu.memref_squeeze %dma_start3A_109 : memref<1x40x128xi32, #tpu.memory_space<hbm>> -> memref<40x128xi32, #tpu.memory_space<hbm>>
        tpu.enqueue_dma source(%dma_start3A_110 : memref<40x128xi32, #tpu.memory_space<hbm>>) target(%arg9 : memref<40x128xi32, #tpu.memory_space<vmem>>) target_semaphore(%run_scoped3A : memref<!tpu.dma_semaphore, #tpu.memory_space<semaphore_mem>>)
        %dma_wait3A = arith.constant 0 : i32
        %dma_wait3A_111 = arith.constant 0 : i32
        %dma_wait3A_112 = tpu.memref_slice %arg4[%arg1, %dma_wait3A, %dma_wait3A_111] : memref<16x80x128xi32, #tpu.memory_space<hbm>> -> memref<1x40x128xi32, #tpu.memory_space<hbm>>
        %dma_wait3A_113 = tpu.memref_squeeze %dma_wait3A_112 : memref<1x40x128xi32, #tpu.memory_space<hbm>> -> memref<40x128xi32, #tpu.memory_space<hbm>>
        %dma_wait3A_114 = arith.constant 0 : i32
        %dma_wait3A_115 = arith.constant 0 : i32
        %dma_wait3A_116 = tpu.memref_slice %arg4[%arg1, %dma_wait3A_114, %dma_wait3A_115] : memref<16x80x128xi32, #tpu.memory_space<hbm>> -> memref<1x40x128xi32, #tpu.memory_space<hbm>>
        %dma_wait3A_117 = tpu.memref_squeeze %dma_wait3A_116 : memref<1x40x128xi32, #tpu.memory_space<hbm>> -> memref<40x128xi32, #tpu.memory_space<hbm>>
        tpu.wait_dma2 semaphore(%run_scoped3A : memref<!tpu.dma_semaphore, #tpu.memory_space<semaphore_mem>>) src(%dma_wait3A_117 : memref<40x128xi32, #tpu.memory_space<hbm>>) dst(%arg9 : memref<40x128xi32, #tpu.memory_space<vmem>>)
        tpu.yield
      }) : () -> ()
      "tpu.region"() ({
        %run_scoped3A = tpu.sem_alloc : memref<!tpu.dma_semaphore, #tpu.memory_space<semaphore_mem>>
        %dma_start3A_103 = arith.constant 0 : i32
        %dma_start3A_104 = arith.constant 0 : i32
        %dma_start3A_105 = tpu.memref_slice %arg5[%arg1, %dma_start3A_103, %dma_start3A_104] : memref<16x80x128xi32, #tpu.memory_space<hbm>> -> memref<1x40x128xi32, #tpu.memory_space<hbm>>
        %dma_start3A_106 = tpu.memref_squeeze %dma_start3A_105 : memref<1x40x128xi32, #tpu.memory_space<hbm>> -> memref<40x128xi32, #tpu.memory_space<hbm>>
        %dma_start3A_107 = arith.constant 0 : i32
        %dma_start3A_108 = arith.constant 0 : i32
        %dma_start3A_109 = tpu.memref_slice %arg5[%arg1, %dma_start3A_107, %dma_start3A_108] : memref<16x80x128xi32, #tpu.memory_space<hbm>> -> memref<1x40x128xi32, #tpu.memory_space<hbm>>
        %dma_start3A_110 = tpu.memref_squeeze %dma_start3A_109 : memref<1x40x128xi32, #tpu.memory_space<hbm>> -> memref<40x128xi32, #tpu.memory_space<hbm>>
        tpu.enqueue_dma source(%dma_start3A_110 : memref<40x128xi32, #tpu.memory_space<hbm>>) target(%arg10 : memref<40x128xi32, #tpu.memory_space<vmem>>) target_semaphore(%run_scoped3A : memref<!tpu.dma_semaphore, #tpu.memory_space<semaphore_mem>>)
        %dma_wait3A = arith.constant 0 : i32
        %dma_wait3A_111 = arith.constant 0 : i32
        %dma_wait3A_112 = tpu.memref_slice %arg5[%arg1, %dma_wait3A, %dma_wait3A_111] : memref<16x80x128xi32, #tpu.memory_space<hbm>> -> memref<1x40x128xi32, #tpu.memory_space<hbm>>
        %dma_wait3A_113 = tpu.memref_squeeze %dma_wait3A_112 : memref<1x40x128xi32, #tpu.memory_space<hbm>> -> memref<40x128xi32, #tpu.memory_space<hbm>>
        %dma_wait3A_114 = arith.constant 0 : i32
        %dma_wait3A_115 = arith.constant 0 : i32
        %dma_wait3A_116 = tpu.memref_slice %arg5[%arg1, %dma_wait3A_114, %dma_wait3A_115] : memref<16x80x128xi32, #tpu.memory_space<hbm>> -> memref<1x40x128xi32, #tpu.memory_space<hbm>>
        %dma_wait3A_117 = tpu.memref_squeeze %dma_wait3A_116 : memref<1x40x128xi32, #tpu.memory_space<hbm>> -> memref<40x128xi32, #tpu.memory_space<hbm>>
        tpu.wait_dma2 semaphore(%run_scoped3A : memref<!tpu.dma_semaphore, #tpu.memory_space<semaphore_mem>>) src(%dma_wait3A_117 : memref<40x128xi32, #tpu.memory_space<hbm>>) dst(%arg10 : memref<40x128xi32, #tpu.memory_space<vmem>>)
        tpu.yield
      }) : () -> ()
      %dma_start3A = arith.constant 0 : i32
      %dma_start3A_8 = arith.constant 0 : i32
      %dma_start3A_9 = arith.constant 0 : i32
      %dma_start3A_10 = tpu.memref_slice %arg11[%dma_start3A_8, %dma_start3A_9] : memref<128x128xf32, #tpu.memory_space<vmem>> -> memref<64x128xf32, #tpu.memory_space<vmem>>
      %dma_start3A_11 = arith.constant 0 : i32
      %dma_start3A_12 = tpu.memref_slice %arg9[%dma_start3A, %dma_start3A_11] : memref<40x128xi32, #tpu.memory_space<vmem>> -> memref<1x64xi32, #tpu.memory_space<vmem>>
      %dma_start3A_13 = tpu.memref_squeeze %dma_start3A_12 : memref<1x64xi32, #tpu.memory_space<vmem>> -> memref<64xi32, #tpu.memory_space<vmem>>
      %dma_start3A_14 = arith.constant 0 : i32
      %dma_start3A_15 = arith.constant 0 : i32
      %dma_start3A_16 = tpu.memref_slice %arg2[%dma_start3A_14, %dma_start3A_15] : memref<10000x128xf32, #tpu.memory_space<hbm>> -> memref<10000x128xf32, #tpu.memory_space<hbm>>
      tpu.enqueue_indirect_dma source(%dma_start3A_16 : memref<10000x128xf32, #tpu.memory_space<hbm>>) target(%dma_start3A_10 : memref<64x128xf32, #tpu.memory_space<vmem>>) offsets(%dma_start3A_13 : memref<64xi32, #tpu.memory_space<vmem>>) semaphore(%arg14 : memref<!tpu.dma_semaphore, #tpu.memory_space<semaphore_mem>>)
      %dma_start3A_17 = arith.constant 0 : i32
      %dma_start3A_18 = arith.constant 64 : i32
      %dma_start3A_19 = arith.constant 0 : i32
      %dma_start3A_20 = tpu.memref_slice %arg11[%dma_start3A_18, %dma_start3A_19] : memref<128x128xf32, #tpu.memory_space<vmem>> -> memref<64x128xf32, #tpu.memory_space<vmem>>
      %dma_start3A_21 = arith.constant 64 : i32
      %dma_start3A_22 = tpu.memref_slice %arg9[%dma_start3A_17, %dma_start3A_21] : memref<40x128xi32, #tpu.memory_space<vmem>> -> memref<1x64xi32, #tpu.memory_space<vmem>>
      %dma_start3A_23 = tpu.memref_squeeze %dma_start3A_22 : memref<1x64xi32, #tpu.memory_space<vmem>> -> memref<64xi32, #tpu.memory_space<vmem>>
      %dma_start3A_24 = arith.constant 0 : i32
      %dma_start3A_25 = arith.constant 0 : i32
      %dma_start3A_26 = tpu.memref_slice %arg2[%dma_start3A_24, %dma_start3A_25] : memref<10000x128xf32, #tpu.memory_space<hbm>> -> memref<10000x128xf32, #tpu.memory_space<hbm>>
      tpu.enqueue_indirect_dma source(%dma_start3A_26 : memref<10000x128xf32, #tpu.memory_space<hbm>>) target(%dma_start3A_20 : memref<64x128xf32, #tpu.memory_space<vmem>>) offsets(%dma_start3A_23 : memref<64xi32, #tpu.memory_space<vmem>>) semaphore(%arg15 : memref<!tpu.dma_semaphore, #tpu.memory_space<semaphore_mem>>)
      %dma_start3A_27 = arith.constant 1 : i32
      %dma_start3A_28 = arith.constant 0 : i32
      %dma_start3A_29 = arith.constant 0 : i32
      %dma_start3A_30 = tpu.memref_slice %arg12[%dma_start3A_28, %dma_start3A_29] : memref<128x128xf32, #tpu.memory_space<vmem>> -> memref<64x128xf32, #tpu.memory_space<vmem>>
      %dma_start3A_31 = arith.constant 0 : i32
      %dma_start3A_32 = tpu.memref_slice %arg9[%dma_start3A_27, %dma_start3A_31] : memref<40x128xi32, #tpu.memory_space<vmem>> -> memref<1x64xi32, #tpu.memory_space<vmem>>
      %dma_start3A_33 = tpu.memref_squeeze %dma_start3A_32 : memref<1x64xi32, #tpu.memory_space<vmem>> -> memref<64xi32, #tpu.memory_space<vmem>>
      %dma_start3A_34 = arith.constant 0 : i32
      %dma_start3A_35 = arith.constant 0 : i32
      %dma_start3A_36 = tpu.memref_slice %arg2[%dma_start3A_34, %dma_start3A_35] : memref<10000x128xf32, #tpu.memory_space<hbm>> -> memref<10000x128xf32, #tpu.memory_space<hbm>>
      tpu.enqueue_indirect_dma source(%dma_start3A_36 : memref<10000x128xf32, #tpu.memory_space<hbm>>) target(%dma_start3A_30 : memref<64x128xf32, #tpu.memory_space<vmem>>) offsets(%dma_start3A_33 : memref<64xi32, #tpu.memory_space<vmem>>) semaphore(%arg16 : memref<!tpu.dma_semaphore, #tpu.memory_space<semaphore_mem>>)
      %dma_start3A_37 = arith.constant 1 : i32
      %dma_start3A_38 = arith.constant 64 : i32
      %dma_start3A_39 = arith.constant 0 : i32
      %dma_start3A_40 = tpu.memref_slice %arg12[%dma_start3A_38, %dma_start3A_39] : memref<128x128xf32, #tpu.memory_space<vmem>> -> memref<64x128xf32, #tpu.memory_space<vmem>>
      %dma_start3A_41 = arith.constant 64 : i32
      %dma_start3A_42 = tpu.memref_slice %arg9[%dma_start3A_37, %dma_start3A_41] : memref<40x128xi32, #tpu.memory_space<vmem>> -> memref<1x64xi32, #tpu.memory_space<vmem>>
      %dma_start3A_43 = tpu.memref_squeeze %dma_start3A_42 : memref<1x64xi32, #tpu.memory_space<vmem>> -> memref<64xi32, #tpu.memory_space<vmem>>
      %dma_start3A_44 = arith.constant 0 : i32
      %dma_start3A_45 = arith.constant 0 : i32
      %dma_start3A_46 = tpu.memref_slice %arg2[%dma_start3A_44, %dma_start3A_45] : memref<10000x128xf32, #tpu.memory_space<hbm>> -> memref<10000x128xf32, #tpu.memory_space<hbm>>
      tpu.enqueue_indirect_dma source(%dma_start3A_46 : memref<10000x128xf32, #tpu.memory_space<hbm>>) target(%dma_start3A_40 : memref<64x128xf32, #tpu.memory_space<vmem>>) offsets(%dma_start3A_43 : memref<64xi32, #tpu.memory_space<vmem>>) semaphore(%arg17 : memref<!tpu.dma_semaphore, #tpu.memory_space<semaphore_mem>>)
      %scan3A = arith.constant 0 : i32
      %scan3A_47 = arith.constant 0 : i32
      %scan3A_48 = arith.constant 20 : i32
      %scan3A_49 = arith.addi %scan3A_47, %scan3A_48 : i32
      %scan3A_50 = arith.constant 1 : i32
      scf.for %scan3A_103 = %scan3A_47 to %scan3A_49 step %scan3A_50  : i32 {
        %mul3A_104 = arith.constant 2 : i32
        %mul3A_105 = arith.muli %scan3A_103, %mul3A_104 : i32
        %add3A = arith.constant 0 : i32
        %add3A_106 = arith.addi %mul3A_105, %add3A : i32
        %dma_wait3A = arith.constant 0 : i32
        %dma_wait3A_107 = arith.constant 0 : i32
        %dma_wait3A_108 = tpu.memref_slice %arg11[%dma_wait3A, %dma_wait3A_107] : memref<128x128xf32, #tpu.memory_space<vmem>> -> memref<64x128xf32, #tpu.memory_space<vmem>>
        %dma_wait3A_109 = arith.constant 0 : i32
        %dma_wait3A_110 = tpu.memref_slice %arg9[%add3A_106, %dma_wait3A_109] : memref<40x128xi32, #tpu.memory_space<vmem>> -> memref<1x64xi32, #tpu.memory_space<vmem>>
        %dma_wait3A_111 = tpu.memref_squeeze %dma_wait3A_110 : memref<1x64xi32, #tpu.memory_space<vmem>> -> memref<64xi32, #tpu.memory_space<vmem>>
        %dma_wait3A_112 = arith.constant 0 : i32
        %dma_wait3A_113 = arith.constant 0 : i32
        %dma_wait3A_114 = tpu.memref_slice %arg2[%dma_wait3A_112, %dma_wait3A_113] : memref<10000x128xf32, #tpu.memory_space<hbm>> -> memref<10000x128xf32, #tpu.memory_space<hbm>>
        tpu.wait_indirect_dma semaphore(%arg14 : memref<!tpu.dma_semaphore, #tpu.memory_space<semaphore_mem>>) src(%dma_wait3A_114 : memref<10000x128xf32, #tpu.memory_space<hbm>>) dst(%dma_wait3A_108 : memref<64x128xf32, #tpu.memory_space<vmem>>)
        %dma_wait3A_115 = arith.constant 64 : i32
        %dma_wait3A_116 = arith.constant 0 : i32
        %dma_wait3A_117 = tpu.memref_slice %arg11[%dma_wait3A_115, %dma_wait3A_116] : memref<128x128xf32, #tpu.memory_space<vmem>> -> memref<64x128xf32, #tpu.memory_space<vmem>>
        %dma_wait3A_118 = arith.constant 64 : i32
        %dma_wait3A_119 = tpu.memref_slice %arg9[%add3A_106, %dma_wait3A_118] : memref<40x128xi32, #tpu.memory_space<vmem>> -> memref<1x64xi32, #tpu.memory_space<vmem>>
        %dma_wait3A_120 = tpu.memref_squeeze %dma_wait3A_119 : memref<1x64xi32, #tpu.memory_space<vmem>> -> memref<64xi32, #tpu.memory_space<vmem>>
        %dma_wait3A_121 = arith.constant 0 : i32
        %dma_wait3A_122 = arith.constant 0 : i32
        %dma_wait3A_123 = tpu.memref_slice %arg2[%dma_wait3A_121, %dma_wait3A_122] : memref<10000x128xf32, #tpu.memory_space<hbm>> -> memref<10000x128xf32, #tpu.memory_space<hbm>>
        tpu.wait_indirect_dma semaphore(%arg15 : memref<!tpu.dma_semaphore, #tpu.memory_space<semaphore_mem>>) src(%dma_wait3A_123 : memref<10000x128xf32, #tpu.memory_space<hbm>>) dst(%dma_wait3A_117 : memref<64x128xf32, #tpu.memory_space<vmem>>)
        "tpu.region"() ({
          %run_scoped3A = tpu.sem_alloc : memref<!tpu.dma_semaphore, #tpu.memory_space<semaphore_mem>>
          %dma_start3A_157 = arith.constant 0 : i32
          %dma_start3A_158 = tpu.memref_slice %arg10[%add3A_106, %dma_start3A_157] : memref<40x128xi32, #tpu.memory_space<vmem>> -> memref<1x128xi32, #tpu.memory_space<vmem>>
          %dma_start3A_159 = tpu.memref_squeeze %dma_start3A_158 : memref<1x128xi32, #tpu.memory_space<vmem>> -> memref<128xi32, #tpu.memory_space<vmem>>
          %dma_start3A_160 = arith.constant 0 : i32
          %dma_start3A_161 = arith.constant 0 : i32
          %dma_start3A_162 = tpu.memref_slice %arg13[%dma_start3A_160, %dma_start3A_161] : memref<10240x128xf32, #tpu.memory_space<vmem_shared>> -> memref<10240x128xf32, #tpu.memory_space<vmem_shared>>
          tpu.enqueue_indirect_dma source(%arg11 : memref<128x128xf32, #tpu.memory_space<vmem>>) target(%dma_start3A_162 : memref<10240x128xf32, #tpu.memory_space<vmem_shared>>) offsets(%dma_start3A_159 : memref<128xi32, #tpu.memory_space<vmem>>) semaphore(%run_scoped3A : memref<!tpu.dma_semaphore, #tpu.memory_space<semaphore_mem>>) {add = true}
          %dma_wait3A_163 = arith.constant 0 : i32
          %dma_wait3A_164 = tpu.memref_slice %arg10[%add3A_106, %dma_wait3A_163] : memref<40x128xi32, #tpu.memory_space<vmem>> -> memref<1x128xi32, #tpu.memory_space<vmem>>
          %dma_wait3A_165 = tpu.memref_squeeze %dma_wait3A_164 : memref<1x128xi32, #tpu.memory_space<vmem>> -> memref<128xi32, #tpu.memory_space<vmem>>
          %dma_wait3A_166 = arith.constant 0 : i32
          %dma_wait3A_167 = arith.constant 0 : i32
          %dma_wait3A_168 = tpu.memref_slice %arg13[%dma_wait3A_166, %dma_wait3A_167] : memref<10240x128xf32, #tpu.memory_space<vmem_shared>> -> memref<10240x128xf32, #tpu.memory_space<vmem_shared>>
          tpu.wait_indirect_dma semaphore(%run_scoped3A : memref<!tpu.dma_semaphore, #tpu.memory_space<semaphore_mem>>) src(%arg11 : memref<128x128xf32, #tpu.memory_space<vmem>>) dst(%dma_wait3A_168 : memref<10240x128xf32, #tpu.memory_space<vmem_shared>>)
          tpu.yield
        }) : () -> ()
        %add3A_124 = arith.constant 2 : i32
        %add3A_125 = arith.addi %add3A_106, %add3A_124 : i32
        %lt3A = arith.constant 40 : i32
        %lt3A_126 = arith.cmpi slt, %add3A_125, %lt3A : i32
        %convert_element_type3A_127 = arith.extui %lt3A_126 : i1 to i32
        %cond3A_128 = arith.constant 0 : i32
        %cond3A_129 = arith.cmpi ne, %convert_element_type3A_127, %cond3A_128 : i32
        scf.if %cond3A_129 {
          %add3A_157 = arith.constant 2 : i32
          %add3A_158 = arith.addi %add3A_106, %add3A_157 : i32
          %dma_start3A_159 = arith.constant 0 : i32
          %dma_start3A_160 = arith.constant 0 : i32
          %dma_start3A_161 = tpu.memref_slice %arg11[%dma_start3A_159, %dma_start3A_160] : memref<128x128xf32, #tpu.memory_space<vmem>> -> memref<64x128xf32, #tpu.memory_space<vmem>>
          %dma_start3A_162 = arith.constant 0 : i32
          %dma_start3A_163 = tpu.memref_slice %arg9[%add3A_158, %dma_start3A_162] : memref<40x128xi32, #tpu.memory_space<vmem>> -> memref<1x64xi32, #tpu.memory_space<vmem>>
          %dma_start3A_164 = tpu.memref_squeeze %dma_start3A_163 : memref<1x64xi32, #tpu.memory_space<vmem>> -> memref<64xi32, #tpu.memory_space<vmem>>
          %dma_start3A_165 = arith.constant 0 : i32
          %dma_start3A_166 = arith.constant 0 : i32
          %dma_start3A_167 = tpu.memref_slice %arg2[%dma_start3A_165, %dma_start3A_166] : memref<10000x128xf32, #tpu.memory_space<hbm>> -> memref<10000x128xf32, #tpu.memory_space<hbm>>
          tpu.enqueue_indirect_dma source(%dma_start3A_167 : memref<10000x128xf32, #tpu.memory_space<hbm>>) target(%dma_start3A_161 : memref<64x128xf32, #tpu.memory_space<vmem>>) offsets(%dma_start3A_164 : memref<64xi32, #tpu.memory_space<vmem>>) semaphore(%arg14 : memref<!tpu.dma_semaphore, #tpu.memory_space<semaphore_mem>>)
          %dma_start3A_168 = arith.constant 64 : i32
          %dma_start3A_169 = arith.constant 0 : i32
          %dma_start3A_170 = tpu.memref_slice %arg11[%dma_start3A_168, %dma_start3A_169] : memref<128x128xf32, #tpu.memory_space<vmem>> -> memref<64x128xf32, #tpu.memory_space<vmem>>
          %dma_start3A_171 = arith.constant 64 : i32
          %dma_start3A_172 = tpu.memref_slice %arg9[%add3A_158, %dma_start3A_171] : memref<40x128xi32, #tpu.memory_space<vmem>> -> memref<1x64xi32, #tpu.memory_space<vmem>>
          %dma_start3A_173 = tpu.memref_squeeze %dma_start3A_172 : memref<1x64xi32, #tpu.memory_space<vmem>> -> memref<64xi32, #tpu.memory_space<vmem>>
          %dma_start3A_174 = arith.constant 0 : i32
          %dma_start3A_175 = arith.constant 0 : i32
          %dma_start3A_176 = tpu.memref_slice %arg2[%dma_start3A_174, %dma_start3A_175] : memref<10000x128xf32, #tpu.memory_space<hbm>> -> memref<10000x128xf32, #tpu.memory_space<hbm>>
          tpu.enqueue_indirect_dma source(%dma_start3A_176 : memref<10000x128xf32, #tpu.memory_space<hbm>>) target(%dma_start3A_170 : memref<64x128xf32, #tpu.memory_space<vmem>>) offsets(%dma_start3A_173 : memref<64xi32, #tpu.memory_space<vmem>>) semaphore(%arg15 : memref<!tpu.dma_semaphore, #tpu.memory_space<semaphore_mem>>)
        } else {
        }
        %add3A_130 = arith.constant 1 : i32
        %add3A_131 = arith.addi %mul3A_105, %add3A_130 : i32
        %dma_wait3A_132 = arith.constant 0 : i32
        %dma_wait3A_133 = arith.constant 0 : i32
        %dma_wait3A_134 = tpu.memref_slice %arg12[%dma_wait3A_132, %dma_wait3A_133] : memref<128x128xf32, #tpu.memory_space<vmem>> -> memref<64x128xf32, #tpu.memory_space<vmem>>
        %dma_wait3A_135 = arith.constant 0 : i32
        %dma_wait3A_136 = tpu.memref_slice %arg9[%add3A_131, %dma_wait3A_135] : memref<40x128xi32, #tpu.memory_space<vmem>> -> memref<1x64xi32, #tpu.memory_space<vmem>>
        %dma_wait3A_137 = tpu.memref_squeeze %dma_wait3A_136 : memref<1x64xi32, #tpu.memory_space<vmem>> -> memref<64xi32, #tpu.memory_space<vmem>>
        %dma_wait3A_138 = arith.constant 0 : i32
        %dma_wait3A_139 = arith.constant 0 : i32
        %dma_wait3A_140 = tpu.memref_slice %arg2[%dma_wait3A_138, %dma_wait3A_139] : memref<10000x128xf32, #tpu.memory_space<hbm>> -> memref<10000x128xf32, #tpu.memory_space<hbm>>
        tpu.wait_indirect_dma semaphore(%arg16 : memref<!tpu.dma_semaphore, #tpu.memory_space<semaphore_mem>>) src(%dma_wait3A_140 : memref<10000x128xf32, #tpu.memory_space<hbm>>) dst(%dma_wait3A_134 : memref<64x128xf32, #tpu.memory_space<vmem>>)
        %dma_wait3A_141 = arith.constant 64 : i32
        %dma_wait3A_142 = arith.constant 0 : i32
        %dma_wait3A_143 = tpu.memref_slice %arg12[%dma_wait3A_141, %dma_wait3A_142] : memref<128x128xf32, #tpu.memory_space<vmem>> -> memref<64x128xf32, #tpu.memory_space<vmem>>
        %dma_wait3A_144 = arith.constant 64 : i32
        %dma_wait3A_145 = tpu.memref_slice %arg9[%add3A_131, %dma_wait3A_144] : memref<40x128xi32, #tpu.memory_space<vmem>> -> memref<1x64xi32, #tpu.memory_space<vmem>>
        %dma_wait3A_146 = tpu.memref_squeeze %dma_wait3A_145 : memref<1x64xi32, #tpu.memory_space<vmem>> -> memref<64xi32, #tpu.memory_space<vmem>>
        %dma_wait3A_147 = arith.constant 0 : i32
        %dma_wait3A_148 = arith.constant 0 : i32
        %dma_wait3A_149 = tpu.memref_slice %arg2[%dma_wait3A_147, %dma_wait3A_148] : memref<10000x128xf32, #tpu.memory_space<hbm>> -> memref<10000x128xf32, #tpu.memory_space<hbm>>
        tpu.wait_indirect_dma semaphore(%arg17 : memref<!tpu.dma_semaphore, #tpu.memory_space<semaphore_mem>>) src(%dma_wait3A_149 : memref<10000x128xf32, #tpu.memory_space<hbm>>) dst(%dma_wait3A_143 : memref<64x128xf32, #tpu.memory_space<vmem>>)
        "tpu.region"() ({
          %run_scoped3A = tpu.sem_alloc : memref<!tpu.dma_semaphore, #tpu.memory_space<semaphore_mem>>
          %dma_start3A_157 = arith.constant 0 : i32
          %dma_start3A_158 = tpu.memref_slice %arg10[%add3A_131, %dma_start3A_157] : memref<40x128xi32, #tpu.memory_space<vmem>> -> memref<1x128xi32, #tpu.memory_space<vmem>>
          %dma_start3A_159 = tpu.memref_squeeze %dma_start3A_158 : memref<1x128xi32, #tpu.memory_space<vmem>> -> memref<128xi32, #tpu.memory_space<vmem>>
          %dma_start3A_160 = arith.constant 0 : i32
          %dma_start3A_161 = arith.constant 0 : i32
          %dma_start3A_162 = tpu.memref_slice %arg13[%dma_start3A_160, %dma_start3A_161] : memref<10240x128xf32, #tpu.memory_space<vmem_shared>> -> memref<10240x128xf32, #tpu.memory_space<vmem_shared>>
          tpu.enqueue_indirect_dma source(%arg12 : memref<128x128xf32, #tpu.memory_space<vmem>>) target(%dma_start3A_162 : memref<10240x128xf32, #tpu.memory_space<vmem_shared>>) offsets(%dma_start3A_159 : memref<128xi32, #tpu.memory_space<vmem>>) semaphore(%run_scoped3A : memref<!tpu.dma_semaphore, #tpu.memory_space<semaphore_mem>>) {add = true}
          %dma_wait3A_163 = arith.constant 0 : i32
          %dma_wait3A_164 = tpu.memref_slice %arg10[%add3A_131, %dma_wait3A_163] : memref<40x128xi32, #tpu.memory_space<vmem>> -> memref<1x128xi32, #tpu.memory_space<vmem>>
          %dma_wait3A_165 = tpu.memref_squeeze %dma_wait3A_164 : memref<1x128xi32, #tpu.memory_space<vmem>> -> memref<128xi32, #tpu.memory_space<vmem>>
          %dma_wait3A_166 = arith.constant 0 : i32
          %dma_wait3A_167 = arith.constant 0 : i32
          %dma_wait3A_168 = tpu.memref_slice %arg13[%dma_wait3A_166, %dma_wait3A_167] : memref<10240x128xf32, #tpu.memory_space<vmem_shared>> -> memref<10240x128xf32, #tpu.memory_space<vmem_shared>>
          tpu.wait_indirect_dma semaphore(%run_scoped3A : memref<!tpu.dma_semaphore, #tpu.memory_space<semaphore_mem>>) src(%arg12 : memref<128x128xf32, #tpu.memory_space<vmem>>) dst(%dma_wait3A_168 : memref<10240x128xf32, #tpu.memory_space<vmem_shared>>)
          tpu.yield
        }) : () -> ()
        %add3A_150 = arith.constant 2 : i32
        %add3A_151 = arith.addi %add3A_131, %add3A_150 : i32
        %lt3A_152 = arith.constant 40 : i32
        %lt3A_153 = arith.cmpi slt, %add3A_151, %lt3A_152 : i32
        %convert_element_type3A_154 = arith.extui %lt3A_153 : i1 to i32
        %cond3A_155 = arith.constant 0 : i32
        %cond3A_156 = arith.cmpi ne, %convert_element_type3A_154, %cond3A_155 : i32
        scf.if %cond3A_156 {
          %add3A_157 = arith.constant 2 : i32
          %add3A_158 = arith.addi %add3A_131, %add3A_157 : i32
          %dma_start3A_159 = arith.constant 0 : i32
          %dma_start3A_160 = arith.constant 0 : i32
          %dma_start3A_161 = tpu.memref_slice %arg12[%dma_start3A_159, %dma_start3A_160] : memref<128x128xf32, #tpu.memory_space<vmem>> -> memref<64x128xf32, #tpu.memory_space<vmem>>
          %dma_start3A_162 = arith.constant 0 : i32
          %dma_start3A_163 = tpu.memref_slice %arg9[%add3A_158, %dma_start3A_162] : memref<40x128xi32, #tpu.memory_space<vmem>> -> memref<1x64xi32, #tpu.memory_space<vmem>>
          %dma_start3A_164 = tpu.memref_squeeze %dma_start3A_163 : memref<1x64xi32, #tpu.memory_space<vmem>> -> memref<64xi32, #tpu.memory_space<vmem>>
          %dma_start3A_165 = arith.constant 0 : i32
          %dma_start3A_166 = arith.constant 0 : i32
          %dma_start3A_167 = tpu.memref_slice %arg2[%dma_start3A_165, %dma_start3A_166] : memref<10000x128xf32, #tpu.memory_space<hbm>> -> memref<10000x128xf32, #tpu.memory_space<hbm>>
          tpu.enqueue_indirect_dma source(%dma_start3A_167 : memref<10000x128xf32, #tpu.memory_space<hbm>>) target(%dma_start3A_161 : memref<64x128xf32, #tpu.memory_space<vmem>>) offsets(%dma_start3A_164 : memref<64xi32, #tpu.memory_space<vmem>>) semaphore(%arg16 : memref<!tpu.dma_semaphore, #tpu.memory_space<semaphore_mem>>)
          %dma_start3A_168 = arith.constant 64 : i32
          %dma_start3A_169 = arith.constant 0 : i32
          %dma_start3A_170 = tpu.memref_slice %arg12[%dma_start3A_168, %dma_start3A_169] : memref<128x128xf32, #tpu.memory_space<vmem>> -> memref<64x128xf32, #tpu.memory_space<vmem>>
          %dma_start3A_171 = arith.constant 64 : i32
          %dma_start3A_172 = tpu.memref_slice %arg9[%add3A_158, %dma_start3A_171] : memref<40x128xi32, #tpu.memory_space<vmem>> -> memref<1x64xi32, #tpu.memory_space<vmem>>
          %dma_start3A_173 = tpu.memref_squeeze %dma_start3A_172 : memref<1x64xi32, #tpu.memory_space<vmem>> -> memref<64xi32, #tpu.memory_space<vmem>>
          %dma_start3A_174 = arith.constant 0 : i32
          %dma_start3A_175 = arith.constant 0 : i32
          %dma_start3A_176 = tpu.memref_slice %arg2[%dma_start3A_174, %dma_start3A_175] : memref<10000x128xf32, #tpu.memory_space<hbm>> -> memref<10000x128xf32, #tpu.memory_space<hbm>>
          tpu.enqueue_indirect_dma source(%dma_start3A_176 : memref<10000x128xf32, #tpu.memory_space<hbm>>) target(%dma_start3A_170 : memref<64x128xf32, #tpu.memory_space<vmem>>) offsets(%dma_start3A_173 : memref<64xi32, #tpu.memory_space<vmem>>) semaphore(%arg17 : memref<!tpu.dma_semaphore, #tpu.memory_space<semaphore_mem>>)
        } else {
        }
      }
      %scan3A_51 = arith.constant 20 : i32
      "tpu.region"() ({
        %run_scoped3A = tpu.sem_alloc : memref<!tpu.dma_semaphore, #tpu.memory_space<semaphore_mem>>
        %dma_start3A_103 = arith.constant 40 : i32
        %dma_start3A_104 = arith.constant 0 : i32
        %dma_start3A_105 = tpu.memref_slice %arg4[%arg1, %dma_start3A_103, %dma_start3A_104] : memref<16x80x128xi32, #tpu.memory_space<hbm>> -> memref<1x40x128xi32, #tpu.memory_space<hbm>>
        %dma_start3A_106 = tpu.memref_squeeze %dma_start3A_105 : memref<1x40x128xi32, #tpu.memory_space<hbm>> -> memref<40x128xi32, #tpu.memory_space<hbm>>
        %dma_start3A_107 = arith.constant 40 : i32
        %dma_start3A_108 = arith.constant 0 : i32
        %dma_start3A_109 = tpu.memref_slice %arg4[%arg1, %dma_start3A_107, %dma_start3A_108] : memref<16x80x128xi32, #tpu.memory_space<hbm>> -> memref<1x40x128xi32, #tpu.memory_space<hbm>>
        %dma_start3A_110 = tpu.memref_squeeze %dma_start3A_109 : memref<1x40x128xi32, #tpu.memory_space<hbm>> -> memref<40x128xi32, #tpu.memory_space<hbm>>
        tpu.enqueue_dma source(%dma_start3A_110 : memref<40x128xi32, #tpu.memory_space<hbm>>) target(%arg9 : memref<40x128xi32, #tpu.memory_space<vmem>>) target_semaphore(%run_scoped3A : memref<!tpu.dma_semaphore, #tpu.memory_space<semaphore_mem>>)
        %dma_wait3A = arith.constant 40 : i32
        %dma_wait3A_111 = arith.constant 0 : i32
        %dma_wait3A_112 = tpu.memref_slice %arg4[%arg1, %dma_wait3A, %dma_wait3A_111] : memref<16x80x128xi32, #tpu.memory_space<hbm>> -> memref<1x40x128xi32, #tpu.memory_space<hbm>>
        %dma_wait3A_113 = tpu.memref_squeeze %dma_wait3A_112 : memref<1x40x128xi32, #tpu.memory_space<hbm>> -> memref<40x128xi32, #tpu.memory_space<hbm>>
        %dma_wait3A_114 = arith.constant 40 : i32
        %dma_wait3A_115 = arith.constant 0 : i32
        %dma_wait3A_116 = tpu.memref_slice %arg4[%arg1, %dma_wait3A_114, %dma_wait3A_115] : memref<16x80x128xi32, #tpu.memory_space<hbm>> -> memref<1x40x128xi32, #tpu.memory_space<hbm>>
        %dma_wait3A_117 = tpu.memref_squeeze %dma_wait3A_116 : memref<1x40x128xi32, #tpu.memory_space<hbm>> -> memref<40x128xi32, #tpu.memory_space<hbm>>
        tpu.wait_dma2 semaphore(%run_scoped3A : memref<!tpu.dma_semaphore, #tpu.memory_space<semaphore_mem>>) src(%dma_wait3A_117 : memref<40x128xi32, #tpu.memory_space<hbm>>) dst(%arg9 : memref<40x128xi32, #tpu.memory_space<vmem>>)
        tpu.yield
      }) : () -> ()
      "tpu.region"() ({
        %run_scoped3A = tpu.sem_alloc : memref<!tpu.dma_semaphore, #tpu.memory_space<semaphore_mem>>
        %dma_start3A_103 = arith.constant 40 : i32
        %dma_start3A_104 = arith.constant 0 : i32
        %dma_start3A_105 = tpu.memref_slice %arg5[%arg1, %dma_start3A_103, %dma_start3A_104] : memref<16x80x128xi32, #tpu.memory_space<hbm>> -> memref<1x40x128xi32, #tpu.memory_space<hbm>>
        %dma_start3A_106 = tpu.memref_squeeze %dma_start3A_105 : memref<1x40x128xi32, #tpu.memory_space<hbm>> -> memref<40x128xi32, #tpu.memory_space<hbm>>
        %dma_start3A_107 = arith.constant 40 : i32
        %dma_start3A_108 = arith.constant 0 : i32
        %dma_start3A_109 = tpu.memref_slice %arg5[%arg1, %dma_start3A_107, %dma_start3A_108] : memref<16x80x128xi32, #tpu.memory_space<hbm>> -> memref<1x40x128xi32, #tpu.memory_space<hbm>>
        %dma_start3A_110 = tpu.memref_squeeze %dma_start3A_109 : memref<1x40x128xi32, #tpu.memory_space<hbm>> -> memref<40x128xi32, #tpu.memory_space<hbm>>
        tpu.enqueue_dma source(%dma_start3A_110 : memref<40x128xi32, #tpu.memory_space<hbm>>) target(%arg10 : memref<40x128xi32, #tpu.memory_space<vmem>>) target_semaphore(%run_scoped3A : memref<!tpu.dma_semaphore, #tpu.memory_space<semaphore_mem>>)
        %dma_wait3A = arith.constant 40 : i32
        %dma_wait3A_111 = arith.constant 0 : i32
        %dma_wait3A_112 = tpu.memref_slice %arg5[%arg1, %dma_wait3A, %dma_wait3A_111] : memref<16x80x128xi32, #tpu.memory_space<hbm>> -> memref<1x40x128xi32, #tpu.memory_space<hbm>>
        %dma_wait3A_113 = tpu.memref_squeeze %dma_wait3A_112 : memref<1x40x128xi32, #tpu.memory_space<hbm>> -> memref<40x128xi32, #tpu.memory_space<hbm>>
        %dma_wait3A_114 = arith.constant 40 : i32
        %dma_wait3A_115 = arith.constant 0 : i32
        %dma_wait3A_116 = tpu.memref_slice %arg5[%arg1, %dma_wait3A_114, %dma_wait3A_115] : memref<16x80x128xi32, #tpu.memory_space<hbm>> -> memref<1x40x128xi32, #tpu.memory_space<hbm>>
        %dma_wait3A_117 = tpu.memref_squeeze %dma_wait3A_116 : memref<1x40x128xi32, #tpu.memory_space<hbm>> -> memref<40x128xi32, #tpu.memory_space<hbm>>
        tpu.wait_dma2 semaphore(%run_scoped3A : memref<!tpu.dma_semaphore, #tpu.memory_space<semaphore_mem>>) src(%dma_wait3A_117 : memref<40x128xi32, #tpu.memory_space<hbm>>) dst(%arg10 : memref<40x128xi32, #tpu.memory_space<vmem>>)
        tpu.yield
      }) : () -> ()
      %dma_start3A_52 = arith.constant 0 : i32
      %dma_start3A_53 = arith.constant 0 : i32
      %dma_start3A_54 = arith.constant 0 : i32
      %dma_start3A_55 = tpu.memref_slice %arg11[%dma_start3A_53, %dma_start3A_54] : memref<128x128xf32, #tpu.memory_space<vmem>> -> memref<64x128xf32, #tpu.memory_space<vmem>>
      %dma_start3A_56 = arith.constant 0 : i32
      %dma_start3A_57 = tpu.memref_slice %arg9[%dma_start3A_52, %dma_start3A_56] : memref<40x128xi32, #tpu.memory_space<vmem>> -> memref<1x64xi32, #tpu.memory_space<vmem>>
      %dma_start3A_58 = tpu.memref_squeeze %dma_start3A_57 : memref<1x64xi32, #tpu.memory_space<vmem>> -> memref<64xi32, #tpu.memory_space<vmem>>
      %dma_start3A_59 = arith.constant 0 : i32
      %dma_start3A_60 = arith.constant 0 : i32
      %dma_start3A_61 = tpu.memref_slice %arg2[%dma_start3A_59, %dma_start3A_60] : memref<10000x128xf32, #tpu.memory_space<hbm>> -> memref<10000x128xf32, #tpu.memory_space<hbm>>
      tpu.enqueue_indirect_dma source(%dma_start3A_61 : memref<10000x128xf32, #tpu.memory_space<hbm>>) target(%dma_start3A_55 : memref<64x128xf32, #tpu.memory_space<vmem>>) offsets(%dma_start3A_58 : memref<64xi32, #tpu.memory_space<vmem>>) semaphore(%arg14 : memref<!tpu.dma_semaphore, #tpu.memory_space<semaphore_mem>>)
      %dma_start3A_62 = arith.constant 0 : i32
      %dma_start3A_63 = arith.constant 64 : i32
      %dma_start3A_64 = arith.constant 0 : i32
      %dma_start3A_65 = tpu.memref_slice %arg11[%dma_start3A_63, %dma_start3A_64] : memref<128x128xf32, #tpu.memory_space<vmem>> -> memref<64x128xf32, #tpu.memory_space<vmem>>
      %dma_start3A_66 = arith.constant 64 : i32
      %dma_start3A_67 = tpu.memref_slice %arg9[%dma_start3A_62, %dma_start3A_66] : memref<40x128xi32, #tpu.memory_space<vmem>> -> memref<1x64xi32, #tpu.memory_space<vmem>>
      %dma_start3A_68 = tpu.memref_squeeze %dma_start3A_67 : memref<1x64xi32, #tpu.memory_space<vmem>> -> memref<64xi32, #tpu.memory_space<vmem>>
      %dma_start3A_69 = arith.constant 0 : i32
      %dma_start3A_70 = arith.constant 0 : i32
      %dma_start3A_71 = tpu.memref_slice %arg2[%dma_start3A_69, %dma_start3A_70] : memref<10000x128xf32, #tpu.memory_space<hbm>> -> memref<10000x128xf32, #tpu.memory_space<hbm>>
      tpu.enqueue_indirect_dma source(%dma_start3A_71 : memref<10000x128xf32, #tpu.memory_space<hbm>>) target(%dma_start3A_65 : memref<64x128xf32, #tpu.memory_space<vmem>>) offsets(%dma_start3A_68 : memref<64xi32, #tpu.memory_space<vmem>>) semaphore(%arg15 : memref<!tpu.dma_semaphore, #tpu.memory_space<semaphore_mem>>)
      %dma_start3A_72 = arith.constant 1 : i32
      %dma_start3A_73 = arith.constant 0 : i32
      %dma_start3A_74 = arith.constant 0 : i32
      %dma_start3A_75 = tpu.memref_slice %arg12[%dma_start3A_73, %dma_start3A_74] : memref<128x128xf32, #tpu.memory_space<vmem>> -> memref<64x128xf32, #tpu.memory_space<vmem>>
      %dma_start3A_76 = arith.constant 0 : i32
      %dma_start3A_77 = tpu.memref_slice %arg9[%dma_start3A_72, %dma_start3A_76] : memref<40x128xi32, #tpu.memory_space<vmem>> -> memref<1x64xi32, #tpu.memory_space<vmem>>
      %dma_start3A_78 = tpu.memref_squeeze %dma_start3A_77 : memref<1x64xi32, #tpu.memory_space<vmem>> -> memref<64xi32, #tpu.memory_space<vmem>>
      %dma_start3A_79 = arith.constant 0 : i32
      %dma_start3A_80 = arith.constant 0 : i32
      %dma_start3A_81 = tpu.memref_slice %arg2[%dma_start3A_79, %dma_start3A_80] : memref<10000x128xf32, #tpu.memory_space<hbm>> -> memref<10000x128xf32, #tpu.memory_space<hbm>>
      tpu.enqueue_indirect_dma source(%dma_start3A_81 : memref<10000x128xf32, #tpu.memory_space<hbm>>) target(%dma_start3A_75 : memref<64x128xf32, #tpu.memory_space<vmem>>) offsets(%dma_start3A_78 : memref<64xi32, #tpu.memory_space<vmem>>) semaphore(%arg16 : memref<!tpu.dma_semaphore, #tpu.memory_space<semaphore_mem>>)
      %dma_start3A_82 = arith.constant 1 : i32
      %dma_start3A_83 = arith.constant 64 : i32
      %dma_start3A_84 = arith.constant 0 : i32
      %dma_start3A_85 = tpu.memref_slice %arg12[%dma_start3A_83, %dma_start3A_84] : memref<128x128xf32, #tpu.memory_space<vmem>> -> memref<64x128xf32, #tpu.memory_space<vmem>>
      %dma_start3A_86 = arith.constant 64 : i32
      %dma_start3A_87 = tpu.memref_slice %arg9[%dma_start3A_82, %dma_start3A_86] : memref<40x128xi32, #tpu.memory_space<vmem>> -> memref<1x64xi32, #tpu.memory_space<vmem>>
      %dma_start3A_88 = tpu.memref_squeeze %dma_start3A_87 : memref<1x64xi32, #tpu.memory_space<vmem>> -> memref<64xi32, #tpu.memory_space<vmem>>
      %dma_start3A_89 = arith.constant 0 : i32
      %dma_start3A_90 = arith.constant 0 : i32
      %dma_start3A_91 = tpu.memref_slice %arg2[%dma_start3A_89, %dma_start3A_90] : memref<10000x128xf32, #tpu.memory_space<hbm>> -> memref<10000x128xf32, #tpu.memory_space<hbm>>
      tpu.enqueue_indirect_dma source(%dma_start3A_91 : memref<10000x128xf32, #tpu.memory_space<hbm>>) target(%dma_start3A_85 : memref<64x128xf32, #tpu.memory_space<vmem>>) offsets(%dma_start3A_88 : memref<64xi32, #tpu.memory_space<vmem>>) semaphore(%arg17 : memref<!tpu.dma_semaphore, #tpu.memory_space<semaphore_mem>>)
      %scan3A_92 = arith.constant 0 : i32
      %scan3A_93 = arith.constant 0 : i32
      %scan3A_94 = arith.constant 20 : i32
      %scan3A_95 = arith.addi %scan3A_93, %scan3A_94 : i32
      %scan3A_96 = arith.constant 1 : i32
      scf.for %scan3A_103 = %scan3A_93 to %scan3A_95 step %scan3A_96  : i32 {
        %mul3A_104 = arith.constant 2 : i32
        %mul3A_105 = arith.muli %scan3A_103, %mul3A_104 : i32
        %add3A = arith.constant 0 : i32
        %add3A_106 = arith.addi %mul3A_105, %add3A : i32
        %dma_wait3A = arith.constant 0 : i32
        %dma_wait3A_107 = arith.constant 0 : i32
        %dma_wait3A_108 = tpu.memref_slice %arg11[%dma_wait3A, %dma_wait3A_107] : memref<128x128xf32, #tpu.memory_space<vmem>> -> memref<64x128xf32, #tpu.memory_space<vmem>>
        %dma_wait3A_109 = arith.constant 0 : i32
        %dma_wait3A_110 = tpu.memref_slice %arg9[%add3A_106, %dma_wait3A_109] : memref<40x128xi32, #tpu.memory_space<vmem>> -> memref<1x64xi32, #tpu.memory_space<vmem>>
        %dma_wait3A_111 = tpu.memref_squeeze %dma_wait3A_110 : memref<1x64xi32, #tpu.memory_space<vmem>> -> memref<64xi32, #tpu.memory_space<vmem>>
        %dma_wait3A_112 = arith.constant 0 : i32
        %dma_wait3A_113 = arith.constant 0 : i32
        %dma_wait3A_114 = tpu.memref_slice %arg2[%dma_wait3A_112, %dma_wait3A_113] : memref<10000x128xf32, #tpu.memory_space<hbm>> -> memref<10000x128xf32, #tpu.memory_space<hbm>>
        tpu.wait_indirect_dma semaphore(%arg14 : memref<!tpu.dma_semaphore, #tpu.memory_space<semaphore_mem>>) src(%dma_wait3A_114 : memref<10000x128xf32, #tpu.memory_space<hbm>>) dst(%dma_wait3A_108 : memref<64x128xf32, #tpu.memory_space<vmem>>)
        %dma_wait3A_115 = arith.constant 64 : i32
        %dma_wait3A_116 = arith.constant 0 : i32
        %dma_wait3A_117 = tpu.memref_slice %arg11[%dma_wait3A_115, %dma_wait3A_116] : memref<128x128xf32, #tpu.memory_space<vmem>> -> memref<64x128xf32, #tpu.memory_space<vmem>>
        %dma_wait3A_118 = arith.constant 64 : i32
        %dma_wait3A_119 = tpu.memref_slice %arg9[%add3A_106, %dma_wait3A_118] : memref<40x128xi32, #tpu.memory_space<vmem>> -> memref<1x64xi32, #tpu.memory_space<vmem>>
        %dma_wait3A_120 = tpu.memref_squeeze %dma_wait3A_119 : memref<1x64xi32, #tpu.memory_space<vmem>> -> memref<64xi32, #tpu.memory_space<vmem>>
        %dma_wait3A_121 = arith.constant 0 : i32
        %dma_wait3A_122 = arith.constant 0 : i32
        %dma_wait3A_123 = tpu.memref_slice %arg2[%dma_wait3A_121, %dma_wait3A_122] : memref<10000x128xf32, #tpu.memory_space<hbm>> -> memref<10000x128xf32, #tpu.memory_space<hbm>>
        tpu.wait_indirect_dma semaphore(%arg15 : memref<!tpu.dma_semaphore, #tpu.memory_space<semaphore_mem>>) src(%dma_wait3A_123 : memref<10000x128xf32, #tpu.memory_space<hbm>>) dst(%dma_wait3A_117 : memref<64x128xf32, #tpu.memory_space<vmem>>)
        "tpu.region"() ({
          %run_scoped3A = tpu.sem_alloc : memref<!tpu.dma_semaphore, #tpu.memory_space<semaphore_mem>>
          %dma_start3A_157 = arith.constant 0 : i32
          %dma_start3A_158 = tpu.memref_slice %arg10[%add3A_106, %dma_start3A_157] : memref<40x128xi32, #tpu.memory_space<vmem>> -> memref<1x128xi32, #tpu.memory_space<vmem>>
          %dma_start3A_159 = tpu.memref_squeeze %dma_start3A_158 : memref<1x128xi32, #tpu.memory_space<vmem>> -> memref<128xi32, #tpu.memory_space<vmem>>
          %dma_start3A_160 = arith.constant 0 : i32
          %dma_start3A_161 = arith.constant 0 : i32
          %dma_start3A_162 = tpu.memref_slice %arg13[%dma_start3A_160, %dma_start3A_161] : memref<10240x128xf32, #tpu.memory_space<vmem_shared>> -> memref<10240x128xf32, #tpu.memory_space<vmem_shared>>
          tpu.enqueue_indirect_dma source(%arg11 : memref<128x128xf32, #tpu.memory_space<vmem>>) target(%dma_start3A_162 : memref<10240x128xf32, #tpu.memory_space<vmem_shared>>) offsets(%dma_start3A_159 : memref<128xi32, #tpu.memory_space<vmem>>) semaphore(%run_scoped3A : memref<!tpu.dma_semaphore, #tpu.memory_space<semaphore_mem>>) {add = true}
          %dma_wait3A_163 = arith.constant 0 : i32
          %dma_wait3A_164 = tpu.memref_slice %arg10[%add3A_106, %dma_wait3A_163] : memref<40x128xi32, #tpu.memory_space<vmem>> -> memref<1x128xi32, #tpu.memory_space<vmem>>
          %dma_wait3A_165 = tpu.memref_squeeze %dma_wait3A_164 : memref<1x128xi32, #tpu.memory_space<vmem>> -> memref<128xi32, #tpu.memory_space<vmem>>
          %dma_wait3A_166 = arith.constant 0 : i32
          %dma_wait3A_167 = arith.constant 0 : i32
          %dma_wait3A_168 = tpu.memref_slice %arg13[%dma_wait3A_166, %dma_wait3A_167] : memref<10240x128xf32, #tpu.memory_space<vmem_shared>> -> memref<10240x128xf32, #tpu.memory_space<vmem_shared>>
          tpu.wait_indirect_dma semaphore(%run_scoped3A : memref<!tpu.dma_semaphore, #tpu.memory_space<semaphore_mem>>) src(%arg11 : memref<128x128xf32, #tpu.memory_space<vmem>>) dst(%dma_wait3A_168 : memref<10240x128xf32, #tpu.memory_space<vmem_shared>>)
          tpu.yield
        }) : () -> ()
        %add3A_124 = arith.constant 2 : i32
        %add3A_125 = arith.addi %add3A_106, %add3A_124 : i32
        %lt3A = arith.constant 40 : i32
        %lt3A_126 = arith.cmpi slt, %add3A_125, %lt3A : i32
        %convert_element_type3A_127 = arith.extui %lt3A_126 : i1 to i32
        %cond3A_128 = arith.constant 0 : i32
        %cond3A_129 = arith.cmpi ne, %convert_element_type3A_127, %cond3A_128 : i32
        scf.if %cond3A_129 {
          %add3A_157 = arith.constant 2 : i32
          %add3A_158 = arith.addi %add3A_106, %add3A_157 : i32
          %dma_start3A_159 = arith.constant 0 : i32
          %dma_start3A_160 = arith.constant 0 : i32
          %dma_start3A_161 = tpu.memref_slice %arg11[%dma_start3A_159, %dma_start3A_160] : memref<128x128xf32, #tpu.memory_space<vmem>> -> memref<64x128xf32, #tpu.memory_space<vmem>>
          %dma_start3A_162 = arith.constant 0 : i32
          %dma_start3A_163 = tpu.memref_slice %arg9[%add3A_158, %dma_start3A_162] : memref<40x128xi32, #tpu.memory_space<vmem>> -> memref<1x64xi32, #tpu.memory_space<vmem>>
          %dma_start3A_164 = tpu.memref_squeeze %dma_start3A_163 : memref<1x64xi32, #tpu.memory_space<vmem>> -> memref<64xi32, #tpu.memory_space<vmem>>
          %dma_start3A_165 = arith.constant 0 : i32
          %dma_start3A_166 = arith.constant 0 : i32
          %dma_start3A_167 = tpu.memref_slice %arg2[%dma_start3A_165, %dma_start3A_166] : memref<10000x128xf32, #tpu.memory_space<hbm>> -> memref<10000x128xf32, #tpu.memory_space<hbm>>
          tpu.enqueue_indirect_dma source(%dma_start3A_167 : memref<10000x128xf32, #tpu.memory_space<hbm>>) target(%dma_start3A_161 : memref<64x128xf32, #tpu.memory_space<vmem>>) offsets(%dma_start3A_164 : memref<64xi32, #tpu.memory_space<vmem>>) semaphore(%arg14 : memref<!tpu.dma_semaphore, #tpu.memory_space<semaphore_mem>>)
          %dma_start3A_168 = arith.constant 64 : i32
          %dma_start3A_169 = arith.constant 0 : i32
          %dma_start3A_170 = tpu.memref_slice %arg11[%dma_start3A_168, %dma_start3A_169] : memref<128x128xf32, #tpu.memory_space<vmem>> -> memref<64x128xf32, #tpu.memory_space<vmem>>
          %dma_start3A_171 = arith.constant 64 : i32
          %dma_start3A_172 = tpu.memref_slice %arg9[%add3A_158, %dma_start3A_171] : memref<40x128xi32, #tpu.memory_space<vmem>> -> memref<1x64xi32, #tpu.memory_space<vmem>>
          %dma_start3A_173 = tpu.memref_squeeze %dma_start3A_172 : memref<1x64xi32, #tpu.memory_space<vmem>> -> memref<64xi32, #tpu.memory_space<vmem>>
          %dma_start3A_174 = arith.constant 0 : i32
          %dma_start3A_175 = arith.constant 0 : i32
          %dma_start3A_176 = tpu.memref_slice %arg2[%dma_start3A_174, %dma_start3A_175] : memref<10000x128xf32, #tpu.memory_space<hbm>> -> memref<10000x128xf32, #tpu.memory_space<hbm>>
          tpu.enqueue_indirect_dma source(%dma_start3A_176 : memref<10000x128xf32, #tpu.memory_space<hbm>>) target(%dma_start3A_170 : memref<64x128xf32, #tpu.memory_space<vmem>>) offsets(%dma_start3A_173 : memref<64xi32, #tpu.memory_space<vmem>>) semaphore(%arg15 : memref<!tpu.dma_semaphore, #tpu.memory_space<semaphore_mem>>)
        } else {
        }
        %add3A_130 = arith.constant 1 : i32
        %add3A_131 = arith.addi %mul3A_105, %add3A_130 : i32
        %dma_wait3A_132 = arith.constant 0 : i32
        %dma_wait3A_133 = arith.constant 0 : i32
        %dma_wait3A_134 = tpu.memref_slice %arg12[%dma_wait3A_132, %dma_wait3A_133] : memref<128x128xf32, #tpu.memory_space<vmem>> -> memref<64x128xf32, #tpu.memory_space<vmem>>
        %dma_wait3A_135 = arith.constant 0 : i32
        %dma_wait3A_136 = tpu.memref_slice %arg9[%add3A_131, %dma_wait3A_135] : memref<40x128xi32, #tpu.memory_space<vmem>> -> memref<1x64xi32, #tpu.memory_space<vmem>>
        %dma_wait3A_137 = tpu.memref_squeeze %dma_wait3A_136 : memref<1x64xi32, #tpu.memory_space<vmem>> -> memref<64xi32, #tpu.memory_space<vmem>>
        %dma_wait3A_138 = arith.constant 0 : i32
        %dma_wait3A_139 = arith.constant 0 : i32
        %dma_wait3A_140 = tpu.memref_slice %arg2[%dma_wait3A_138, %dma_wait3A_139] : memref<10000x128xf32, #tpu.memory_space<hbm>> -> memref<10000x128xf32, #tpu.memory_space<hbm>>
        tpu.wait_indirect_dma semaphore(%arg16 : memref<!tpu.dma_semaphore, #tpu.memory_space<semaphore_mem>>) src(%dma_wait3A_140 : memref<10000x128xf32, #tpu.memory_space<hbm>>) dst(%dma_wait3A_134 : memref<64x128xf32, #tpu.memory_space<vmem>>)
        %dma_wait3A_141 = arith.constant 64 : i32
        %dma_wait3A_142 = arith.constant 0 : i32
        %dma_wait3A_143 = tpu.memref_slice %arg12[%dma_wait3A_141, %dma_wait3A_142] : memref<128x128xf32, #tpu.memory_space<vmem>> -> memref<64x128xf32, #tpu.memory_space<vmem>>
        %dma_wait3A_144 = arith.constant 64 : i32
        %dma_wait3A_145 = tpu.memref_slice %arg9[%add3A_131, %dma_wait3A_144] : memref<40x128xi32, #tpu.memory_space<vmem>> -> memref<1x64xi32, #tpu.memory_space<vmem>>
        %dma_wait3A_146 = tpu.memref_squeeze %dma_wait3A_145 : memref<1x64xi32, #tpu.memory_space<vmem>> -> memref<64xi32, #tpu.memory_space<vmem>>
        %dma_wait3A_147 = arith.constant 0 : i32
        %dma_wait3A_148 = arith.constant 0 : i32
        %dma_wait3A_149 = tpu.memref_slice %arg2[%dma_wait3A_147, %dma_wait3A_148] : memref<10000x128xf32, #tpu.memory_space<hbm>> -> memref<10000x128xf32, #tpu.memory_space<hbm>>
        tpu.wait_indirect_dma semaphore(%arg17 : memref<!tpu.dma_semaphore, #tpu.memory_space<semaphore_mem>>) src(%dma_wait3A_149 : memref<10000x128xf32, #tpu.memory_space<hbm>>) dst(%dma_wait3A_143 : memref<64x128xf32, #tpu.memory_space<vmem>>)
        "tpu.region"() ({
          %run_scoped3A = tpu.sem_alloc : memref<!tpu.dma_semaphore, #tpu.memory_space<semaphore_mem>>
          %dma_start3A_157 = arith.constant 0 : i32
          %dma_start3A_158 = tpu.memref_slice %arg10[%add3A_131, %dma_start3A_157] : memref<40x128xi32, #tpu.memory_space<vmem>> -> memref<1x128xi32, #tpu.memory_space<vmem>>
          %dma_start3A_159 = tpu.memref_squeeze %dma_start3A_158 : memref<1x128xi32, #tpu.memory_space<vmem>> -> memref<128xi32, #tpu.memory_space<vmem>>
          %dma_start3A_160 = arith.constant 0 : i32
          %dma_start3A_161 = arith.constant 0 : i32
          %dma_start3A_162 = tpu.memref_slice %arg13[%dma_start3A_160, %dma_start3A_161] : memref<10240x128xf32, #tpu.memory_space<vmem_shared>> -> memref<10240x128xf32, #tpu.memory_space<vmem_shared>>
          tpu.enqueue_indirect_dma source(%arg12 : memref<128x128xf32, #tpu.memory_space<vmem>>) target(%dma_start3A_162 : memref<10240x128xf32, #tpu.memory_space<vmem_shared>>) offsets(%dma_start3A_159 : memref<128xi32, #tpu.memory_space<vmem>>) semaphore(%run_scoped3A : memref<!tpu.dma_semaphore, #tpu.memory_space<semaphore_mem>>) {add = true}
          %dma_wait3A_163 = arith.constant 0 : i32
          %dma_wait3A_164 = tpu.memref_slice %arg10[%add3A_131, %dma_wait3A_163] : memref<40x128xi32, #tpu.memory_space<vmem>> -> memref<1x128xi32, #tpu.memory_space<vmem>>
          %dma_wait3A_165 = tpu.memref_squeeze %dma_wait3A_164 : memref<1x128xi32, #tpu.memory_space<vmem>> -> memref<128xi32, #tpu.memory_space<vmem>>
          %dma_wait3A_166 = arith.constant 0 : i32
          %dma_wait3A_167 = arith.constant 0 : i32
          %dma_wait3A_168 = tpu.memref_slice %arg13[%dma_wait3A_166, %dma_wait3A_167] : memref<10240x128xf32, #tpu.memory_space<vmem_shared>> -> memref<10240x128xf32, #tpu.memory_space<vmem_shared>>
          tpu.wait_indirect_dma semaphore(%run_scoped3A : memref<!tpu.dma_semaphore, #tpu.memory_space<semaphore_mem>>) src(%arg12 : memref<128x128xf32, #tpu.memory_space<vmem>>) dst(%dma_wait3A_168 : memref<10240x128xf32, #tpu.memory_space<vmem_shared>>)
          tpu.yield
        }) : () -> ()
        %add3A_150 = arith.constant 2 : i32
        %add3A_151 = arith.addi %add3A_131, %add3A_150 : i32
        %lt3A_152 = arith.constant 40 : i32
        %lt3A_153 = arith.cmpi slt, %add3A_151, %lt3A_152 : i32
        %convert_element_type3A_154 = arith.extui %lt3A_153 : i1 to i32
        %cond3A_155 = arith.constant 0 : i32
        %cond3A_156 = arith.cmpi ne, %convert_element_type3A_154, %cond3A_155 : i32
        scf.if %cond3A_156 {
          %add3A_157 = arith.constant 2 : i32
          %add3A_158 = arith.addi %add3A_131, %add3A_157 : i32
          %dma_start3A_159 = arith.constant 0 : i32
          %dma_start3A_160 = arith.constant 0 : i32
          %dma_start3A_161 = tpu.memref_slice %arg12[%dma_start3A_159, %dma_start3A_160] : memref<128x128xf32, #tpu.memory_space<vmem>> -> memref<64x128xf32, #tpu.memory_space<vmem>>
          %dma_start3A_162 = arith.constant 0 : i32
          %dma_start3A_163 = tpu.memref_slice %arg9[%add3A_158, %dma_start3A_162] : memref<40x128xi32, #tpu.memory_space<vmem>> -> memref<1x64xi32, #tpu.memory_space<vmem>>
          %dma_start3A_164 = tpu.memref_squeeze %dma_start3A_163 : memref<1x64xi32, #tpu.memory_space<vmem>> -> memref<64xi32, #tpu.memory_space<vmem>>
          %dma_start3A_165 = arith.constant 0 : i32
          %dma_start3A_166 = arith.constant 0 : i32
          %dma_start3A_167 = tpu.memref_slice %arg2[%dma_start3A_165, %dma_start3A_166] : memref<10000x128xf32, #tpu.memory_space<hbm>> -> memref<10000x128xf32, #tpu.memory_space<hbm>>
          tpu.enqueue_indirect_dma source(%dma_start3A_167 : memref<10000x128xf32, #tpu.memory_space<hbm>>) target(%dma_start3A_161 : memref<64x128xf32, #tpu.memory_space<vmem>>) offsets(%dma_start3A_164 : memref<64xi32, #tpu.memory_space<vmem>>) semaphore(%arg16 : memref<!tpu.dma_semaphore, #tpu.memory_space<semaphore_mem>>)
          %dma_start3A_168 = arith.constant 64 : i32
          %dma_start3A_169 = arith.constant 0 : i32
          %dma_start3A_170 = tpu.memref_slice %arg12[%dma_start3A_168, %dma_start3A_169] : memref<128x128xf32, #tpu.memory_space<vmem>> -> memref<64x128xf32, #tpu.memory_space<vmem>>
          %dma_start3A_171 = arith.constant 64 : i32
          %dma_start3A_172 = tpu.memref_slice %arg9[%add3A_158, %dma_start3A_171] : memref<40x128xi32, #tpu.memory_space<vmem>> -> memref<1x64xi32, #tpu.memory_space<vmem>>
          %dma_start3A_173 = tpu.memref_squeeze %dma_start3A_172 : memref<1x64xi32, #tpu.memory_space<vmem>> -> memref<64xi32, #tpu.memory_space<vmem>>
          %dma_start3A_174 = arith.constant 0 : i32
          %dma_start3A_175 = arith.constant 0 : i32
          %dma_start3A_176 = tpu.memref_slice %arg2[%dma_start3A_174, %dma_start3A_175] : memref<10000x128xf32, #tpu.memory_space<hbm>> -> memref<10000x128xf32, #tpu.memory_space<hbm>>
          tpu.enqueue_indirect_dma source(%dma_start3A_176 : memref<10000x128xf32, #tpu.memory_space<hbm>>) target(%dma_start3A_170 : memref<64x128xf32, #tpu.memory_space<vmem>>) offsets(%dma_start3A_173 : memref<64xi32, #tpu.memory_space<vmem>>) semaphore(%arg17 : memref<!tpu.dma_semaphore, #tpu.memory_space<semaphore_mem>>)
        } else {
        }
      }
      %scan3A_97 = arith.constant 20 : i32
      %barrier3A_98 = arith.constant 0 : index
      tpu.barrier barrier_id(%barrier3A_98)
      %mul3A_99 = arith.constant 640 : i32
      %mul3A_100 = arith.muli %arg1, %mul3A_99 : i32
      %mul3A_101 = arith.constant 640 : i32
      %mul3A_102 = arith.muli %arg1, %mul3A_101 : i32
      "tpu.region"() ({
        %run_scoped3A = tpu.sem_alloc : memref<!tpu.dma_semaphore, #tpu.memory_space<semaphore_mem>>
        %dma_start3A_103 = arith.constant 0 : i32
        %dma_start3A_104 = tpu.memref_slice %arg7[%mul3A_102, %dma_start3A_103] : memref<10240x128xf32, #tpu.memory_space<hbm>> -> memref<640x128xf32, #tpu.memory_space<hbm>>
        %dma_start3A_105 = arith.constant 0 : i32
        %dma_start3A_106 = tpu.memref_slice %arg13[%mul3A_100, %dma_start3A_105] : memref<10240x128xf32, #tpu.memory_space<vmem_shared>> -> memref<640x128xf32, #tpu.memory_space<vmem_shared>>
        tpu.enqueue_dma source(%dma_start3A_106 : memref<640x128xf32, #tpu.memory_space<vmem_shared>>) target(%dma_start3A_104 : memref<640x128xf32, #tpu.memory_space<hbm>>) target_semaphore(%run_scoped3A : memref<!tpu.dma_semaphore, #tpu.memory_space<semaphore_mem>>)
        %dma_wait3A = arith.constant 0 : i32
        %dma_wait3A_107 = tpu.memref_slice %arg7[%mul3A_102, %dma_wait3A] : memref<10240x128xf32, #tpu.memory_space<hbm>> -> memref<640x128xf32, #tpu.memory_space<hbm>>
        %dma_wait3A_108 = arith.constant 0 : i32
        %dma_wait3A_109 = tpu.memref_slice %arg13[%mul3A_100, %dma_wait3A_108] : memref<10240x128xf32, #tpu.memory_space<vmem_shared>> -> memref<640x128xf32, #tpu.memory_space<vmem_shared>>
        tpu.wait_dma2 semaphore(%run_scoped3A : memref<!tpu.dma_semaphore, #tpu.memory_space<semaphore_mem>>) src(%dma_wait3A_109 : memref<640x128xf32, #tpu.memory_space<vmem_shared>>) dst(%dma_wait3A_107 : memref<640x128xf32, #tpu.memory_space<hbm>>)
        tpu.yield
      }) : () -> ()
    } else {
    }
    %eq3A_3 = arith.constant 1 : i32
    %eq3A_4 = arith.cmpi eq, %arg0, %eq3A_3 : i32
    %convert_element_type3A_5 = arith.extui %eq3A_4 : i1 to i32
    %cond3A_6 = arith.constant 0 : i32
    %cond3A_7 = arith.cmpi ne, %convert_element_type3A_5, %cond3A_6 : i32
    scf.if %cond3A_7 {
      "tpu.region"() ({
        %run_scoped3A = tpu.sem_alloc : memref<!tpu.dma_semaphore, #tpu.memory_space<semaphore_mem>>
        %dma_start3A_103 = arith.constant 0 : i32
        %dma_start3A_104 = arith.constant 0 : i32
        %dma_start3A_105 = tpu.memref_slice %arg4[%arg1, %dma_start3A_103, %dma_start3A_104] : memref<16x80x128xi32, #tpu.memory_space<hbm>> -> memref<1x40x128xi32, #tpu.memory_space<hbm>>
        %dma_start3A_106 = tpu.memref_squeeze %dma_start3A_105 : memref<1x40x128xi32, #tpu.memory_space<hbm>> -> memref<40x128xi32, #tpu.memory_space<hbm>>
        %dma_start3A_107 = arith.constant 0 : i32
        %dma_start3A_108 = arith.constant 0 : i32
        %dma_start3A_109 = tpu.memref_slice %arg4[%arg1, %dma_start3A_107, %dma_start3A_108] : memref<16x80x128xi32, #tpu.memory_space<hbm>> -> memref<1x40x128xi32, #tpu.memory_space<hbm>>
        %dma_start3A_110 = tpu.memref_squeeze %dma_start3A_109 : memref<1x40x128xi32, #tpu.memory_space<hbm>> -> memref<40x128xi32, #tpu.memory_space<hbm>>
        tpu.enqueue_dma source(%dma_start3A_110 : memref<40x128xi32, #tpu.memory_space<hbm>>) target(%arg9 : memref<40x128xi32, #tpu.memory_space<vmem>>) target_semaphore(%run_scoped3A : memref<!tpu.dma_semaphore, #tpu.memory_space<semaphore_mem>>)
        %dma_wait3A = arith.constant 0 : i32
        %dma_wait3A_111 = arith.constant 0 : i32
        %dma_wait3A_112 = tpu.memref_slice %arg4[%arg1, %dma_wait3A, %dma_wait3A_111] : memref<16x80x128xi32, #tpu.memory_space<hbm>> -> memref<1x40x128xi32, #tpu.memory_space<hbm>>
        %dma_wait3A_113 = tpu.memref_squeeze %dma_wait3A_112 : memref<1x40x128xi32, #tpu.memory_space<hbm>> -> memref<40x128xi32, #tpu.memory_space<hbm>>
        %dma_wait3A_114 = arith.constant 0 : i32
        %dma_wait3A_115 = arith.constant 0 : i32
        %dma_wait3A_116 = tpu.memref_slice %arg4[%arg1, %dma_wait3A_114, %dma_wait3A_115] : memref<16x80x128xi32, #tpu.memory_space<hbm>> -> memref<1x40x128xi32, #tpu.memory_space<hbm>>
        %dma_wait3A_117 = tpu.memref_squeeze %dma_wait3A_116 : memref<1x40x128xi32, #tpu.memory_space<hbm>> -> memref<40x128xi32, #tpu.memory_space<hbm>>
        tpu.wait_dma2 semaphore(%run_scoped3A : memref<!tpu.dma_semaphore, #tpu.memory_space<semaphore_mem>>) src(%dma_wait3A_117 : memref<40x128xi32, #tpu.memory_space<hbm>>) dst(%arg9 : memref<40x128xi32, #tpu.memory_space<vmem>>)
        tpu.yield
      }) : () -> ()
      "tpu.region"() ({
        %run_scoped3A = tpu.sem_alloc : memref<!tpu.dma_semaphore, #tpu.memory_space<semaphore_mem>>
        %dma_start3A_103 = arith.constant 0 : i32
        %dma_start3A_104 = arith.constant 0 : i32
        %dma_start3A_105 = tpu.memref_slice %arg5[%arg1, %dma_start3A_103, %dma_start3A_104] : memref<16x80x128xi32, #tpu.memory_space<hbm>> -> memref<1x40x128xi32, #tpu.memory_space<hbm>>
        %dma_start3A_106 = tpu.memref_squeeze %dma_start3A_105 : memref<1x40x128xi32, #tpu.memory_space<hbm>> -> memref<40x128xi32, #tpu.memory_space<hbm>>
        %dma_start3A_107 = arith.constant 0 : i32
        %dma_start3A_108 = arith.constant 0 : i32
        %dma_start3A_109 = tpu.memref_slice %arg5[%arg1, %dma_start3A_107, %dma_start3A_108] : memref<16x80x128xi32, #tpu.memory_space<hbm>> -> memref<1x40x128xi32, #tpu.memory_space<hbm>>
        %dma_start3A_110 = tpu.memref_squeeze %dma_start3A_109 : memref<1x40x128xi32, #tpu.memory_space<hbm>> -> memref<40x128xi32, #tpu.memory_space<hbm>>
        tpu.enqueue_dma source(%dma_start3A_110 : memref<40x128xi32, #tpu.memory_space<hbm>>) target(%arg10 : memref<40x128xi32, #tpu.memory_space<vmem>>) target_semaphore(%run_scoped3A : memref<!tpu.dma_semaphore, #tpu.memory_space<semaphore_mem>>)
        %dma_wait3A = arith.constant 0 : i32
        %dma_wait3A_111 = arith.constant 0 : i32
        %dma_wait3A_112 = tpu.memref_slice %arg5[%arg1, %dma_wait3A, %dma_wait3A_111] : memref<16x80x128xi32, #tpu.memory_space<hbm>> -> memref<1x40x128xi32, #tpu.memory_space<hbm>>
        %dma_wait3A_113 = tpu.memref_squeeze %dma_wait3A_112 : memref<1x40x128xi32, #tpu.memory_space<hbm>> -> memref<40x128xi32, #tpu.memory_space<hbm>>
        %dma_wait3A_114 = arith.constant 0 : i32
        %dma_wait3A_115 = arith.constant 0 : i32
        %dma_wait3A_116 = tpu.memref_slice %arg5[%arg1, %dma_wait3A_114, %dma_wait3A_115] : memref<16x80x128xi32, #tpu.memory_space<hbm>> -> memref<1x40x128xi32, #tpu.memory_space<hbm>>
        %dma_wait3A_117 = tpu.memref_squeeze %dma_wait3A_116 : memref<1x40x128xi32, #tpu.memory_space<hbm>> -> memref<40x128xi32, #tpu.memory_space<hbm>>
        tpu.wait_dma2 semaphore(%run_scoped3A : memref<!tpu.dma_semaphore, #tpu.memory_space<semaphore_mem>>) src(%dma_wait3A_117 : memref<40x128xi32, #tpu.memory_space<hbm>>) dst(%arg10 : memref<40x128xi32, #tpu.memory_space<vmem>>)
        tpu.yield
      }) : () -> ()
      %dma_start3A = arith.constant 0 : i32
      %dma_start3A_8 = arith.constant 0 : i32
      %dma_start3A_9 = arith.constant 0 : i32
      %dma_start3A_10 = tpu.memref_slice %arg11[%dma_start3A_8, %dma_start3A_9] : memref<128x128xf32, #tpu.memory_space<vmem>> -> memref<64x128xf32, #tpu.memory_space<vmem>>
      %dma_start3A_11 = arith.constant 0 : i32
      %dma_start3A_12 = tpu.memref_slice %arg9[%dma_start3A, %dma_start3A_11] : memref<40x128xi32, #tpu.memory_space<vmem>> -> memref<1x64xi32, #tpu.memory_space<vmem>>
      %dma_start3A_13 = tpu.memref_squeeze %dma_start3A_12 : memref<1x64xi32, #tpu.memory_space<vmem>> -> memref<64xi32, #tpu.memory_space<vmem>>
      %dma_start3A_14 = arith.constant 0 : i32
      %dma_start3A_15 = arith.constant 0 : i32
      %dma_start3A_16 = tpu.memref_slice %arg3[%dma_start3A_14, %dma_start3A_15] : memref<10000x128xf32, #tpu.memory_space<hbm>> -> memref<10000x128xf32, #tpu.memory_space<hbm>>
      tpu.enqueue_indirect_dma source(%dma_start3A_16 : memref<10000x128xf32, #tpu.memory_space<hbm>>) target(%dma_start3A_10 : memref<64x128xf32, #tpu.memory_space<vmem>>) offsets(%dma_start3A_13 : memref<64xi32, #tpu.memory_space<vmem>>) semaphore(%arg14 : memref<!tpu.dma_semaphore, #tpu.memory_space<semaphore_mem>>)
      %dma_start3A_17 = arith.constant 0 : i32
      %dma_start3A_18 = arith.constant 64 : i32
      %dma_start3A_19 = arith.constant 0 : i32
      %dma_start3A_20 = tpu.memref_slice %arg11[%dma_start3A_18, %dma_start3A_19] : memref<128x128xf32, #tpu.memory_space<vmem>> -> memref<64x128xf32, #tpu.memory_space<vmem>>
      %dma_start3A_21 = arith.constant 64 : i32
      %dma_start3A_22 = tpu.memref_slice %arg9[%dma_start3A_17, %dma_start3A_21] : memref<40x128xi32, #tpu.memory_space<vmem>> -> memref<1x64xi32, #tpu.memory_space<vmem>>
      %dma_start3A_23 = tpu.memref_squeeze %dma_start3A_22 : memref<1x64xi32, #tpu.memory_space<vmem>> -> memref<64xi32, #tpu.memory_space<vmem>>
      %dma_start3A_24 = arith.constant 0 : i32
      %dma_start3A_25 = arith.constant 0 : i32
      %dma_start3A_26 = tpu.memref_slice %arg3[%dma_start3A_24, %dma_start3A_25] : memref<10000x128xf32, #tpu.memory_space<hbm>> -> memref<10000x128xf32, #tpu.memory_space<hbm>>
      tpu.enqueue_indirect_dma source(%dma_start3A_26 : memref<10000x128xf32, #tpu.memory_space<hbm>>) target(%dma_start3A_20 : memref<64x128xf32, #tpu.memory_space<vmem>>) offsets(%dma_start3A_23 : memref<64xi32, #tpu.memory_space<vmem>>) semaphore(%arg15 : memref<!tpu.dma_semaphore, #tpu.memory_space<semaphore_mem>>)
      %dma_start3A_27 = arith.constant 1 : i32
      %dma_start3A_28 = arith.constant 0 : i32
      %dma_start3A_29 = arith.constant 0 : i32
      %dma_start3A_30 = tpu.memref_slice %arg12[%dma_start3A_28, %dma_start3A_29] : memref<128x128xf32, #tpu.memory_space<vmem>> -> memref<64x128xf32, #tpu.memory_space<vmem>>
      %dma_start3A_31 = arith.constant 0 : i32
      %dma_start3A_32 = tpu.memref_slice %arg9[%dma_start3A_27, %dma_start3A_31] : memref<40x128xi32, #tpu.memory_space<vmem>> -> memref<1x64xi32, #tpu.memory_space<vmem>>
      %dma_start3A_33 = tpu.memref_squeeze %dma_start3A_32 : memref<1x64xi32, #tpu.memory_space<vmem>> -> memref<64xi32, #tpu.memory_space<vmem>>
      %dma_start3A_34 = arith.constant 0 : i32
      %dma_start3A_35 = arith.constant 0 : i32
      %dma_start3A_36 = tpu.memref_slice %arg3[%dma_start3A_34, %dma_start3A_35] : memref<10000x128xf32, #tpu.memory_space<hbm>> -> memref<10000x128xf32, #tpu.memory_space<hbm>>
      tpu.enqueue_indirect_dma source(%dma_start3A_36 : memref<10000x128xf32, #tpu.memory_space<hbm>>) target(%dma_start3A_30 : memref<64x128xf32, #tpu.memory_space<vmem>>) offsets(%dma_start3A_33 : memref<64xi32, #tpu.memory_space<vmem>>) semaphore(%arg16 : memref<!tpu.dma_semaphore, #tpu.memory_space<semaphore_mem>>)
      %dma_start3A_37 = arith.constant 1 : i32
      %dma_start3A_38 = arith.constant 64 : i32
      %dma_start3A_39 = arith.constant 0 : i32
      %dma_start3A_40 = tpu.memref_slice %arg12[%dma_start3A_38, %dma_start3A_39] : memref<128x128xf32, #tpu.memory_space<vmem>> -> memref<64x128xf32, #tpu.memory_space<vmem>>
      %dma_start3A_41 = arith.constant 64 : i32
      %dma_start3A_42 = tpu.memref_slice %arg9[%dma_start3A_37, %dma_start3A_41] : memref<40x128xi32, #tpu.memory_space<vmem>> -> memref<1x64xi32, #tpu.memory_space<vmem>>
      %dma_start3A_43 = tpu.memref_squeeze %dma_start3A_42 : memref<1x64xi32, #tpu.memory_space<vmem>> -> memref<64xi32, #tpu.memory_space<vmem>>
      %dma_start3A_44 = arith.constant 0 : i32
      %dma_start3A_45 = arith.constant 0 : i32
      %dma_start3A_46 = tpu.memref_slice %arg3[%dma_start3A_44, %dma_start3A_45] : memref<10000x128xf32, #tpu.memory_space<hbm>> -> memref<10000x128xf32, #tpu.memory_space<hbm>>
      tpu.enqueue_indirect_dma source(%dma_start3A_46 : memref<10000x128xf32, #tpu.memory_space<hbm>>) target(%dma_start3A_40 : memref<64x128xf32, #tpu.memory_space<vmem>>) offsets(%dma_start3A_43 : memref<64xi32, #tpu.memory_space<vmem>>) semaphore(%arg17 : memref<!tpu.dma_semaphore, #tpu.memory_space<semaphore_mem>>)
      %scan3A = arith.constant 0 : i32
      %scan3A_47 = arith.constant 0 : i32
      %scan3A_48 = arith.constant 20 : i32
      %scan3A_49 = arith.addi %scan3A_47, %scan3A_48 : i32
      %scan3A_50 = arith.constant 1 : i32
      scf.for %scan3A_103 = %scan3A_47 to %scan3A_49 step %scan3A_50  : i32 {
        %mul3A_104 = arith.constant 2 : i32
        %mul3A_105 = arith.muli %scan3A_103, %mul3A_104 : i32
        %add3A = arith.constant 0 : i32
        %add3A_106 = arith.addi %mul3A_105, %add3A : i32
        %dma_wait3A = arith.constant 0 : i32
        %dma_wait3A_107 = arith.constant 0 : i32
        %dma_wait3A_108 = tpu.memref_slice %arg11[%dma_wait3A, %dma_wait3A_107] : memref<128x128xf32, #tpu.memory_space<vmem>> -> memref<64x128xf32, #tpu.memory_space<vmem>>
        %dma_wait3A_109 = arith.constant 0 : i32
        %dma_wait3A_110 = tpu.memref_slice %arg9[%add3A_106, %dma_wait3A_109] : memref<40x128xi32, #tpu.memory_space<vmem>> -> memref<1x64xi32, #tpu.memory_space<vmem>>
        %dma_wait3A_111 = tpu.memref_squeeze %dma_wait3A_110 : memref<1x64xi32, #tpu.memory_space<vmem>> -> memref<64xi32, #tpu.memory_space<vmem>>
        %dma_wait3A_112 = arith.constant 0 : i32
        %dma_wait3A_113 = arith.constant 0 : i32
        %dma_wait3A_114 = tpu.memref_slice %arg3[%dma_wait3A_112, %dma_wait3A_113] : memref<10000x128xf32, #tpu.memory_space<hbm>> -> memref<10000x128xf32, #tpu.memory_space<hbm>>
        tpu.wait_indirect_dma semaphore(%arg14 : memref<!tpu.dma_semaphore, #tpu.memory_space<semaphore_mem>>) src(%dma_wait3A_114 : memref<10000x128xf32, #tpu.memory_space<hbm>>) dst(%dma_wait3A_108 : memref<64x128xf32, #tpu.memory_space<vmem>>)
        %dma_wait3A_115 = arith.constant 64 : i32
        %dma_wait3A_116 = arith.constant 0 : i32
        %dma_wait3A_117 = tpu.memref_slice %arg11[%dma_wait3A_115, %dma_wait3A_116] : memref<128x128xf32, #tpu.memory_space<vmem>> -> memref<64x128xf32, #tpu.memory_space<vmem>>
        %dma_wait3A_118 = arith.constant 64 : i32
        %dma_wait3A_119 = tpu.memref_slice %arg9[%add3A_106, %dma_wait3A_118] : memref<40x128xi32, #tpu.memory_space<vmem>> -> memref<1x64xi32, #tpu.memory_space<vmem>>
        %dma_wait3A_120 = tpu.memref_squeeze %dma_wait3A_119 : memref<1x64xi32, #tpu.memory_space<vmem>> -> memref<64xi32, #tpu.memory_space<vmem>>
        %dma_wait3A_121 = arith.constant 0 : i32
        %dma_wait3A_122 = arith.constant 0 : i32
        %dma_wait3A_123 = tpu.memref_slice %arg3[%dma_wait3A_121, %dma_wait3A_122] : memref<10000x128xf32, #tpu.memory_space<hbm>> -> memref<10000x128xf32, #tpu.memory_space<hbm>>
        tpu.wait_indirect_dma semaphore(%arg15 : memref<!tpu.dma_semaphore, #tpu.memory_space<semaphore_mem>>) src(%dma_wait3A_123 : memref<10000x128xf32, #tpu.memory_space<hbm>>) dst(%dma_wait3A_117 : memref<64x128xf32, #tpu.memory_space<vmem>>)
        "tpu.region"() ({
          %run_scoped3A = tpu.sem_alloc : memref<!tpu.dma_semaphore, #tpu.memory_space<semaphore_mem>>
          %dma_start3A_157 = arith.constant 0 : i32
          %dma_start3A_158 = tpu.memref_slice %arg10[%add3A_106, %dma_start3A_157] : memref<40x128xi32, #tpu.memory_space<vmem>> -> memref<1x128xi32, #tpu.memory_space<vmem>>
          %dma_start3A_159 = tpu.memref_squeeze %dma_start3A_158 : memref<1x128xi32, #tpu.memory_space<vmem>> -> memref<128xi32, #tpu.memory_space<vmem>>
          %dma_start3A_160 = arith.constant 0 : i32
          %dma_start3A_161 = arith.constant 0 : i32
          %dma_start3A_162 = tpu.memref_slice %arg13[%dma_start3A_160, %dma_start3A_161] : memref<10240x128xf32, #tpu.memory_space<vmem_shared>> -> memref<10240x128xf32, #tpu.memory_space<vmem_shared>>
          tpu.enqueue_indirect_dma source(%arg11 : memref<128x128xf32, #tpu.memory_space<vmem>>) target(%dma_start3A_162 : memref<10240x128xf32, #tpu.memory_space<vmem_shared>>) offsets(%dma_start3A_159 : memref<128xi32, #tpu.memory_space<vmem>>) semaphore(%run_scoped3A : memref<!tpu.dma_semaphore, #tpu.memory_space<semaphore_mem>>) {add = true}
          %dma_wait3A_163 = arith.constant 0 : i32
          %dma_wait3A_164 = tpu.memref_slice %arg10[%add3A_106, %dma_wait3A_163] : memref<40x128xi32, #tpu.memory_space<vmem>> -> memref<1x128xi32, #tpu.memory_space<vmem>>
          %dma_wait3A_165 = tpu.memref_squeeze %dma_wait3A_164 : memref<1x128xi32, #tpu.memory_space<vmem>> -> memref<128xi32, #tpu.memory_space<vmem>>
          %dma_wait3A_166 = arith.constant 0 : i32
          %dma_wait3A_167 = arith.constant 0 : i32
          %dma_wait3A_168 = tpu.memref_slice %arg13[%dma_wait3A_166, %dma_wait3A_167] : memref<10240x128xf32, #tpu.memory_space<vmem_shared>> -> memref<10240x128xf32, #tpu.memory_space<vmem_shared>>
          tpu.wait_indirect_dma semaphore(%run_scoped3A : memref<!tpu.dma_semaphore, #tpu.memory_space<semaphore_mem>>) src(%arg11 : memref<128x128xf32, #tpu.memory_space<vmem>>) dst(%dma_wait3A_168 : memref<10240x128xf32, #tpu.memory_space<vmem_shared>>)
          tpu.yield
        }) : () -> ()
        %add3A_124 = arith.constant 2 : i32
        %add3A_125 = arith.addi %add3A_106, %add3A_124 : i32
        %lt3A = arith.constant 40 : i32
        %lt3A_126 = arith.cmpi slt, %add3A_125, %lt3A : i32
        %convert_element_type3A_127 = arith.extui %lt3A_126 : i1 to i32
        %cond3A_128 = arith.constant 0 : i32
        %cond3A_129 = arith.cmpi ne, %convert_element_type3A_127, %cond3A_128 : i32
        scf.if %cond3A_129 {
          %add3A_157 = arith.constant 2 : i32
          %add3A_158 = arith.addi %add3A_106, %add3A_157 : i32
          %dma_start3A_159 = arith.constant 0 : i32
          %dma_start3A_160 = arith.constant 0 : i32
          %dma_start3A_161 = tpu.memref_slice %arg11[%dma_start3A_159, %dma_start3A_160] : memref<128x128xf32, #tpu.memory_space<vmem>> -> memref<64x128xf32, #tpu.memory_space<vmem>>
          %dma_start3A_162 = arith.constant 0 : i32
          %dma_start3A_163 = tpu.memref_slice %arg9[%add3A_158, %dma_start3A_162] : memref<40x128xi32, #tpu.memory_space<vmem>> -> memref<1x64xi32, #tpu.memory_space<vmem>>
          %dma_start3A_164 = tpu.memref_squeeze %dma_start3A_163 : memref<1x64xi32, #tpu.memory_space<vmem>> -> memref<64xi32, #tpu.memory_space<vmem>>
          %dma_start3A_165 = arith.constant 0 : i32
          %dma_start3A_166 = arith.constant 0 : i32
          %dma_start3A_167 = tpu.memref_slice %arg3[%dma_start3A_165, %dma_start3A_166] : memref<10000x128xf32, #tpu.memory_space<hbm>> -> memref<10000x128xf32, #tpu.memory_space<hbm>>
          tpu.enqueue_indirect_dma source(%dma_start3A_167 : memref<10000x128xf32, #tpu.memory_space<hbm>>) target(%dma_start3A_161 : memref<64x128xf32, #tpu.memory_space<vmem>>) offsets(%dma_start3A_164 : memref<64xi32, #tpu.memory_space<vmem>>) semaphore(%arg14 : memref<!tpu.dma_semaphore, #tpu.memory_space<semaphore_mem>>)
          %dma_start3A_168 = arith.constant 64 : i32
          %dma_start3A_169 = arith.constant 0 : i32
          %dma_start3A_170 = tpu.memref_slice %arg11[%dma_start3A_168, %dma_start3A_169] : memref<128x128xf32, #tpu.memory_space<vmem>> -> memref<64x128xf32, #tpu.memory_space<vmem>>
          %dma_start3A_171 = arith.constant 64 : i32
          %dma_start3A_172 = tpu.memref_slice %arg9[%add3A_158, %dma_start3A_171] : memref<40x128xi32, #tpu.memory_space<vmem>> -> memref<1x64xi32, #tpu.memory_space<vmem>>
          %dma_start3A_173 = tpu.memref_squeeze %dma_start3A_172 : memref<1x64xi32, #tpu.memory_space<vmem>> -> memref<64xi32, #tpu.memory_space<vmem>>
          %dma_start3A_174 = arith.constant 0 : i32
          %dma_start3A_175 = arith.constant 0 : i32
          %dma_start3A_176 = tpu.memref_slice %arg3[%dma_start3A_174, %dma_start3A_175] : memref<10000x128xf32, #tpu.memory_space<hbm>> -> memref<10000x128xf32, #tpu.memory_space<hbm>>
          tpu.enqueue_indirect_dma source(%dma_start3A_176 : memref<10000x128xf32, #tpu.memory_space<hbm>>) target(%dma_start3A_170 : memref<64x128xf32, #tpu.memory_space<vmem>>) offsets(%dma_start3A_173 : memref<64xi32, #tpu.memory_space<vmem>>) semaphore(%arg15 : memref<!tpu.dma_semaphore, #tpu.memory_space<semaphore_mem>>)
        } else {
        }
        %add3A_130 = arith.constant 1 : i32
        %add3A_131 = arith.addi %mul3A_105, %add3A_130 : i32
        %dma_wait3A_132 = arith.constant 0 : i32
        %dma_wait3A_133 = arith.constant 0 : i32
        %dma_wait3A_134 = tpu.memref_slice %arg12[%dma_wait3A_132, %dma_wait3A_133] : memref<128x128xf32, #tpu.memory_space<vmem>> -> memref<64x128xf32, #tpu.memory_space<vmem>>
        %dma_wait3A_135 = arith.constant 0 : i32
        %dma_wait3A_136 = tpu.memref_slice %arg9[%add3A_131, %dma_wait3A_135] : memref<40x128xi32, #tpu.memory_space<vmem>> -> memref<1x64xi32, #tpu.memory_space<vmem>>
        %dma_wait3A_137 = tpu.memref_squeeze %dma_wait3A_136 : memref<1x64xi32, #tpu.memory_space<vmem>> -> memref<64xi32, #tpu.memory_space<vmem>>
        %dma_wait3A_138 = arith.constant 0 : i32
        %dma_wait3A_139 = arith.constant 0 : i32
        %dma_wait3A_140 = tpu.memref_slice %arg3[%dma_wait3A_138, %dma_wait3A_139] : memref<10000x128xf32, #tpu.memory_space<hbm>> -> memref<10000x128xf32, #tpu.memory_space<hbm>>
        tpu.wait_indirect_dma semaphore(%arg16 : memref<!tpu.dma_semaphore, #tpu.memory_space<semaphore_mem>>) src(%dma_wait3A_140 : memref<10000x128xf32, #tpu.memory_space<hbm>>) dst(%dma_wait3A_134 : memref<64x128xf32, #tpu.memory_space<vmem>>)
        %dma_wait3A_141 = arith.constant 64 : i32
        %dma_wait3A_142 = arith.constant 0 : i32
        %dma_wait3A_143 = tpu.memref_slice %arg12[%dma_wait3A_141, %dma_wait3A_142] : memref<128x128xf32, #tpu.memory_space<vmem>> -> memref<64x128xf32, #tpu.memory_space<vmem>>
        %dma_wait3A_144 = arith.constant 64 : i32
        %dma_wait3A_145 = tpu.memref_slice %arg9[%add3A_131, %dma_wait3A_144] : memref<40x128xi32, #tpu.memory_space<vmem>> -> memref<1x64xi32, #tpu.memory_space<vmem>>
        %dma_wait3A_146 = tpu.memref_squeeze %dma_wait3A_145 : memref<1x64xi32, #tpu.memory_space<vmem>> -> memref<64xi32, #tpu.memory_space<vmem>>
        %dma_wait3A_147 = arith.constant 0 : i32
        %dma_wait3A_148 = arith.constant 0 : i32
        %dma_wait3A_149 = tpu.memref_slice %arg3[%dma_wait3A_147, %dma_wait3A_148] : memref<10000x128xf32, #tpu.memory_space<hbm>> -> memref<10000x128xf32, #tpu.memory_space<hbm>>
        tpu.wait_indirect_dma semaphore(%arg17 : memref<!tpu.dma_semaphore, #tpu.memory_space<semaphore_mem>>) src(%dma_wait3A_149 : memref<10000x128xf32, #tpu.memory_space<hbm>>) dst(%dma_wait3A_143 : memref<64x128xf32, #tpu.memory_space<vmem>>)
        "tpu.region"() ({
          %run_scoped3A = tpu.sem_alloc : memref<!tpu.dma_semaphore, #tpu.memory_space<semaphore_mem>>
          %dma_start3A_157 = arith.constant 0 : i32
          %dma_start3A_158 = tpu.memref_slice %arg10[%add3A_131, %dma_start3A_157] : memref<40x128xi32, #tpu.memory_space<vmem>> -> memref<1x128xi32, #tpu.memory_space<vmem>>
          %dma_start3A_159 = tpu.memref_squeeze %dma_start3A_158 : memref<1x128xi32, #tpu.memory_space<vmem>> -> memref<128xi32, #tpu.memory_space<vmem>>
          %dma_start3A_160 = arith.constant 0 : i32
          %dma_start3A_161 = arith.constant 0 : i32
          %dma_start3A_162 = tpu.memref_slice %arg13[%dma_start3A_160, %dma_start3A_161] : memref<10240x128xf32, #tpu.memory_space<vmem_shared>> -> memref<10240x128xf32, #tpu.memory_space<vmem_shared>>
          tpu.enqueue_indirect_dma source(%arg12 : memref<128x128xf32, #tpu.memory_space<vmem>>) target(%dma_start3A_162 : memref<10240x128xf32, #tpu.memory_space<vmem_shared>>) offsets(%dma_start3A_159 : memref<128xi32, #tpu.memory_space<vmem>>) semaphore(%run_scoped3A : memref<!tpu.dma_semaphore, #tpu.memory_space<semaphore_mem>>) {add = true}
          %dma_wait3A_163 = arith.constant 0 : i32
          %dma_wait3A_164 = tpu.memref_slice %arg10[%add3A_131, %dma_wait3A_163] : memref<40x128xi32, #tpu.memory_space<vmem>> -> memref<1x128xi32, #tpu.memory_space<vmem>>
          %dma_wait3A_165 = tpu.memref_squeeze %dma_wait3A_164 : memref<1x128xi32, #tpu.memory_space<vmem>> -> memref<128xi32, #tpu.memory_space<vmem>>
          %dma_wait3A_166 = arith.constant 0 : i32
          %dma_wait3A_167 = arith.constant 0 : i32
          %dma_wait3A_168 = tpu.memref_slice %arg13[%dma_wait3A_166, %dma_wait3A_167] : memref<10240x128xf32, #tpu.memory_space<vmem_shared>> -> memref<10240x128xf32, #tpu.memory_space<vmem_shared>>
          tpu.wait_indirect_dma semaphore(%run_scoped3A : memref<!tpu.dma_semaphore, #tpu.memory_space<semaphore_mem>>) src(%arg12 : memref<128x128xf32, #tpu.memory_space<vmem>>) dst(%dma_wait3A_168 : memref<10240x128xf32, #tpu.memory_space<vmem_shared>>)
          tpu.yield
        }) : () -> ()
        %add3A_150 = arith.constant 2 : i32
        %add3A_151 = arith.addi %add3A_131, %add3A_150 : i32
        %lt3A_152 = arith.constant 40 : i32
        %lt3A_153 = arith.cmpi slt, %add3A_151, %lt3A_152 : i32
        %convert_element_type3A_154 = arith.extui %lt3A_153 : i1 to i32
        %cond3A_155 = arith.constant 0 : i32
        %cond3A_156 = arith.cmpi ne, %convert_element_type3A_154, %cond3A_155 : i32
        scf.if %cond3A_156 {
          %add3A_157 = arith.constant 2 : i32
          %add3A_158 = arith.addi %add3A_131, %add3A_157 : i32
          %dma_start3A_159 = arith.constant 0 : i32
          %dma_start3A_160 = arith.constant 0 : i32
          %dma_start3A_161 = tpu.memref_slice %arg12[%dma_start3A_159, %dma_start3A_160] : memref<128x128xf32, #tpu.memory_space<vmem>> -> memref<64x128xf32, #tpu.memory_space<vmem>>
          %dma_start3A_162 = arith.constant 0 : i32
          %dma_start3A_163 = tpu.memref_slice %arg9[%add3A_158, %dma_start3A_162] : memref<40x128xi32, #tpu.memory_space<vmem>> -> memref<1x64xi32, #tpu.memory_space<vmem>>
          %dma_start3A_164 = tpu.memref_squeeze %dma_start3A_163 : memref<1x64xi32, #tpu.memory_space<vmem>> -> memref<64xi32, #tpu.memory_space<vmem>>
          %dma_start3A_165 = arith.constant 0 : i32
          %dma_start3A_166 = arith.constant 0 : i32
          %dma_start3A_167 = tpu.memref_slice %arg3[%dma_start3A_165, %dma_start3A_166] : memref<10000x128xf32, #tpu.memory_space<hbm>> -> memref<10000x128xf32, #tpu.memory_space<hbm>>
          tpu.enqueue_indirect_dma source(%dma_start3A_167 : memref<10000x128xf32, #tpu.memory_space<hbm>>) target(%dma_start3A_161 : memref<64x128xf32, #tpu.memory_space<vmem>>) offsets(%dma_start3A_164 : memref<64xi32, #tpu.memory_space<vmem>>) semaphore(%arg16 : memref<!tpu.dma_semaphore, #tpu.memory_space<semaphore_mem>>)
          %dma_start3A_168 = arith.constant 64 : i32
          %dma_start3A_169 = arith.constant 0 : i32
          %dma_start3A_170 = tpu.memref_slice %arg12[%dma_start3A_168, %dma_start3A_169] : memref<128x128xf32, #tpu.memory_space<vmem>> -> memref<64x128xf32, #tpu.memory_space<vmem>>
          %dma_start3A_171 = arith.constant 64 : i32
          %dma_start3A_172 = tpu.memref_slice %arg9[%add3A_158, %dma_start3A_171] : memref<40x128xi32, #tpu.memory_space<vmem>> -> memref<1x64xi32, #tpu.memory_space<vmem>>
          %dma_start3A_173 = tpu.memref_squeeze %dma_start3A_172 : memref<1x64xi32, #tpu.memory_space<vmem>> -> memref<64xi32, #tpu.memory_space<vmem>>
          %dma_start3A_174 = arith.constant 0 : i32
          %dma_start3A_175 = arith.constant 0 : i32
          %dma_start3A_176 = tpu.memref_slice %arg3[%dma_start3A_174, %dma_start3A_175] : memref<10000x128xf32, #tpu.memory_space<hbm>> -> memref<10000x128xf32, #tpu.memory_space<hbm>>
          tpu.enqueue_indirect_dma source(%dma_start3A_176 : memref<10000x128xf32, #tpu.memory_space<hbm>>) target(%dma_start3A_170 : memref<64x128xf32, #tpu.memory_space<vmem>>) offsets(%dma_start3A_173 : memref<64xi32, #tpu.memory_space<vmem>>) semaphore(%arg17 : memref<!tpu.dma_semaphore, #tpu.memory_space<semaphore_mem>>)
        } else {
        }
      }
      %scan3A_51 = arith.constant 20 : i32
      "tpu.region"() ({
        %run_scoped3A = tpu.sem_alloc : memref<!tpu.dma_semaphore, #tpu.memory_space<semaphore_mem>>
        %dma_start3A_103 = arith.constant 40 : i32
        %dma_start3A_104 = arith.constant 0 : i32
        %dma_start3A_105 = tpu.memref_slice %arg4[%arg1, %dma_start3A_103, %dma_start3A_104] : memref<16x80x128xi32, #tpu.memory_space<hbm>> -> memref<1x40x128xi32, #tpu.memory_space<hbm>>
        %dma_start3A_106 = tpu.memref_squeeze %dma_start3A_105 : memref<1x40x128xi32, #tpu.memory_space<hbm>> -> memref<40x128xi32, #tpu.memory_space<hbm>>
        %dma_start3A_107 = arith.constant 40 : i32
        %dma_start3A_108 = arith.constant 0 : i32
        %dma_start3A_109 = tpu.memref_slice %arg4[%arg1, %dma_start3A_107, %dma_start3A_108] : memref<16x80x128xi32, #tpu.memory_space<hbm>> -> memref<1x40x128xi32, #tpu.memory_space<hbm>>
        %dma_start3A_110 = tpu.memref_squeeze %dma_start3A_109 : memref<1x40x128xi32, #tpu.memory_space<hbm>> -> memref<40x128xi32, #tpu.memory_space<hbm>>
        tpu.enqueue_dma source(%dma_start3A_110 : memref<40x128xi32, #tpu.memory_space<hbm>>) target(%arg9 : memref<40x128xi32, #tpu.memory_space<vmem>>) target_semaphore(%run_scoped3A : memref<!tpu.dma_semaphore, #tpu.memory_space<semaphore_mem>>)
        %dma_wait3A = arith.constant 40 : i32
        %dma_wait3A_111 = arith.constant 0 : i32
        %dma_wait3A_112 = tpu.memref_slice %arg4[%arg1, %dma_wait3A, %dma_wait3A_111] : memref<16x80x128xi32, #tpu.memory_space<hbm>> -> memref<1x40x128xi32, #tpu.memory_space<hbm>>
        %dma_wait3A_113 = tpu.memref_squeeze %dma_wait3A_112 : memref<1x40x128xi32, #tpu.memory_space<hbm>> -> memref<40x128xi32, #tpu.memory_space<hbm>>
        %dma_wait3A_114 = arith.constant 40 : i32
        %dma_wait3A_115 = arith.constant 0 : i32
        %dma_wait3A_116 = tpu.memref_slice %arg4[%arg1, %dma_wait3A_114, %dma_wait3A_115] : memref<16x80x128xi32, #tpu.memory_space<hbm>> -> memref<1x40x128xi32, #tpu.memory_space<hbm>>
        %dma_wait3A_117 = tpu.memref_squeeze %dma_wait3A_116 : memref<1x40x128xi32, #tpu.memory_space<hbm>> -> memref<40x128xi32, #tpu.memory_space<hbm>>
        tpu.wait_dma2 semaphore(%run_scoped3A : memref<!tpu.dma_semaphore, #tpu.memory_space<semaphore_mem>>) src(%dma_wait3A_117 : memref<40x128xi32, #tpu.memory_space<hbm>>) dst(%arg9 : memref<40x128xi32, #tpu.memory_space<vmem>>)
        tpu.yield
      }) : () -> ()
      "tpu.region"() ({
        %run_scoped3A = tpu.sem_alloc : memref<!tpu.dma_semaphore, #tpu.memory_space<semaphore_mem>>
        %dma_start3A_103 = arith.constant 40 : i32
        %dma_start3A_104 = arith.constant 0 : i32
        %dma_start3A_105 = tpu.memref_slice %arg5[%arg1, %dma_start3A_103, %dma_start3A_104] : memref<16x80x128xi32, #tpu.memory_space<hbm>> -> memref<1x40x128xi32, #tpu.memory_space<hbm>>
        %dma_start3A_106 = tpu.memref_squeeze %dma_start3A_105 : memref<1x40x128xi32, #tpu.memory_space<hbm>> -> memref<40x128xi32, #tpu.memory_space<hbm>>
        %dma_start3A_107 = arith.constant 40 : i32
        %dma_start3A_108 = arith.constant 0 : i32
        %dma_start3A_109 = tpu.memref_slice %arg5[%arg1, %dma_start3A_107, %dma_start3A_108] : memref<16x80x128xi32, #tpu.memory_space<hbm>> -> memref<1x40x128xi32, #tpu.memory_space<hbm>>
        %dma_start3A_110 = tpu.memref_squeeze %dma_start3A_109 : memref<1x40x128xi32, #tpu.memory_space<hbm>> -> memref<40x128xi32, #tpu.memory_space<hbm>>
        tpu.enqueue_dma source(%dma_start3A_110 : memref<40x128xi32, #tpu.memory_space<hbm>>) target(%arg10 : memref<40x128xi32, #tpu.memory_space<vmem>>) target_semaphore(%run_scoped3A : memref<!tpu.dma_semaphore, #tpu.memory_space<semaphore_mem>>)
        %dma_wait3A = arith.constant 40 : i32
        %dma_wait3A_111 = arith.constant 0 : i32
        %dma_wait3A_112 = tpu.memref_slice %arg5[%arg1, %dma_wait3A, %dma_wait3A_111] : memref<16x80x128xi32, #tpu.memory_space<hbm>> -> memref<1x40x128xi32, #tpu.memory_space<hbm>>
        %dma_wait3A_113 = tpu.memref_squeeze %dma_wait3A_112 : memref<1x40x128xi32, #tpu.memory_space<hbm>> -> memref<40x128xi32, #tpu.memory_space<hbm>>
        %dma_wait3A_114 = arith.constant 40 : i32
        %dma_wait3A_115 = arith.constant 0 : i32
        %dma_wait3A_116 = tpu.memref_slice %arg5[%arg1, %dma_wait3A_114, %dma_wait3A_115] : memref<16x80x128xi32, #tpu.memory_space<hbm>> -> memref<1x40x128xi32, #tpu.memory_space<hbm>>
        %dma_wait3A_117 = tpu.memref_squeeze %dma_wait3A_116 : memref<1x40x128xi32, #tpu.memory_space<hbm>> -> memref<40x128xi32, #tpu.memory_space<hbm>>
        tpu.wait_dma2 semaphore(%run_scoped3A : memref<!tpu.dma_semaphore, #tpu.memory_space<semaphore_mem>>) src(%dma_wait3A_117 : memref<40x128xi32, #tpu.memory_space<hbm>>) dst(%arg10 : memref<40x128xi32, #tpu.memory_space<vmem>>)
        tpu.yield
      }) : () -> ()
      %dma_start3A_52 = arith.constant 0 : i32
      %dma_start3A_53 = arith.constant 0 : i32
      %dma_start3A_54 = arith.constant 0 : i32
      %dma_start3A_55 = tpu.memref_slice %arg11[%dma_start3A_53, %dma_start3A_54] : memref<128x128xf32, #tpu.memory_space<vmem>> -> memref<64x128xf32, #tpu.memory_space<vmem>>
      %dma_start3A_56 = arith.constant 0 : i32
      %dma_start3A_57 = tpu.memref_slice %arg9[%dma_start3A_52, %dma_start3A_56] : memref<40x128xi32, #tpu.memory_space<vmem>> -> memref<1x64xi32, #tpu.memory_space<vmem>>
      %dma_start3A_58 = tpu.memref_squeeze %dma_start3A_57 : memref<1x64xi32, #tpu.memory_space<vmem>> -> memref<64xi32, #tpu.memory_space<vmem>>
      %dma_start3A_59 = arith.constant 0 : i32
      %dma_start3A_60 = arith.constant 0 : i32
      %dma_start3A_61 = tpu.memref_slice %arg3[%dma_start3A_59, %dma_start3A_60] : memref<10000x128xf32, #tpu.memory_space<hbm>> -> memref<10000x128xf32, #tpu.memory_space<hbm>>
      tpu.enqueue_indirect_dma source(%dma_start3A_61 : memref<10000x128xf32, #tpu.memory_space<hbm>>) target(%dma_start3A_55 : memref<64x128xf32, #tpu.memory_space<vmem>>) offsets(%dma_start3A_58 : memref<64xi32, #tpu.memory_space<vmem>>) semaphore(%arg14 : memref<!tpu.dma_semaphore, #tpu.memory_space<semaphore_mem>>)
      %dma_start3A_62 = arith.constant 0 : i32
      %dma_start3A_63 = arith.constant 64 : i32
      %dma_start3A_64 = arith.constant 0 : i32
      %dma_start3A_65 = tpu.memref_slice %arg11[%dma_start3A_63, %dma_start3A_64] : memref<128x128xf32, #tpu.memory_space<vmem>> -> memref<64x128xf32, #tpu.memory_space<vmem>>
      %dma_start3A_66 = arith.constant 64 : i32
      %dma_start3A_67 = tpu.memref_slice %arg9[%dma_start3A_62, %dma_start3A_66] : memref<40x128xi32, #tpu.memory_space<vmem>> -> memref<1x64xi32, #tpu.memory_space<vmem>>
      %dma_start3A_68 = tpu.memref_squeeze %dma_start3A_67 : memref<1x64xi32, #tpu.memory_space<vmem>> -> memref<64xi32, #tpu.memory_space<vmem>>
      %dma_start3A_69 = arith.constant 0 : i32
      %dma_start3A_70 = arith.constant 0 : i32
      %dma_start3A_71 = tpu.memref_slice %arg3[%dma_start3A_69, %dma_start3A_70] : memref<10000x128xf32, #tpu.memory_space<hbm>> -> memref<10000x128xf32, #tpu.memory_space<hbm>>
      tpu.enqueue_indirect_dma source(%dma_start3A_71 : memref<10000x128xf32, #tpu.memory_space<hbm>>) target(%dma_start3A_65 : memref<64x128xf32, #tpu.memory_space<vmem>>) offsets(%dma_start3A_68 : memref<64xi32, #tpu.memory_space<vmem>>) semaphore(%arg15 : memref<!tpu.dma_semaphore, #tpu.memory_space<semaphore_mem>>)
      %dma_start3A_72 = arith.constant 1 : i32
      %dma_start3A_73 = arith.constant 0 : i32
      %dma_start3A_74 = arith.constant 0 : i32
      %dma_start3A_75 = tpu.memref_slice %arg12[%dma_start3A_73, %dma_start3A_74] : memref<128x128xf32, #tpu.memory_space<vmem>> -> memref<64x128xf32, #tpu.memory_space<vmem>>
      %dma_start3A_76 = arith.constant 0 : i32
      %dma_start3A_77 = tpu.memref_slice %arg9[%dma_start3A_72, %dma_start3A_76] : memref<40x128xi32, #tpu.memory_space<vmem>> -> memref<1x64xi32, #tpu.memory_space<vmem>>
      %dma_start3A_78 = tpu.memref_squeeze %dma_start3A_77 : memref<1x64xi32, #tpu.memory_space<vmem>> -> memref<64xi32, #tpu.memory_space<vmem>>
      %dma_start3A_79 = arith.constant 0 : i32
      %dma_start3A_80 = arith.constant 0 : i32
      %dma_start3A_81 = tpu.memref_slice %arg3[%dma_start3A_79, %dma_start3A_80] : memref<10000x128xf32, #tpu.memory_space<hbm>> -> memref<10000x128xf32, #tpu.memory_space<hbm>>
      tpu.enqueue_indirect_dma source(%dma_start3A_81 : memref<10000x128xf32, #tpu.memory_space<hbm>>) target(%dma_start3A_75 : memref<64x128xf32, #tpu.memory_space<vmem>>) offsets(%dma_start3A_78 : memref<64xi32, #tpu.memory_space<vmem>>) semaphore(%arg16 : memref<!tpu.dma_semaphore, #tpu.memory_space<semaphore_mem>>)
      %dma_start3A_82 = arith.constant 1 : i32
      %dma_start3A_83 = arith.constant 64 : i32
      %dma_start3A_84 = arith.constant 0 : i32
      %dma_start3A_85 = tpu.memref_slice %arg12[%dma_start3A_83, %dma_start3A_84] : memref<128x128xf32, #tpu.memory_space<vmem>> -> memref<64x128xf32, #tpu.memory_space<vmem>>
      %dma_start3A_86 = arith.constant 64 : i32
      %dma_start3A_87 = tpu.memref_slice %arg9[%dma_start3A_82, %dma_start3A_86] : memref<40x128xi32, #tpu.memory_space<vmem>> -> memref<1x64xi32, #tpu.memory_space<vmem>>
      %dma_start3A_88 = tpu.memref_squeeze %dma_start3A_87 : memref<1x64xi32, #tpu.memory_space<vmem>> -> memref<64xi32, #tpu.memory_space<vmem>>
      %dma_start3A_89 = arith.constant 0 : i32
      %dma_start3A_90 = arith.constant 0 : i32
      %dma_start3A_91 = tpu.memref_slice %arg3[%dma_start3A_89, %dma_start3A_90] : memref<10000x128xf32, #tpu.memory_space<hbm>> -> memref<10000x128xf32, #tpu.memory_space<hbm>>
      tpu.enqueue_indirect_dma source(%dma_start3A_91 : memref<10000x128xf32, #tpu.memory_space<hbm>>) target(%dma_start3A_85 : memref<64x128xf32, #tpu.memory_space<vmem>>) offsets(%dma_start3A_88 : memref<64xi32, #tpu.memory_space<vmem>>) semaphore(%arg17 : memref<!tpu.dma_semaphore, #tpu.memory_space<semaphore_mem>>)
      %scan3A_92 = arith.constant 0 : i32
      %scan3A_93 = arith.constant 0 : i32
      %scan3A_94 = arith.constant 20 : i32
      %scan3A_95 = arith.addi %scan3A_93, %scan3A_94 : i32
      %scan3A_96 = arith.constant 1 : i32
      scf.for %scan3A_103 = %scan3A_93 to %scan3A_95 step %scan3A_96  : i32 {
        %mul3A_104 = arith.constant 2 : i32
        %mul3A_105 = arith.muli %scan3A_103, %mul3A_104 : i32
        %add3A = arith.constant 0 : i32
        %add3A_106 = arith.addi %mul3A_105, %add3A : i32
        %dma_wait3A = arith.constant 0 : i32
        %dma_wait3A_107 = arith.constant 0 : i32
        %dma_wait3A_108 = tpu.memref_slice %arg11[%dma_wait3A, %dma_wait3A_107] : memref<128x128xf32, #tpu.memory_space<vmem>> -> memref<64x128xf32, #tpu.memory_space<vmem>>
        %dma_wait3A_109 = arith.constant 0 : i32
        %dma_wait3A_110 = tpu.memref_slice %arg9[%add3A_106, %dma_wait3A_109] : memref<40x128xi32, #tpu.memory_space<vmem>> -> memref<1x64xi32, #tpu.memory_space<vmem>>
        %dma_wait3A_111 = tpu.memref_squeeze %dma_wait3A_110 : memref<1x64xi32, #tpu.memory_space<vmem>> -> memref<64xi32, #tpu.memory_space<vmem>>
        %dma_wait3A_112 = arith.constant 0 : i32
        %dma_wait3A_113 = arith.constant 0 : i32
        %dma_wait3A_114 = tpu.memref_slice %arg3[%dma_wait3A_112, %dma_wait3A_113] : memref<10000x128xf32, #tpu.memory_space<hbm>> -> memref<10000x128xf32, #tpu.memory_space<hbm>>
        tpu.wait_indirect_dma semaphore(%arg14 : memref<!tpu.dma_semaphore, #tpu.memory_space<semaphore_mem>>) src(%dma_wait3A_114 : memref<10000x128xf32, #tpu.memory_space<hbm>>) dst(%dma_wait3A_108 : memref<64x128xf32, #tpu.memory_space<vmem>>)
        %dma_wait3A_115 = arith.constant 64 : i32
        %dma_wait3A_116 = arith.constant 0 : i32
        %dma_wait3A_117 = tpu.memref_slice %arg11[%dma_wait3A_115, %dma_wait3A_116] : memref<128x128xf32, #tpu.memory_space<vmem>> -> memref<64x128xf32, #tpu.memory_space<vmem>>
        %dma_wait3A_118 = arith.constant 64 : i32
        %dma_wait3A_119 = tpu.memref_slice %arg9[%add3A_106, %dma_wait3A_118] : memref<40x128xi32, #tpu.memory_space<vmem>> -> memref<1x64xi32, #tpu.memory_space<vmem>>
        %dma_wait3A_120 = tpu.memref_squeeze %dma_wait3A_119 : memref<1x64xi32, #tpu.memory_space<vmem>> -> memref<64xi32, #tpu.memory_space<vmem>>
        %dma_wait3A_121 = arith.constant 0 : i32
        %dma_wait3A_122 = arith.constant 0 : i32
        %dma_wait3A_123 = tpu.memref_slice %arg3[%dma_wait3A_121, %dma_wait3A_122] : memref<10000x128xf32, #tpu.memory_space<hbm>> -> memref<10000x128xf32, #tpu.memory_space<hbm>>
        tpu.wait_indirect_dma semaphore(%arg15 : memref<!tpu.dma_semaphore, #tpu.memory_space<semaphore_mem>>) src(%dma_wait3A_123 : memref<10000x128xf32, #tpu.memory_space<hbm>>) dst(%dma_wait3A_117 : memref<64x128xf32, #tpu.memory_space<vmem>>)
        "tpu.region"() ({
          %run_scoped3A = tpu.sem_alloc : memref<!tpu.dma_semaphore, #tpu.memory_space<semaphore_mem>>
          %dma_start3A_157 = arith.constant 0 : i32
          %dma_start3A_158 = tpu.memref_slice %arg10[%add3A_106, %dma_start3A_157] : memref<40x128xi32, #tpu.memory_space<vmem>> -> memref<1x128xi32, #tpu.memory_space<vmem>>
          %dma_start3A_159 = tpu.memref_squeeze %dma_start3A_158 : memref<1x128xi32, #tpu.memory_space<vmem>> -> memref<128xi32, #tpu.memory_space<vmem>>
          %dma_start3A_160 = arith.constant 0 : i32
          %dma_start3A_161 = arith.constant 0 : i32
          %dma_start3A_162 = tpu.memref_slice %arg13[%dma_start3A_160, %dma_start3A_161] : memref<10240x128xf32, #tpu.memory_space<vmem_shared>> -> memref<10240x128xf32, #tpu.memory_space<vmem_shared>>
          tpu.enqueue_indirect_dma source(%arg11 : memref<128x128xf32, #tpu.memory_space<vmem>>) target(%dma_start3A_162 : memref<10240x128xf32, #tpu.memory_space<vmem_shared>>) offsets(%dma_start3A_159 : memref<128xi32, #tpu.memory_space<vmem>>) semaphore(%run_scoped3A : memref<!tpu.dma_semaphore, #tpu.memory_space<semaphore_mem>>) {add = true}
          %dma_wait3A_163 = arith.constant 0 : i32
          %dma_wait3A_164 = tpu.memref_slice %arg10[%add3A_106, %dma_wait3A_163] : memref<40x128xi32, #tpu.memory_space<vmem>> -> memref<1x128xi32, #tpu.memory_space<vmem>>
          %dma_wait3A_165 = tpu.memref_squeeze %dma_wait3A_164 : memref<1x128xi32, #tpu.memory_space<vmem>> -> memref<128xi32, #tpu.memory_space<vmem>>
          %dma_wait3A_166 = arith.constant 0 : i32
          %dma_wait3A_167 = arith.constant 0 : i32
          %dma_wait3A_168 = tpu.memref_slice %arg13[%dma_wait3A_166, %dma_wait3A_167] : memref<10240x128xf32, #tpu.memory_space<vmem_shared>> -> memref<10240x128xf32, #tpu.memory_space<vmem_shared>>
          tpu.wait_indirect_dma semaphore(%run_scoped3A : memref<!tpu.dma_semaphore, #tpu.memory_space<semaphore_mem>>) src(%arg11 : memref<128x128xf32, #tpu.memory_space<vmem>>) dst(%dma_wait3A_168 : memref<10240x128xf32, #tpu.memory_space<vmem_shared>>)
          tpu.yield
        }) : () -> ()
        %add3A_124 = arith.constant 2 : i32
        %add3A_125 = arith.addi %add3A_106, %add3A_124 : i32
        %lt3A = arith.constant 40 : i32
        %lt3A_126 = arith.cmpi slt, %add3A_125, %lt3A : i32
        %convert_element_type3A_127 = arith.extui %lt3A_126 : i1 to i32
        %cond3A_128 = arith.constant 0 : i32
        %cond3A_129 = arith.cmpi ne, %convert_element_type3A_127, %cond3A_128 : i32
        scf.if %cond3A_129 {
          %add3A_157 = arith.constant 2 : i32
          %add3A_158 = arith.addi %add3A_106, %add3A_157 : i32
          %dma_start3A_159 = arith.constant 0 : i32
          %dma_start3A_160 = arith.constant 0 : i32
          %dma_start3A_161 = tpu.memref_slice %arg11[%dma_start3A_159, %dma_start3A_160] : memref<128x128xf32, #tpu.memory_space<vmem>> -> memref<64x128xf32, #tpu.memory_space<vmem>>
          %dma_start3A_162 = arith.constant 0 : i32
          %dma_start3A_163 = tpu.memref_slice %arg9[%add3A_158, %dma_start3A_162] : memref<40x128xi32, #tpu.memory_space<vmem>> -> memref<1x64xi32, #tpu.memory_space<vmem>>
          %dma_start3A_164 = tpu.memref_squeeze %dma_start3A_163 : memref<1x64xi32, #tpu.memory_space<vmem>> -> memref<64xi32, #tpu.memory_space<vmem>>
          %dma_start3A_165 = arith.constant 0 : i32
          %dma_start3A_166 = arith.constant 0 : i32
          %dma_start3A_167 = tpu.memref_slice %arg3[%dma_start3A_165, %dma_start3A_166] : memref<10000x128xf32, #tpu.memory_space<hbm>> -> memref<10000x128xf32, #tpu.memory_space<hbm>>
          tpu.enqueue_indirect_dma source(%dma_start3A_167 : memref<10000x128xf32, #tpu.memory_space<hbm>>) target(%dma_start3A_161 : memref<64x128xf32, #tpu.memory_space<vmem>>) offsets(%dma_start3A_164 : memref<64xi32, #tpu.memory_space<vmem>>) semaphore(%arg14 : memref<!tpu.dma_semaphore, #tpu.memory_space<semaphore_mem>>)
          %dma_start3A_168 = arith.constant 64 : i32
          %dma_start3A_169 = arith.constant 0 : i32
          %dma_start3A_170 = tpu.memref_slice %arg11[%dma_start3A_168, %dma_start3A_169] : memref<128x128xf32, #tpu.memory_space<vmem>> -> memref<64x128xf32, #tpu.memory_space<vmem>>
          %dma_start3A_171 = arith.constant 64 : i32
          %dma_start3A_172 = tpu.memref_slice %arg9[%add3A_158, %dma_start3A_171] : memref<40x128xi32, #tpu.memory_space<vmem>> -> memref<1x64xi32, #tpu.memory_space<vmem>>
          %dma_start3A_173 = tpu.memref_squeeze %dma_start3A_172 : memref<1x64xi32, #tpu.memory_space<vmem>> -> memref<64xi32, #tpu.memory_space<vmem>>
          %dma_start3A_174 = arith.constant 0 : i32
          %dma_start3A_175 = arith.constant 0 : i32
          %dma_start3A_176 = tpu.memref_slice %arg3[%dma_start3A_174, %dma_start3A_175] : memref<10000x128xf32, #tpu.memory_space<hbm>> -> memref<10000x128xf32, #tpu.memory_space<hbm>>
          tpu.enqueue_indirect_dma source(%dma_start3A_176 : memref<10000x128xf32, #tpu.memory_space<hbm>>) target(%dma_start3A_170 : memref<64x128xf32, #tpu.memory_space<vmem>>) offsets(%dma_start3A_173 : memref<64xi32, #tpu.memory_space<vmem>>) semaphore(%arg15 : memref<!tpu.dma_semaphore, #tpu.memory_space<semaphore_mem>>)
        } else {
        }
        %add3A_130 = arith.constant 1 : i32
        %add3A_131 = arith.addi %mul3A_105, %add3A_130 : i32
        %dma_wait3A_132 = arith.constant 0 : i32
        %dma_wait3A_133 = arith.constant 0 : i32
        %dma_wait3A_134 = tpu.memref_slice %arg12[%dma_wait3A_132, %dma_wait3A_133] : memref<128x128xf32, #tpu.memory_space<vmem>> -> memref<64x128xf32, #tpu.memory_space<vmem>>
        %dma_wait3A_135 = arith.constant 0 : i32
        %dma_wait3A_136 = tpu.memref_slice %arg9[%add3A_131, %dma_wait3A_135] : memref<40x128xi32, #tpu.memory_space<vmem>> -> memref<1x64xi32, #tpu.memory_space<vmem>>
        %dma_wait3A_137 = tpu.memref_squeeze %dma_wait3A_136 : memref<1x64xi32, #tpu.memory_space<vmem>> -> memref<64xi32, #tpu.memory_space<vmem>>
        %dma_wait3A_138 = arith.constant 0 : i32
        %dma_wait3A_139 = arith.constant 0 : i32
        %dma_wait3A_140 = tpu.memref_slice %arg3[%dma_wait3A_138, %dma_wait3A_139] : memref<10000x128xf32, #tpu.memory_space<hbm>> -> memref<10000x128xf32, #tpu.memory_space<hbm>>
        tpu.wait_indirect_dma semaphore(%arg16 : memref<!tpu.dma_semaphore, #tpu.memory_space<semaphore_mem>>) src(%dma_wait3A_140 : memref<10000x128xf32, #tpu.memory_space<hbm>>) dst(%dma_wait3A_134 : memref<64x128xf32, #tpu.memory_space<vmem>>)
        %dma_wait3A_141 = arith.constant 64 : i32
        %dma_wait3A_142 = arith.constant 0 : i32
        %dma_wait3A_143 = tpu.memref_slice %arg12[%dma_wait3A_141, %dma_wait3A_142] : memref<128x128xf32, #tpu.memory_space<vmem>> -> memref<64x128xf32, #tpu.memory_space<vmem>>
        %dma_wait3A_144 = arith.constant 64 : i32
        %dma_wait3A_145 = tpu.memref_slice %arg9[%add3A_131, %dma_wait3A_144] : memref<40x128xi32, #tpu.memory_space<vmem>> -> memref<1x64xi32, #tpu.memory_space<vmem>>
        %dma_wait3A_146 = tpu.memref_squeeze %dma_wait3A_145 : memref<1x64xi32, #tpu.memory_space<vmem>> -> memref<64xi32, #tpu.memory_space<vmem>>
        %dma_wait3A_147 = arith.constant 0 : i32
        %dma_wait3A_148 = arith.constant 0 : i32
        %dma_wait3A_149 = tpu.memref_slice %arg3[%dma_wait3A_147, %dma_wait3A_148] : memref<10000x128xf32, #tpu.memory_space<hbm>> -> memref<10000x128xf32, #tpu.memory_space<hbm>>
        tpu.wait_indirect_dma semaphore(%arg17 : memref<!tpu.dma_semaphore, #tpu.memory_space<semaphore_mem>>) src(%dma_wait3A_149 : memref<10000x128xf32, #tpu.memory_space<hbm>>) dst(%dma_wait3A_143 : memref<64x128xf32, #tpu.memory_space<vmem>>)
        "tpu.region"() ({
          %run_scoped3A = tpu.sem_alloc : memref<!tpu.dma_semaphore, #tpu.memory_space<semaphore_mem>>
          %dma_start3A_157 = arith.constant 0 : i32
          %dma_start3A_158 = tpu.memref_slice %arg10[%add3A_131, %dma_start3A_157] : memref<40x128xi32, #tpu.memory_space<vmem>> -> memref<1x128xi32, #tpu.memory_space<vmem>>
          %dma_start3A_159 = tpu.memref_squeeze %dma_start3A_158 : memref<1x128xi32, #tpu.memory_space<vmem>> -> memref<128xi32, #tpu.memory_space<vmem>>
          %dma_start3A_160 = arith.constant 0 : i32
          %dma_start3A_161 = arith.constant 0 : i32
          %dma_start3A_162 = tpu.memref_slice %arg13[%dma_start3A_160, %dma_start3A_161] : memref<10240x128xf32, #tpu.memory_space<vmem_shared>> -> memref<10240x128xf32, #tpu.memory_space<vmem_shared>>
          tpu.enqueue_indirect_dma source(%arg12 : memref<128x128xf32, #tpu.memory_space<vmem>>) target(%dma_start3A_162 : memref<10240x128xf32, #tpu.memory_space<vmem_shared>>) offsets(%dma_start3A_159 : memref<128xi32, #tpu.memory_space<vmem>>) semaphore(%run_scoped3A : memref<!tpu.dma_semaphore, #tpu.memory_space<semaphore_mem>>) {add = true}
          %dma_wait3A_163 = arith.constant 0 : i32
          %dma_wait3A_164 = tpu.memref_slice %arg10[%add3A_131, %dma_wait3A_163] : memref<40x128xi32, #tpu.memory_space<vmem>> -> memref<1x128xi32, #tpu.memory_space<vmem>>
          %dma_wait3A_165 = tpu.memref_squeeze %dma_wait3A_164 : memref<1x128xi32, #tpu.memory_space<vmem>> -> memref<128xi32, #tpu.memory_space<vmem>>
          %dma_wait3A_166 = arith.constant 0 : i32
          %dma_wait3A_167 = arith.constant 0 : i32
          %dma_wait3A_168 = tpu.memref_slice %arg13[%dma_wait3A_166, %dma_wait3A_167] : memref<10240x128xf32, #tpu.memory_space<vmem_shared>> -> memref<10240x128xf32, #tpu.memory_space<vmem_shared>>
          tpu.wait_indirect_dma semaphore(%run_scoped3A : memref<!tpu.dma_semaphore, #tpu.memory_space<semaphore_mem>>) src(%arg12 : memref<128x128xf32, #tpu.memory_space<vmem>>) dst(%dma_wait3A_168 : memref<10240x128xf32, #tpu.memory_space<vmem_shared>>)
          tpu.yield
        }) : () -> ()
        %add3A_150 = arith.constant 2 : i32
        %add3A_151 = arith.addi %add3A_131, %add3A_150 : i32
        %lt3A_152 = arith.constant 40 : i32
        %lt3A_153 = arith.cmpi slt, %add3A_151, %lt3A_152 : i32
        %convert_element_type3A_154 = arith.extui %lt3A_153 : i1 to i32
        %cond3A_155 = arith.constant 0 : i32
        %cond3A_156 = arith.cmpi ne, %convert_element_type3A_154, %cond3A_155 : i32
        scf.if %cond3A_156 {
          %add3A_157 = arith.constant 2 : i32
          %add3A_158 = arith.addi %add3A_131, %add3A_157 : i32
          %dma_start3A_159 = arith.constant 0 : i32
          %dma_start3A_160 = arith.constant 0 : i32
          %dma_start3A_161 = tpu.memref_slice %arg12[%dma_start3A_159, %dma_start3A_160] : memref<128x128xf32, #tpu.memory_space<vmem>> -> memref<64x128xf32, #tpu.memory_space<vmem>>
          %dma_start3A_162 = arith.constant 0 : i32
          %dma_start3A_163 = tpu.memref_slice %arg9[%add3A_158, %dma_start3A_162] : memref<40x128xi32, #tpu.memory_space<vmem>> -> memref<1x64xi32, #tpu.memory_space<vmem>>
          %dma_start3A_164 = tpu.memref_squeeze %dma_start3A_163 : memref<1x64xi32, #tpu.memory_space<vmem>> -> memref<64xi32, #tpu.memory_space<vmem>>
          %dma_start3A_165 = arith.constant 0 : i32
          %dma_start3A_166 = arith.constant 0 : i32
          %dma_start3A_167 = tpu.memref_slice %arg3[%dma_start3A_165, %dma_start3A_166] : memref<10000x128xf32, #tpu.memory_space<hbm>> -> memref<10000x128xf32, #tpu.memory_space<hbm>>
          tpu.enqueue_indirect_dma source(%dma_start3A_167 : memref<10000x128xf32, #tpu.memory_space<hbm>>) target(%dma_start3A_161 : memref<64x128xf32, #tpu.memory_space<vmem>>) offsets(%dma_start3A_164 : memref<64xi32, #tpu.memory_space<vmem>>) semaphore(%arg16 : memref<!tpu.dma_semaphore, #tpu.memory_space<semaphore_mem>>)
          %dma_start3A_168 = arith.constant 64 : i32
          %dma_start3A_169 = arith.constant 0 : i32
          %dma_start3A_170 = tpu.memref_slice %arg12[%dma_start3A_168, %dma_start3A_169] : memref<128x128xf32, #tpu.memory_space<vmem>> -> memref<64x128xf32, #tpu.memory_space<vmem>>
          %dma_start3A_171 = arith.constant 64 : i32
          %dma_start3A_172 = tpu.memref_slice %arg9[%add3A_158, %dma_start3A_171] : memref<40x128xi32, #tpu.memory_space<vmem>> -> memref<1x64xi32, #tpu.memory_space<vmem>>
          %dma_start3A_173 = tpu.memref_squeeze %dma_start3A_172 : memref<1x64xi32, #tpu.memory_space<vmem>> -> memref<64xi32, #tpu.memory_space<vmem>>
          %dma_start3A_174 = arith.constant 0 : i32
          %dma_start3A_175 = arith.constant 0 : i32
          %dma_start3A_176 = tpu.memref_slice %arg3[%dma_start3A_174, %dma_start3A_175] : memref<10000x128xf32, #tpu.memory_space<hbm>> -> memref<10000x128xf32, #tpu.memory_space<hbm>>
          tpu.enqueue_indirect_dma source(%dma_start3A_176 : memref<10000x128xf32, #tpu.memory_space<hbm>>) target(%dma_start3A_170 : memref<64x128xf32, #tpu.memory_space<vmem>>) offsets(%dma_start3A_173 : memref<64xi32, #tpu.memory_space<vmem>>) semaphore(%arg17 : memref<!tpu.dma_semaphore, #tpu.memory_space<semaphore_mem>>)
        } else {
        }
      }
      %scan3A_97 = arith.constant 20 : i32
      %barrier3A_98 = arith.constant 0 : index
      tpu.barrier barrier_id(%barrier3A_98)
      %mul3A_99 = arith.constant 640 : i32
      %mul3A_100 = arith.muli %arg1, %mul3A_99 : i32
      %mul3A_101 = arith.constant 640 : i32
      %mul3A_102 = arith.muli %arg1, %mul3A_101 : i32
      "tpu.region"() ({
        %run_scoped3A = tpu.sem_alloc : memref<!tpu.dma_semaphore, #tpu.memory_space<semaphore_mem>>
        %dma_start3A_103 = arith.constant 0 : i32
        %dma_start3A_104 = tpu.memref_slice %arg8[%mul3A_102, %dma_start3A_103] : memref<10240x128xf32, #tpu.memory_space<hbm>> -> memref<640x128xf32, #tpu.memory_space<hbm>>
        %dma_start3A_105 = arith.constant 0 : i32
        %dma_start3A_106 = tpu.memref_slice %arg13[%mul3A_100, %dma_start3A_105] : memref<10240x128xf32, #tpu.memory_space<vmem_shared>> -> memref<640x128xf32, #tpu.memory_space<vmem_shared>>
        tpu.enqueue_dma source(%dma_start3A_106 : memref<640x128xf32, #tpu.memory_space<vmem_shared>>) target(%dma_start3A_104 : memref<640x128xf32, #tpu.memory_space<hbm>>) target_semaphore(%run_scoped3A : memref<!tpu.dma_semaphore, #tpu.memory_space<semaphore_mem>>)
        %dma_wait3A = arith.constant 0 : i32
        %dma_wait3A_107 = tpu.memref_slice %arg8[%mul3A_102, %dma_wait3A] : memref<10240x128xf32, #tpu.memory_space<hbm>> -> memref<640x128xf32, #tpu.memory_space<hbm>>
        %dma_wait3A_108 = arith.constant 0 : i32
        %dma_wait3A_109 = tpu.memref_slice %arg13[%mul3A_100, %dma_wait3A_108] : memref<10240x128xf32, #tpu.memory_space<vmem_shared>> -> memref<640x128xf32, #tpu.memory_space<vmem_shared>>
        tpu.wait_dma2 semaphore(%run_scoped3A : memref<!tpu.dma_semaphore, #tpu.memory_space<semaphore_mem>>) src(%dma_wait3A_109 : memref<640x128xf32, #tpu.memory_space<vmem_shared>>) dst(%dma_wait3A_107 : memref<640x128xf32, #tpu.memory_space<hbm>>)
        tpu.yield
      }) : () -> ()
    } else {
    }
    return
  }
}

#map = affine_map<(d0, d1) -> (0, 0)>
#map1 = affine_map<(d0, d1) -> (0, 0, 0)>
module attributes {stable_mosaic.version = 14 : i64} {
  func.func @_gather_segsum(%arg0: i32, %arg1: i32, %arg2: memref<10000x128xf32, #tpu.memory_space<hbm>>, %arg3: memref<10000x128xf32, #tpu.memory_space<hbm>>, %arg4: memref<16x80x128xi32, #tpu.memory_space<hbm>>, %arg5: memref<16x80x128xi32, #tpu.memory_space<hbm>>, %arg6: memref<640x128xf32, #tpu.memory_space<hbm>>, %arg7: memref<10240x128xf32, #tpu.memory_space<hbm>>, %arg8: memref<10240x128xf32, #tpu.memory_space<hbm>>, %arg9: memref<40x128xi32, #tpu.memory_space<vmem>>, %arg10: memref<40x128xi32, #tpu.memory_space<vmem>>, %arg11: memref<128x128xf32, #tpu.memory_space<vmem>>, %arg12: memref<128x128xf32, #tpu.memory_space<vmem>>, %arg13: memref<10240x128xf32, #tpu.memory_space<vmem_shared>>, %arg14: memref<!tpu.dma_semaphore, #tpu.memory_space<semaphore_mem>>, %arg15: memref<!tpu.dma_semaphore, #tpu.memory_space<semaphore_mem>>, %arg16: memref<!tpu.dma_semaphore, #tpu.memory_space<semaphore_mem>>, %arg17: memref<!tpu.dma_semaphore, #tpu.memory_space<semaphore_mem>>) attributes {dimension_semantics = [#tpu.dimension_semantics<core_parallel>, #tpu.dimension_semantics<subcore_parallel>], iteration_bounds = array<i64: 2, 16>, scalar_prefetch = 0 : i64, scratch_operands = 9 : i64, tpu.core_type = #tpu.core_type<sc_vector_subcore>, window_params = [{transform_indices = #map}, {transform_indices = #map}, {transform_indices = #map1}, {transform_indices = #map1}, {transform_indices = #map}, {transform_indices = #map}, {transform_indices = #map}]} {
    %mul3A = arith.constant 640 : i32
    %mul3A_0 = arith.muli %arg1, %mul3A : i32
    "tpu.region"() ({
      %run_scoped3A = tpu.sem_alloc : memref<!tpu.dma_semaphore, #tpu.memory_space<semaphore_mem>>
      %dma_start3A = arith.constant 0 : i32
      %dma_start3A_8 = tpu.memref_slice %arg13[%mul3A_0, %dma_start3A] : memref<10240x128xf32, #tpu.memory_space<vmem_shared>> -> memref<640x128xf32, #tpu.memory_space<vmem_shared>>
      tpu.enqueue_dma source(%arg6 : memref<640x128xf32, #tpu.memory_space<hbm>>) target(%dma_start3A_8 : memref<640x128xf32, #tpu.memory_space<vmem_shared>>) target_semaphore(%run_scoped3A : memref<!tpu.dma_semaphore, #tpu.memory_space<semaphore_mem>>)
      %dma_wait3A = arith.constant 0 : i32
      %dma_wait3A_9 = tpu.memref_slice %arg13[%mul3A_0, %dma_wait3A] : memref<10240x128xf32, #tpu.memory_space<vmem_shared>> -> memref<640x128xf32, #tpu.memory_space<vmem_shared>>
      tpu.wait_dma2 semaphore(%run_scoped3A : memref<!tpu.dma_semaphore, #tpu.memory_space<semaphore_mem>>) src(%arg6 : memref<640x128xf32, #tpu.memory_space<hbm>>) dst(%dma_wait3A_9 : memref<640x128xf32, #tpu.memory_space<vmem_shared>>)
      tpu.yield
    }) : () -> ()
    %barrier3A = arith.constant 0 : index
    tpu.barrier barrier_id(%barrier3A)
    %eq3A = arith.constant 0 : i32
    %eq3A_1 = arith.cmpi eq, %arg0, %eq3A : i32
    %convert_element_type3A = arith.extui %eq3A_1 : i1 to i32
    %cond3A = arith.constant 0 : i32
    %cond3A_2 = arith.cmpi ne, %convert_element_type3A, %cond3A : i32
    scf.if %cond3A_2 {
      "tpu.region"() ({
        %run_scoped3A = tpu.sem_alloc : memref<!tpu.dma_semaphore, #tpu.memory_space<semaphore_mem>>
        %dma_start3A_103 = arith.constant 0 : i32
        %dma_start3A_104 = arith.constant 0 : i32
        %dma_start3A_105 = tpu.memref_slice %arg4[%arg1, %dma_start3A_103, %dma_start3A_104] : memref<16x80x128xi32, #tpu.memory_space<hbm>> -> memref<1x40x128xi32, #tpu.memory_space<hbm>>
        %dma_start3A_106 = tpu.memref_squeeze %dma_start3A_105 : memref<1x40x128xi32, #tpu.memory_space<hbm>> -> memref<40x128xi32, #tpu.memory_space<hbm>>
        %dma_start3A_107 = arith.constant 0 : i32
        %dma_start3A_108 = arith.constant 0 : i32
        %dma_start3A_109 = tpu.memref_slice %arg4[%arg1, %dma_start3A_107, %dma_start3A_108] : memref<16x80x128xi32, #tpu.memory_space<hbm>> -> memref<1x40x128xi32, #tpu.memory_space<hbm>>
        %dma_start3A_110 = tpu.memref_squeeze %dma_start3A_109 : memref<1x40x128xi32, #tpu.memory_space<hbm>> -> memref<40x128xi32, #tpu.memory_space<hbm>>
        tpu.enqueue_dma source(%dma_start3A_110 : memref<40x128xi32, #tpu.memory_space<hbm>>) target(%arg9 : memref<40x128xi32, #tpu.memory_space<vmem>>) target_semaphore(%run_scoped3A : memref<!tpu.dma_semaphore, #tpu.memory_space<semaphore_mem>>)
        %dma_wait3A = arith.constant 0 : i32
        %dma_wait3A_111 = arith.constant 0 : i32
        %dma_wait3A_112 = tpu.memref_slice %arg4[%arg1, %dma_wait3A, %dma_wait3A_111] : memref<16x80x128xi32, #tpu.memory_space<hbm>> -> memref<1x40x128xi32, #tpu.memory_space<hbm>>
        %dma_wait3A_113 = tpu.memref_squeeze %dma_wait3A_112 : memref<1x40x128xi32, #tpu.memory_space<hbm>> -> memref<40x128xi32, #tpu.memory_space<hbm>>
        %dma_wait3A_114 = arith.constant 0 : i32
        %dma_wait3A_115 = arith.constant 0 : i32
        %dma_wait3A_116 = tpu.memref_slice %arg4[%arg1, %dma_wait3A_114, %dma_wait3A_115] : memref<16x80x128xi32, #tpu.memory_space<hbm>> -> memref<1x40x128xi32, #tpu.memory_space<hbm>>
        %dma_wait3A_117 = tpu.memref_squeeze %dma_wait3A_116 : memref<1x40x128xi32, #tpu.memory_space<hbm>> -> memref<40x128xi32, #tpu.memory_space<hbm>>
        tpu.wait_dma2 semaphore(%run_scoped3A : memref<!tpu.dma_semaphore, #tpu.memory_space<semaphore_mem>>) src(%dma_wait3A_117 : memref<40x128xi32, #tpu.memory_space<hbm>>) dst(%arg9 : memref<40x128xi32, #tpu.memory_space<vmem>>)
        tpu.yield
      }) : () -> ()
      "tpu.region"() ({
        %run_scoped3A = tpu.sem_alloc : memref<!tpu.dma_semaphore, #tpu.memory_space<semaphore_mem>>
        %dma_start3A_103 = arith.constant 0 : i32
        %dma_start3A_104 = arith.constant 0 : i32
        %dma_start3A_105 = tpu.memref_slice %arg5[%arg1, %dma_start3A_103, %dma_start3A_104] : memref<16x80x128xi32, #tpu.memory_space<hbm>> -> memref<1x40x128xi32, #tpu.memory_space<hbm>>
        %dma_start3A_106 = tpu.memref_squeeze %dma_start3A_105 : memref<1x40x128xi32, #tpu.memory_space<hbm>> -> memref<40x128xi32, #tpu.memory_space<hbm>>
        %dma_start3A_107 = arith.constant 0 : i32
        %dma_start3A_108 = arith.constant 0 : i32
        %dma_start3A_109 = tpu.memref_slice %arg5[%arg1, %dma_start3A_107, %dma_start3A_108] : memref<16x80x128xi32, #tpu.memory_space<hbm>> -> memref<1x40x128xi32, #tpu.memory_space<hbm>>
        %dma_start3A_110 = tpu.memref_squeeze %dma_start3A_109 : memref<1x40x128xi32, #tpu.memory_space<hbm>> -> memref<40x128xi32, #tpu.memory_space<hbm>>
        tpu.enqueue_dma source(%dma_start3A_110 : memref<40x128xi32, #tpu.memory_space<hbm>>) target(%arg10 : memref<40x128xi32, #tpu.memory_space<vmem>>) target_semaphore(%run_scoped3A : memref<!tpu.dma_semaphore, #tpu.memory_space<semaphore_mem>>)
        %dma_wait3A = arith.constant 0 : i32
        %dma_wait3A_111 = arith.constant 0 : i32
        %dma_wait3A_112 = tpu.memref_slice %arg5[%arg1, %dma_wait3A, %dma_wait3A_111] : memref<16x80x128xi32, #tpu.memory_space<hbm>> -> memref<1x40x128xi32, #tpu.memory_space<hbm>>
        %dma_wait3A_113 = tpu.memref_squeeze %dma_wait3A_112 : memref<1x40x128xi32, #tpu.memory_space<hbm>> -> memref<40x128xi32, #tpu.memory_space<hbm>>
        %dma_wait3A_114 = arith.constant 0 : i32
        %dma_wait3A_115 = arith.constant 0 : i32
        %dma_wait3A_116 = tpu.memref_slice %arg5[%arg1, %dma_wait3A_114, %dma_wait3A_115] : memref<16x80x128xi32, #tpu.memory_space<hbm>> -> memref<1x40x128xi32, #tpu.memory_space<hbm>>
        %dma_wait3A_117 = tpu.memref_squeeze %dma_wait3A_116 : memref<1x40x128xi32, #tpu.memory_space<hbm>> -> memref<40x128xi32, #tpu.memory_space<hbm>>
        tpu.wait_dma2 semaphore(%run_scoped3A : memref<!tpu.dma_semaphore, #tpu.memory_space<semaphore_mem>>) src(%dma_wait3A_117 : memref<40x128xi32, #tpu.memory_space<hbm>>) dst(%arg10 : memref<40x128xi32, #tpu.memory_space<vmem>>)
        tpu.yield
      }) : () -> ()
      %dma_start3A = arith.constant 0 : i32
      %dma_start3A_8 = arith.constant 0 : i32
      %dma_start3A_9 = arith.constant 0 : i32
      %dma_start3A_10 = tpu.memref_slice %arg11[%dma_start3A_8, %dma_start3A_9] : memref<128x128xf32, #tpu.memory_space<vmem>> -> memref<64x128xf32, #tpu.memory_space<vmem>>
      %dma_start3A_11 = arith.constant 0 : i32
      %dma_start3A_12 = tpu.memref_slice %arg9[%dma_start3A, %dma_start3A_11] : memref<40x128xi32, #tpu.memory_space<vmem>> -> memref<1x64xi32, #tpu.memory_space<vmem>>
      %dma_start3A_13 = tpu.memref_squeeze %dma_start3A_12 : memref<1x64xi32, #tpu.memory_space<vmem>> -> memref<64xi32, #tpu.memory_space<vmem>>
      %dma_start3A_14 = arith.constant 0 : i32
      %dma_start3A_15 = arith.constant 0 : i32
      %dma_start3A_16 = tpu.memref_slice %arg2[%dma_start3A_14, %dma_start3A_15] : memref<10000x128xf32, #tpu.memory_space<hbm>> -> memref<10000x128xf32, #tpu.memory_space<hbm>>
      tpu.enqueue_indirect_dma source(%dma_start3A_16 : memref<10000x128xf32, #tpu.memory_space<hbm>>) target(%dma_start3A_10 : memref<64x128xf32, #tpu.memory_space<vmem>>) offsets(%dma_start3A_13 : memref<64xi32, #tpu.memory_space<vmem>>) semaphore(%arg14 : memref<!tpu.dma_semaphore, #tpu.memory_space<semaphore_mem>>)
      %dma_start3A_17 = arith.constant 0 : i32
      %dma_start3A_18 = arith.constant 64 : i32
      %dma_start3A_19 = arith.constant 0 : i32
      %dma_start3A_20 = tpu.memref_slice %arg11[%dma_start3A_18, %dma_start3A_19] : memref<128x128xf32, #tpu.memory_space<vmem>> -> memref<64x128xf32, #tpu.memory_space<vmem>>
      %dma_start3A_21 = arith.constant 64 : i32
      %dma_start3A_22 = tpu.memref_slice %arg9[%dma_start3A_17, %dma_start3A_21] : memref<40x128xi32, #tpu.memory_space<vmem>> -> memref<1x64xi32, #tpu.memory_space<vmem>>
      %dma_start3A_23 = tpu.memref_squeeze %dma_start3A_22 : memref<1x64xi32, #tpu.memory_space<vmem>> -> memref<64xi32, #tpu.memory_space<vmem>>
      %dma_start3A_24 = arith.constant 0 : i32
      %dma_start3A_25 = arith.constant 0 : i32
      %dma_start3A_26 = tpu.memref_slice %arg2[%dma_start3A_24, %dma_start3A_25] : memref<10000x128xf32, #tpu.memory_space<hbm>> -> memref<10000x128xf32, #tpu.memory_space<hbm>>
      tpu.enqueue_indirect_dma source(%dma_start3A_26 : memref<10000x128xf32, #tpu.memory_space<hbm>>) target(%dma_start3A_20 : memref<64x128xf32, #tpu.memory_space<vmem>>) offsets(%dma_start3A_23 : memref<64xi32, #tpu.memory_space<vmem>>) semaphore(%arg15 : memref<!tpu.dma_semaphore, #tpu.memory_space<semaphore_mem>>)
      %dma_start3A_27 = arith.constant 1 : i32
      %dma_start3A_28 = arith.constant 0 : i32
      %dma_start3A_29 = arith.constant 0 : i32
      %dma_start3A_30 = tpu.memref_slice %arg12[%dma_start3A_28, %dma_start3A_29] : memref<128x128xf32, #tpu.memory_space<vmem>> -> memref<64x128xf32, #tpu.memory_space<vmem>>
      %dma_start3A_31 = arith.constant 0 : i32
      %dma_start3A_32 = tpu.memref_slice %arg9[%dma_start3A_27, %dma_start3A_31] : memref<40x128xi32, #tpu.memory_space<vmem>> -> memref<1x64xi32, #tpu.memory_space<vmem>>
      %dma_start3A_33 = tpu.memref_squeeze %dma_start3A_32 : memref<1x64xi32, #tpu.memory_space<vmem>> -> memref<64xi32, #tpu.memory_space<vmem>>
      %dma_start3A_34 = arith.constant 0 : i32
      %dma_start3A_35 = arith.constant 0 : i32
      %dma_start3A_36 = tpu.memref_slice %arg2[%dma_start3A_34, %dma_start3A_35] : memref<10000x128xf32, #tpu.memory_space<hbm>> -> memref<10000x128xf32, #tpu.memory_space<hbm>>
      tpu.enqueue_indirect_dma source(%dma_start3A_36 : memref<10000x128xf32, #tpu.memory_space<hbm>>) target(%dma_start3A_30 : memref<64x128xf32, #tpu.memory_space<vmem>>) offsets(%dma_start3A_33 : memref<64xi32, #tpu.memory_space<vmem>>) semaphore(%arg16 : memref<!tpu.dma_semaphore, #tpu.memory_space<semaphore_mem>>)
      %dma_start3A_37 = arith.constant 1 : i32
      %dma_start3A_38 = arith.constant 64 : i32
      %dma_start3A_39 = arith.constant 0 : i32
      %dma_start3A_40 = tpu.memref_slice %arg12[%dma_start3A_38, %dma_start3A_39] : memref<128x128xf32, #tpu.memory_space<vmem>> -> memref<64x128xf32, #tpu.memory_space<vmem>>
      %dma_start3A_41 = arith.constant 64 : i32
      %dma_start3A_42 = tpu.memref_slice %arg9[%dma_start3A_37, %dma_start3A_41] : memref<40x128xi32, #tpu.memory_space<vmem>> -> memref<1x64xi32, #tpu.memory_space<vmem>>
      %dma_start3A_43 = tpu.memref_squeeze %dma_start3A_42 : memref<1x64xi32, #tpu.memory_space<vmem>> -> memref<64xi32, #tpu.memory_space<vmem>>
      %dma_start3A_44 = arith.constant 0 : i32
      %dma_start3A_45 = arith.constant 0 : i32
      %dma_start3A_46 = tpu.memref_slice %arg2[%dma_start3A_44, %dma_start3A_45] : memref<10000x128xf32, #tpu.memory_space<hbm>> -> memref<10000x128xf32, #tpu.memory_space<hbm>>
      tpu.enqueue_indirect_dma source(%dma_start3A_46 : memref<10000x128xf32, #tpu.memory_space<hbm>>) target(%dma_start3A_40 : memref<64x128xf32, #tpu.memory_space<vmem>>) offsets(%dma_start3A_43 : memref<64xi32, #tpu.memory_space<vmem>>) semaphore(%arg17 : memref<!tpu.dma_semaphore, #tpu.memory_space<semaphore_mem>>)
      %scan3A = arith.constant 0 : i32
      %scan3A_47 = arith.constant 0 : i32
      %scan3A_48 = arith.constant 20 : i32
      %scan3A_49 = arith.addi %scan3A_47, %scan3A_48 : i32
      %scan3A_50 = arith.constant 1 : i32
      scf.for %scan3A_103 = %scan3A_47 to %scan3A_49 step %scan3A_50  : i32 {
        %mul3A_104 = arith.constant 2 : i32
        %mul3A_105 = arith.muli %scan3A_103, %mul3A_104 : i32
        %add3A = arith.constant 0 : i32
        %add3A_106 = arith.addi %mul3A_105, %add3A : i32
        %dma_wait3A = arith.constant 0 : i32
        %dma_wait3A_107 = arith.constant 0 : i32
        %dma_wait3A_108 = tpu.memref_slice %arg11[%dma_wait3A, %dma_wait3A_107] : memref<128x128xf32, #tpu.memory_space<vmem>> -> memref<64x128xf32, #tpu.memory_space<vmem>>
        %dma_wait3A_109 = arith.constant 0 : i32
        %dma_wait3A_110 = tpu.memref_slice %arg9[%add3A_106, %dma_wait3A_109] : memref<40x128xi32, #tpu.memory_space<vmem>> -> memref<1x64xi32, #tpu.memory_space<vmem>>
        %dma_wait3A_111 = tpu.memref_squeeze %dma_wait3A_110 : memref<1x64xi32, #tpu.memory_space<vmem>> -> memref<64xi32, #tpu.memory_space<vmem>>
        %dma_wait3A_112 = arith.constant 0 : i32
        %dma_wait3A_113 = arith.constant 0 : i32
        %dma_wait3A_114 = tpu.memref_slice %arg2[%dma_wait3A_112, %dma_wait3A_113] : memref<10000x128xf32, #tpu.memory_space<hbm>> -> memref<10000x128xf32, #tpu.memory_space<hbm>>
        tpu.wait_indirect_dma semaphore(%arg14 : memref<!tpu.dma_semaphore, #tpu.memory_space<semaphore_mem>>) src(%dma_wait3A_114 : memref<10000x128xf32, #tpu.memory_space<hbm>>) dst(%dma_wait3A_108 : memref<64x128xf32, #tpu.memory_space<vmem>>)
        %dma_wait3A_115 = arith.constant 64 : i32
        %dma_wait3A_116 = arith.constant 0 : i32
        %dma_wait3A_117 = tpu.memref_slice %arg11[%dma_wait3A_115, %dma_wait3A_116] : memref<128x128xf32, #tpu.memory_space<vmem>> -> memref<64x128xf32, #tpu.memory_space<vmem>>
        %dma_wait3A_118 = arith.constant 64 : i32
        %dma_wait3A_119 = tpu.memref_slice %arg9[%add3A_106, %dma_wait3A_118] : memref<40x128xi32, #tpu.memory_space<vmem>> -> memref<1x64xi32, #tpu.memory_space<vmem>>
        %dma_wait3A_120 = tpu.memref_squeeze %dma_wait3A_119 : memref<1x64xi32, #tpu.memory_space<vmem>> -> memref<64xi32, #tpu.memory_space<vmem>>
        %dma_wait3A_121 = arith.constant 0 : i32
        %dma_wait3A_122 = arith.constant 0 : i32
        %dma_wait3A_123 = tpu.memref_slice %arg2[%dma_wait3A_121, %dma_wait3A_122] : memref<10000x128xf32, #tpu.memory_space<hbm>> -> memref<10000x128xf32, #tpu.memory_space<hbm>>
        tpu.wait_indirect_dma semaphore(%arg15 : memref<!tpu.dma_semaphore, #tpu.memory_space<semaphore_mem>>) src(%dma_wait3A_123 : memref<10000x128xf32, #tpu.memory_space<hbm>>) dst(%dma_wait3A_117 : memref<64x128xf32, #tpu.memory_space<vmem>>)
        "tpu.region"() ({
          %run_scoped3A = tpu.sem_alloc : memref<!tpu.dma_semaphore, #tpu.memory_space<semaphore_mem>>
          %dma_start3A_157 = arith.constant 0 : i32
          %dma_start3A_158 = tpu.memref_slice %arg10[%add3A_106, %dma_start3A_157] : memref<40x128xi32, #tpu.memory_space<vmem>> -> memref<1x128xi32, #tpu.memory_space<vmem>>
          %dma_start3A_159 = tpu.memref_squeeze %dma_start3A_158 : memref<1x128xi32, #tpu.memory_space<vmem>> -> memref<128xi32, #tpu.memory_space<vmem>>
          %dma_start3A_160 = arith.constant 0 : i32
          %dma_start3A_161 = arith.constant 0 : i32
          %dma_start3A_162 = tpu.memref_slice %arg13[%dma_start3A_160, %dma_start3A_161] : memref<10240x128xf32, #tpu.memory_space<vmem_shared>> -> memref<10240x128xf32, #tpu.memory_space<vmem_shared>>
          tpu.enqueue_indirect_dma source(%arg11 : memref<128x128xf32, #tpu.memory_space<vmem>>) target(%dma_start3A_162 : memref<10240x128xf32, #tpu.memory_space<vmem_shared>>) offsets(%dma_start3A_159 : memref<128xi32, #tpu.memory_space<vmem>>) semaphore(%run_scoped3A : memref<!tpu.dma_semaphore, #tpu.memory_space<semaphore_mem>>) {add = true}
          %dma_wait3A_163 = arith.constant 0 : i32
          %dma_wait3A_164 = tpu.memref_slice %arg10[%add3A_106, %dma_wait3A_163] : memref<40x128xi32, #tpu.memory_space<vmem>> -> memref<1x128xi32, #tpu.memory_space<vmem>>
          %dma_wait3A_165 = tpu.memref_squeeze %dma_wait3A_164 : memref<1x128xi32, #tpu.memory_space<vmem>> -> memref<128xi32, #tpu.memory_space<vmem>>
          %dma_wait3A_166 = arith.constant 0 : i32
          %dma_wait3A_167 = arith.constant 0 : i32
          %dma_wait3A_168 = tpu.memref_slice %arg13[%dma_wait3A_166, %dma_wait3A_167] : memref<10240x128xf32, #tpu.memory_space<vmem_shared>> -> memref<10240x128xf32, #tpu.memory_space<vmem_shared>>
          tpu.wait_indirect_dma semaphore(%run_scoped3A : memref<!tpu.dma_semaphore, #tpu.memory_space<semaphore_mem>>) src(%arg11 : memref<128x128xf32, #tpu.memory_space<vmem>>) dst(%dma_wait3A_168 : memref<10240x128xf32, #tpu.memory_space<vmem_shared>>)
          tpu.yield
        }) : () -> ()
        %add3A_124 = arith.constant 2 : i32
        %add3A_125 = arith.addi %add3A_106, %add3A_124 : i32
        %lt3A = arith.constant 40 : i32
        %lt3A_126 = arith.cmpi slt, %add3A_125, %lt3A : i32
        %convert_element_type3A_127 = arith.extui %lt3A_126 : i1 to i32
        %cond3A_128 = arith.constant 0 : i32
        %cond3A_129 = arith.cmpi ne, %convert_element_type3A_127, %cond3A_128 : i32
        scf.if %cond3A_129 {
          %add3A_157 = arith.constant 2 : i32
          %add3A_158 = arith.addi %add3A_106, %add3A_157 : i32
          %dma_start3A_159 = arith.constant 0 : i32
          %dma_start3A_160 = arith.constant 0 : i32
          %dma_start3A_161 = tpu.memref_slice %arg11[%dma_start3A_159, %dma_start3A_160] : memref<128x128xf32, #tpu.memory_space<vmem>> -> memref<64x128xf32, #tpu.memory_space<vmem>>
          %dma_start3A_162 = arith.constant 0 : i32
          %dma_start3A_163 = tpu.memref_slice %arg9[%add3A_158, %dma_start3A_162] : memref<40x128xi32, #tpu.memory_space<vmem>> -> memref<1x64xi32, #tpu.memory_space<vmem>>
          %dma_start3A_164 = tpu.memref_squeeze %dma_start3A_163 : memref<1x64xi32, #tpu.memory_space<vmem>> -> memref<64xi32, #tpu.memory_space<vmem>>
          %dma_start3A_165 = arith.constant 0 : i32
          %dma_start3A_166 = arith.constant 0 : i32
          %dma_start3A_167 = tpu.memref_slice %arg2[%dma_start3A_165, %dma_start3A_166] : memref<10000x128xf32, #tpu.memory_space<hbm>> -> memref<10000x128xf32, #tpu.memory_space<hbm>>
          tpu.enqueue_indirect_dma source(%dma_start3A_167 : memref<10000x128xf32, #tpu.memory_space<hbm>>) target(%dma_start3A_161 : memref<64x128xf32, #tpu.memory_space<vmem>>) offsets(%dma_start3A_164 : memref<64xi32, #tpu.memory_space<vmem>>) semaphore(%arg14 : memref<!tpu.dma_semaphore, #tpu.memory_space<semaphore_mem>>)
          %dma_start3A_168 = arith.constant 64 : i32
          %dma_start3A_169 = arith.constant 0 : i32
          %dma_start3A_170 = tpu.memref_slice %arg11[%dma_start3A_168, %dma_start3A_169] : memref<128x128xf32, #tpu.memory_space<vmem>> -> memref<64x128xf32, #tpu.memory_space<vmem>>
          %dma_start3A_171 = arith.constant 64 : i32
          %dma_start3A_172 = tpu.memref_slice %arg9[%add3A_158, %dma_start3A_171] : memref<40x128xi32, #tpu.memory_space<vmem>> -> memref<1x64xi32, #tpu.memory_space<vmem>>
          %dma_start3A_173 = tpu.memref_squeeze %dma_start3A_172 : memref<1x64xi32, #tpu.memory_space<vmem>> -> memref<64xi32, #tpu.memory_space<vmem>>
          %dma_start3A_174 = arith.constant 0 : i32
          %dma_start3A_175 = arith.constant 0 : i32
          %dma_start3A_176 = tpu.memref_slice %arg2[%dma_start3A_174, %dma_start3A_175] : memref<10000x128xf32, #tpu.memory_space<hbm>> -> memref<10000x128xf32, #tpu.memory_space<hbm>>
          tpu.enqueue_indirect_dma source(%dma_start3A_176 : memref<10000x128xf32, #tpu.memory_space<hbm>>) target(%dma_start3A_170 : memref<64x128xf32, #tpu.memory_space<vmem>>) offsets(%dma_start3A_173 : memref<64xi32, #tpu.memory_space<vmem>>) semaphore(%arg15 : memref<!tpu.dma_semaphore, #tpu.memory_space<semaphore_mem>>)
        } else {
        }
        %add3A_130 = arith.constant 1 : i32
        %add3A_131 = arith.addi %mul3A_105, %add3A_130 : i32
        %dma_wait3A_132 = arith.constant 0 : i32
        %dma_wait3A_133 = arith.constant 0 : i32
        %dma_wait3A_134 = tpu.memref_slice %arg12[%dma_wait3A_132, %dma_wait3A_133] : memref<128x128xf32, #tpu.memory_space<vmem>> -> memref<64x128xf32, #tpu.memory_space<vmem>>
        %dma_wait3A_135 = arith.constant 0 : i32
        %dma_wait3A_136 = tpu.memref_slice %arg9[%add3A_131, %dma_wait3A_135] : memref<40x128xi32, #tpu.memory_space<vmem>> -> memref<1x64xi32, #tpu.memory_space<vmem>>
        %dma_wait3A_137 = tpu.memref_squeeze %dma_wait3A_136 : memref<1x64xi32, #tpu.memory_space<vmem>> -> memref<64xi32, #tpu.memory_space<vmem>>
        %dma_wait3A_138 = arith.constant 0 : i32
        %dma_wait3A_139 = arith.constant 0 : i32
        %dma_wait3A_140 = tpu.memref_slice %arg2[%dma_wait3A_138, %dma_wait3A_139] : memref<10000x128xf32, #tpu.memory_space<hbm>> -> memref<10000x128xf32, #tpu.memory_space<hbm>>
        tpu.wait_indirect_dma semaphore(%arg16 : memref<!tpu.dma_semaphore, #tpu.memory_space<semaphore_mem>>) src(%dma_wait3A_140 : memref<10000x128xf32, #tpu.memory_space<hbm>>) dst(%dma_wait3A_134 : memref<64x128xf32, #tpu.memory_space<vmem>>)
        %dma_wait3A_141 = arith.constant 64 : i32
        %dma_wait3A_142 = arith.constant 0 : i32
        %dma_wait3A_143 = tpu.memref_slice %arg12[%dma_wait3A_141, %dma_wait3A_142] : memref<128x128xf32, #tpu.memory_space<vmem>> -> memref<64x128xf32, #tpu.memory_space<vmem>>
        %dma_wait3A_144 = arith.constant 64 : i32
        %dma_wait3A_145 = tpu.memref_slice %arg9[%add3A_131, %dma_wait3A_144] : memref<40x128xi32, #tpu.memory_space<vmem>> -> memref<1x64xi32, #tpu.memory_space<vmem>>
        %dma_wait3A_146 = tpu.memref_squeeze %dma_wait3A_145 : memref<1x64xi32, #tpu.memory_space<vmem>> -> memref<64xi32, #tpu.memory_space<vmem>>
        %dma_wait3A_147 = arith.constant 0 : i32
        %dma_wait3A_148 = arith.constant 0 : i32
        %dma_wait3A_149 = tpu.memref_slice %arg2[%dma_wait3A_147, %dma_wait3A_148] : memref<10000x128xf32, #tpu.memory_space<hbm>> -> memref<10000x128xf32, #tpu.memory_space<hbm>>
        tpu.wait_indirect_dma semaphore(%arg17 : memref<!tpu.dma_semaphore, #tpu.memory_space<semaphore_mem>>) src(%dma_wait3A_149 : memref<10000x128xf32, #tpu.memory_space<hbm>>) dst(%dma_wait3A_143 : memref<64x128xf32, #tpu.memory_space<vmem>>)
        "tpu.region"() ({
          %run_scoped3A = tpu.sem_alloc : memref<!tpu.dma_semaphore, #tpu.memory_space<semaphore_mem>>
          %dma_start3A_157 = arith.constant 0 : i32
          %dma_start3A_158 = tpu.memref_slice %arg10[%add3A_131, %dma_start3A_157] : memref<40x128xi32, #tpu.memory_space<vmem>> -> memref<1x128xi32, #tpu.memory_space<vmem>>
          %dma_start3A_159 = tpu.memref_squeeze %dma_start3A_158 : memref<1x128xi32, #tpu.memory_space<vmem>> -> memref<128xi32, #tpu.memory_space<vmem>>
          %dma_start3A_160 = arith.constant 0 : i32
          %dma_start3A_161 = arith.constant 0 : i32
          %dma_start3A_162 = tpu.memref_slice %arg13[%dma_start3A_160, %dma_start3A_161] : memref<10240x128xf32, #tpu.memory_space<vmem_shared>> -> memref<10240x128xf32, #tpu.memory_space<vmem_shared>>
          tpu.enqueue_indirect_dma source(%arg12 : memref<128x128xf32, #tpu.memory_space<vmem>>) target(%dma_start3A_162 : memref<10240x128xf32, #tpu.memory_space<vmem_shared>>) offsets(%dma_start3A_159 : memref<128xi32, #tpu.memory_space<vmem>>) semaphore(%run_scoped3A : memref<!tpu.dma_semaphore, #tpu.memory_space<semaphore_mem>>) {add = true}
          %dma_wait3A_163 = arith.constant 0 : i32
          %dma_wait3A_164 = tpu.memref_slice %arg10[%add3A_131, %dma_wait3A_163] : memref<40x128xi32, #tpu.memory_space<vmem>> -> memref<1x128xi32, #tpu.memory_space<vmem>>
          %dma_wait3A_165 = tpu.memref_squeeze %dma_wait3A_164 : memref<1x128xi32, #tpu.memory_space<vmem>> -> memref<128xi32, #tpu.memory_space<vmem>>
          %dma_wait3A_166 = arith.constant 0 : i32
          %dma_wait3A_167 = arith.constant 0 : i32
          %dma_wait3A_168 = tpu.memref_slice %arg13[%dma_wait3A_166, %dma_wait3A_167] : memref<10240x128xf32, #tpu.memory_space<vmem_shared>> -> memref<10240x128xf32, #tpu.memory_space<vmem_shared>>
          tpu.wait_indirect_dma semaphore(%run_scoped3A : memref<!tpu.dma_semaphore, #tpu.memory_space<semaphore_mem>>) src(%arg12 : memref<128x128xf32, #tpu.memory_space<vmem>>) dst(%dma_wait3A_168 : memref<10240x128xf32, #tpu.memory_space<vmem_shared>>)
          tpu.yield
        }) : () -> ()
        %add3A_150 = arith.constant 2 : i32
        %add3A_151 = arith.addi %add3A_131, %add3A_150 : i32
        %lt3A_152 = arith.constant 40 : i32
        %lt3A_153 = arith.cmpi slt, %add3A_151, %lt3A_152 : i32
        %convert_element_type3A_154 = arith.extui %lt3A_153 : i1 to i32
        %cond3A_155 = arith.constant 0 : i32
        %cond3A_156 = arith.cmpi ne, %convert_element_type3A_154, %cond3A_155 : i32
        scf.if %cond3A_156 {
          %add3A_157 = arith.constant 2 : i32
          %add3A_158 = arith.addi %add3A_131, %add3A_157 : i32
          %dma_start3A_159 = arith.constant 0 : i32
          %dma_start3A_160 = arith.constant 0 : i32
          %dma_start3A_161 = tpu.memref_slice %arg12[%dma_start3A_159, %dma_start3A_160] : memref<128x128xf32, #tpu.memory_space<vmem>> -> memref<64x128xf32, #tpu.memory_space<vmem>>
          %dma_start3A_162 = arith.constant 0 : i32
          %dma_start3A_163 = tpu.memref_slice %arg9[%add3A_158, %dma_start3A_162] : memref<40x128xi32, #tpu.memory_space<vmem>> -> memref<1x64xi32, #tpu.memory_space<vmem>>
          %dma_start3A_164 = tpu.memref_squeeze %dma_start3A_163 : memref<1x64xi32, #tpu.memory_space<vmem>> -> memref<64xi32, #tpu.memory_space<vmem>>
          %dma_start3A_165 = arith.constant 0 : i32
          %dma_start3A_166 = arith.constant 0 : i32
          %dma_start3A_167 = tpu.memref_slice %arg2[%dma_start3A_165, %dma_start3A_166] : memref<10000x128xf32, #tpu.memory_space<hbm>> -> memref<10000x128xf32, #tpu.memory_space<hbm>>
          tpu.enqueue_indirect_dma source(%dma_start3A_167 : memref<10000x128xf32, #tpu.memory_space<hbm>>) target(%dma_start3A_161 : memref<64x128xf32, #tpu.memory_space<vmem>>) offsets(%dma_start3A_164 : memref<64xi32, #tpu.memory_space<vmem>>) semaphore(%arg16 : memref<!tpu.dma_semaphore, #tpu.memory_space<semaphore_mem>>)
          %dma_start3A_168 = arith.constant 64 : i32
          %dma_start3A_169 = arith.constant 0 : i32
          %dma_start3A_170 = tpu.memref_slice %arg12[%dma_start3A_168, %dma_start3A_169] : memref<128x128xf32, #tpu.memory_space<vmem>> -> memref<64x128xf32, #tpu.memory_space<vmem>>
          %dma_start3A_171 = arith.constant 64 : i32
          %dma_start3A_172 = tpu.memref_slice %arg9[%add3A_158, %dma_start3A_171] : memref<40x128xi32, #tpu.memory_space<vmem>> -> memref<1x64xi32, #tpu.memory_space<vmem>>
          %dma_start3A_173 = tpu.memref_squeeze %dma_start3A_172 : memref<1x64xi32, #tpu.memory_space<vmem>> -> memref<64xi32, #tpu.memory_space<vmem>>
          %dma_start3A_174 = arith.constant 0 : i32
          %dma_start3A_175 = arith.constant 0 : i32
          %dma_start3A_176 = tpu.memref_slice %arg2[%dma_start3A_174, %dma_start3A_175] : memref<10000x128xf32, #tpu.memory_space<hbm>> -> memref<10000x128xf32, #tpu.memory_space<hbm>>
          tpu.enqueue_indirect_dma source(%dma_start3A_176 : memref<10000x128xf32, #tpu.memory_space<hbm>>) target(%dma_start3A_170 : memref<64x128xf32, #tpu.memory_space<vmem>>) offsets(%dma_start3A_173 : memref<64xi32, #tpu.memory_space<vmem>>) semaphore(%arg17 : memref<!tpu.dma_semaphore, #tpu.memory_space<semaphore_mem>>)
        } else {
        }
      }
      %scan3A_51 = arith.constant 20 : i32
      "tpu.region"() ({
        %run_scoped3A = tpu.sem_alloc : memref<!tpu.dma_semaphore, #tpu.memory_space<semaphore_mem>>
        %dma_start3A_103 = arith.constant 40 : i32
        %dma_start3A_104 = arith.constant 0 : i32
        %dma_start3A_105 = tpu.memref_slice %arg4[%arg1, %dma_start3A_103, %dma_start3A_104] : memref<16x80x128xi32, #tpu.memory_space<hbm>> -> memref<1x40x128xi32, #tpu.memory_space<hbm>>
        %dma_start3A_106 = tpu.memref_squeeze %dma_start3A_105 : memref<1x40x128xi32, #tpu.memory_space<hbm>> -> memref<40x128xi32, #tpu.memory_space<hbm>>
        %dma_start3A_107 = arith.constant 40 : i32
        %dma_start3A_108 = arith.constant 0 : i32
        %dma_start3A_109 = tpu.memref_slice %arg4[%arg1, %dma_start3A_107, %dma_start3A_108] : memref<16x80x128xi32, #tpu.memory_space<hbm>> -> memref<1x40x128xi32, #tpu.memory_space<hbm>>
        %dma_start3A_110 = tpu.memref_squeeze %dma_start3A_109 : memref<1x40x128xi32, #tpu.memory_space<hbm>> -> memref<40x128xi32, #tpu.memory_space<hbm>>
        tpu.enqueue_dma source(%dma_start3A_110 : memref<40x128xi32, #tpu.memory_space<hbm>>) target(%arg9 : memref<40x128xi32, #tpu.memory_space<vmem>>) target_semaphore(%run_scoped3A : memref<!tpu.dma_semaphore, #tpu.memory_space<semaphore_mem>>)
        %dma_wait3A = arith.constant 40 : i32
        %dma_wait3A_111 = arith.constant 0 : i32
        %dma_wait3A_112 = tpu.memref_slice %arg4[%arg1, %dma_wait3A, %dma_wait3A_111] : memref<16x80x128xi32, #tpu.memory_space<hbm>> -> memref<1x40x128xi32, #tpu.memory_space<hbm>>
        %dma_wait3A_113 = tpu.memref_squeeze %dma_wait3A_112 : memref<1x40x128xi32, #tpu.memory_space<hbm>> -> memref<40x128xi32, #tpu.memory_space<hbm>>
        %dma_wait3A_114 = arith.constant 40 : i32
        %dma_wait3A_115 = arith.constant 0 : i32
        %dma_wait3A_116 = tpu.memref_slice %arg4[%arg1, %dma_wait3A_114, %dma_wait3A_115] : memref<16x80x128xi32, #tpu.memory_space<hbm>> -> memref<1x40x128xi32, #tpu.memory_space<hbm>>
        %dma_wait3A_117 = tpu.memref_squeeze %dma_wait3A_116 : memref<1x40x128xi32, #tpu.memory_space<hbm>> -> memref<40x128xi32, #tpu.memory_space<hbm>>
        tpu.wait_dma2 semaphore(%run_scoped3A : memref<!tpu.dma_semaphore, #tpu.memory_space<semaphore_mem>>) src(%dma_wait3A_117 : memref<40x128xi32, #tpu.memory_space<hbm>>) dst(%arg9 : memref<40x128xi32, #tpu.memory_space<vmem>>)
        tpu.yield
      }) : () -> ()
      "tpu.region"() ({
        %run_scoped3A = tpu.sem_alloc : memref<!tpu.dma_semaphore, #tpu.memory_space<semaphore_mem>>
        %dma_start3A_103 = arith.constant 40 : i32
        %dma_start3A_104 = arith.constant 0 : i32
        %dma_start3A_105 = tpu.memref_slice %arg5[%arg1, %dma_start3A_103, %dma_start3A_104] : memref<16x80x128xi32, #tpu.memory_space<hbm>> -> memref<1x40x128xi32, #tpu.memory_space<hbm>>
        %dma_start3A_106 = tpu.memref_squeeze %dma_start3A_105 : memref<1x40x128xi32, #tpu.memory_space<hbm>> -> memref<40x128xi32, #tpu.memory_space<hbm>>
        %dma_start3A_107 = arith.constant 40 : i32
        %dma_start3A_108 = arith.constant 0 : i32
        %dma_start3A_109 = tpu.memref_slice %arg5[%arg1, %dma_start3A_107, %dma_start3A_108] : memref<16x80x128xi32, #tpu.memory_space<hbm>> -> memref<1x40x128xi32, #tpu.memory_space<hbm>>
        %dma_start3A_110 = tpu.memref_squeeze %dma_start3A_109 : memref<1x40x128xi32, #tpu.memory_space<hbm>> -> memref<40x128xi32, #tpu.memory_space<hbm>>
        tpu.enqueue_dma source(%dma_start3A_110 : memref<40x128xi32, #tpu.memory_space<hbm>>) target(%arg10 : memref<40x128xi32, #tpu.memory_space<vmem>>) target_semaphore(%run_scoped3A : memref<!tpu.dma_semaphore, #tpu.memory_space<semaphore_mem>>)
        %dma_wait3A = arith.constant 40 : i32
        %dma_wait3A_111 = arith.constant 0 : i32
        %dma_wait3A_112 = tpu.memref_slice %arg5[%arg1, %dma_wait3A, %dma_wait3A_111] : memref<16x80x128xi32, #tpu.memory_space<hbm>> -> memref<1x40x128xi32, #tpu.memory_space<hbm>>
        %dma_wait3A_113 = tpu.memref_squeeze %dma_wait3A_112 : memref<1x40x128xi32, #tpu.memory_space<hbm>> -> memref<40x128xi32, #tpu.memory_space<hbm>>
        %dma_wait3A_114 = arith.constant 40 : i32
        %dma_wait3A_115 = arith.constant 0 : i32
        %dma_wait3A_116 = tpu.memref_slice %arg5[%arg1, %dma_wait3A_114, %dma_wait3A_115] : memref<16x80x128xi32, #tpu.memory_space<hbm>> -> memref<1x40x128xi32, #tpu.memory_space<hbm>>
        %dma_wait3A_117 = tpu.memref_squeeze %dma_wait3A_116 : memref<1x40x128xi32, #tpu.memory_space<hbm>> -> memref<40x128xi32, #tpu.memory_space<hbm>>
        tpu.wait_dma2 semaphore(%run_scoped3A : memref<!tpu.dma_semaphore, #tpu.memory_space<semaphore_mem>>) src(%dma_wait3A_117 : memref<40x128xi32, #tpu.memory_space<hbm>>) dst(%arg10 : memref<40x128xi32, #tpu.memory_space<vmem>>)
        tpu.yield
      }) : () -> ()
      %dma_start3A_52 = arith.constant 0 : i32
      %dma_start3A_53 = arith.constant 0 : i32
      %dma_start3A_54 = arith.constant 0 : i32
      %dma_start3A_55 = tpu.memref_slice %arg11[%dma_start3A_53, %dma_start3A_54] : memref<128x128xf32, #tpu.memory_space<vmem>> -> memref<64x128xf32, #tpu.memory_space<vmem>>
      %dma_start3A_56 = arith.constant 0 : i32
      %dma_start3A_57 = tpu.memref_slice %arg9[%dma_start3A_52, %dma_start3A_56] : memref<40x128xi32, #tpu.memory_space<vmem>> -> memref<1x64xi32, #tpu.memory_space<vmem>>
      %dma_start3A_58 = tpu.memref_squeeze %dma_start3A_57 : memref<1x64xi32, #tpu.memory_space<vmem>> -> memref<64xi32, #tpu.memory_space<vmem>>
      %dma_start3A_59 = arith.constant 0 : i32
      %dma_start3A_60 = arith.constant 0 : i32
      %dma_start3A_61 = tpu.memref_slice %arg2[%dma_start3A_59, %dma_start3A_60] : memref<10000x128xf32, #tpu.memory_space<hbm>> -> memref<10000x128xf32, #tpu.memory_space<hbm>>
      tpu.enqueue_indirect_dma source(%dma_start3A_61 : memref<10000x128xf32, #tpu.memory_space<hbm>>) target(%dma_start3A_55 : memref<64x128xf32, #tpu.memory_space<vmem>>) offsets(%dma_start3A_58 : memref<64xi32, #tpu.memory_space<vmem>>) semaphore(%arg14 : memref<!tpu.dma_semaphore, #tpu.memory_space<semaphore_mem>>)
      %dma_start3A_62 = arith.constant 0 : i32
      %dma_start3A_63 = arith.constant 64 : i32
      %dma_start3A_64 = arith.constant 0 : i32
      %dma_start3A_65 = tpu.memref_slice %arg11[%dma_start3A_63, %dma_start3A_64] : memref<128x128xf32, #tpu.memory_space<vmem>> -> memref<64x128xf32, #tpu.memory_space<vmem>>
      %dma_start3A_66 = arith.constant 64 : i32
      %dma_start3A_67 = tpu.memref_slice %arg9[%dma_start3A_62, %dma_start3A_66] : memref<40x128xi32, #tpu.memory_space<vmem>> -> memref<1x64xi32, #tpu.memory_space<vmem>>
      %dma_start3A_68 = tpu.memref_squeeze %dma_start3A_67 : memref<1x64xi32, #tpu.memory_space<vmem>> -> memref<64xi32, #tpu.memory_space<vmem>>
      %dma_start3A_69 = arith.constant 0 : i32
      %dma_start3A_70 = arith.constant 0 : i32
      %dma_start3A_71 = tpu.memref_slice %arg2[%dma_start3A_69, %dma_start3A_70] : memref<10000x128xf32, #tpu.memory_space<hbm>> -> memref<10000x128xf32, #tpu.memory_space<hbm>>
      tpu.enqueue_indirect_dma source(%dma_start3A_71 : memref<10000x128xf32, #tpu.memory_space<hbm>>) target(%dma_start3A_65 : memref<64x128xf32, #tpu.memory_space<vmem>>) offsets(%dma_start3A_68 : memref<64xi32, #tpu.memory_space<vmem>>) semaphore(%arg15 : memref<!tpu.dma_semaphore, #tpu.memory_space<semaphore_mem>>)
      %dma_start3A_72 = arith.constant 1 : i32
      %dma_start3A_73 = arith.constant 0 : i32
      %dma_start3A_74 = arith.constant 0 : i32
      %dma_start3A_75 = tpu.memref_slice %arg12[%dma_start3A_73, %dma_start3A_74] : memref<128x128xf32, #tpu.memory_space<vmem>> -> memref<64x128xf32, #tpu.memory_space<vmem>>
      %dma_start3A_76 = arith.constant 0 : i32
      %dma_start3A_77 = tpu.memref_slice %arg9[%dma_start3A_72, %dma_start3A_76] : memref<40x128xi32, #tpu.memory_space<vmem>> -> memref<1x64xi32, #tpu.memory_space<vmem>>
      %dma_start3A_78 = tpu.memref_squeeze %dma_start3A_77 : memref<1x64xi32, #tpu.memory_space<vmem>> -> memref<64xi32, #tpu.memory_space<vmem>>
      %dma_start3A_79 = arith.constant 0 : i32
      %dma_start3A_80 = arith.constant 0 : i32
      %dma_start3A_81 = tpu.memref_slice %arg2[%dma_start3A_79, %dma_start3A_80] : memref<10000x128xf32, #tpu.memory_space<hbm>> -> memref<10000x128xf32, #tpu.memory_space<hbm>>
      tpu.enqueue_indirect_dma source(%dma_start3A_81 : memref<10000x128xf32, #tpu.memory_space<hbm>>) target(%dma_start3A_75 : memref<64x128xf32, #tpu.memory_space<vmem>>) offsets(%dma_start3A_78 : memref<64xi32, #tpu.memory_space<vmem>>) semaphore(%arg16 : memref<!tpu.dma_semaphore, #tpu.memory_space<semaphore_mem>>)
      %dma_start3A_82 = arith.constant 1 : i32
      %dma_start3A_83 = arith.constant 64 : i32
      %dma_start3A_84 = arith.constant 0 : i32
      %dma_start3A_85 = tpu.memref_slice %arg12[%dma_start3A_83, %dma_start3A_84] : memref<128x128xf32, #tpu.memory_space<vmem>> -> memref<64x128xf32, #tpu.memory_space<vmem>>
      %dma_start3A_86 = arith.constant 64 : i32
      %dma_start3A_87 = tpu.memref_slice %arg9[%dma_start3A_82, %dma_start3A_86] : memref<40x128xi32, #tpu.memory_space<vmem>> -> memref<1x64xi32, #tpu.memory_space<vmem>>
      %dma_start3A_88 = tpu.memref_squeeze %dma_start3A_87 : memref<1x64xi32, #tpu.memory_space<vmem>> -> memref<64xi32, #tpu.memory_space<vmem>>
      %dma_start3A_89 = arith.constant 0 : i32
      %dma_start3A_90 = arith.constant 0 : i32
      %dma_start3A_91 = tpu.memref_slice %arg2[%dma_start3A_89, %dma_start3A_90] : memref<10000x128xf32, #tpu.memory_space<hbm>> -> memref<10000x128xf32, #tpu.memory_space<hbm>>
      tpu.enqueue_indirect_dma source(%dma_start3A_91 : memref<10000x128xf32, #tpu.memory_space<hbm>>) target(%dma_start3A_85 : memref<64x128xf32, #tpu.memory_space<vmem>>) offsets(%dma_start3A_88 : memref<64xi32, #tpu.memory_space<vmem>>) semaphore(%arg17 : memref<!tpu.dma_semaphore, #tpu.memory_space<semaphore_mem>>)
      %scan3A_92 = arith.constant 0 : i32
      %scan3A_93 = arith.constant 0 : i32
      %scan3A_94 = arith.constant 20 : i32
      %scan3A_95 = arith.addi %scan3A_93, %scan3A_94 : i32
      %scan3A_96 = arith.constant 1 : i32
      scf.for %scan3A_103 = %scan3A_93 to %scan3A_95 step %scan3A_96  : i32 {
        %mul3A_104 = arith.constant 2 : i32
        %mul3A_105 = arith.muli %scan3A_103, %mul3A_104 : i32
        %add3A = arith.constant 0 : i32
        %add3A_106 = arith.addi %mul3A_105, %add3A : i32
        %dma_wait3A = arith.constant 0 : i32
        %dma_wait3A_107 = arith.constant 0 : i32
        %dma_wait3A_108 = tpu.memref_slice %arg11[%dma_wait3A, %dma_wait3A_107] : memref<128x128xf32, #tpu.memory_space<vmem>> -> memref<64x128xf32, #tpu.memory_space<vmem>>
        %dma_wait3A_109 = arith.constant 0 : i32
        %dma_wait3A_110 = tpu.memref_slice %arg9[%add3A_106, %dma_wait3A_109] : memref<40x128xi32, #tpu.memory_space<vmem>> -> memref<1x64xi32, #tpu.memory_space<vmem>>
        %dma_wait3A_111 = tpu.memref_squeeze %dma_wait3A_110 : memref<1x64xi32, #tpu.memory_space<vmem>> -> memref<64xi32, #tpu.memory_space<vmem>>
        %dma_wait3A_112 = arith.constant 0 : i32
        %dma_wait3A_113 = arith.constant 0 : i32
        %dma_wait3A_114 = tpu.memref_slice %arg2[%dma_wait3A_112, %dma_wait3A_113] : memref<10000x128xf32, #tpu.memory_space<hbm>> -> memref<10000x128xf32, #tpu.memory_space<hbm>>
        tpu.wait_indirect_dma semaphore(%arg14 : memref<!tpu.dma_semaphore, #tpu.memory_space<semaphore_mem>>) src(%dma_wait3A_114 : memref<10000x128xf32, #tpu.memory_space<hbm>>) dst(%dma_wait3A_108 : memref<64x128xf32, #tpu.memory_space<vmem>>)
        %dma_wait3A_115 = arith.constant 64 : i32
        %dma_wait3A_116 = arith.constant 0 : i32
        %dma_wait3A_117 = tpu.memref_slice %arg11[%dma_wait3A_115, %dma_wait3A_116] : memref<128x128xf32, #tpu.memory_space<vmem>> -> memref<64x128xf32, #tpu.memory_space<vmem>>
        %dma_wait3A_118 = arith.constant 64 : i32
        %dma_wait3A_119 = tpu.memref_slice %arg9[%add3A_106, %dma_wait3A_118] : memref<40x128xi32, #tpu.memory_space<vmem>> -> memref<1x64xi32, #tpu.memory_space<vmem>>
        %dma_wait3A_120 = tpu.memref_squeeze %dma_wait3A_119 : memref<1x64xi32, #tpu.memory_space<vmem>> -> memref<64xi32, #tpu.memory_space<vmem>>
        %dma_wait3A_121 = arith.constant 0 : i32
        %dma_wait3A_122 = arith.constant 0 : i32
        %dma_wait3A_123 = tpu.memref_slice %arg2[%dma_wait3A_121, %dma_wait3A_122] : memref<10000x128xf32, #tpu.memory_space<hbm>> -> memref<10000x128xf32, #tpu.memory_space<hbm>>
        tpu.wait_indirect_dma semaphore(%arg15 : memref<!tpu.dma_semaphore, #tpu.memory_space<semaphore_mem>>) src(%dma_wait3A_123 : memref<10000x128xf32, #tpu.memory_space<hbm>>) dst(%dma_wait3A_117 : memref<64x128xf32, #tpu.memory_space<vmem>>)
        "tpu.region"() ({
          %run_scoped3A = tpu.sem_alloc : memref<!tpu.dma_semaphore, #tpu.memory_space<semaphore_mem>>
          %dma_start3A_157 = arith.constant 0 : i32
          %dma_start3A_158 = tpu.memref_slice %arg10[%add3A_106, %dma_start3A_157] : memref<40x128xi32, #tpu.memory_space<vmem>> -> memref<1x128xi32, #tpu.memory_space<vmem>>
          %dma_start3A_159 = tpu.memref_squeeze %dma_start3A_158 : memref<1x128xi32, #tpu.memory_space<vmem>> -> memref<128xi32, #tpu.memory_space<vmem>>
          %dma_start3A_160 = arith.constant 0 : i32
          %dma_start3A_161 = arith.constant 0 : i32
          %dma_start3A_162 = tpu.memref_slice %arg13[%dma_start3A_160, %dma_start3A_161] : memref<10240x128xf32, #tpu.memory_space<vmem_shared>> -> memref<10240x128xf32, #tpu.memory_space<vmem_shared>>
          tpu.enqueue_indirect_dma source(%arg11 : memref<128x128xf32, #tpu.memory_space<vmem>>) target(%dma_start3A_162 : memref<10240x128xf32, #tpu.memory_space<vmem_shared>>) offsets(%dma_start3A_159 : memref<128xi32, #tpu.memory_space<vmem>>) semaphore(%run_scoped3A : memref<!tpu.dma_semaphore, #tpu.memory_space<semaphore_mem>>) {add = true}
          %dma_wait3A_163 = arith.constant 0 : i32
          %dma_wait3A_164 = tpu.memref_slice %arg10[%add3A_106, %dma_wait3A_163] : memref<40x128xi32, #tpu.memory_space<vmem>> -> memref<1x128xi32, #tpu.memory_space<vmem>>
          %dma_wait3A_165 = tpu.memref_squeeze %dma_wait3A_164 : memref<1x128xi32, #tpu.memory_space<vmem>> -> memref<128xi32, #tpu.memory_space<vmem>>
          %dma_wait3A_166 = arith.constant 0 : i32
          %dma_wait3A_167 = arith.constant 0 : i32
          %dma_wait3A_168 = tpu.memref_slice %arg13[%dma_wait3A_166, %dma_wait3A_167] : memref<10240x128xf32, #tpu.memory_space<vmem_shared>> -> memref<10240x128xf32, #tpu.memory_space<vmem_shared>>
          tpu.wait_indirect_dma semaphore(%run_scoped3A : memref<!tpu.dma_semaphore, #tpu.memory_space<semaphore_mem>>) src(%arg11 : memref<128x128xf32, #tpu.memory_space<vmem>>) dst(%dma_wait3A_168 : memref<10240x128xf32, #tpu.memory_space<vmem_shared>>)
          tpu.yield
        }) : () -> ()
        %add3A_124 = arith.constant 2 : i32
        %add3A_125 = arith.addi %add3A_106, %add3A_124 : i32
        %lt3A = arith.constant 40 : i32
        %lt3A_126 = arith.cmpi slt, %add3A_125, %lt3A : i32
        %convert_element_type3A_127 = arith.extui %lt3A_126 : i1 to i32
        %cond3A_128 = arith.constant 0 : i32
        %cond3A_129 = arith.cmpi ne, %convert_element_type3A_127, %cond3A_128 : i32
        scf.if %cond3A_129 {
          %add3A_157 = arith.constant 2 : i32
          %add3A_158 = arith.addi %add3A_106, %add3A_157 : i32
          %dma_start3A_159 = arith.constant 0 : i32
          %dma_start3A_160 = arith.constant 0 : i32
          %dma_start3A_161 = tpu.memref_slice %arg11[%dma_start3A_159, %dma_start3A_160] : memref<128x128xf32, #tpu.memory_space<vmem>> -> memref<64x128xf32, #tpu.memory_space<vmem>>
          %dma_start3A_162 = arith.constant 0 : i32
          %dma_start3A_163 = tpu.memref_slice %arg9[%add3A_158, %dma_start3A_162] : memref<40x128xi32, #tpu.memory_space<vmem>> -> memref<1x64xi32, #tpu.memory_space<vmem>>
          %dma_start3A_164 = tpu.memref_squeeze %dma_start3A_163 : memref<1x64xi32, #tpu.memory_space<vmem>> -> memref<64xi32, #tpu.memory_space<vmem>>
          %dma_start3A_165 = arith.constant 0 : i32
          %dma_start3A_166 = arith.constant 0 : i32
          %dma_start3A_167 = tpu.memref_slice %arg2[%dma_start3A_165, %dma_start3A_166] : memref<10000x128xf32, #tpu.memory_space<hbm>> -> memref<10000x128xf32, #tpu.memory_space<hbm>>
          tpu.enqueue_indirect_dma source(%dma_start3A_167 : memref<10000x128xf32, #tpu.memory_space<hbm>>) target(%dma_start3A_161 : memref<64x128xf32, #tpu.memory_space<vmem>>) offsets(%dma_start3A_164 : memref<64xi32, #tpu.memory_space<vmem>>) semaphore(%arg14 : memref<!tpu.dma_semaphore, #tpu.memory_space<semaphore_mem>>)
          %dma_start3A_168 = arith.constant 64 : i32
          %dma_start3A_169 = arith.constant 0 : i32
          %dma_start3A_170 = tpu.memref_slice %arg11[%dma_start3A_168, %dma_start3A_169] : memref<128x128xf32, #tpu.memory_space<vmem>> -> memref<64x128xf32, #tpu.memory_space<vmem>>
          %dma_start3A_171 = arith.constant 64 : i32
          %dma_start3A_172 = tpu.memref_slice %arg9[%add3A_158, %dma_start3A_171] : memref<40x128xi32, #tpu.memory_space<vmem>> -> memref<1x64xi32, #tpu.memory_space<vmem>>
          %dma_start3A_173 = tpu.memref_squeeze %dma_start3A_172 : memref<1x64xi32, #tpu.memory_space<vmem>> -> memref<64xi32, #tpu.memory_space<vmem>>
          %dma_start3A_174 = arith.constant 0 : i32
          %dma_start3A_175 = arith.constant 0 : i32
          %dma_start3A_176 = tpu.memref_slice %arg2[%dma_start3A_174, %dma_start3A_175] : memref<10000x128xf32, #tpu.memory_space<hbm>> -> memref<10000x128xf32, #tpu.memory_space<hbm>>
          tpu.enqueue_indirect_dma source(%dma_start3A_176 : memref<10000x128xf32, #tpu.memory_space<hbm>>) target(%dma_start3A_170 : memref<64x128xf32, #tpu.memory_space<vmem>>) offsets(%dma_start3A_173 : memref<64xi32, #tpu.memory_space<vmem>>) semaphore(%arg15 : memref<!tpu.dma_semaphore, #tpu.memory_space<semaphore_mem>>)
        } else {
        }
        %add3A_130 = arith.constant 1 : i32
        %add3A_131 = arith.addi %mul3A_105, %add3A_130 : i32
        %dma_wait3A_132 = arith.constant 0 : i32
        %dma_wait3A_133 = arith.constant 0 : i32
        %dma_wait3A_134 = tpu.memref_slice %arg12[%dma_wait3A_132, %dma_wait3A_133] : memref<128x128xf32, #tpu.memory_space<vmem>> -> memref<64x128xf32, #tpu.memory_space<vmem>>
        %dma_wait3A_135 = arith.constant 0 : i32
        %dma_wait3A_136 = tpu.memref_slice %arg9[%add3A_131, %dma_wait3A_135] : memref<40x128xi32, #tpu.memory_space<vmem>> -> memref<1x64xi32, #tpu.memory_space<vmem>>
        %dma_wait3A_137 = tpu.memref_squeeze %dma_wait3A_136 : memref<1x64xi32, #tpu.memory_space<vmem>> -> memref<64xi32, #tpu.memory_space<vmem>>
        %dma_wait3A_138 = arith.constant 0 : i32
        %dma_wait3A_139 = arith.constant 0 : i32
        %dma_wait3A_140 = tpu.memref_slice %arg2[%dma_wait3A_138, %dma_wait3A_139] : memref<10000x128xf32, #tpu.memory_space<hbm>> -> memref<10000x128xf32, #tpu.memory_space<hbm>>
        tpu.wait_indirect_dma semaphore(%arg16 : memref<!tpu.dma_semaphore, #tpu.memory_space<semaphore_mem>>) src(%dma_wait3A_140 : memref<10000x128xf32, #tpu.memory_space<hbm>>) dst(%dma_wait3A_134 : memref<64x128xf32, #tpu.memory_space<vmem>>)
        %dma_wait3A_141 = arith.constant 64 : i32
        %dma_wait3A_142 = arith.constant 0 : i32
        %dma_wait3A_143 = tpu.memref_slice %arg12[%dma_wait3A_141, %dma_wait3A_142] : memref<128x128xf32, #tpu.memory_space<vmem>> -> memref<64x128xf32, #tpu.memory_space<vmem>>
        %dma_wait3A_144 = arith.constant 64 : i32
        %dma_wait3A_145 = tpu.memref_slice %arg9[%add3A_131, %dma_wait3A_144] : memref<40x128xi32, #tpu.memory_space<vmem>> -> memref<1x64xi32, #tpu.memory_space<vmem>>
        %dma_wait3A_146 = tpu.memref_squeeze %dma_wait3A_145 : memref<1x64xi32, #tpu.memory_space<vmem>> -> memref<64xi32, #tpu.memory_space<vmem>>
        %dma_wait3A_147 = arith.constant 0 : i32
        %dma_wait3A_148 = arith.constant 0 : i32
        %dma_wait3A_149 = tpu.memref_slice %arg2[%dma_wait3A_147, %dma_wait3A_148] : memref<10000x128xf32, #tpu.memory_space<hbm>> -> memref<10000x128xf32, #tpu.memory_space<hbm>>
        tpu.wait_indirect_dma semaphore(%arg17 : memref<!tpu.dma_semaphore, #tpu.memory_space<semaphore_mem>>) src(%dma_wait3A_149 : memref<10000x128xf32, #tpu.memory_space<hbm>>) dst(%dma_wait3A_143 : memref<64x128xf32, #tpu.memory_space<vmem>>)
        "tpu.region"() ({
          %run_scoped3A = tpu.sem_alloc : memref<!tpu.dma_semaphore, #tpu.memory_space<semaphore_mem>>
          %dma_start3A_157 = arith.constant 0 : i32
          %dma_start3A_158 = tpu.memref_slice %arg10[%add3A_131, %dma_start3A_157] : memref<40x128xi32, #tpu.memory_space<vmem>> -> memref<1x128xi32, #tpu.memory_space<vmem>>
          %dma_start3A_159 = tpu.memref_squeeze %dma_start3A_158 : memref<1x128xi32, #tpu.memory_space<vmem>> -> memref<128xi32, #tpu.memory_space<vmem>>
          %dma_start3A_160 = arith.constant 0 : i32
          %dma_start3A_161 = arith.constant 0 : i32
          %dma_start3A_162 = tpu.memref_slice %arg13[%dma_start3A_160, %dma_start3A_161] : memref<10240x128xf32, #tpu.memory_space<vmem_shared>> -> memref<10240x128xf32, #tpu.memory_space<vmem_shared>>
          tpu.enqueue_indirect_dma source(%arg12 : memref<128x128xf32, #tpu.memory_space<vmem>>) target(%dma_start3A_162 : memref<10240x128xf32, #tpu.memory_space<vmem_shared>>) offsets(%dma_start3A_159 : memref<128xi32, #tpu.memory_space<vmem>>) semaphore(%run_scoped3A : memref<!tpu.dma_semaphore, #tpu.memory_space<semaphore_mem>>) {add = true}
          %dma_wait3A_163 = arith.constant 0 : i32
          %dma_wait3A_164 = tpu.memref_slice %arg10[%add3A_131, %dma_wait3A_163] : memref<40x128xi32, #tpu.memory_space<vmem>> -> memref<1x128xi32, #tpu.memory_space<vmem>>
          %dma_wait3A_165 = tpu.memref_squeeze %dma_wait3A_164 : memref<1x128xi32, #tpu.memory_space<vmem>> -> memref<128xi32, #tpu.memory_space<vmem>>
          %dma_wait3A_166 = arith.constant 0 : i32
          %dma_wait3A_167 = arith.constant 0 : i32
          %dma_wait3A_168 = tpu.memref_slice %arg13[%dma_wait3A_166, %dma_wait3A_167] : memref<10240x128xf32, #tpu.memory_space<vmem_shared>> -> memref<10240x128xf32, #tpu.memory_space<vmem_shared>>
          tpu.wait_indirect_dma semaphore(%run_scoped3A : memref<!tpu.dma_semaphore, #tpu.memory_space<semaphore_mem>>) src(%arg12 : memref<128x128xf32, #tpu.memory_space<vmem>>) dst(%dma_wait3A_168 : memref<10240x128xf32, #tpu.memory_space<vmem_shared>>)
          tpu.yield
        }) : () -> ()
        %add3A_150 = arith.constant 2 : i32
        %add3A_151 = arith.addi %add3A_131, %add3A_150 : i32
        %lt3A_152 = arith.constant 40 : i32
        %lt3A_153 = arith.cmpi slt, %add3A_151, %lt3A_152 : i32
        %convert_element_type3A_154 = arith.extui %lt3A_153 : i1 to i32
        %cond3A_155 = arith.constant 0 : i32
        %cond3A_156 = arith.cmpi ne, %convert_element_type3A_154, %cond3A_155 : i32
        scf.if %cond3A_156 {
          %add3A_157 = arith.constant 2 : i32
          %add3A_158 = arith.addi %add3A_131, %add3A_157 : i32
          %dma_start3A_159 = arith.constant 0 : i32
          %dma_start3A_160 = arith.constant 0 : i32
          %dma_start3A_161 = tpu.memref_slice %arg12[%dma_start3A_159, %dma_start3A_160] : memref<128x128xf32, #tpu.memory_space<vmem>> -> memref<64x128xf32, #tpu.memory_space<vmem>>
          %dma_start3A_162 = arith.constant 0 : i32
          %dma_start3A_163 = tpu.memref_slice %arg9[%add3A_158, %dma_start3A_162] : memref<40x128xi32, #tpu.memory_space<vmem>> -> memref<1x64xi32, #tpu.memory_space<vmem>>
          %dma_start3A_164 = tpu.memref_squeeze %dma_start3A_163 : memref<1x64xi32, #tpu.memory_space<vmem>> -> memref<64xi32, #tpu.memory_space<vmem>>
          %dma_start3A_165 = arith.constant 0 : i32
          %dma_start3A_166 = arith.constant 0 : i32
          %dma_start3A_167 = tpu.memref_slice %arg2[%dma_start3A_165, %dma_start3A_166] : memref<10000x128xf32, #tpu.memory_space<hbm>> -> memref<10000x128xf32, #tpu.memory_space<hbm>>
          tpu.enqueue_indirect_dma source(%dma_start3A_167 : memref<10000x128xf32, #tpu.memory_space<hbm>>) target(%dma_start3A_161 : memref<64x128xf32, #tpu.memory_space<vmem>>) offsets(%dma_start3A_164 : memref<64xi32, #tpu.memory_space<vmem>>) semaphore(%arg16 : memref<!tpu.dma_semaphore, #tpu.memory_space<semaphore_mem>>)
          %dma_start3A_168 = arith.constant 64 : i32
          %dma_start3A_169 = arith.constant 0 : i32
          %dma_start3A_170 = tpu.memref_slice %arg12[%dma_start3A_168, %dma_start3A_169] : memref<128x128xf32, #tpu.memory_space<vmem>> -> memref<64x128xf32, #tpu.memory_space<vmem>>
          %dma_start3A_171 = arith.constant 64 : i32
          %dma_start3A_172 = tpu.memref_slice %arg9[%add3A_158, %dma_start3A_171] : memref<40x128xi32, #tpu.memory_space<vmem>> -> memref<1x64xi32, #tpu.memory_space<vmem>>
          %dma_start3A_173 = tpu.memref_squeeze %dma_start3A_172 : memref<1x64xi32, #tpu.memory_space<vmem>> -> memref<64xi32, #tpu.memory_space<vmem>>
          %dma_start3A_174 = arith.constant 0 : i32
          %dma_start3A_175 = arith.constant 0 : i32
          %dma_start3A_176 = tpu.memref_slice %arg2[%dma_start3A_174, %dma_start3A_175] : memref<10000x128xf32, #tpu.memory_space<hbm>> -> memref<10000x128xf32, #tpu.memory_space<hbm>>
          tpu.enqueue_indirect_dma source(%dma_start3A_176 : memref<10000x128xf32, #tpu.memory_space<hbm>>) target(%dma_start3A_170 : memref<64x128xf32, #tpu.memory_space<vmem>>) offsets(%dma_start3A_173 : memref<64xi32, #tpu.memory_space<vmem>>) semaphore(%arg17 : memref<!tpu.dma_semaphore, #tpu.memory_space<semaphore_mem>>)
        } else {
        }
      }
      %scan3A_97 = arith.constant 20 : i32
      %barrier3A_98 = arith.constant 0 : index
      tpu.barrier barrier_id(%barrier3A_98)
      %mul3A_99 = arith.constant 640 : i32
      %mul3A_100 = arith.muli %arg1, %mul3A_99 : i32
      %mul3A_101 = arith.constant 640 : i32
      %mul3A_102 = arith.muli %arg1, %mul3A_101 : i32
      "tpu.region"() ({
        %run_scoped3A = tpu.sem_alloc : memref<!tpu.dma_semaphore, #tpu.memory_space<semaphore_mem>>
        %dma_start3A_103 = arith.constant 0 : i32
        %dma_start3A_104 = tpu.memref_slice %arg7[%mul3A_102, %dma_start3A_103] : memref<10240x128xf32, #tpu.memory_space<hbm>> -> memref<640x128xf32, #tpu.memory_space<hbm>>
        %dma_start3A_105 = arith.constant 0 : i32
        %dma_start3A_106 = tpu.memref_slice %arg13[%mul3A_100, %dma_start3A_105] : memref<10240x128xf32, #tpu.memory_space<vmem_shared>> -> memref<640x128xf32, #tpu.memory_space<vmem_shared>>
        tpu.enqueue_dma source(%dma_start3A_106 : memref<640x128xf32, #tpu.memory_space<vmem_shared>>) target(%dma_start3A_104 : memref<640x128xf32, #tpu.memory_space<hbm>>) target_semaphore(%run_scoped3A : memref<!tpu.dma_semaphore, #tpu.memory_space<semaphore_mem>>)
        %dma_wait3A = arith.constant 0 : i32
        %dma_wait3A_107 = tpu.memref_slice %arg7[%mul3A_102, %dma_wait3A] : memref<10240x128xf32, #tpu.memory_space<hbm>> -> memref<640x128xf32, #tpu.memory_space<hbm>>
        %dma_wait3A_108 = arith.constant 0 : i32
        %dma_wait3A_109 = tpu.memref_slice %arg13[%mul3A_100, %dma_wait3A_108] : memref<10240x128xf32, #tpu.memory_space<vmem_shared>> -> memref<640x128xf32, #tpu.memory_space<vmem_shared>>
        tpu.wait_dma2 semaphore(%run_scoped3A : memref<!tpu.dma_semaphore, #tpu.memory_space<semaphore_mem>>) src(%dma_wait3A_109 : memref<640x128xf32, #tpu.memory_space<vmem_shared>>) dst(%dma_wait3A_107 : memref<640x128xf32, #tpu.memory_space<hbm>>)
        tpu.yield
      }) : () -> ()
    } else {
    }
    %eq3A_3 = arith.constant 1 : i32
    %eq3A_4 = arith.cmpi eq, %arg0, %eq3A_3 : i32
    %convert_element_type3A_5 = arith.extui %eq3A_4 : i1 to i32
    %cond3A_6 = arith.constant 0 : i32
    %cond3A_7 = arith.cmpi ne, %convert_element_type3A_5, %cond3A_6 : i32
    scf.if %cond3A_7 {
      "tpu.region"() ({
        %run_scoped3A = tpu.sem_alloc : memref<!tpu.dma_semaphore, #tpu.memory_space<semaphore_mem>>
        %dma_start3A_103 = arith.constant 0 : i32
        %dma_start3A_104 = arith.constant 0 : i32
        %dma_start3A_105 = tpu.memref_slice %arg4[%arg1, %dma_start3A_103, %dma_start3A_104] : memref<16x80x128xi32, #tpu.memory_space<hbm>> -> memref<1x40x128xi32, #tpu.memory_space<hbm>>
        %dma_start3A_106 = tpu.memref_squeeze %dma_start3A_105 : memref<1x40x128xi32, #tpu.memory_space<hbm>> -> memref<40x128xi32, #tpu.memory_space<hbm>>
        %dma_start3A_107 = arith.constant 0 : i32
        %dma_start3A_108 = arith.constant 0 : i32
        %dma_start3A_109 = tpu.memref_slice %arg4[%arg1, %dma_start3A_107, %dma_start3A_108] : memref<16x80x128xi32, #tpu.memory_space<hbm>> -> memref<1x40x128xi32, #tpu.memory_space<hbm>>
        %dma_start3A_110 = tpu.memref_squeeze %dma_start3A_109 : memref<1x40x128xi32, #tpu.memory_space<hbm>> -> memref<40x128xi32, #tpu.memory_space<hbm>>
        tpu.enqueue_dma source(%dma_start3A_110 : memref<40x128xi32, #tpu.memory_space<hbm>>) target(%arg9 : memref<40x128xi32, #tpu.memory_space<vmem>>) target_semaphore(%run_scoped3A : memref<!tpu.dma_semaphore, #tpu.memory_space<semaphore_mem>>)
        %dma_wait3A = arith.constant 0 : i32
        %dma_wait3A_111 = arith.constant 0 : i32
        %dma_wait3A_112 = tpu.memref_slice %arg4[%arg1, %dma_wait3A, %dma_wait3A_111] : memref<16x80x128xi32, #tpu.memory_space<hbm>> -> memref<1x40x128xi32, #tpu.memory_space<hbm>>
        %dma_wait3A_113 = tpu.memref_squeeze %dma_wait3A_112 : memref<1x40x128xi32, #tpu.memory_space<hbm>> -> memref<40x128xi32, #tpu.memory_space<hbm>>
        %dma_wait3A_114 = arith.constant 0 : i32
        %dma_wait3A_115 = arith.constant 0 : i32
        %dma_wait3A_116 = tpu.memref_slice %arg4[%arg1, %dma_wait3A_114, %dma_wait3A_115] : memref<16x80x128xi32, #tpu.memory_space<hbm>> -> memref<1x40x128xi32, #tpu.memory_space<hbm>>
        %dma_wait3A_117 = tpu.memref_squeeze %dma_wait3A_116 : memref<1x40x128xi32, #tpu.memory_space<hbm>> -> memref<40x128xi32, #tpu.memory_space<hbm>>
        tpu.wait_dma2 semaphore(%run_scoped3A : memref<!tpu.dma_semaphore, #tpu.memory_space<semaphore_mem>>) src(%dma_wait3A_117 : memref<40x128xi32, #tpu.memory_space<hbm>>) dst(%arg9 : memref<40x128xi32, #tpu.memory_space<vmem>>)
        tpu.yield
      }) : () -> ()
      "tpu.region"() ({
        %run_scoped3A = tpu.sem_alloc : memref<!tpu.dma_semaphore, #tpu.memory_space<semaphore_mem>>
        %dma_start3A_103 = arith.constant 0 : i32
        %dma_start3A_104 = arith.constant 0 : i32
        %dma_start3A_105 = tpu.memref_slice %arg5[%arg1, %dma_start3A_103, %dma_start3A_104] : memref<16x80x128xi32, #tpu.memory_space<hbm>> -> memref<1x40x128xi32, #tpu.memory_space<hbm>>
        %dma_start3A_106 = tpu.memref_squeeze %dma_start3A_105 : memref<1x40x128xi32, #tpu.memory_space<hbm>> -> memref<40x128xi32, #tpu.memory_space<hbm>>
        %dma_start3A_107 = arith.constant 0 : i32
        %dma_start3A_108 = arith.constant 0 : i32
        %dma_start3A_109 = tpu.memref_slice %arg5[%arg1, %dma_start3A_107, %dma_start3A_108] : memref<16x80x128xi32, #tpu.memory_space<hbm>> -> memref<1x40x128xi32, #tpu.memory_space<hbm>>
        %dma_start3A_110 = tpu.memref_squeeze %dma_start3A_109 : memref<1x40x128xi32, #tpu.memory_space<hbm>> -> memref<40x128xi32, #tpu.memory_space<hbm>>
        tpu.enqueue_dma source(%dma_start3A_110 : memref<40x128xi32, #tpu.memory_space<hbm>>) target(%arg10 : memref<40x128xi32, #tpu.memory_space<vmem>>) target_semaphore(%run_scoped3A : memref<!tpu.dma_semaphore, #tpu.memory_space<semaphore_mem>>)
        %dma_wait3A = arith.constant 0 : i32
        %dma_wait3A_111 = arith.constant 0 : i32
        %dma_wait3A_112 = tpu.memref_slice %arg5[%arg1, %dma_wait3A, %dma_wait3A_111] : memref<16x80x128xi32, #tpu.memory_space<hbm>> -> memref<1x40x128xi32, #tpu.memory_space<hbm>>
        %dma_wait3A_113 = tpu.memref_squeeze %dma_wait3A_112 : memref<1x40x128xi32, #tpu.memory_space<hbm>> -> memref<40x128xi32, #tpu.memory_space<hbm>>
        %dma_wait3A_114 = arith.constant 0 : i32
        %dma_wait3A_115 = arith.constant 0 : i32
        %dma_wait3A_116 = tpu.memref_slice %arg5[%arg1, %dma_wait3A_114, %dma_wait3A_115] : memref<16x80x128xi32, #tpu.memory_space<hbm>> -> memref<1x40x128xi32, #tpu.memory_space<hbm>>
        %dma_wait3A_117 = tpu.memref_squeeze %dma_wait3A_116 : memref<1x40x128xi32, #tpu.memory_space<hbm>> -> memref<40x128xi32, #tpu.memory_space<hbm>>
        tpu.wait_dma2 semaphore(%run_scoped3A : memref<!tpu.dma_semaphore, #tpu.memory_space<semaphore_mem>>) src(%dma_wait3A_117 : memref<40x128xi32, #tpu.memory_space<hbm>>) dst(%arg10 : memref<40x128xi32, #tpu.memory_space<vmem>>)
        tpu.yield
      }) : () -> ()
      %dma_start3A = arith.constant 0 : i32
      %dma_start3A_8 = arith.constant 0 : i32
      %dma_start3A_9 = arith.constant 0 : i32
      %dma_start3A_10 = tpu.memref_slice %arg11[%dma_start3A_8, %dma_start3A_9] : memref<128x128xf32, #tpu.memory_space<vmem>> -> memref<64x128xf32, #tpu.memory_space<vmem>>
      %dma_start3A_11 = arith.constant 0 : i32
      %dma_start3A_12 = tpu.memref_slice %arg9[%dma_start3A, %dma_start3A_11] : memref<40x128xi32, #tpu.memory_space<vmem>> -> memref<1x64xi32, #tpu.memory_space<vmem>>
      %dma_start3A_13 = tpu.memref_squeeze %dma_start3A_12 : memref<1x64xi32, #tpu.memory_space<vmem>> -> memref<64xi32, #tpu.memory_space<vmem>>
      %dma_start3A_14 = arith.constant 0 : i32
      %dma_start3A_15 = arith.constant 0 : i32
      %dma_start3A_16 = tpu.memref_slice %arg3[%dma_start3A_14, %dma_start3A_15] : memref<10000x128xf32, #tpu.memory_space<hbm>> -> memref<10000x128xf32, #tpu.memory_space<hbm>>
      tpu.enqueue_indirect_dma source(%dma_start3A_16 : memref<10000x128xf32, #tpu.memory_space<hbm>>) target(%dma_start3A_10 : memref<64x128xf32, #tpu.memory_space<vmem>>) offsets(%dma_start3A_13 : memref<64xi32, #tpu.memory_space<vmem>>) semaphore(%arg14 : memref<!tpu.dma_semaphore, #tpu.memory_space<semaphore_mem>>)
      %dma_start3A_17 = arith.constant 0 : i32
      %dma_start3A_18 = arith.constant 64 : i32
      %dma_start3A_19 = arith.constant 0 : i32
      %dma_start3A_20 = tpu.memref_slice %arg11[%dma_start3A_18, %dma_start3A_19] : memref<128x128xf32, #tpu.memory_space<vmem>> -> memref<64x128xf32, #tpu.memory_space<vmem>>
      %dma_start3A_21 = arith.constant 64 : i32
      %dma_start3A_22 = tpu.memref_slice %arg9[%dma_start3A_17, %dma_start3A_21] : memref<40x128xi32, #tpu.memory_space<vmem>> -> memref<1x64xi32, #tpu.memory_space<vmem>>
      %dma_start3A_23 = tpu.memref_squeeze %dma_start3A_22 : memref<1x64xi32, #tpu.memory_space<vmem>> -> memref<64xi32, #tpu.memory_space<vmem>>
      %dma_start3A_24 = arith.constant 0 : i32
      %dma_start3A_25 = arith.constant 0 : i32
      %dma_start3A_26 = tpu.memref_slice %arg3[%dma_start3A_24, %dma_start3A_25] : memref<10000x128xf32, #tpu.memory_space<hbm>> -> memref<10000x128xf32, #tpu.memory_space<hbm>>
      tpu.enqueue_indirect_dma source(%dma_start3A_26 : memref<10000x128xf32, #tpu.memory_space<hbm>>) target(%dma_start3A_20 : memref<64x128xf32, #tpu.memory_space<vmem>>) offsets(%dma_start3A_23 : memref<64xi32, #tpu.memory_space<vmem>>) semaphore(%arg15 : memref<!tpu.dma_semaphore, #tpu.memory_space<semaphore_mem>>)
      %dma_start3A_27 = arith.constant 1 : i32
      %dma_start3A_28 = arith.constant 0 : i32
      %dma_start3A_29 = arith.constant 0 : i32
      %dma_start3A_30 = tpu.memref_slice %arg12[%dma_start3A_28, %dma_start3A_29] : memref<128x128xf32, #tpu.memory_space<vmem>> -> memref<64x128xf32, #tpu.memory_space<vmem>>
      %dma_start3A_31 = arith.constant 0 : i32
      %dma_start3A_32 = tpu.memref_slice %arg9[%dma_start3A_27, %dma_start3A_31] : memref<40x128xi32, #tpu.memory_space<vmem>> -> memref<1x64xi32, #tpu.memory_space<vmem>>
      %dma_start3A_33 = tpu.memref_squeeze %dma_start3A_32 : memref<1x64xi32, #tpu.memory_space<vmem>> -> memref<64xi32, #tpu.memory_space<vmem>>
      %dma_start3A_34 = arith.constant 0 : i32
      %dma_start3A_35 = arith.constant 0 : i32
      %dma_start3A_36 = tpu.memref_slice %arg3[%dma_start3A_34, %dma_start3A_35] : memref<10000x128xf32, #tpu.memory_space<hbm>> -> memref<10000x128xf32, #tpu.memory_space<hbm>>
      tpu.enqueue_indirect_dma source(%dma_start3A_36 : memref<10000x128xf32, #tpu.memory_space<hbm>>) target(%dma_start3A_30 : memref<64x128xf32, #tpu.memory_space<vmem>>) offsets(%dma_start3A_33 : memref<64xi32, #tpu.memory_space<vmem>>) semaphore(%arg16 : memref<!tpu.dma_semaphore, #tpu.memory_space<semaphore_mem>>)
      %dma_start3A_37 = arith.constant 1 : i32
      %dma_start3A_38 = arith.constant 64 : i32
      %dma_start3A_39 = arith.constant 0 : i32
      %dma_start3A_40 = tpu.memref_slice %arg12[%dma_start3A_38, %dma_start3A_39] : memref<128x128xf32, #tpu.memory_space<vmem>> -> memref<64x128xf32, #tpu.memory_space<vmem>>
      %dma_start3A_41 = arith.constant 64 : i32
      %dma_start3A_42 = tpu.memref_slice %arg9[%dma_start3A_37, %dma_start3A_41] : memref<40x128xi32, #tpu.memory_space<vmem>> -> memref<1x64xi32, #tpu.memory_space<vmem>>
      %dma_start3A_43 = tpu.memref_squeeze %dma_start3A_42 : memref<1x64xi32, #tpu.memory_space<vmem>> -> memref<64xi32, #tpu.memory_space<vmem>>
      %dma_start3A_44 = arith.constant 0 : i32
      %dma_start3A_45 = arith.constant 0 : i32
      %dma_start3A_46 = tpu.memref_slice %arg3[%dma_start3A_44, %dma_start3A_45] : memref<10000x128xf32, #tpu.memory_space<hbm>> -> memref<10000x128xf32, #tpu.memory_space<hbm>>
      tpu.enqueue_indirect_dma source(%dma_start3A_46 : memref<10000x128xf32, #tpu.memory_space<hbm>>) target(%dma_start3A_40 : memref<64x128xf32, #tpu.memory_space<vmem>>) offsets(%dma_start3A_43 : memref<64xi32, #tpu.memory_space<vmem>>) semaphore(%arg17 : memref<!tpu.dma_semaphore, #tpu.memory_space<semaphore_mem>>)
      %scan3A = arith.constant 0 : i32
      %scan3A_47 = arith.constant 0 : i32
      %scan3A_48 = arith.constant 20 : i32
      %scan3A_49 = arith.addi %scan3A_47, %scan3A_48 : i32
      %scan3A_50 = arith.constant 1 : i32
      scf.for %scan3A_103 = %scan3A_47 to %scan3A_49 step %scan3A_50  : i32 {
        %mul3A_104 = arith.constant 2 : i32
        %mul3A_105 = arith.muli %scan3A_103, %mul3A_104 : i32
        %add3A = arith.constant 0 : i32
        %add3A_106 = arith.addi %mul3A_105, %add3A : i32
        %dma_wait3A = arith.constant 0 : i32
        %dma_wait3A_107 = arith.constant 0 : i32
        %dma_wait3A_108 = tpu.memref_slice %arg11[%dma_wait3A, %dma_wait3A_107] : memref<128x128xf32, #tpu.memory_space<vmem>> -> memref<64x128xf32, #tpu.memory_space<vmem>>
        %dma_wait3A_109 = arith.constant 0 : i32
        %dma_wait3A_110 = tpu.memref_slice %arg9[%add3A_106, %dma_wait3A_109] : memref<40x128xi32, #tpu.memory_space<vmem>> -> memref<1x64xi32, #tpu.memory_space<vmem>>
        %dma_wait3A_111 = tpu.memref_squeeze %dma_wait3A_110 : memref<1x64xi32, #tpu.memory_space<vmem>> -> memref<64xi32, #tpu.memory_space<vmem>>
        %dma_wait3A_112 = arith.constant 0 : i32
        %dma_wait3A_113 = arith.constant 0 : i32
        %dma_wait3A_114 = tpu.memref_slice %arg3[%dma_wait3A_112, %dma_wait3A_113] : memref<10000x128xf32, #tpu.memory_space<hbm>> -> memref<10000x128xf32, #tpu.memory_space<hbm>>
        tpu.wait_indirect_dma semaphore(%arg14 : memref<!tpu.dma_semaphore, #tpu.memory_space<semaphore_mem>>) src(%dma_wait3A_114 : memref<10000x128xf32, #tpu.memory_space<hbm>>) dst(%dma_wait3A_108 : memref<64x128xf32, #tpu.memory_space<vmem>>)
        %dma_wait3A_115 = arith.constant 64 : i32
        %dma_wait3A_116 = arith.constant 0 : i32
        %dma_wait3A_117 = tpu.memref_slice %arg11[%dma_wait3A_115, %dma_wait3A_116] : memref<128x128xf32, #tpu.memory_space<vmem>> -> memref<64x128xf32, #tpu.memory_space<vmem>>
        %dma_wait3A_118 = arith.constant 64 : i32
        %dma_wait3A_119 = tpu.memref_slice %arg9[%add3A_106, %dma_wait3A_118] : memref<40x128xi32, #tpu.memory_space<vmem>> -> memref<1x64xi32, #tpu.memory_space<vmem>>
        %dma_wait3A_120 = tpu.memref_squeeze %dma_wait3A_119 : memref<1x64xi32, #tpu.memory_space<vmem>> -> memref<64xi32, #tpu.memory_space<vmem>>
        %dma_wait3A_121 = arith.constant 0 : i32
        %dma_wait3A_122 = arith.constant 0 : i32
        %dma_wait3A_123 = tpu.memref_slice %arg3[%dma_wait3A_121, %dma_wait3A_122] : memref<10000x128xf32, #tpu.memory_space<hbm>> -> memref<10000x128xf32, #tpu.memory_space<hbm>>
        tpu.wait_indirect_dma semaphore(%arg15 : memref<!tpu.dma_semaphore, #tpu.memory_space<semaphore_mem>>) src(%dma_wait3A_123 : memref<10000x128xf32, #tpu.memory_space<hbm>>) dst(%dma_wait3A_117 : memref<64x128xf32, #tpu.memory_space<vmem>>)
        "tpu.region"() ({
          %run_scoped3A = tpu.sem_alloc : memref<!tpu.dma_semaphore, #tpu.memory_space<semaphore_mem>>
          %dma_start3A_157 = arith.constant 0 : i32
          %dma_start3A_158 = tpu.memref_slice %arg10[%add3A_106, %dma_start3A_157] : memref<40x128xi32, #tpu.memory_space<vmem>> -> memref<1x128xi32, #tpu.memory_space<vmem>>
          %dma_start3A_159 = tpu.memref_squeeze %dma_start3A_158 : memref<1x128xi32, #tpu.memory_space<vmem>> -> memref<128xi32, #tpu.memory_space<vmem>>
          %dma_start3A_160 = arith.constant 0 : i32
          %dma_start3A_161 = arith.constant 0 : i32
          %dma_start3A_162 = tpu.memref_slice %arg13[%dma_start3A_160, %dma_start3A_161] : memref<10240x128xf32, #tpu.memory_space<vmem_shared>> -> memref<10240x128xf32, #tpu.memory_space<vmem_shared>>
          tpu.enqueue_indirect_dma source(%arg11 : memref<128x128xf32, #tpu.memory_space<vmem>>) target(%dma_start3A_162 : memref<10240x128xf32, #tpu.memory_space<vmem_shared>>) offsets(%dma_start3A_159 : memref<128xi32, #tpu.memory_space<vmem>>) semaphore(%run_scoped3A : memref<!tpu.dma_semaphore, #tpu.memory_space<semaphore_mem>>) {add = true}
          %dma_wait3A_163 = arith.constant 0 : i32
          %dma_wait3A_164 = tpu.memref_slice %arg10[%add3A_106, %dma_wait3A_163] : memref<40x128xi32, #tpu.memory_space<vmem>> -> memref<1x128xi32, #tpu.memory_space<vmem>>
          %dma_wait3A_165 = tpu.memref_squeeze %dma_wait3A_164 : memref<1x128xi32, #tpu.memory_space<vmem>> -> memref<128xi32, #tpu.memory_space<vmem>>
          %dma_wait3A_166 = arith.constant 0 : i32
          %dma_wait3A_167 = arith.constant 0 : i32
          %dma_wait3A_168 = tpu.memref_slice %arg13[%dma_wait3A_166, %dma_wait3A_167] : memref<10240x128xf32, #tpu.memory_space<vmem_shared>> -> memref<10240x128xf32, #tpu.memory_space<vmem_shared>>
          tpu.wait_indirect_dma semaphore(%run_scoped3A : memref<!tpu.dma_semaphore, #tpu.memory_space<semaphore_mem>>) src(%arg11 : memref<128x128xf32, #tpu.memory_space<vmem>>) dst(%dma_wait3A_168 : memref<10240x128xf32, #tpu.memory_space<vmem_shared>>)
          tpu.yield
        }) : () -> ()
        %add3A_124 = arith.constant 2 : i32
        %add3A_125 = arith.addi %add3A_106, %add3A_124 : i32
        %lt3A = arith.constant 40 : i32
        %lt3A_126 = arith.cmpi slt, %add3A_125, %lt3A : i32
        %convert_element_type3A_127 = arith.extui %lt3A_126 : i1 to i32
        %cond3A_128 = arith.constant 0 : i32
        %cond3A_129 = arith.cmpi ne, %convert_element_type3A_127, %cond3A_128 : i32
        scf.if %cond3A_129 {
          %add3A_157 = arith.constant 2 : i32
          %add3A_158 = arith.addi %add3A_106, %add3A_157 : i32
          %dma_start3A_159 = arith.constant 0 : i32
          %dma_start3A_160 = arith.constant 0 : i32
          %dma_start3A_161 = tpu.memref_slice %arg11[%dma_start3A_159, %dma_start3A_160] : memref<128x128xf32, #tpu.memory_space<vmem>> -> memref<64x128xf32, #tpu.memory_space<vmem>>
          %dma_start3A_162 = arith.constant 0 : i32
          %dma_start3A_163 = tpu.memref_slice %arg9[%add3A_158, %dma_start3A_162] : memref<40x128xi32, #tpu.memory_space<vmem>> -> memref<1x64xi32, #tpu.memory_space<vmem>>
          %dma_start3A_164 = tpu.memref_squeeze %dma_start3A_163 : memref<1x64xi32, #tpu.memory_space<vmem>> -> memref<64xi32, #tpu.memory_space<vmem>>
          %dma_start3A_165 = arith.constant 0 : i32
          %dma_start3A_166 = arith.constant 0 : i32
          %dma_start3A_167 = tpu.memref_slice %arg3[%dma_start3A_165, %dma_start3A_166] : memref<10000x128xf32, #tpu.memory_space<hbm>> -> memref<10000x128xf32, #tpu.memory_space<hbm>>
          tpu.enqueue_indirect_dma source(%dma_start3A_167 : memref<10000x128xf32, #tpu.memory_space<hbm>>) target(%dma_start3A_161 : memref<64x128xf32, #tpu.memory_space<vmem>>) offsets(%dma_start3A_164 : memref<64xi32, #tpu.memory_space<vmem>>) semaphore(%arg14 : memref<!tpu.dma_semaphore, #tpu.memory_space<semaphore_mem>>)
          %dma_start3A_168 = arith.constant 64 : i32
          %dma_start3A_169 = arith.constant 0 : i32
          %dma_start3A_170 = tpu.memref_slice %arg11[%dma_start3A_168, %dma_start3A_169] : memref<128x128xf32, #tpu.memory_space<vmem>> -> memref<64x128xf32, #tpu.memory_space<vmem>>
          %dma_start3A_171 = arith.constant 64 : i32
          %dma_start3A_172 = tpu.memref_slice %arg9[%add3A_158, %dma_start3A_171] : memref<40x128xi32, #tpu.memory_space<vmem>> -> memref<1x64xi32, #tpu.memory_space<vmem>>
          %dma_start3A_173 = tpu.memref_squeeze %dma_start3A_172 : memref<1x64xi32, #tpu.memory_space<vmem>> -> memref<64xi32, #tpu.memory_space<vmem>>
          %dma_start3A_174 = arith.constant 0 : i32
          %dma_start3A_175 = arith.constant 0 : i32
          %dma_start3A_176 = tpu.memref_slice %arg3[%dma_start3A_174, %dma_start3A_175] : memref<10000x128xf32, #tpu.memory_space<hbm>> -> memref<10000x128xf32, #tpu.memory_space<hbm>>
          tpu.enqueue_indirect_dma source(%dma_start3A_176 : memref<10000x128xf32, #tpu.memory_space<hbm>>) target(%dma_start3A_170 : memref<64x128xf32, #tpu.memory_space<vmem>>) offsets(%dma_start3A_173 : memref<64xi32, #tpu.memory_space<vmem>>) semaphore(%arg15 : memref<!tpu.dma_semaphore, #tpu.memory_space<semaphore_mem>>)
        } else {
        }
        %add3A_130 = arith.constant 1 : i32
        %add3A_131 = arith.addi %mul3A_105, %add3A_130 : i32
        %dma_wait3A_132 = arith.constant 0 : i32
        %dma_wait3A_133 = arith.constant 0 : i32
        %dma_wait3A_134 = tpu.memref_slice %arg12[%dma_wait3A_132, %dma_wait3A_133] : memref<128x128xf32, #tpu.memory_space<vmem>> -> memref<64x128xf32, #tpu.memory_space<vmem>>
        %dma_wait3A_135 = arith.constant 0 : i32
        %dma_wait3A_136 = tpu.memref_slice %arg9[%add3A_131, %dma_wait3A_135] : memref<40x128xi32, #tpu.memory_space<vmem>> -> memref<1x64xi32, #tpu.memory_space<vmem>>
        %dma_wait3A_137 = tpu.memref_squeeze %dma_wait3A_136 : memref<1x64xi32, #tpu.memory_space<vmem>> -> memref<64xi32, #tpu.memory_space<vmem>>
        %dma_wait3A_138 = arith.constant 0 : i32
        %dma_wait3A_139 = arith.constant 0 : i32
        %dma_wait3A_140 = tpu.memref_slice %arg3[%dma_wait3A_138, %dma_wait3A_139] : memref<10000x128xf32, #tpu.memory_space<hbm>> -> memref<10000x128xf32, #tpu.memory_space<hbm>>
        tpu.wait_indirect_dma semaphore(%arg16 : memref<!tpu.dma_semaphore, #tpu.memory_space<semaphore_mem>>) src(%dma_wait3A_140 : memref<10000x128xf32, #tpu.memory_space<hbm>>) dst(%dma_wait3A_134 : memref<64x128xf32, #tpu.memory_space<vmem>>)
        %dma_wait3A_141 = arith.constant 64 : i32
        %dma_wait3A_142 = arith.constant 0 : i32
        %dma_wait3A_143 = tpu.memref_slice %arg12[%dma_wait3A_141, %dma_wait3A_142] : memref<128x128xf32, #tpu.memory_space<vmem>> -> memref<64x128xf32, #tpu.memory_space<vmem>>
        %dma_wait3A_144 = arith.constant 64 : i32
        %dma_wait3A_145 = tpu.memref_slice %arg9[%add3A_131, %dma_wait3A_144] : memref<40x128xi32, #tpu.memory_space<vmem>> -> memref<1x64xi32, #tpu.memory_space<vmem>>
        %dma_wait3A_146 = tpu.memref_squeeze %dma_wait3A_145 : memref<1x64xi32, #tpu.memory_space<vmem>> -> memref<64xi32, #tpu.memory_space<vmem>>
        %dma_wait3A_147 = arith.constant 0 : i32
        %dma_wait3A_148 = arith.constant 0 : i32
        %dma_wait3A_149 = tpu.memref_slice %arg3[%dma_wait3A_147, %dma_wait3A_148] : memref<10000x128xf32, #tpu.memory_space<hbm>> -> memref<10000x128xf32, #tpu.memory_space<hbm>>
        tpu.wait_indirect_dma semaphore(%arg17 : memref<!tpu.dma_semaphore, #tpu.memory_space<semaphore_mem>>) src(%dma_wait3A_149 : memref<10000x128xf32, #tpu.memory_space<hbm>>) dst(%dma_wait3A_143 : memref<64x128xf32, #tpu.memory_space<vmem>>)
        "tpu.region"() ({
          %run_scoped3A = tpu.sem_alloc : memref<!tpu.dma_semaphore, #tpu.memory_space<semaphore_mem>>
          %dma_start3A_157 = arith.constant 0 : i32
          %dma_start3A_158 = tpu.memref_slice %arg10[%add3A_131, %dma_start3A_157] : memref<40x128xi32, #tpu.memory_space<vmem>> -> memref<1x128xi32, #tpu.memory_space<vmem>>
          %dma_start3A_159 = tpu.memref_squeeze %dma_start3A_158 : memref<1x128xi32, #tpu.memory_space<vmem>> -> memref<128xi32, #tpu.memory_space<vmem>>
          %dma_start3A_160 = arith.constant 0 : i32
          %dma_start3A_161 = arith.constant 0 : i32
          %dma_start3A_162 = tpu.memref_slice %arg13[%dma_start3A_160, %dma_start3A_161] : memref<10240x128xf32, #tpu.memory_space<vmem_shared>> -> memref<10240x128xf32, #tpu.memory_space<vmem_shared>>
          tpu.enqueue_indirect_dma source(%arg12 : memref<128x128xf32, #tpu.memory_space<vmem>>) target(%dma_start3A_162 : memref<10240x128xf32, #tpu.memory_space<vmem_shared>>) offsets(%dma_start3A_159 : memref<128xi32, #tpu.memory_space<vmem>>) semaphore(%run_scoped3A : memref<!tpu.dma_semaphore, #tpu.memory_space<semaphore_mem>>) {add = true}
          %dma_wait3A_163 = arith.constant 0 : i32
          %dma_wait3A_164 = tpu.memref_slice %arg10[%add3A_131, %dma_wait3A_163] : memref<40x128xi32, #tpu.memory_space<vmem>> -> memref<1x128xi32, #tpu.memory_space<vmem>>
          %dma_wait3A_165 = tpu.memref_squeeze %dma_wait3A_164 : memref<1x128xi32, #tpu.memory_space<vmem>> -> memref<128xi32, #tpu.memory_space<vmem>>
          %dma_wait3A_166 = arith.constant 0 : i32
          %dma_wait3A_167 = arith.constant 0 : i32
          %dma_wait3A_168 = tpu.memref_slice %arg13[%dma_wait3A_166, %dma_wait3A_167] : memref<10240x128xf32, #tpu.memory_space<vmem_shared>> -> memref<10240x128xf32, #tpu.memory_space<vmem_shared>>
          tpu.wait_indirect_dma semaphore(%run_scoped3A : memref<!tpu.dma_semaphore, #tpu.memory_space<semaphore_mem>>) src(%arg12 : memref<128x128xf32, #tpu.memory_space<vmem>>) dst(%dma_wait3A_168 : memref<10240x128xf32, #tpu.memory_space<vmem_shared>>)
          tpu.yield
        }) : () -> ()
        %add3A_150 = arith.constant 2 : i32
        %add3A_151 = arith.addi %add3A_131, %add3A_150 : i32
        %lt3A_152 = arith.constant 40 : i32
        %lt3A_153 = arith.cmpi slt, %add3A_151, %lt3A_152 : i32
        %convert_element_type3A_154 = arith.extui %lt3A_153 : i1 to i32
        %cond3A_155 = arith.constant 0 : i32
        %cond3A_156 = arith.cmpi ne, %convert_element_type3A_154, %cond3A_155 : i32
        scf.if %cond3A_156 {
          %add3A_157 = arith.constant 2 : i32
          %add3A_158 = arith.addi %add3A_131, %add3A_157 : i32
          %dma_start3A_159 = arith.constant 0 : i32
          %dma_start3A_160 = arith.constant 0 : i32
          %dma_start3A_161 = tpu.memref_slice %arg12[%dma_start3A_159, %dma_start3A_160] : memref<128x128xf32, #tpu.memory_space<vmem>> -> memref<64x128xf32, #tpu.memory_space<vmem>>
          %dma_start3A_162 = arith.constant 0 : i32
          %dma_start3A_163 = tpu.memref_slice %arg9[%add3A_158, %dma_start3A_162] : memref<40x128xi32, #tpu.memory_space<vmem>> -> memref<1x64xi32, #tpu.memory_space<vmem>>
          %dma_start3A_164 = tpu.memref_squeeze %dma_start3A_163 : memref<1x64xi32, #tpu.memory_space<vmem>> -> memref<64xi32, #tpu.memory_space<vmem>>
          %dma_start3A_165 = arith.constant 0 : i32
          %dma_start3A_166 = arith.constant 0 : i32
          %dma_start3A_167 = tpu.memref_slice %arg3[%dma_start3A_165, %dma_start3A_166] : memref<10000x128xf32, #tpu.memory_space<hbm>> -> memref<10000x128xf32, #tpu.memory_space<hbm>>
          tpu.enqueue_indirect_dma source(%dma_start3A_167 : memref<10000x128xf32, #tpu.memory_space<hbm>>) target(%dma_start3A_161 : memref<64x128xf32, #tpu.memory_space<vmem>>) offsets(%dma_start3A_164 : memref<64xi32, #tpu.memory_space<vmem>>) semaphore(%arg16 : memref<!tpu.dma_semaphore, #tpu.memory_space<semaphore_mem>>)
          %dma_start3A_168 = arith.constant 64 : i32
          %dma_start3A_169 = arith.constant 0 : i32
          %dma_start3A_170 = tpu.memref_slice %arg12[%dma_start3A_168, %dma_start3A_169] : memref<128x128xf32, #tpu.memory_space<vmem>> -> memref<64x128xf32, #tpu.memory_space<vmem>>
          %dma_start3A_171 = arith.constant 64 : i32
          %dma_start3A_172 = tpu.memref_slice %arg9[%add3A_158, %dma_start3A_171] : memref<40x128xi32, #tpu.memory_space<vmem>> -> memref<1x64xi32, #tpu.memory_space<vmem>>
          %dma_start3A_173 = tpu.memref_squeeze %dma_start3A_172 : memref<1x64xi32, #tpu.memory_space<vmem>> -> memref<64xi32, #tpu.memory_space<vmem>>
          %dma_start3A_174 = arith.constant 0 : i32
          %dma_start3A_175 = arith.constant 0 : i32
          %dma_start3A_176 = tpu.memref_slice %arg3[%dma_start3A_174, %dma_start3A_175] : memref<10000x128xf32, #tpu.memory_space<hbm>> -> memref<10000x128xf32, #tpu.memory_space<hbm>>
          tpu.enqueue_indirect_dma source(%dma_start3A_176 : memref<10000x128xf32, #tpu.memory_space<hbm>>) target(%dma_start3A_170 : memref<64x128xf32, #tpu.memory_space<vmem>>) offsets(%dma_start3A_173 : memref<64xi32, #tpu.memory_space<vmem>>) semaphore(%arg17 : memref<!tpu.dma_semaphore, #tpu.memory_space<semaphore_mem>>)
        } else {
        }
      }
      %scan3A_51 = arith.constant 20 : i32
      "tpu.region"() ({
        %run_scoped3A = tpu.sem_alloc : memref<!tpu.dma_semaphore, #tpu.memory_space<semaphore_mem>>
        %dma_start3A_103 = arith.constant 40 : i32
        %dma_start3A_104 = arith.constant 0 : i32
        %dma_start3A_105 = tpu.memref_slice %arg4[%arg1, %dma_start3A_103, %dma_start3A_104] : memref<16x80x128xi32, #tpu.memory_space<hbm>> -> memref<1x40x128xi32, #tpu.memory_space<hbm>>
        %dma_start3A_106 = tpu.memref_squeeze %dma_start3A_105 : memref<1x40x128xi32, #tpu.memory_space<hbm>> -> memref<40x128xi32, #tpu.memory_space<hbm>>
        %dma_start3A_107 = arith.constant 40 : i32
        %dma_start3A_108 = arith.constant 0 : i32
        %dma_start3A_109 = tpu.memref_slice %arg4[%arg1, %dma_start3A_107, %dma_start3A_108] : memref<16x80x128xi32, #tpu.memory_space<hbm>> -> memref<1x40x128xi32, #tpu.memory_space<hbm>>
        %dma_start3A_110 = tpu.memref_squeeze %dma_start3A_109 : memref<1x40x128xi32, #tpu.memory_space<hbm>> -> memref<40x128xi32, #tpu.memory_space<hbm>>
        tpu.enqueue_dma source(%dma_start3A_110 : memref<40x128xi32, #tpu.memory_space<hbm>>) target(%arg9 : memref<40x128xi32, #tpu.memory_space<vmem>>) target_semaphore(%run_scoped3A : memref<!tpu.dma_semaphore, #tpu.memory_space<semaphore_mem>>)
        %dma_wait3A = arith.constant 40 : i32
        %dma_wait3A_111 = arith.constant 0 : i32
        %dma_wait3A_112 = tpu.memref_slice %arg4[%arg1, %dma_wait3A, %dma_wait3A_111] : memref<16x80x128xi32, #tpu.memory_space<hbm>> -> memref<1x40x128xi32, #tpu.memory_space<hbm>>
        %dma_wait3A_113 = tpu.memref_squeeze %dma_wait3A_112 : memref<1x40x128xi32, #tpu.memory_space<hbm>> -> memref<40x128xi32, #tpu.memory_space<hbm>>
        %dma_wait3A_114 = arith.constant 40 : i32
        %dma_wait3A_115 = arith.constant 0 : i32
        %dma_wait3A_116 = tpu.memref_slice %arg4[%arg1, %dma_wait3A_114, %dma_wait3A_115] : memref<16x80x128xi32, #tpu.memory_space<hbm>> -> memref<1x40x128xi32, #tpu.memory_space<hbm>>
        %dma_wait3A_117 = tpu.memref_squeeze %dma_wait3A_116 : memref<1x40x128xi32, #tpu.memory_space<hbm>> -> memref<40x128xi32, #tpu.memory_space<hbm>>
        tpu.wait_dma2 semaphore(%run_scoped3A : memref<!tpu.dma_semaphore, #tpu.memory_space<semaphore_mem>>) src(%dma_wait3A_117 : memref<40x128xi32, #tpu.memory_space<hbm>>) dst(%arg9 : memref<40x128xi32, #tpu.memory_space<vmem>>)
        tpu.yield
      }) : () -> ()
      "tpu.region"() ({
        %run_scoped3A = tpu.sem_alloc : memref<!tpu.dma_semaphore, #tpu.memory_space<semaphore_mem>>
        %dma_start3A_103 = arith.constant 40 : i32
        %dma_start3A_104 = arith.constant 0 : i32
        %dma_start3A_105 = tpu.memref_slice %arg5[%arg1, %dma_start3A_103, %dma_start3A_104] : memref<16x80x128xi32, #tpu.memory_space<hbm>> -> memref<1x40x128xi32, #tpu.memory_space<hbm>>
        %dma_start3A_106 = tpu.memref_squeeze %dma_start3A_105 : memref<1x40x128xi32, #tpu.memory_space<hbm>> -> memref<40x128xi32, #tpu.memory_space<hbm>>
        %dma_start3A_107 = arith.constant 40 : i32
        %dma_start3A_108 = arith.constant 0 : i32
        %dma_start3A_109 = tpu.memref_slice %arg5[%arg1, %dma_start3A_107, %dma_start3A_108] : memref<16x80x128xi32, #tpu.memory_space<hbm>> -> memref<1x40x128xi32, #tpu.memory_space<hbm>>
        %dma_start3A_110 = tpu.memref_squeeze %dma_start3A_109 : memref<1x40x128xi32, #tpu.memory_space<hbm>> -> memref<40x128xi32, #tpu.memory_space<hbm>>
        tpu.enqueue_dma source(%dma_start3A_110 : memref<40x128xi32, #tpu.memory_space<hbm>>) target(%arg10 : memref<40x128xi32, #tpu.memory_space<vmem>>) target_semaphore(%run_scoped3A : memref<!tpu.dma_semaphore, #tpu.memory_space<semaphore_mem>>)
        %dma_wait3A = arith.constant 40 : i32
        %dma_wait3A_111 = arith.constant 0 : i32
        %dma_wait3A_112 = tpu.memref_slice %arg5[%arg1, %dma_wait3A, %dma_wait3A_111] : memref<16x80x128xi32, #tpu.memory_space<hbm>> -> memref<1x40x128xi32, #tpu.memory_space<hbm>>
        %dma_wait3A_113 = tpu.memref_squeeze %dma_wait3A_112 : memref<1x40x128xi32, #tpu.memory_space<hbm>> -> memref<40x128xi32, #tpu.memory_space<hbm>>
        %dma_wait3A_114 = arith.constant 40 : i32
        %dma_wait3A_115 = arith.constant 0 : i32
        %dma_wait3A_116 = tpu.memref_slice %arg5[%arg1, %dma_wait3A_114, %dma_wait3A_115] : memref<16x80x128xi32, #tpu.memory_space<hbm>> -> memref<1x40x128xi32, #tpu.memory_space<hbm>>
        %dma_wait3A_117 = tpu.memref_squeeze %dma_wait3A_116 : memref<1x40x128xi32, #tpu.memory_space<hbm>> -> memref<40x128xi32, #tpu.memory_space<hbm>>
        tpu.wait_dma2 semaphore(%run_scoped3A : memref<!tpu.dma_semaphore, #tpu.memory_space<semaphore_mem>>) src(%dma_wait3A_117 : memref<40x128xi32, #tpu.memory_space<hbm>>) dst(%arg10 : memref<40x128xi32, #tpu.memory_space<vmem>>)
        tpu.yield
      }) : () -> ()
      %dma_start3A_52 = arith.constant 0 : i32
      %dma_start3A_53 = arith.constant 0 : i32
      %dma_start3A_54 = arith.constant 0 : i32
      %dma_start3A_55 = tpu.memref_slice %arg11[%dma_start3A_53, %dma_start3A_54] : memref<128x128xf32, #tpu.memory_space<vmem>> -> memref<64x128xf32, #tpu.memory_space<vmem>>
      %dma_start3A_56 = arith.constant 0 : i32
      %dma_start3A_57 = tpu.memref_slice %arg9[%dma_start3A_52, %dma_start3A_56] : memref<40x128xi32, #tpu.memory_space<vmem>> -> memref<1x64xi32, #tpu.memory_space<vmem>>
      %dma_start3A_58 = tpu.memref_squeeze %dma_start3A_57 : memref<1x64xi32, #tpu.memory_space<vmem>> -> memref<64xi32, #tpu.memory_space<vmem>>
      %dma_start3A_59 = arith.constant 0 : i32
      %dma_start3A_60 = arith.constant 0 : i32
      %dma_start3A_61 = tpu.memref_slice %arg3[%dma_start3A_59, %dma_start3A_60] : memref<10000x128xf32, #tpu.memory_space<hbm>> -> memref<10000x128xf32, #tpu.memory_space<hbm>>
      tpu.enqueue_indirect_dma source(%dma_start3A_61 : memref<10000x128xf32, #tpu.memory_space<hbm>>) target(%dma_start3A_55 : memref<64x128xf32, #tpu.memory_space<vmem>>) offsets(%dma_start3A_58 : memref<64xi32, #tpu.memory_space<vmem>>) semaphore(%arg14 : memref<!tpu.dma_semaphore, #tpu.memory_space<semaphore_mem>>)
      %dma_start3A_62 = arith.constant 0 : i32
      %dma_start3A_63 = arith.constant 64 : i32
      %dma_start3A_64 = arith.constant 0 : i32
      %dma_start3A_65 = tpu.memref_slice %arg11[%dma_start3A_63, %dma_start3A_64] : memref<128x128xf32, #tpu.memory_space<vmem>> -> memref<64x128xf32, #tpu.memory_space<vmem>>
      %dma_start3A_66 = arith.constant 64 : i32
      %dma_start3A_67 = tpu.memref_slice %arg9[%dma_start3A_62, %dma_start3A_66] : memref<40x128xi32, #tpu.memory_space<vmem>> -> memref<1x64xi32, #tpu.memory_space<vmem>>
      %dma_start3A_68 = tpu.memref_squeeze %dma_start3A_67 : memref<1x64xi32, #tpu.memory_space<vmem>> -> memref<64xi32, #tpu.memory_space<vmem>>
      %dma_start3A_69 = arith.constant 0 : i32
      %dma_start3A_70 = arith.constant 0 : i32
      %dma_start3A_71 = tpu.memref_slice %arg3[%dma_start3A_69, %dma_start3A_70] : memref<10000x128xf32, #tpu.memory_space<hbm>> -> memref<10000x128xf32, #tpu.memory_space<hbm>>
      tpu.enqueue_indirect_dma source(%dma_start3A_71 : memref<10000x128xf32, #tpu.memory_space<hbm>>) target(%dma_start3A_65 : memref<64x128xf32, #tpu.memory_space<vmem>>) offsets(%dma_start3A_68 : memref<64xi32, #tpu.memory_space<vmem>>) semaphore(%arg15 : memref<!tpu.dma_semaphore, #tpu.memory_space<semaphore_mem>>)
      %dma_start3A_72 = arith.constant 1 : i32
      %dma_start3A_73 = arith.constant 0 : i32
      %dma_start3A_74 = arith.constant 0 : i32
      %dma_start3A_75 = tpu.memref_slice %arg12[%dma_start3A_73, %dma_start3A_74] : memref<128x128xf32, #tpu.memory_space<vmem>> -> memref<64x128xf32, #tpu.memory_space<vmem>>
      %dma_start3A_76 = arith.constant 0 : i32
      %dma_start3A_77 = tpu.memref_slice %arg9[%dma_start3A_72, %dma_start3A_76] : memref<40x128xi32, #tpu.memory_space<vmem>> -> memref<1x64xi32, #tpu.memory_space<vmem>>
      %dma_start3A_78 = tpu.memref_squeeze %dma_start3A_77 : memref<1x64xi32, #tpu.memory_space<vmem>> -> memref<64xi32, #tpu.memory_space<vmem>>
      %dma_start3A_79 = arith.constant 0 : i32
      %dma_start3A_80 = arith.constant 0 : i32
      %dma_start3A_81 = tpu.memref_slice %arg3[%dma_start3A_79, %dma_start3A_80] : memref<10000x128xf32, #tpu.memory_space<hbm>> -> memref<10000x128xf32, #tpu.memory_space<hbm>>
      tpu.enqueue_indirect_dma source(%dma_start3A_81 : memref<10000x128xf32, #tpu.memory_space<hbm>>) target(%dma_start3A_75 : memref<64x128xf32, #tpu.memory_space<vmem>>) offsets(%dma_start3A_78 : memref<64xi32, #tpu.memory_space<vmem>>) semaphore(%arg16 : memref<!tpu.dma_semaphore, #tpu.memory_space<semaphore_mem>>)
      %dma_start3A_82 = arith.constant 1 : i32
      %dma_start3A_83 = arith.constant 64 : i32
      %dma_start3A_84 = arith.constant 0 : i32
      %dma_start3A_85 = tpu.memref_slice %arg12[%dma_start3A_83, %dma_start3A_84] : memref<128x128xf32, #tpu.memory_space<vmem>> -> memref<64x128xf32, #tpu.memory_space<vmem>>
      %dma_start3A_86 = arith.constant 64 : i32
      %dma_start3A_87 = tpu.memref_slice %arg9[%dma_start3A_82, %dma_start3A_86] : memref<40x128xi32, #tpu.memory_space<vmem>> -> memref<1x64xi32, #tpu.memory_space<vmem>>
      %dma_start3A_88 = tpu.memref_squeeze %dma_start3A_87 : memref<1x64xi32, #tpu.memory_space<vmem>> -> memref<64xi32, #tpu.memory_space<vmem>>
      %dma_start3A_89 = arith.constant 0 : i32
      %dma_start3A_90 = arith.constant 0 : i32
      %dma_start3A_91 = tpu.memref_slice %arg3[%dma_start3A_89, %dma_start3A_90] : memref<10000x128xf32, #tpu.memory_space<hbm>> -> memref<10000x128xf32, #tpu.memory_space<hbm>>
      tpu.enqueue_indirect_dma source(%dma_start3A_91 : memref<10000x128xf32, #tpu.memory_space<hbm>>) target(%dma_start3A_85 : memref<64x128xf32, #tpu.memory_space<vmem>>) offsets(%dma_start3A_88 : memref<64xi32, #tpu.memory_space<vmem>>) semaphore(%arg17 : memref<!tpu.dma_semaphore, #tpu.memory_space<semaphore_mem>>)
      %scan3A_92 = arith.constant 0 : i32
      %scan3A_93 = arith.constant 0 : i32
      %scan3A_94 = arith.constant 20 : i32
      %scan3A_95 = arith.addi %scan3A_93, %scan3A_94 : i32
      %scan3A_96 = arith.constant 1 : i32
      scf.for %scan3A_103 = %scan3A_93 to %scan3A_95 step %scan3A_96  : i32 {
        %mul3A_104 = arith.constant 2 : i32
        %mul3A_105 = arith.muli %scan3A_103, %mul3A_104 : i32
        %add3A = arith.constant 0 : i32
        %add3A_106 = arith.addi %mul3A_105, %add3A : i32
        %dma_wait3A = arith.constant 0 : i32
        %dma_wait3A_107 = arith.constant 0 : i32
        %dma_wait3A_108 = tpu.memref_slice %arg11[%dma_wait3A, %dma_wait3A_107] : memref<128x128xf32, #tpu.memory_space<vmem>> -> memref<64x128xf32, #tpu.memory_space<vmem>>
        %dma_wait3A_109 = arith.constant 0 : i32
        %dma_wait3A_110 = tpu.memref_slice %arg9[%add3A_106, %dma_wait3A_109] : memref<40x128xi32, #tpu.memory_space<vmem>> -> memref<1x64xi32, #tpu.memory_space<vmem>>
        %dma_wait3A_111 = tpu.memref_squeeze %dma_wait3A_110 : memref<1x64xi32, #tpu.memory_space<vmem>> -> memref<64xi32, #tpu.memory_space<vmem>>
        %dma_wait3A_112 = arith.constant 0 : i32
        %dma_wait3A_113 = arith.constant 0 : i32
        %dma_wait3A_114 = tpu.memref_slice %arg3[%dma_wait3A_112, %dma_wait3A_113] : memref<10000x128xf32, #tpu.memory_space<hbm>> -> memref<10000x128xf32, #tpu.memory_space<hbm>>
        tpu.wait_indirect_dma semaphore(%arg14 : memref<!tpu.dma_semaphore, #tpu.memory_space<semaphore_mem>>) src(%dma_wait3A_114 : memref<10000x128xf32, #tpu.memory_space<hbm>>) dst(%dma_wait3A_108 : memref<64x128xf32, #tpu.memory_space<vmem>>)
        %dma_wait3A_115 = arith.constant 64 : i32
        %dma_wait3A_116 = arith.constant 0 : i32
        %dma_wait3A_117 = tpu.memref_slice %arg11[%dma_wait3A_115, %dma_wait3A_116] : memref<128x128xf32, #tpu.memory_space<vmem>> -> memref<64x128xf32, #tpu.memory_space<vmem>>
        %dma_wait3A_118 = arith.constant 64 : i32
        %dma_wait3A_119 = tpu.memref_slice %arg9[%add3A_106, %dma_wait3A_118] : memref<40x128xi32, #tpu.memory_space<vmem>> -> memref<1x64xi32, #tpu.memory_space<vmem>>
        %dma_wait3A_120 = tpu.memref_squeeze %dma_wait3A_119 : memref<1x64xi32, #tpu.memory_space<vmem>> -> memref<64xi32, #tpu.memory_space<vmem>>
        %dma_wait3A_121 = arith.constant 0 : i32
        %dma_wait3A_122 = arith.constant 0 : i32
        %dma_wait3A_123 = tpu.memref_slice %arg3[%dma_wait3A_121, %dma_wait3A_122] : memref<10000x128xf32, #tpu.memory_space<hbm>> -> memref<10000x128xf32, #tpu.memory_space<hbm>>
        tpu.wait_indirect_dma semaphore(%arg15 : memref<!tpu.dma_semaphore, #tpu.memory_space<semaphore_mem>>) src(%dma_wait3A_123 : memref<10000x128xf32, #tpu.memory_space<hbm>>) dst(%dma_wait3A_117 : memref<64x128xf32, #tpu.memory_space<vmem>>)
        "tpu.region"() ({
          %run_scoped3A = tpu.sem_alloc : memref<!tpu.dma_semaphore, #tpu.memory_space<semaphore_mem>>
          %dma_start3A_157 = arith.constant 0 : i32
          %dma_start3A_158 = tpu.memref_slice %arg10[%add3A_106, %dma_start3A_157] : memref<40x128xi32, #tpu.memory_space<vmem>> -> memref<1x128xi32, #tpu.memory_space<vmem>>
          %dma_start3A_159 = tpu.memref_squeeze %dma_start3A_158 : memref<1x128xi32, #tpu.memory_space<vmem>> -> memref<128xi32, #tpu.memory_space<vmem>>
          %dma_start3A_160 = arith.constant 0 : i32
          %dma_start3A_161 = arith.constant 0 : i32
          %dma_start3A_162 = tpu.memref_slice %arg13[%dma_start3A_160, %dma_start3A_161] : memref<10240x128xf32, #tpu.memory_space<vmem_shared>> -> memref<10240x128xf32, #tpu.memory_space<vmem_shared>>
          tpu.enqueue_indirect_dma source(%arg11 : memref<128x128xf32, #tpu.memory_space<vmem>>) target(%dma_start3A_162 : memref<10240x128xf32, #tpu.memory_space<vmem_shared>>) offsets(%dma_start3A_159 : memref<128xi32, #tpu.memory_space<vmem>>) semaphore(%run_scoped3A : memref<!tpu.dma_semaphore, #tpu.memory_space<semaphore_mem>>) {add = true}
          %dma_wait3A_163 = arith.constant 0 : i32
          %dma_wait3A_164 = tpu.memref_slice %arg10[%add3A_106, %dma_wait3A_163] : memref<40x128xi32, #tpu.memory_space<vmem>> -> memref<1x128xi32, #tpu.memory_space<vmem>>
          %dma_wait3A_165 = tpu.memref_squeeze %dma_wait3A_164 : memref<1x128xi32, #tpu.memory_space<vmem>> -> memref<128xi32, #tpu.memory_space<vmem>>
          %dma_wait3A_166 = arith.constant 0 : i32
          %dma_wait3A_167 = arith.constant 0 : i32
          %dma_wait3A_168 = tpu.memref_slice %arg13[%dma_wait3A_166, %dma_wait3A_167] : memref<10240x128xf32, #tpu.memory_space<vmem_shared>> -> memref<10240x128xf32, #tpu.memory_space<vmem_shared>>
          tpu.wait_indirect_dma semaphore(%run_scoped3A : memref<!tpu.dma_semaphore, #tpu.memory_space<semaphore_mem>>) src(%arg11 : memref<128x128xf32, #tpu.memory_space<vmem>>) dst(%dma_wait3A_168 : memref<10240x128xf32, #tpu.memory_space<vmem_shared>>)
          tpu.yield
        }) : () -> ()
        %add3A_124 = arith.constant 2 : i32
        %add3A_125 = arith.addi %add3A_106, %add3A_124 : i32
        %lt3A = arith.constant 40 : i32
        %lt3A_126 = arith.cmpi slt, %add3A_125, %lt3A : i32
        %convert_element_type3A_127 = arith.extui %lt3A_126 : i1 to i32
        %cond3A_128 = arith.constant 0 : i32
        %cond3A_129 = arith.cmpi ne, %convert_element_type3A_127, %cond3A_128 : i32
        scf.if %cond3A_129 {
          %add3A_157 = arith.constant 2 : i32
          %add3A_158 = arith.addi %add3A_106, %add3A_157 : i32
          %dma_start3A_159 = arith.constant 0 : i32
          %dma_start3A_160 = arith.constant 0 : i32
          %dma_start3A_161 = tpu.memref_slice %arg11[%dma_start3A_159, %dma_start3A_160] : memref<128x128xf32, #tpu.memory_space<vmem>> -> memref<64x128xf32, #tpu.memory_space<vmem>>
          %dma_start3A_162 = arith.constant 0 : i32
          %dma_start3A_163 = tpu.memref_slice %arg9[%add3A_158, %dma_start3A_162] : memref<40x128xi32, #tpu.memory_space<vmem>> -> memref<1x64xi32, #tpu.memory_space<vmem>>
          %dma_start3A_164 = tpu.memref_squeeze %dma_start3A_163 : memref<1x64xi32, #tpu.memory_space<vmem>> -> memref<64xi32, #tpu.memory_space<vmem>>
          %dma_start3A_165 = arith.constant 0 : i32
          %dma_start3A_166 = arith.constant 0 : i32
          %dma_start3A_167 = tpu.memref_slice %arg3[%dma_start3A_165, %dma_start3A_166] : memref<10000x128xf32, #tpu.memory_space<hbm>> -> memref<10000x128xf32, #tpu.memory_space<hbm>>
          tpu.enqueue_indirect_dma source(%dma_start3A_167 : memref<10000x128xf32, #tpu.memory_space<hbm>>) target(%dma_start3A_161 : memref<64x128xf32, #tpu.memory_space<vmem>>) offsets(%dma_start3A_164 : memref<64xi32, #tpu.memory_space<vmem>>) semaphore(%arg14 : memref<!tpu.dma_semaphore, #tpu.memory_space<semaphore_mem>>)
          %dma_start3A_168 = arith.constant 64 : i32
          %dma_start3A_169 = arith.constant 0 : i32
          %dma_start3A_170 = tpu.memref_slice %arg11[%dma_start3A_168, %dma_start3A_169] : memref<128x128xf32, #tpu.memory_space<vmem>> -> memref<64x128xf32, #tpu.memory_space<vmem>>
          %dma_start3A_171 = arith.constant 64 : i32
          %dma_start3A_172 = tpu.memref_slice %arg9[%add3A_158, %dma_start3A_171] : memref<40x128xi32, #tpu.memory_space<vmem>> -> memref<1x64xi32, #tpu.memory_space<vmem>>
          %dma_start3A_173 = tpu.memref_squeeze %dma_start3A_172 : memref<1x64xi32, #tpu.memory_space<vmem>> -> memref<64xi32, #tpu.memory_space<vmem>>
          %dma_start3A_174 = arith.constant 0 : i32
          %dma_start3A_175 = arith.constant 0 : i32
          %dma_start3A_176 = tpu.memref_slice %arg3[%dma_start3A_174, %dma_start3A_175] : memref<10000x128xf32, #tpu.memory_space<hbm>> -> memref<10000x128xf32, #tpu.memory_space<hbm>>
          tpu.enqueue_indirect_dma source(%dma_start3A_176 : memref<10000x128xf32, #tpu.memory_space<hbm>>) target(%dma_start3A_170 : memref<64x128xf32, #tpu.memory_space<vmem>>) offsets(%dma_start3A_173 : memref<64xi32, #tpu.memory_space<vmem>>) semaphore(%arg15 : memref<!tpu.dma_semaphore, #tpu.memory_space<semaphore_mem>>)
        } else {
        }
        %add3A_130 = arith.constant 1 : i32
        %add3A_131 = arith.addi %mul3A_105, %add3A_130 : i32
        %dma_wait3A_132 = arith.constant 0 : i32
        %dma_wait3A_133 = arith.constant 0 : i32
        %dma_wait3A_134 = tpu.memref_slice %arg12[%dma_wait3A_132, %dma_wait3A_133] : memref<128x128xf32, #tpu.memory_space<vmem>> -> memref<64x128xf32, #tpu.memory_space<vmem>>
        %dma_wait3A_135 = arith.constant 0 : i32
        %dma_wait3A_136 = tpu.memref_slice %arg9[%add3A_131, %dma_wait3A_135] : memref<40x128xi32, #tpu.memory_space<vmem>> -> memref<1x64xi32, #tpu.memory_space<vmem>>
        %dma_wait3A_137 = tpu.memref_squeeze %dma_wait3A_136 : memref<1x64xi32, #tpu.memory_space<vmem>> -> memref<64xi32, #tpu.memory_space<vmem>>
        %dma_wait3A_138 = arith.constant 0 : i32
        %dma_wait3A_139 = arith.constant 0 : i32
        %dma_wait3A_140 = tpu.memref_slice %arg3[%dma_wait3A_138, %dma_wait3A_139] : memref<10000x128xf32, #tpu.memory_space<hbm>> -> memref<10000x128xf32, #tpu.memory_space<hbm>>
        tpu.wait_indirect_dma semaphore(%arg16 : memref<!tpu.dma_semaphore, #tpu.memory_space<semaphore_mem>>) src(%dma_wait3A_140 : memref<10000x128xf32, #tpu.memory_space<hbm>>) dst(%dma_wait3A_134 : memref<64x128xf32, #tpu.memory_space<vmem>>)
        %dma_wait3A_141 = arith.constant 64 : i32
        %dma_wait3A_142 = arith.constant 0 : i32
        %dma_wait3A_143 = tpu.memref_slice %arg12[%dma_wait3A_141, %dma_wait3A_142] : memref<128x128xf32, #tpu.memory_space<vmem>> -> memref<64x128xf32, #tpu.memory_space<vmem>>
        %dma_wait3A_144 = arith.constant 64 : i32
        %dma_wait3A_145 = tpu.memref_slice %arg9[%add3A_131, %dma_wait3A_144] : memref<40x128xi32, #tpu.memory_space<vmem>> -> memref<1x64xi32, #tpu.memory_space<vmem>>
        %dma_wait3A_146 = tpu.memref_squeeze %dma_wait3A_145 : memref<1x64xi32, #tpu.memory_space<vmem>> -> memref<64xi32, #tpu.memory_space<vmem>>
        %dma_wait3A_147 = arith.constant 0 : i32
        %dma_wait3A_148 = arith.constant 0 : i32
        %dma_wait3A_149 = tpu.memref_slice %arg3[%dma_wait3A_147, %dma_wait3A_148] : memref<10000x128xf32, #tpu.memory_space<hbm>> -> memref<10000x128xf32, #tpu.memory_space<hbm>>
        tpu.wait_indirect_dma semaphore(%arg17 : memref<!tpu.dma_semaphore, #tpu.memory_space<semaphore_mem>>) src(%dma_wait3A_149 : memref<10000x128xf32, #tpu.memory_space<hbm>>) dst(%dma_wait3A_143 : memref<64x128xf32, #tpu.memory_space<vmem>>)
        "tpu.region"() ({
          %run_scoped3A = tpu.sem_alloc : memref<!tpu.dma_semaphore, #tpu.memory_space<semaphore_mem>>
          %dma_start3A_157 = arith.constant 0 : i32
          %dma_start3A_158 = tpu.memref_slice %arg10[%add3A_131, %dma_start3A_157] : memref<40x128xi32, #tpu.memory_space<vmem>> -> memref<1x128xi32, #tpu.memory_space<vmem>>
          %dma_start3A_159 = tpu.memref_squeeze %dma_start3A_158 : memref<1x128xi32, #tpu.memory_space<vmem>> -> memref<128xi32, #tpu.memory_space<vmem>>
          %dma_start3A_160 = arith.constant 0 : i32
          %dma_start3A_161 = arith.constant 0 : i32
          %dma_start3A_162 = tpu.memref_slice %arg13[%dma_start3A_160, %dma_start3A_161] : memref<10240x128xf32, #tpu.memory_space<vmem_shared>> -> memref<10240x128xf32, #tpu.memory_space<vmem_shared>>
          tpu.enqueue_indirect_dma source(%arg12 : memref<128x128xf32, #tpu.memory_space<vmem>>) target(%dma_start3A_162 : memref<10240x128xf32, #tpu.memory_space<vmem_shared>>) offsets(%dma_start3A_159 : memref<128xi32, #tpu.memory_space<vmem>>) semaphore(%run_scoped3A : memref<!tpu.dma_semaphore, #tpu.memory_space<semaphore_mem>>) {add = true}
          %dma_wait3A_163 = arith.constant 0 : i32
          %dma_wait3A_164 = tpu.memref_slice %arg10[%add3A_131, %dma_wait3A_163] : memref<40x128xi32, #tpu.memory_space<vmem>> -> memref<1x128xi32, #tpu.memory_space<vmem>>
          %dma_wait3A_165 = tpu.memref_squeeze %dma_wait3A_164 : memref<1x128xi32, #tpu.memory_space<vmem>> -> memref<128xi32, #tpu.memory_space<vmem>>
          %dma_wait3A_166 = arith.constant 0 : i32
          %dma_wait3A_167 = arith.constant 0 : i32
          %dma_wait3A_168 = tpu.memref_slice %arg13[%dma_wait3A_166, %dma_wait3A_167] : memref<10240x128xf32, #tpu.memory_space<vmem_shared>> -> memref<10240x128xf32, #tpu.memory_space<vmem_shared>>
          tpu.wait_indirect_dma semaphore(%run_scoped3A : memref<!tpu.dma_semaphore, #tpu.memory_space<semaphore_mem>>) src(%arg12 : memref<128x128xf32, #tpu.memory_space<vmem>>) dst(%dma_wait3A_168 : memref<10240x128xf32, #tpu.memory_space<vmem_shared>>)
          tpu.yield
        }) : () -> ()
        %add3A_150 = arith.constant 2 : i32
        %add3A_151 = arith.addi %add3A_131, %add3A_150 : i32
        %lt3A_152 = arith.constant 40 : i32
        %lt3A_153 = arith.cmpi slt, %add3A_151, %lt3A_152 : i32
        %convert_element_type3A_154 = arith.extui %lt3A_153 : i1 to i32
        %cond3A_155 = arith.constant 0 : i32
        %cond3A_156 = arith.cmpi ne, %convert_element_type3A_154, %cond3A_155 : i32
        scf.if %cond3A_156 {
          %add3A_157 = arith.constant 2 : i32
          %add3A_158 = arith.addi %add3A_131, %add3A_157 : i32
          %dma_start3A_159 = arith.constant 0 : i32
          %dma_start3A_160 = arith.constant 0 : i32
          %dma_start3A_161 = tpu.memref_slice %arg12[%dma_start3A_159, %dma_start3A_160] : memref<128x128xf32, #tpu.memory_space<vmem>> -> memref<64x128xf32, #tpu.memory_space<vmem>>
          %dma_start3A_162 = arith.constant 0 : i32
          %dma_start3A_163 = tpu.memref_slice %arg9[%add3A_158, %dma_start3A_162] : memref<40x128xi32, #tpu.memory_space<vmem>> -> memref<1x64xi32, #tpu.memory_space<vmem>>
          %dma_start3A_164 = tpu.memref_squeeze %dma_start3A_163 : memref<1x64xi32, #tpu.memory_space<vmem>> -> memref<64xi32, #tpu.memory_space<vmem>>
          %dma_start3A_165 = arith.constant 0 : i32
          %dma_start3A_166 = arith.constant 0 : i32
          %dma_start3A_167 = tpu.memref_slice %arg3[%dma_start3A_165, %dma_start3A_166] : memref<10000x128xf32, #tpu.memory_space<hbm>> -> memref<10000x128xf32, #tpu.memory_space<hbm>>
          tpu.enqueue_indirect_dma source(%dma_start3A_167 : memref<10000x128xf32, #tpu.memory_space<hbm>>) target(%dma_start3A_161 : memref<64x128xf32, #tpu.memory_space<vmem>>) offsets(%dma_start3A_164 : memref<64xi32, #tpu.memory_space<vmem>>) semaphore(%arg16 : memref<!tpu.dma_semaphore, #tpu.memory_space<semaphore_mem>>)
          %dma_start3A_168 = arith.constant 64 : i32
          %dma_start3A_169 = arith.constant 0 : i32
          %dma_start3A_170 = tpu.memref_slice %arg12[%dma_start3A_168, %dma_start3A_169] : memref<128x128xf32, #tpu.memory_space<vmem>> -> memref<64x128xf32, #tpu.memory_space<vmem>>
          %dma_start3A_171 = arith.constant 64 : i32
          %dma_start3A_172 = tpu.memref_slice %arg9[%add3A_158, %dma_start3A_171] : memref<40x128xi32, #tpu.memory_space<vmem>> -> memref<1x64xi32, #tpu.memory_space<vmem>>
          %dma_start3A_173 = tpu.memref_squeeze %dma_start3A_172 : memref<1x64xi32, #tpu.memory_space<vmem>> -> memref<64xi32, #tpu.memory_space<vmem>>
          %dma_start3A_174 = arith.constant 0 : i32
          %dma_start3A_175 = arith.constant 0 : i32
          %dma_start3A_176 = tpu.memref_slice %arg3[%dma_start3A_174, %dma_start3A_175] : memref<10000x128xf32, #tpu.memory_space<hbm>> -> memref<10000x128xf32, #tpu.memory_space<hbm>>
          tpu.enqueue_indirect_dma source(%dma_start3A_176 : memref<10000x128xf32, #tpu.memory_space<hbm>>) target(%dma_start3A_170 : memref<64x128xf32, #tpu.memory_space<vmem>>) offsets(%dma_start3A_173 : memref<64xi32, #tpu.memory_space<vmem>>) semaphore(%arg17 : memref<!tpu.dma_semaphore, #tpu.memory_space<semaphore_mem>>)
        } else {
        }
      }
      %scan3A_97 = arith.constant 20 : i32
      %barrier3A_98 = arith.constant 0 : index
      tpu.barrier barrier_id(%barrier3A_98)
      %mul3A_99 = arith.constant 640 : i32
      %mul3A_100 = arith.muli %arg1, %mul3A_99 : i32
      %mul3A_101 = arith.constant 640 : i32
      %mul3A_102 = arith.muli %arg1, %mul3A_101 : i32
      "tpu.region"() ({
        %run_scoped3A = tpu.sem_alloc : memref<!tpu.dma_semaphore, #tpu.memory_space<semaphore_mem>>
        %dma_start3A_103 = arith.constant 0 : i32
        %dma_start3A_104 = tpu.memref_slice %arg8[%mul3A_102, %dma_start3A_103] : memref<10240x128xf32, #tpu.memory_space<hbm>> -> memref<640x128xf32, #tpu.memory_space<hbm>>
        %dma_start3A_105 = arith.constant 0 : i32
        %dma_start3A_106 = tpu.memref_slice %arg13[%mul3A_100, %dma_start3A_105] : memref<10240x128xf32, #tpu.memory_space<vmem_shared>> -> memref<640x128xf32, #tpu.memory_space<vmem_shared>>
        tpu.enqueue_dma source(%dma_start3A_106 : memref<640x128xf32, #tpu.memory_space<vmem_shared>>) target(%dma_start3A_104 : memref<640x128xf32, #tpu.memory_space<hbm>>) target_semaphore(%run_scoped3A : memref<!tpu.dma_semaphore, #tpu.memory_space<semaphore_mem>>)
        %dma_wait3A = arith.constant 0 : i32
        %dma_wait3A_107 = tpu.memref_slice %arg8[%mul3A_102, %dma_wait3A] : memref<10240x128xf32, #tpu.memory_space<hbm>> -> memref<640x128xf32, #tpu.memory_space<hbm>>
        %dma_wait3A_108 = arith.constant 0 : i32
        %dma_wait3A_109 = tpu.memref_slice %arg13[%mul3A_100, %dma_wait3A_108] : memref<10240x128xf32, #tpu.memory_space<vmem_shared>> -> memref<640x128xf32, #tpu.memory_space<vmem_shared>>
        tpu.wait_dma2 semaphore(%run_scoped3A : memref<!tpu.dma_semaphore, #tpu.memory_space<semaphore_mem>>) src(%dma_wait3A_109 : memref<640x128xf32, #tpu.memory_space<vmem_shared>>) dst(%dma_wait3A_107 : memref<640x128xf32, #tpu.memory_space<hbm>>)
        tpu.yield
      }) : () -> ()
    } else {
    }
    return
  }
}

#map = affine_map<(d0, d1) -> (0, 0, 0, 0, 0)>
#map1 = affine_map<(d0, d1) -> (0, 0, 0, 0)>
#map2 = affine_map<(d0, d1) -> (0, 0)>
#map3 = affine_map<(d0, d1) -> (0, 0, 0)>
module attributes {stable_mosaic.version = 14 : i64} {
  func.func @_edge_segsum(%arg0: i32, %arg1: i32, %arg2: memref<2x16x40x128x128xf32, #tpu.memory_space<hbm>>, %arg3: memref<2x16x40x128xi32, #tpu.memory_space<hbm>>, %arg4: memref<640x128xf32, #tpu.memory_space<hbm>>, %arg5: memref<2x10240x128xf32, #tpu.memory_space<hbm>>, %arg6: memref<40x128xi32, #tpu.memory_space<vmem>>, %arg7: memref<128x128xf32, #tpu.memory_space<vmem>>, %arg8: memref<128x128xf32, #tpu.memory_space<vmem>>, %arg9: memref<10240x128xf32, #tpu.memory_space<vmem_shared>>, %arg10: memref<!tpu.dma_semaphore, #tpu.memory_space<semaphore_mem>>, %arg11: memref<!tpu.dma_semaphore, #tpu.memory_space<semaphore_mem>>, %arg12: memref<!tpu.dma_semaphore, #tpu.memory_space<semaphore_mem>>, %arg13: memref<!tpu.dma_semaphore, #tpu.memory_space<semaphore_mem>>) attributes {dimension_semantics = [#tpu.dimension_semantics<core_parallel>, #tpu.dimension_semantics<subcore_parallel>], iteration_bounds = array<i64: 2, 16>, scalar_prefetch = 0 : i64, scratch_operands = 8 : i64, tpu.core_type = #tpu.core_type<sc_vector_subcore>, window_params = [{transform_indices = #map}, {transform_indices = #map1}, {transform_indices = #map2}, {transform_indices = #map3}]} {
    %mul3A = arith.constant 640 : i32
    %mul3A_0 = arith.muli %arg1, %mul3A : i32
    "tpu.region"() ({
      %run_scoped3A = tpu.sem_alloc : memref<!tpu.dma_semaphore, #tpu.memory_space<semaphore_mem>>
      %dma_start3A_28 = arith.constant 0 : i32
      %dma_start3A_29 = tpu.memref_slice %arg9[%mul3A_0, %dma_start3A_28] : memref<10240x128xf32, #tpu.memory_space<vmem_shared>> -> memref<640x128xf32, #tpu.memory_space<vmem_shared>>
      tpu.enqueue_dma source(%arg4 : memref<640x128xf32, #tpu.memory_space<hbm>>) target(%dma_start3A_29 : memref<640x128xf32, #tpu.memory_space<vmem_shared>>) target_semaphore(%run_scoped3A : memref<!tpu.dma_semaphore, #tpu.memory_space<semaphore_mem>>)
      %dma_wait3A = arith.constant 0 : i32
      %dma_wait3A_30 = tpu.memref_slice %arg9[%mul3A_0, %dma_wait3A] : memref<10240x128xf32, #tpu.memory_space<vmem_shared>> -> memref<640x128xf32, #tpu.memory_space<vmem_shared>>
      tpu.wait_dma2 semaphore(%run_scoped3A : memref<!tpu.dma_semaphore, #tpu.memory_space<semaphore_mem>>) src(%arg4 : memref<640x128xf32, #tpu.memory_space<hbm>>) dst(%dma_wait3A_30 : memref<640x128xf32, #tpu.memory_space<vmem_shared>>)
      tpu.yield
    }) : () -> ()
    "tpu.region"() ({
      %run_scoped3A = tpu.sem_alloc : memref<!tpu.dma_semaphore, #tpu.memory_space<semaphore_mem>>
      %dma_start3A_28 = arith.constant 0 : i32
      %dma_start3A_29 = arith.constant 0 : i32
      %dma_start3A_30 = tpu.memref_slice %arg3[%arg0, %arg1, %dma_start3A_28, %dma_start3A_29] : memref<2x16x40x128xi32, #tpu.memory_space<hbm>> -> memref<1x1x40x128xi32, #tpu.memory_space<hbm>>
      %dma_start3A_31 = tpu.memref_squeeze %dma_start3A_30 : memref<1x1x40x128xi32, #tpu.memory_space<hbm>> -> memref<40x128xi32, #tpu.memory_space<hbm>>
      %dma_start3A_32 = arith.constant 0 : i32
      %dma_start3A_33 = arith.constant 0 : i32
      %dma_start3A_34 = tpu.memref_slice %arg3[%arg0, %arg1, %dma_start3A_32, %dma_start3A_33] : memref<2x16x40x128xi32, #tpu.memory_space<hbm>> -> memref<1x1x40x128xi32, #tpu.memory_space<hbm>>
      %dma_start3A_35 = tpu.memref_squeeze %dma_start3A_34 : memref<1x1x40x128xi32, #tpu.memory_space<hbm>> -> memref<40x128xi32, #tpu.memory_space<hbm>>
      tpu.enqueue_dma source(%dma_start3A_35 : memref<40x128xi32, #tpu.memory_space<hbm>>) target(%arg6 : memref<40x128xi32, #tpu.memory_space<vmem>>) target_semaphore(%run_scoped3A : memref<!tpu.dma_semaphore, #tpu.memory_space<semaphore_mem>>)
      %dma_wait3A = arith.constant 0 : i32
      %dma_wait3A_36 = arith.constant 0 : i32
      %dma_wait3A_37 = tpu.memref_slice %arg3[%arg0, %arg1, %dma_wait3A, %dma_wait3A_36] : memref<2x16x40x128xi32, #tpu.memory_space<hbm>> -> memref<1x1x40x128xi32, #tpu.memory_space<hbm>>
      %dma_wait3A_38 = tpu.memref_squeeze %dma_wait3A_37 : memref<1x1x40x128xi32, #tpu.memory_space<hbm>> -> memref<40x128xi32, #tpu.memory_space<hbm>>
      %dma_wait3A_39 = arith.constant 0 : i32
      %dma_wait3A_40 = arith.constant 0 : i32
      %dma_wait3A_41 = tpu.memref_slice %arg3[%arg0, %arg1, %dma_wait3A_39, %dma_wait3A_40] : memref<2x16x40x128xi32, #tpu.memory_space<hbm>> -> memref<1x1x40x128xi32, #tpu.memory_space<hbm>>
      %dma_wait3A_42 = tpu.memref_squeeze %dma_wait3A_41 : memref<1x1x40x128xi32, #tpu.memory_space<hbm>> -> memref<40x128xi32, #tpu.memory_space<hbm>>
      tpu.wait_dma2 semaphore(%run_scoped3A : memref<!tpu.dma_semaphore, #tpu.memory_space<semaphore_mem>>) src(%dma_wait3A_42 : memref<40x128xi32, #tpu.memory_space<hbm>>) dst(%arg6 : memref<40x128xi32, #tpu.memory_space<vmem>>)
      tpu.yield
    }) : () -> ()
    %barrier3A = arith.constant 0 : index
    tpu.barrier barrier_id(%barrier3A)
    %dma_start3A = arith.constant 0 : i32
    %dma_start3A_1 = arith.constant 0 : i32
    %dma_start3A_2 = arith.constant 0 : i32
    %dma_start3A_3 = tpu.memref_slice %arg2[%arg0, %arg1, %dma_start3A, %dma_start3A_1, %dma_start3A_2] : memref<2x16x40x128x128xf32, #tpu.memory_space<hbm>> -> memref<1x1x1x128x128xf32, #tpu.memory_space<hbm>>
    %dma_start3A_4 = tpu.memref_squeeze %dma_start3A_3 : memref<1x1x1x128x128xf32, #tpu.memory_space<hbm>> -> memref<128x128xf32, #tpu.memory_space<hbm>>
    %dma_start3A_5 = arith.constant 0 : i32
    %dma_start3A_6 = arith.constant 0 : i32
    %dma_start3A_7 = tpu.memref_slice %arg2[%arg0, %arg1, %dma_start3A, %dma_start3A_5, %dma_start3A_6] : memref<2x16x40x128x128xf32, #tpu.memory_space<hbm>> -> memref<1x1x1x128x128xf32, #tpu.memory_space<hbm>>
    %dma_start3A_8 = tpu.memref_squeeze %dma_start3A_7 : memref<1x1x1x128x128xf32, #tpu.memory_space<hbm>> -> memref<128x128xf32, #tpu.memory_space<hbm>>
    tpu.enqueue_dma source(%dma_start3A_8 : memref<128x128xf32, #tpu.memory_space<hbm>>) target(%arg7 : memref<128x128xf32, #tpu.memory_space<vmem>>) target_semaphore(%arg10 : memref<!tpu.dma_semaphore, #tpu.memory_space<semaphore_mem>>)
    %dma_start3A_9 = arith.constant 1 : i32
    %dma_start3A_10 = arith.constant 0 : i32
    %dma_start3A_11 = arith.constant 0 : i32
    %dma_start3A_12 = tpu.memref_slice %arg2[%arg0, %arg1, %dma_start3A_9, %dma_start3A_10, %dma_start3A_11] : memref<2x16x40x128x128xf32, #tpu.memory_space<hbm>> -> memref<1x1x1x128x128xf32, #tpu.memory_space<hbm>>
    %dma_start3A_13 = tpu.memref_squeeze %dma_start3A_12 : memref<1x1x1x128x128xf32, #tpu.memory_space<hbm>> -> memref<128x128xf32, #tpu.memory_space<hbm>>
    %dma_start3A_14 = arith.constant 0 : i32
    %dma_start3A_15 = arith.constant 0 : i32
    %dma_start3A_16 = tpu.memref_slice %arg2[%arg0, %arg1, %dma_start3A_9, %dma_start3A_14, %dma_start3A_15] : memref<2x16x40x128x128xf32, #tpu.memory_space<hbm>> -> memref<1x1x1x128x128xf32, #tpu.memory_space<hbm>>
    %dma_start3A_17 = tpu.memref_squeeze %dma_start3A_16 : memref<1x1x1x128x128xf32, #tpu.memory_space<hbm>> -> memref<128x128xf32, #tpu.memory_space<hbm>>
    tpu.enqueue_dma source(%dma_start3A_17 : memref<128x128xf32, #tpu.memory_space<hbm>>) target(%arg8 : memref<128x128xf32, #tpu.memory_space<vmem>>) target_semaphore(%arg11 : memref<!tpu.dma_semaphore, #tpu.memory_space<semaphore_mem>>)
    %scan3A = arith.constant 0 : i32
    %scan3A_18 = arith.constant 0 : i32
    %scan3A_19 = arith.constant 20 : i32
    %scan3A_20 = arith.addi %scan3A_18, %scan3A_19 : i32
    %scan3A_21 = arith.constant 1 : i32
    scf.for %scan3A_28 = %scan3A_18 to %scan3A_20 step %scan3A_21  : i32 {
      %mul3A_29 = arith.constant 2 : i32
      %mul3A_30 = arith.muli %scan3A_28, %mul3A_29 : i32
      %add3A = arith.constant 0 : i32
      %add3A_31 = arith.addi %mul3A_30, %add3A : i32
      %dma_wait3A = arith.constant 0 : i32
      %dma_wait3A_32 = arith.constant 0 : i32
      %dma_wait3A_33 = tpu.memref_slice %arg2[%arg0, %arg1, %add3A_31, %dma_wait3A, %dma_wait3A_32] : memref<2x16x40x128x128xf32, #tpu.memory_space<hbm>> -> memref<1x1x1x128x128xf32, #tpu.memory_space<hbm>>
      %dma_wait3A_34 = tpu.memref_squeeze %dma_wait3A_33 : memref<1x1x1x128x128xf32, #tpu.memory_space<hbm>> -> memref<128x128xf32, #tpu.memory_space<hbm>>
      %dma_wait3A_35 = arith.constant 0 : i32
      %dma_wait3A_36 = arith.constant 0 : i32
      %dma_wait3A_37 = tpu.memref_slice %arg2[%arg0, %arg1, %add3A_31, %dma_wait3A_35, %dma_wait3A_36] : memref<2x16x40x128x128xf32, #tpu.memory_space<hbm>> -> memref<1x1x1x128x128xf32, #tpu.memory_space<hbm>>
      %dma_wait3A_38 = tpu.memref_squeeze %dma_wait3A_37 : memref<1x1x1x128x128xf32, #tpu.memory_space<hbm>> -> memref<128x128xf32, #tpu.memory_space<hbm>>
      tpu.wait_dma2 semaphore(%arg10 : memref<!tpu.dma_semaphore, #tpu.memory_space<semaphore_mem>>) src(%dma_wait3A_38 : memref<128x128xf32, #tpu.memory_space<hbm>>) dst(%arg7 : memref<128x128xf32, #tpu.memory_space<vmem>>)
      %dma_start3A_39 = arith.constant 0 : i32
      %dma_start3A_40 = tpu.memref_slice %arg6[%add3A_31, %dma_start3A_39] : memref<40x128xi32, #tpu.memory_space<vmem>> -> memref<1x128xi32, #tpu.memory_space<vmem>>
      %dma_start3A_41 = tpu.memref_squeeze %dma_start3A_40 : memref<1x128xi32, #tpu.memory_space<vmem>> -> memref<128xi32, #tpu.memory_space<vmem>>
      %dma_start3A_42 = arith.constant 0 : i32
      %dma_start3A_43 = arith.constant 0 : i32
      %dma_start3A_44 = tpu.memref_slice %arg9[%dma_start3A_42, %dma_start3A_43] : memref<10240x128xf32, #tpu.memory_space<vmem_shared>> -> memref<10240x128xf32, #tpu.memory_space<vmem_shared>>
      tpu.enqueue_indirect_dma source(%arg7 : memref<128x128xf32, #tpu.memory_space<vmem>>) target(%dma_start3A_44 : memref<10240x128xf32, #tpu.memory_space<vmem_shared>>) offsets(%dma_start3A_41 : memref<128xi32, #tpu.memory_space<vmem>>) semaphore(%arg12 : memref<!tpu.dma_semaphore, #tpu.memory_space<semaphore_mem>>) {add = true}
      %add3A_45 = arith.constant 1 : i32
      %add3A_46 = arith.addi %mul3A_30, %add3A_45 : i32
      %dma_wait3A_47 = arith.constant 0 : i32
      %dma_wait3A_48 = arith.constant 0 : i32
      %dma_wait3A_49 = tpu.memref_slice %arg2[%arg0, %arg1, %add3A_46, %dma_wait3A_47, %dma_wait3A_48] : memref<2x16x40x128x128xf32, #tpu.memory_space<hbm>> -> memref<1x1x1x128x128xf32, #tpu.memory_space<hbm>>
      %dma_wait3A_50 = tpu.memref_squeeze %dma_wait3A_49 : memref<1x1x1x128x128xf32, #tpu.memory_space<hbm>> -> memref<128x128xf32, #tpu.memory_space<hbm>>
      %dma_wait3A_51 = arith.constant 0 : i32
      %dma_wait3A_52 = arith.constant 0 : i32
      %dma_wait3A_53 = tpu.memref_slice %arg2[%arg0, %arg1, %add3A_46, %dma_wait3A_51, %dma_wait3A_52] : memref<2x16x40x128x128xf32, #tpu.memory_space<hbm>> -> memref<1x1x1x128x128xf32, #tpu.memory_space<hbm>>
      %dma_wait3A_54 = tpu.memref_squeeze %dma_wait3A_53 : memref<1x1x1x128x128xf32, #tpu.memory_space<hbm>> -> memref<128x128xf32, #tpu.memory_space<hbm>>
      tpu.wait_dma2 semaphore(%arg11 : memref<!tpu.dma_semaphore, #tpu.memory_space<semaphore_mem>>) src(%dma_wait3A_54 : memref<128x128xf32, #tpu.memory_space<hbm>>) dst(%arg8 : memref<128x128xf32, #tpu.memory_space<vmem>>)
      %dma_start3A_55 = arith.constant 0 : i32
      %dma_start3A_56 = tpu.memref_slice %arg6[%add3A_46, %dma_start3A_55] : memref<40x128xi32, #tpu.memory_space<vmem>> -> memref<1x128xi32, #tpu.memory_space<vmem>>
      %dma_start3A_57 = tpu.memref_squeeze %dma_start3A_56 : memref<1x128xi32, #tpu.memory_space<vmem>> -> memref<128xi32, #tpu.memory_space<vmem>>
      %dma_start3A_58 = arith.constant 0 : i32
      %dma_start3A_59 = arith.constant 0 : i32
      %dma_start3A_60 = tpu.memref_slice %arg9[%dma_start3A_58, %dma_start3A_59] : memref<10240x128xf32, #tpu.memory_space<vmem_shared>> -> memref<10240x128xf32, #tpu.memory_space<vmem_shared>>
      tpu.enqueue_indirect_dma source(%arg8 : memref<128x128xf32, #tpu.memory_space<vmem>>) target(%dma_start3A_60 : memref<10240x128xf32, #tpu.memory_space<vmem_shared>>) offsets(%dma_start3A_57 : memref<128xi32, #tpu.memory_space<vmem>>) semaphore(%arg13 : memref<!tpu.dma_semaphore, #tpu.memory_space<semaphore_mem>>) {add = true}
      %add3A_61 = arith.constant 0 : i32
      %add3A_62 = arith.addi %mul3A_30, %add3A_61 : i32
      %dma_wait3A_63 = arith.constant 0 : i32
      %dma_wait3A_64 = tpu.memref_slice %arg6[%add3A_62, %dma_wait3A_63] : memref<40x128xi32, #tpu.memory_space<vmem>> -> memref<1x128xi32, #tpu.memory_space<vmem>>
      %dma_wait3A_65 = tpu.memref_squeeze %dma_wait3A_64 : memref<1x128xi32, #tpu.memory_space<vmem>> -> memref<128xi32, #tpu.memory_space<vmem>>
      %dma_wait3A_66 = arith.constant 0 : i32
      %dma_wait3A_67 = arith.constant 0 : i32
      %dma_wait3A_68 = tpu.memref_slice %arg9[%dma_wait3A_66, %dma_wait3A_67] : memref<10240x128xf32, #tpu.memory_space<vmem_shared>> -> memref<10240x128xf32, #tpu.memory_space<vmem_shared>>
      tpu.wait_indirect_dma semaphore(%arg12 : memref<!tpu.dma_semaphore, #tpu.memory_space<semaphore_mem>>) src(%arg7 : memref<128x128xf32, #tpu.memory_space<vmem>>) dst(%dma_wait3A_68 : memref<10240x128xf32, #tpu.memory_space<vmem_shared>>)
      %add3A_69 = arith.constant 2 : i32
      %add3A_70 = arith.addi %add3A_62, %add3A_69 : i32
      %lt3A = arith.constant 40 : i32
      %lt3A_71 = arith.cmpi slt, %add3A_70, %lt3A : i32
      %convert_element_type3A = arith.extui %lt3A_71 : i1 to i32
      %cond3A = arith.constant 0 : i32
      %cond3A_72 = arith.cmpi ne, %convert_element_type3A, %cond3A : i32
      scf.if %cond3A_72 {
        %add3A_88 = arith.constant 2 : i32
        %add3A_89 = arith.addi %add3A_62, %add3A_88 : i32
        %dma_start3A_90 = arith.constant 0 : i32
        %dma_start3A_91 = arith.constant 0 : i32
        %dma_start3A_92 = tpu.memref_slice %arg2[%arg0, %arg1, %add3A_89, %dma_start3A_90, %dma_start3A_91] : memref<2x16x40x128x128xf32, #tpu.memory_space<hbm>> -> memref<1x1x1x128x128xf32, #tpu.memory_space<hbm>>
        %dma_start3A_93 = tpu.memref_squeeze %dma_start3A_92 : memref<1x1x1x128x128xf32, #tpu.memory_space<hbm>> -> memref<128x128xf32, #tpu.memory_space<hbm>>
        %dma_start3A_94 = arith.constant 0 : i32
        %dma_start3A_95 = arith.constant 0 : i32
        %dma_start3A_96 = tpu.memref_slice %arg2[%arg0, %arg1, %add3A_89, %dma_start3A_94, %dma_start3A_95] : memref<2x16x40x128x128xf32, #tpu.memory_space<hbm>> -> memref<1x1x1x128x128xf32, #tpu.memory_space<hbm>>
        %dma_start3A_97 = tpu.memref_squeeze %dma_start3A_96 : memref<1x1x1x128x128xf32, #tpu.memory_space<hbm>> -> memref<128x128xf32, #tpu.memory_space<hbm>>
        tpu.enqueue_dma source(%dma_start3A_97 : memref<128x128xf32, #tpu.memory_space<hbm>>) target(%arg7 : memref<128x128xf32, #tpu.memory_space<vmem>>) target_semaphore(%arg10 : memref<!tpu.dma_semaphore, #tpu.memory_space<semaphore_mem>>)
      } else {
      }
      %add3A_73 = arith.constant 1 : i32
      %add3A_74 = arith.addi %mul3A_30, %add3A_73 : i32
      %dma_wait3A_75 = arith.constant 0 : i32
      %dma_wait3A_76 = tpu.memref_slice %arg6[%add3A_74, %dma_wait3A_75] : memref<40x128xi32, #tpu.memory_space<vmem>> -> memref<1x128xi32, #tpu.memory_space<vmem>>
      %dma_wait3A_77 = tpu.memref_squeeze %dma_wait3A_76 : memref<1x128xi32, #tpu.memory_space<vmem>> -> memref<128xi32, #tpu.memory_space<vmem>>
      %dma_wait3A_78 = arith.constant 0 : i32
      %dma_wait3A_79 = arith.constant 0 : i32
      %dma_wait3A_80 = tpu.memref_slice %arg9[%dma_wait3A_78, %dma_wait3A_79] : memref<10240x128xf32, #tpu.memory_space<vmem_shared>> -> memref<10240x128xf32, #tpu.memory_space<vmem_shared>>
      tpu.wait_indirect_dma semaphore(%arg13 : memref<!tpu.dma_semaphore, #tpu.memory_space<semaphore_mem>>) src(%arg8 : memref<128x128xf32, #tpu.memory_space<vmem>>) dst(%dma_wait3A_80 : memref<10240x128xf32, #tpu.memory_space<vmem_shared>>)
      %add3A_81 = arith.constant 2 : i32
      %add3A_82 = arith.addi %add3A_74, %add3A_81 : i32
      %lt3A_83 = arith.constant 40 : i32
      %lt3A_84 = arith.cmpi slt, %add3A_82, %lt3A_83 : i32
      %convert_element_type3A_85 = arith.extui %lt3A_84 : i1 to i32
      %cond3A_86 = arith.constant 0 : i32
      %cond3A_87 = arith.cmpi ne, %convert_element_type3A_85, %cond3A_86 : i32
      scf.if %cond3A_87 {
        %add3A_88 = arith.constant 2 : i32
        %add3A_89 = arith.addi %add3A_74, %add3A_88 : i32
        %dma_start3A_90 = arith.constant 0 : i32
        %dma_start3A_91 = arith.constant 0 : i32
        %dma_start3A_92 = tpu.memref_slice %arg2[%arg0, %arg1, %add3A_89, %dma_start3A_90, %dma_start3A_91] : memref<2x16x40x128x128xf32, #tpu.memory_space<hbm>> -> memref<1x1x1x128x128xf32, #tpu.memory_space<hbm>>
        %dma_start3A_93 = tpu.memref_squeeze %dma_start3A_92 : memref<1x1x1x128x128xf32, #tpu.memory_space<hbm>> -> memref<128x128xf32, #tpu.memory_space<hbm>>
        %dma_start3A_94 = arith.constant 0 : i32
        %dma_start3A_95 = arith.constant 0 : i32
        %dma_start3A_96 = tpu.memref_slice %arg2[%arg0, %arg1, %add3A_89, %dma_start3A_94, %dma_start3A_95] : memref<2x16x40x128x128xf32, #tpu.memory_space<hbm>> -> memref<1x1x1x128x128xf32, #tpu.memory_space<hbm>>
        %dma_start3A_97 = tpu.memref_squeeze %dma_start3A_96 : memref<1x1x1x128x128xf32, #tpu.memory_space<hbm>> -> memref<128x128xf32, #tpu.memory_space<hbm>>
        tpu.enqueue_dma source(%dma_start3A_97 : memref<128x128xf32, #tpu.memory_space<hbm>>) target(%arg8 : memref<128x128xf32, #tpu.memory_space<vmem>>) target_semaphore(%arg11 : memref<!tpu.dma_semaphore, #tpu.memory_space<semaphore_mem>>)
      } else {
      }
    }
    %scan3A_22 = arith.constant 20 : i32
    %barrier3A_23 = arith.constant 0 : index
    tpu.barrier barrier_id(%barrier3A_23)
    %mul3A_24 = arith.constant 640 : i32
    %mul3A_25 = arith.muli %arg1, %mul3A_24 : i32
    %mul3A_26 = arith.constant 640 : i32
    %mul3A_27 = arith.muli %arg1, %mul3A_26 : i32
    "tpu.region"() ({
      %run_scoped3A = tpu.sem_alloc : memref<!tpu.dma_semaphore, #tpu.memory_space<semaphore_mem>>
      %dma_start3A_28 = arith.constant 0 : i32
      %dma_start3A_29 = tpu.memref_slice %arg5[%arg0, %mul3A_27, %dma_start3A_28] : memref<2x10240x128xf32, #tpu.memory_space<hbm>> -> memref<1x640x128xf32, #tpu.memory_space<hbm>>
      %dma_start3A_30 = tpu.memref_squeeze %dma_start3A_29 : memref<1x640x128xf32, #tpu.memory_space<hbm>> -> memref<640x128xf32, #tpu.memory_space<hbm>>
      %dma_start3A_31 = arith.constant 0 : i32
      %dma_start3A_32 = tpu.memref_slice %arg9[%mul3A_25, %dma_start3A_31] : memref<10240x128xf32, #tpu.memory_space<vmem_shared>> -> memref<640x128xf32, #tpu.memory_space<vmem_shared>>
      tpu.enqueue_dma source(%dma_start3A_32 : memref<640x128xf32, #tpu.memory_space<vmem_shared>>) target(%dma_start3A_30 : memref<640x128xf32, #tpu.memory_space<hbm>>) target_semaphore(%run_scoped3A : memref<!tpu.dma_semaphore, #tpu.memory_space<semaphore_mem>>)
      %dma_wait3A = arith.constant 0 : i32
      %dma_wait3A_33 = tpu.memref_slice %arg5[%arg0, %mul3A_27, %dma_wait3A] : memref<2x10240x128xf32, #tpu.memory_space<hbm>> -> memref<1x640x128xf32, #tpu.memory_space<hbm>>
      %dma_wait3A_34 = tpu.memref_squeeze %dma_wait3A_33 : memref<1x640x128xf32, #tpu.memory_space<hbm>> -> memref<640x128xf32, #tpu.memory_space<hbm>>
      %dma_wait3A_35 = arith.constant 0 : i32
      %dma_wait3A_36 = tpu.memref_slice %arg9[%mul3A_25, %dma_wait3A_35] : memref<10240x128xf32, #tpu.memory_space<vmem_shared>> -> memref<640x128xf32, #tpu.memory_space<vmem_shared>>
      tpu.wait_dma2 semaphore(%run_scoped3A : memref<!tpu.dma_semaphore, #tpu.memory_space<semaphore_mem>>) src(%dma_wait3A_36 : memref<640x128xf32, #tpu.memory_space<vmem_shared>>) dst(%dma_wait3A_34 : memref<640x128xf32, #tpu.memory_space<hbm>>)
      tpu.yield
    }) : () -> ()
    return
  }
}

#map = affine_map<(d0, d1) -> (0, 0)>
#map1 = affine_map<(d0, d1) -> (0, 0, 0)>
module attributes {stable_mosaic.version = 14 : i64} {
  func.func @_gather_segsum(%arg0: i32, %arg1: i32, %arg2: memref<10000x128xf32, #tpu.memory_space<hbm>>, %arg3: memref<10000x128xf32, #tpu.memory_space<hbm>>, %arg4: memref<16x80x128xi32, #tpu.memory_space<hbm>>, %arg5: memref<16x80x128xi32, #tpu.memory_space<hbm>>, %arg6: memref<640x128xf32, #tpu.memory_space<hbm>>, %arg7: memref<10240x128xf32, #tpu.memory_space<hbm>>, %arg8: memref<10240x128xf32, #tpu.memory_space<hbm>>, %arg9: memref<40x128xi32, #tpu.memory_space<vmem>>, %arg10: memref<40x128xi32, #tpu.memory_space<vmem>>, %arg11: memref<128x128xf32, #tpu.memory_space<vmem>>, %arg12: memref<128x128xf32, #tpu.memory_space<vmem>>, %arg13: memref<10240x128xf32, #tpu.memory_space<vmem_shared>>, %arg14: memref<!tpu.dma_semaphore, #tpu.memory_space<semaphore_mem>>, %arg15: memref<!tpu.dma_semaphore, #tpu.memory_space<semaphore_mem>>, %arg16: memref<!tpu.dma_semaphore, #tpu.memory_space<semaphore_mem>>, %arg17: memref<!tpu.dma_semaphore, #tpu.memory_space<semaphore_mem>>) attributes {dimension_semantics = [#tpu.dimension_semantics<core_parallel>, #tpu.dimension_semantics<subcore_parallel>], iteration_bounds = array<i64: 2, 16>, scalar_prefetch = 0 : i64, scratch_operands = 9 : i64, tpu.core_type = #tpu.core_type<sc_vector_subcore>, window_params = [{transform_indices = #map}, {transform_indices = #map}, {transform_indices = #map1}, {transform_indices = #map1}, {transform_indices = #map}, {transform_indices = #map}, {transform_indices = #map}]} {
    %mul3A = arith.constant 640 : i32
    %mul3A_0 = arith.muli %arg1, %mul3A : i32
    "tpu.region"() ({
      %run_scoped3A = tpu.sem_alloc : memref<!tpu.dma_semaphore, #tpu.memory_space<semaphore_mem>>
      %dma_start3A = arith.constant 0 : i32
      %dma_start3A_8 = tpu.memref_slice %arg13[%mul3A_0, %dma_start3A] : memref<10240x128xf32, #tpu.memory_space<vmem_shared>> -> memref<640x128xf32, #tpu.memory_space<vmem_shared>>
      tpu.enqueue_dma source(%arg6 : memref<640x128xf32, #tpu.memory_space<hbm>>) target(%dma_start3A_8 : memref<640x128xf32, #tpu.memory_space<vmem_shared>>) target_semaphore(%run_scoped3A : memref<!tpu.dma_semaphore, #tpu.memory_space<semaphore_mem>>)
      %dma_wait3A = arith.constant 0 : i32
      %dma_wait3A_9 = tpu.memref_slice %arg13[%mul3A_0, %dma_wait3A] : memref<10240x128xf32, #tpu.memory_space<vmem_shared>> -> memref<640x128xf32, #tpu.memory_space<vmem_shared>>
      tpu.wait_dma2 semaphore(%run_scoped3A : memref<!tpu.dma_semaphore, #tpu.memory_space<semaphore_mem>>) src(%arg6 : memref<640x128xf32, #tpu.memory_space<hbm>>) dst(%dma_wait3A_9 : memref<640x128xf32, #tpu.memory_space<vmem_shared>>)
      tpu.yield
    }) : () -> ()
    %barrier3A = arith.constant 0 : index
    tpu.barrier barrier_id(%barrier3A)
    %eq3A = arith.constant 0 : i32
    %eq3A_1 = arith.cmpi eq, %arg0, %eq3A : i32
    %convert_element_type3A = arith.extui %eq3A_1 : i1 to i32
    %cond3A = arith.constant 0 : i32
    %cond3A_2 = arith.cmpi ne, %convert_element_type3A, %cond3A : i32
    scf.if %cond3A_2 {
      "tpu.region"() ({
        %run_scoped3A = tpu.sem_alloc : memref<!tpu.dma_semaphore, #tpu.memory_space<semaphore_mem>>
        %dma_start3A_103 = arith.constant 0 : i32
        %dma_start3A_104 = arith.constant 0 : i32
        %dma_start3A_105 = tpu.memref_slice %arg4[%arg1, %dma_start3A_103, %dma_start3A_104] : memref<16x80x128xi32, #tpu.memory_space<hbm>> -> memref<1x40x128xi32, #tpu.memory_space<hbm>>
        %dma_start3A_106 = tpu.memref_squeeze %dma_start3A_105 : memref<1x40x128xi32, #tpu.memory_space<hbm>> -> memref<40x128xi32, #tpu.memory_space<hbm>>
        %dma_start3A_107 = arith.constant 0 : i32
        %dma_start3A_108 = arith.constant 0 : i32
        %dma_start3A_109 = tpu.memref_slice %arg4[%arg1, %dma_start3A_107, %dma_start3A_108] : memref<16x80x128xi32, #tpu.memory_space<hbm>> -> memref<1x40x128xi32, #tpu.memory_space<hbm>>
        %dma_start3A_110 = tpu.memref_squeeze %dma_start3A_109 : memref<1x40x128xi32, #tpu.memory_space<hbm>> -> memref<40x128xi32, #tpu.memory_space<hbm>>
        tpu.enqueue_dma source(%dma_start3A_110 : memref<40x128xi32, #tpu.memory_space<hbm>>) target(%arg9 : memref<40x128xi32, #tpu.memory_space<vmem>>) target_semaphore(%run_scoped3A : memref<!tpu.dma_semaphore, #tpu.memory_space<semaphore_mem>>)
        %dma_wait3A = arith.constant 0 : i32
        %dma_wait3A_111 = arith.constant 0 : i32
        %dma_wait3A_112 = tpu.memref_slice %arg4[%arg1, %dma_wait3A, %dma_wait3A_111] : memref<16x80x128xi32, #tpu.memory_space<hbm>> -> memref<1x40x128xi32, #tpu.memory_space<hbm>>
        %dma_wait3A_113 = tpu.memref_squeeze %dma_wait3A_112 : memref<1x40x128xi32, #tpu.memory_space<hbm>> -> memref<40x128xi32, #tpu.memory_space<hbm>>
        %dma_wait3A_114 = arith.constant 0 : i32
        %dma_wait3A_115 = arith.constant 0 : i32
        %dma_wait3A_116 = tpu.memref_slice %arg4[%arg1, %dma_wait3A_114, %dma_wait3A_115] : memref<16x80x128xi32, #tpu.memory_space<hbm>> -> memref<1x40x128xi32, #tpu.memory_space<hbm>>
        %dma_wait3A_117 = tpu.memref_squeeze %dma_wait3A_116 : memref<1x40x128xi32, #tpu.memory_space<hbm>> -> memref<40x128xi32, #tpu.memory_space<hbm>>
        tpu.wait_dma2 semaphore(%run_scoped3A : memref<!tpu.dma_semaphore, #tpu.memory_space<semaphore_mem>>) src(%dma_wait3A_117 : memref<40x128xi32, #tpu.memory_space<hbm>>) dst(%arg9 : memref<40x128xi32, #tpu.memory_space<vmem>>)
        tpu.yield
      }) : () -> ()
      "tpu.region"() ({
        %run_scoped3A = tpu.sem_alloc : memref<!tpu.dma_semaphore, #tpu.memory_space<semaphore_mem>>
        %dma_start3A_103 = arith.constant 0 : i32
        %dma_start3A_104 = arith.constant 0 : i32
        %dma_start3A_105 = tpu.memref_slice %arg5[%arg1, %dma_start3A_103, %dma_start3A_104] : memref<16x80x128xi32, #tpu.memory_space<hbm>> -> memref<1x40x128xi32, #tpu.memory_space<hbm>>
        %dma_start3A_106 = tpu.memref_squeeze %dma_start3A_105 : memref<1x40x128xi32, #tpu.memory_space<hbm>> -> memref<40x128xi32, #tpu.memory_space<hbm>>
        %dma_start3A_107 = arith.constant 0 : i32
        %dma_start3A_108 = arith.constant 0 : i32
        %dma_start3A_109 = tpu.memref_slice %arg5[%arg1, %dma_start3A_107, %dma_start3A_108] : memref<16x80x128xi32, #tpu.memory_space<hbm>> -> memref<1x40x128xi32, #tpu.memory_space<hbm>>
        %dma_start3A_110 = tpu.memref_squeeze %dma_start3A_109 : memref<1x40x128xi32, #tpu.memory_space<hbm>> -> memref<40x128xi32, #tpu.memory_space<hbm>>
        tpu.enqueue_dma source(%dma_start3A_110 : memref<40x128xi32, #tpu.memory_space<hbm>>) target(%arg10 : memref<40x128xi32, #tpu.memory_space<vmem>>) target_semaphore(%run_scoped3A : memref<!tpu.dma_semaphore, #tpu.memory_space<semaphore_mem>>)
        %dma_wait3A = arith.constant 0 : i32
        %dma_wait3A_111 = arith.constant 0 : i32
        %dma_wait3A_112 = tpu.memref_slice %arg5[%arg1, %dma_wait3A, %dma_wait3A_111] : memref<16x80x128xi32, #tpu.memory_space<hbm>> -> memref<1x40x128xi32, #tpu.memory_space<hbm>>
        %dma_wait3A_113 = tpu.memref_squeeze %dma_wait3A_112 : memref<1x40x128xi32, #tpu.memory_space<hbm>> -> memref<40x128xi32, #tpu.memory_space<hbm>>
        %dma_wait3A_114 = arith.constant 0 : i32
        %dma_wait3A_115 = arith.constant 0 : i32
        %dma_wait3A_116 = tpu.memref_slice %arg5[%arg1, %dma_wait3A_114, %dma_wait3A_115] : memref<16x80x128xi32, #tpu.memory_space<hbm>> -> memref<1x40x128xi32, #tpu.memory_space<hbm>>
        %dma_wait3A_117 = tpu.memref_squeeze %dma_wait3A_116 : memref<1x40x128xi32, #tpu.memory_space<hbm>> -> memref<40x128xi32, #tpu.memory_space<hbm>>
        tpu.wait_dma2 semaphore(%run_scoped3A : memref<!tpu.dma_semaphore, #tpu.memory_space<semaphore_mem>>) src(%dma_wait3A_117 : memref<40x128xi32, #tpu.memory_space<hbm>>) dst(%arg10 : memref<40x128xi32, #tpu.memory_space<vmem>>)
        tpu.yield
      }) : () -> ()
      %dma_start3A = arith.constant 0 : i32
      %dma_start3A_8 = arith.constant 0 : i32
      %dma_start3A_9 = arith.constant 0 : i32
      %dma_start3A_10 = tpu.memref_slice %arg11[%dma_start3A_8, %dma_start3A_9] : memref<128x128xf32, #tpu.memory_space<vmem>> -> memref<64x128xf32, #tpu.memory_space<vmem>>
      %dma_start3A_11 = arith.constant 0 : i32
      %dma_start3A_12 = tpu.memref_slice %arg9[%dma_start3A, %dma_start3A_11] : memref<40x128xi32, #tpu.memory_space<vmem>> -> memref<1x64xi32, #tpu.memory_space<vmem>>
      %dma_start3A_13 = tpu.memref_squeeze %dma_start3A_12 : memref<1x64xi32, #tpu.memory_space<vmem>> -> memref<64xi32, #tpu.memory_space<vmem>>
      %dma_start3A_14 = arith.constant 0 : i32
      %dma_start3A_15 = arith.constant 0 : i32
      %dma_start3A_16 = tpu.memref_slice %arg2[%dma_start3A_14, %dma_start3A_15] : memref<10000x128xf32, #tpu.memory_space<hbm>> -> memref<10000x128xf32, #tpu.memory_space<hbm>>
      tpu.enqueue_indirect_dma source(%dma_start3A_16 : memref<10000x128xf32, #tpu.memory_space<hbm>>) target(%dma_start3A_10 : memref<64x128xf32, #tpu.memory_space<vmem>>) offsets(%dma_start3A_13 : memref<64xi32, #tpu.memory_space<vmem>>) semaphore(%arg14 : memref<!tpu.dma_semaphore, #tpu.memory_space<semaphore_mem>>)
      %dma_start3A_17 = arith.constant 0 : i32
      %dma_start3A_18 = arith.constant 64 : i32
      %dma_start3A_19 = arith.constant 0 : i32
      %dma_start3A_20 = tpu.memref_slice %arg11[%dma_start3A_18, %dma_start3A_19] : memref<128x128xf32, #tpu.memory_space<vmem>> -> memref<64x128xf32, #tpu.memory_space<vmem>>
      %dma_start3A_21 = arith.constant 64 : i32
      %dma_start3A_22 = tpu.memref_slice %arg9[%dma_start3A_17, %dma_start3A_21] : memref<40x128xi32, #tpu.memory_space<vmem>> -> memref<1x64xi32, #tpu.memory_space<vmem>>
      %dma_start3A_23 = tpu.memref_squeeze %dma_start3A_22 : memref<1x64xi32, #tpu.memory_space<vmem>> -> memref<64xi32, #tpu.memory_space<vmem>>
      %dma_start3A_24 = arith.constant 0 : i32
      %dma_start3A_25 = arith.constant 0 : i32
      %dma_start3A_26 = tpu.memref_slice %arg2[%dma_start3A_24, %dma_start3A_25] : memref<10000x128xf32, #tpu.memory_space<hbm>> -> memref<10000x128xf32, #tpu.memory_space<hbm>>
      tpu.enqueue_indirect_dma source(%dma_start3A_26 : memref<10000x128xf32, #tpu.memory_space<hbm>>) target(%dma_start3A_20 : memref<64x128xf32, #tpu.memory_space<vmem>>) offsets(%dma_start3A_23 : memref<64xi32, #tpu.memory_space<vmem>>) semaphore(%arg15 : memref<!tpu.dma_semaphore, #tpu.memory_space<semaphore_mem>>)
      %dma_start3A_27 = arith.constant 1 : i32
      %dma_start3A_28 = arith.constant 0 : i32
      %dma_start3A_29 = arith.constant 0 : i32
      %dma_start3A_30 = tpu.memref_slice %arg12[%dma_start3A_28, %dma_start3A_29] : memref<128x128xf32, #tpu.memory_space<vmem>> -> memref<64x128xf32, #tpu.memory_space<vmem>>
      %dma_start3A_31 = arith.constant 0 : i32
      %dma_start3A_32 = tpu.memref_slice %arg9[%dma_start3A_27, %dma_start3A_31] : memref<40x128xi32, #tpu.memory_space<vmem>> -> memref<1x64xi32, #tpu.memory_space<vmem>>
      %dma_start3A_33 = tpu.memref_squeeze %dma_start3A_32 : memref<1x64xi32, #tpu.memory_space<vmem>> -> memref<64xi32, #tpu.memory_space<vmem>>
      %dma_start3A_34 = arith.constant 0 : i32
      %dma_start3A_35 = arith.constant 0 : i32
      %dma_start3A_36 = tpu.memref_slice %arg2[%dma_start3A_34, %dma_start3A_35] : memref<10000x128xf32, #tpu.memory_space<hbm>> -> memref<10000x128xf32, #tpu.memory_space<hbm>>
      tpu.enqueue_indirect_dma source(%dma_start3A_36 : memref<10000x128xf32, #tpu.memory_space<hbm>>) target(%dma_start3A_30 : memref<64x128xf32, #tpu.memory_space<vmem>>) offsets(%dma_start3A_33 : memref<64xi32, #tpu.memory_space<vmem>>) semaphore(%arg16 : memref<!tpu.dma_semaphore, #tpu.memory_space<semaphore_mem>>)
      %dma_start3A_37 = arith.constant 1 : i32
      %dma_start3A_38 = arith.constant 64 : i32
      %dma_start3A_39 = arith.constant 0 : i32
      %dma_start3A_40 = tpu.memref_slice %arg12[%dma_start3A_38, %dma_start3A_39] : memref<128x128xf32, #tpu.memory_space<vmem>> -> memref<64x128xf32, #tpu.memory_space<vmem>>
      %dma_start3A_41 = arith.constant 64 : i32
      %dma_start3A_42 = tpu.memref_slice %arg9[%dma_start3A_37, %dma_start3A_41] : memref<40x128xi32, #tpu.memory_space<vmem>> -> memref<1x64xi32, #tpu.memory_space<vmem>>
      %dma_start3A_43 = tpu.memref_squeeze %dma_start3A_42 : memref<1x64xi32, #tpu.memory_space<vmem>> -> memref<64xi32, #tpu.memory_space<vmem>>
      %dma_start3A_44 = arith.constant 0 : i32
      %dma_start3A_45 = arith.constant 0 : i32
      %dma_start3A_46 = tpu.memref_slice %arg2[%dma_start3A_44, %dma_start3A_45] : memref<10000x128xf32, #tpu.memory_space<hbm>> -> memref<10000x128xf32, #tpu.memory_space<hbm>>
      tpu.enqueue_indirect_dma source(%dma_start3A_46 : memref<10000x128xf32, #tpu.memory_space<hbm>>) target(%dma_start3A_40 : memref<64x128xf32, #tpu.memory_space<vmem>>) offsets(%dma_start3A_43 : memref<64xi32, #tpu.memory_space<vmem>>) semaphore(%arg17 : memref<!tpu.dma_semaphore, #tpu.memory_space<semaphore_mem>>)
      %scan3A = arith.constant 0 : i32
      %scan3A_47 = arith.constant 0 : i32
      %scan3A_48 = arith.constant 20 : i32
      %scan3A_49 = arith.addi %scan3A_47, %scan3A_48 : i32
      %scan3A_50 = arith.constant 1 : i32
      scf.for %scan3A_103 = %scan3A_47 to %scan3A_49 step %scan3A_50  : i32 {
        %mul3A_104 = arith.constant 2 : i32
        %mul3A_105 = arith.muli %scan3A_103, %mul3A_104 : i32
        %add3A = arith.constant 0 : i32
        %add3A_106 = arith.addi %mul3A_105, %add3A : i32
        %dma_wait3A = arith.constant 0 : i32
        %dma_wait3A_107 = arith.constant 0 : i32
        %dma_wait3A_108 = tpu.memref_slice %arg11[%dma_wait3A, %dma_wait3A_107] : memref<128x128xf32, #tpu.memory_space<vmem>> -> memref<64x128xf32, #tpu.memory_space<vmem>>
        %dma_wait3A_109 = arith.constant 0 : i32
        %dma_wait3A_110 = tpu.memref_slice %arg9[%add3A_106, %dma_wait3A_109] : memref<40x128xi32, #tpu.memory_space<vmem>> -> memref<1x64xi32, #tpu.memory_space<vmem>>
        %dma_wait3A_111 = tpu.memref_squeeze %dma_wait3A_110 : memref<1x64xi32, #tpu.memory_space<vmem>> -> memref<64xi32, #tpu.memory_space<vmem>>
        %dma_wait3A_112 = arith.constant 0 : i32
        %dma_wait3A_113 = arith.constant 0 : i32
        %dma_wait3A_114 = tpu.memref_slice %arg2[%dma_wait3A_112, %dma_wait3A_113] : memref<10000x128xf32, #tpu.memory_space<hbm>> -> memref<10000x128xf32, #tpu.memory_space<hbm>>
        tpu.wait_indirect_dma semaphore(%arg14 : memref<!tpu.dma_semaphore, #tpu.memory_space<semaphore_mem>>) src(%dma_wait3A_114 : memref<10000x128xf32, #tpu.memory_space<hbm>>) dst(%dma_wait3A_108 : memref<64x128xf32, #tpu.memory_space<vmem>>)
        %dma_wait3A_115 = arith.constant 64 : i32
        %dma_wait3A_116 = arith.constant 0 : i32
        %dma_wait3A_117 = tpu.memref_slice %arg11[%dma_wait3A_115, %dma_wait3A_116] : memref<128x128xf32, #tpu.memory_space<vmem>> -> memref<64x128xf32, #tpu.memory_space<vmem>>
        %dma_wait3A_118 = arith.constant 64 : i32
        %dma_wait3A_119 = tpu.memref_slice %arg9[%add3A_106, %dma_wait3A_118] : memref<40x128xi32, #tpu.memory_space<vmem>> -> memref<1x64xi32, #tpu.memory_space<vmem>>
        %dma_wait3A_120 = tpu.memref_squeeze %dma_wait3A_119 : memref<1x64xi32, #tpu.memory_space<vmem>> -> memref<64xi32, #tpu.memory_space<vmem>>
        %dma_wait3A_121 = arith.constant 0 : i32
        %dma_wait3A_122 = arith.constant 0 : i32
        %dma_wait3A_123 = tpu.memref_slice %arg2[%dma_wait3A_121, %dma_wait3A_122] : memref<10000x128xf32, #tpu.memory_space<hbm>> -> memref<10000x128xf32, #tpu.memory_space<hbm>>
        tpu.wait_indirect_dma semaphore(%arg15 : memref<!tpu.dma_semaphore, #tpu.memory_space<semaphore_mem>>) src(%dma_wait3A_123 : memref<10000x128xf32, #tpu.memory_space<hbm>>) dst(%dma_wait3A_117 : memref<64x128xf32, #tpu.memory_space<vmem>>)
        "tpu.region"() ({
          %run_scoped3A = tpu.sem_alloc : memref<!tpu.dma_semaphore, #tpu.memory_space<semaphore_mem>>
          %dma_start3A_157 = arith.constant 0 : i32
          %dma_start3A_158 = tpu.memref_slice %arg10[%add3A_106, %dma_start3A_157] : memref<40x128xi32, #tpu.memory_space<vmem>> -> memref<1x128xi32, #tpu.memory_space<vmem>>
          %dma_start3A_159 = tpu.memref_squeeze %dma_start3A_158 : memref<1x128xi32, #tpu.memory_space<vmem>> -> memref<128xi32, #tpu.memory_space<vmem>>
          %dma_start3A_160 = arith.constant 0 : i32
          %dma_start3A_161 = arith.constant 0 : i32
          %dma_start3A_162 = tpu.memref_slice %arg13[%dma_start3A_160, %dma_start3A_161] : memref<10240x128xf32, #tpu.memory_space<vmem_shared>> -> memref<10240x128xf32, #tpu.memory_space<vmem_shared>>
          tpu.enqueue_indirect_dma source(%arg11 : memref<128x128xf32, #tpu.memory_space<vmem>>) target(%dma_start3A_162 : memref<10240x128xf32, #tpu.memory_space<vmem_shared>>) offsets(%dma_start3A_159 : memref<128xi32, #tpu.memory_space<vmem>>) semaphore(%run_scoped3A : memref<!tpu.dma_semaphore, #tpu.memory_space<semaphore_mem>>) {add = true}
          %dma_wait3A_163 = arith.constant 0 : i32
          %dma_wait3A_164 = tpu.memref_slice %arg10[%add3A_106, %dma_wait3A_163] : memref<40x128xi32, #tpu.memory_space<vmem>> -> memref<1x128xi32, #tpu.memory_space<vmem>>
          %dma_wait3A_165 = tpu.memref_squeeze %dma_wait3A_164 : memref<1x128xi32, #tpu.memory_space<vmem>> -> memref<128xi32, #tpu.memory_space<vmem>>
          %dma_wait3A_166 = arith.constant 0 : i32
          %dma_wait3A_167 = arith.constant 0 : i32
          %dma_wait3A_168 = tpu.memref_slice %arg13[%dma_wait3A_166, %dma_wait3A_167] : memref<10240x128xf32, #tpu.memory_space<vmem_shared>> -> memref<10240x128xf32, #tpu.memory_space<vmem_shared>>
          tpu.wait_indirect_dma semaphore(%run_scoped3A : memref<!tpu.dma_semaphore, #tpu.memory_space<semaphore_mem>>) src(%arg11 : memref<128x128xf32, #tpu.memory_space<vmem>>) dst(%dma_wait3A_168 : memref<10240x128xf32, #tpu.memory_space<vmem_shared>>)
          tpu.yield
        }) : () -> ()
        %add3A_124 = arith.constant 2 : i32
        %add3A_125 = arith.addi %add3A_106, %add3A_124 : i32
        %lt3A = arith.constant 40 : i32
        %lt3A_126 = arith.cmpi slt, %add3A_125, %lt3A : i32
        %convert_element_type3A_127 = arith.extui %lt3A_126 : i1 to i32
        %cond3A_128 = arith.constant 0 : i32
        %cond3A_129 = arith.cmpi ne, %convert_element_type3A_127, %cond3A_128 : i32
        scf.if %cond3A_129 {
          %add3A_157 = arith.constant 2 : i32
          %add3A_158 = arith.addi %add3A_106, %add3A_157 : i32
          %dma_start3A_159 = arith.constant 0 : i32
          %dma_start3A_160 = arith.constant 0 : i32
          %dma_start3A_161 = tpu.memref_slice %arg11[%dma_start3A_159, %dma_start3A_160] : memref<128x128xf32, #tpu.memory_space<vmem>> -> memref<64x128xf32, #tpu.memory_space<vmem>>
          %dma_start3A_162 = arith.constant 0 : i32
          %dma_start3A_163 = tpu.memref_slice %arg9[%add3A_158, %dma_start3A_162] : memref<40x128xi32, #tpu.memory_space<vmem>> -> memref<1x64xi32, #tpu.memory_space<vmem>>
          %dma_start3A_164 = tpu.memref_squeeze %dma_start3A_163 : memref<1x64xi32, #tpu.memory_space<vmem>> -> memref<64xi32, #tpu.memory_space<vmem>>
          %dma_start3A_165 = arith.constant 0 : i32
          %dma_start3A_166 = arith.constant 0 : i32
          %dma_start3A_167 = tpu.memref_slice %arg2[%dma_start3A_165, %dma_start3A_166] : memref<10000x128xf32, #tpu.memory_space<hbm>> -> memref<10000x128xf32, #tpu.memory_space<hbm>>
          tpu.enqueue_indirect_dma source(%dma_start3A_167 : memref<10000x128xf32, #tpu.memory_space<hbm>>) target(%dma_start3A_161 : memref<64x128xf32, #tpu.memory_space<vmem>>) offsets(%dma_start3A_164 : memref<64xi32, #tpu.memory_space<vmem>>) semaphore(%arg14 : memref<!tpu.dma_semaphore, #tpu.memory_space<semaphore_mem>>)
          %dma_start3A_168 = arith.constant 64 : i32
          %dma_start3A_169 = arith.constant 0 : i32
          %dma_start3A_170 = tpu.memref_slice %arg11[%dma_start3A_168, %dma_start3A_169] : memref<128x128xf32, #tpu.memory_space<vmem>> -> memref<64x128xf32, #tpu.memory_space<vmem>>
          %dma_start3A_171 = arith.constant 64 : i32
          %dma_start3A_172 = tpu.memref_slice %arg9[%add3A_158, %dma_start3A_171] : memref<40x128xi32, #tpu.memory_space<vmem>> -> memref<1x64xi32, #tpu.memory_space<vmem>>
          %dma_start3A_173 = tpu.memref_squeeze %dma_start3A_172 : memref<1x64xi32, #tpu.memory_space<vmem>> -> memref<64xi32, #tpu.memory_space<vmem>>
          %dma_start3A_174 = arith.constant 0 : i32
          %dma_start3A_175 = arith.constant 0 : i32
          %dma_start3A_176 = tpu.memref_slice %arg2[%dma_start3A_174, %dma_start3A_175] : memref<10000x128xf32, #tpu.memory_space<hbm>> -> memref<10000x128xf32, #tpu.memory_space<hbm>>
          tpu.enqueue_indirect_dma source(%dma_start3A_176 : memref<10000x128xf32, #tpu.memory_space<hbm>>) target(%dma_start3A_170 : memref<64x128xf32, #tpu.memory_space<vmem>>) offsets(%dma_start3A_173 : memref<64xi32, #tpu.memory_space<vmem>>) semaphore(%arg15 : memref<!tpu.dma_semaphore, #tpu.memory_space<semaphore_mem>>)
        } else {
        }
        %add3A_130 = arith.constant 1 : i32
        %add3A_131 = arith.addi %mul3A_105, %add3A_130 : i32
        %dma_wait3A_132 = arith.constant 0 : i32
        %dma_wait3A_133 = arith.constant 0 : i32
        %dma_wait3A_134 = tpu.memref_slice %arg12[%dma_wait3A_132, %dma_wait3A_133] : memref<128x128xf32, #tpu.memory_space<vmem>> -> memref<64x128xf32, #tpu.memory_space<vmem>>
        %dma_wait3A_135 = arith.constant 0 : i32
        %dma_wait3A_136 = tpu.memref_slice %arg9[%add3A_131, %dma_wait3A_135] : memref<40x128xi32, #tpu.memory_space<vmem>> -> memref<1x64xi32, #tpu.memory_space<vmem>>
        %dma_wait3A_137 = tpu.memref_squeeze %dma_wait3A_136 : memref<1x64xi32, #tpu.memory_space<vmem>> -> memref<64xi32, #tpu.memory_space<vmem>>
        %dma_wait3A_138 = arith.constant 0 : i32
        %dma_wait3A_139 = arith.constant 0 : i32
        %dma_wait3A_140 = tpu.memref_slice %arg2[%dma_wait3A_138, %dma_wait3A_139] : memref<10000x128xf32, #tpu.memory_space<hbm>> -> memref<10000x128xf32, #tpu.memory_space<hbm>>
        tpu.wait_indirect_dma semaphore(%arg16 : memref<!tpu.dma_semaphore, #tpu.memory_space<semaphore_mem>>) src(%dma_wait3A_140 : memref<10000x128xf32, #tpu.memory_space<hbm>>) dst(%dma_wait3A_134 : memref<64x128xf32, #tpu.memory_space<vmem>>)
        %dma_wait3A_141 = arith.constant 64 : i32
        %dma_wait3A_142 = arith.constant 0 : i32
        %dma_wait3A_143 = tpu.memref_slice %arg12[%dma_wait3A_141, %dma_wait3A_142] : memref<128x128xf32, #tpu.memory_space<vmem>> -> memref<64x128xf32, #tpu.memory_space<vmem>>
        %dma_wait3A_144 = arith.constant 64 : i32
        %dma_wait3A_145 = tpu.memref_slice %arg9[%add3A_131, %dma_wait3A_144] : memref<40x128xi32, #tpu.memory_space<vmem>> -> memref<1x64xi32, #tpu.memory_space<vmem>>
        %dma_wait3A_146 = tpu.memref_squeeze %dma_wait3A_145 : memref<1x64xi32, #tpu.memory_space<vmem>> -> memref<64xi32, #tpu.memory_space<vmem>>
        %dma_wait3A_147 = arith.constant 0 : i32
        %dma_wait3A_148 = arith.constant 0 : i32
        %dma_wait3A_149 = tpu.memref_slice %arg2[%dma_wait3A_147, %dma_wait3A_148] : memref<10000x128xf32, #tpu.memory_space<hbm>> -> memref<10000x128xf32, #tpu.memory_space<hbm>>
        tpu.wait_indirect_dma semaphore(%arg17 : memref<!tpu.dma_semaphore, #tpu.memory_space<semaphore_mem>>) src(%dma_wait3A_149 : memref<10000x128xf32, #tpu.memory_space<hbm>>) dst(%dma_wait3A_143 : memref<64x128xf32, #tpu.memory_space<vmem>>)
        "tpu.region"() ({
          %run_scoped3A = tpu.sem_alloc : memref<!tpu.dma_semaphore, #tpu.memory_space<semaphore_mem>>
          %dma_start3A_157 = arith.constant 0 : i32
          %dma_start3A_158 = tpu.memref_slice %arg10[%add3A_131, %dma_start3A_157] : memref<40x128xi32, #tpu.memory_space<vmem>> -> memref<1x128xi32, #tpu.memory_space<vmem>>
          %dma_start3A_159 = tpu.memref_squeeze %dma_start3A_158 : memref<1x128xi32, #tpu.memory_space<vmem>> -> memref<128xi32, #tpu.memory_space<vmem>>
          %dma_start3A_160 = arith.constant 0 : i32
          %dma_start3A_161 = arith.constant 0 : i32
          %dma_start3A_162 = tpu.memref_slice %arg13[%dma_start3A_160, %dma_start3A_161] : memref<10240x128xf32, #tpu.memory_space<vmem_shared>> -> memref<10240x128xf32, #tpu.memory_space<vmem_shared>>
          tpu.enqueue_indirect_dma source(%arg12 : memref<128x128xf32, #tpu.memory_space<vmem>>) target(%dma_start3A_162 : memref<10240x128xf32, #tpu.memory_space<vmem_shared>>) offsets(%dma_start3A_159 : memref<128xi32, #tpu.memory_space<vmem>>) semaphore(%run_scoped3A : memref<!tpu.dma_semaphore, #tpu.memory_space<semaphore_mem>>) {add = true}
          %dma_wait3A_163 = arith.constant 0 : i32
          %dma_wait3A_164 = tpu.memref_slice %arg10[%add3A_131, %dma_wait3A_163] : memref<40x128xi32, #tpu.memory_space<vmem>> -> memref<1x128xi32, #tpu.memory_space<vmem>>
          %dma_wait3A_165 = tpu.memref_squeeze %dma_wait3A_164 : memref<1x128xi32, #tpu.memory_space<vmem>> -> memref<128xi32, #tpu.memory_space<vmem>>
          %dma_wait3A_166 = arith.constant 0 : i32
          %dma_wait3A_167 = arith.constant 0 : i32
          %dma_wait3A_168 = tpu.memref_slice %arg13[%dma_wait3A_166, %dma_wait3A_167] : memref<10240x128xf32, #tpu.memory_space<vmem_shared>> -> memref<10240x128xf32, #tpu.memory_space<vmem_shared>>
          tpu.wait_indirect_dma semaphore(%run_scoped3A : memref<!tpu.dma_semaphore, #tpu.memory_space<semaphore_mem>>) src(%arg12 : memref<128x128xf32, #tpu.memory_space<vmem>>) dst(%dma_wait3A_168 : memref<10240x128xf32, #tpu.memory_space<vmem_shared>>)
          tpu.yield
        }) : () -> ()
        %add3A_150 = arith.constant 2 : i32
        %add3A_151 = arith.addi %add3A_131, %add3A_150 : i32
        %lt3A_152 = arith.constant 40 : i32
        %lt3A_153 = arith.cmpi slt, %add3A_151, %lt3A_152 : i32
        %convert_element_type3A_154 = arith.extui %lt3A_153 : i1 to i32
        %cond3A_155 = arith.constant 0 : i32
        %cond3A_156 = arith.cmpi ne, %convert_element_type3A_154, %cond3A_155 : i32
        scf.if %cond3A_156 {
          %add3A_157 = arith.constant 2 : i32
          %add3A_158 = arith.addi %add3A_131, %add3A_157 : i32
          %dma_start3A_159 = arith.constant 0 : i32
          %dma_start3A_160 = arith.constant 0 : i32
          %dma_start3A_161 = tpu.memref_slice %arg12[%dma_start3A_159, %dma_start3A_160] : memref<128x128xf32, #tpu.memory_space<vmem>> -> memref<64x128xf32, #tpu.memory_space<vmem>>
          %dma_start3A_162 = arith.constant 0 : i32
          %dma_start3A_163 = tpu.memref_slice %arg9[%add3A_158, %dma_start3A_162] : memref<40x128xi32, #tpu.memory_space<vmem>> -> memref<1x64xi32, #tpu.memory_space<vmem>>
          %dma_start3A_164 = tpu.memref_squeeze %dma_start3A_163 : memref<1x64xi32, #tpu.memory_space<vmem>> -> memref<64xi32, #tpu.memory_space<vmem>>
          %dma_start3A_165 = arith.constant 0 : i32
          %dma_start3A_166 = arith.constant 0 : i32
          %dma_start3A_167 = tpu.memref_slice %arg2[%dma_start3A_165, %dma_start3A_166] : memref<10000x128xf32, #tpu.memory_space<hbm>> -> memref<10000x128xf32, #tpu.memory_space<hbm>>
          tpu.enqueue_indirect_dma source(%dma_start3A_167 : memref<10000x128xf32, #tpu.memory_space<hbm>>) target(%dma_start3A_161 : memref<64x128xf32, #tpu.memory_space<vmem>>) offsets(%dma_start3A_164 : memref<64xi32, #tpu.memory_space<vmem>>) semaphore(%arg16 : memref<!tpu.dma_semaphore, #tpu.memory_space<semaphore_mem>>)
          %dma_start3A_168 = arith.constant 64 : i32
          %dma_start3A_169 = arith.constant 0 : i32
          %dma_start3A_170 = tpu.memref_slice %arg12[%dma_start3A_168, %dma_start3A_169] : memref<128x128xf32, #tpu.memory_space<vmem>> -> memref<64x128xf32, #tpu.memory_space<vmem>>
          %dma_start3A_171 = arith.constant 64 : i32
          %dma_start3A_172 = tpu.memref_slice %arg9[%add3A_158, %dma_start3A_171] : memref<40x128xi32, #tpu.memory_space<vmem>> -> memref<1x64xi32, #tpu.memory_space<vmem>>
          %dma_start3A_173 = tpu.memref_squeeze %dma_start3A_172 : memref<1x64xi32, #tpu.memory_space<vmem>> -> memref<64xi32, #tpu.memory_space<vmem>>
          %dma_start3A_174 = arith.constant 0 : i32
          %dma_start3A_175 = arith.constant 0 : i32
          %dma_start3A_176 = tpu.memref_slice %arg2[%dma_start3A_174, %dma_start3A_175] : memref<10000x128xf32, #tpu.memory_space<hbm>> -> memref<10000x128xf32, #tpu.memory_space<hbm>>
          tpu.enqueue_indirect_dma source(%dma_start3A_176 : memref<10000x128xf32, #tpu.memory_space<hbm>>) target(%dma_start3A_170 : memref<64x128xf32, #tpu.memory_space<vmem>>) offsets(%dma_start3A_173 : memref<64xi32, #tpu.memory_space<vmem>>) semaphore(%arg17 : memref<!tpu.dma_semaphore, #tpu.memory_space<semaphore_mem>>)
        } else {
        }
      }
      %scan3A_51 = arith.constant 20 : i32
      "tpu.region"() ({
        %run_scoped3A = tpu.sem_alloc : memref<!tpu.dma_semaphore, #tpu.memory_space<semaphore_mem>>
        %dma_start3A_103 = arith.constant 40 : i32
        %dma_start3A_104 = arith.constant 0 : i32
        %dma_start3A_105 = tpu.memref_slice %arg4[%arg1, %dma_start3A_103, %dma_start3A_104] : memref<16x80x128xi32, #tpu.memory_space<hbm>> -> memref<1x40x128xi32, #tpu.memory_space<hbm>>
        %dma_start3A_106 = tpu.memref_squeeze %dma_start3A_105 : memref<1x40x128xi32, #tpu.memory_space<hbm>> -> memref<40x128xi32, #tpu.memory_space<hbm>>
        %dma_start3A_107 = arith.constant 40 : i32
        %dma_start3A_108 = arith.constant 0 : i32
        %dma_start3A_109 = tpu.memref_slice %arg4[%arg1, %dma_start3A_107, %dma_start3A_108] : memref<16x80x128xi32, #tpu.memory_space<hbm>> -> memref<1x40x128xi32, #tpu.memory_space<hbm>>
        %dma_start3A_110 = tpu.memref_squeeze %dma_start3A_109 : memref<1x40x128xi32, #tpu.memory_space<hbm>> -> memref<40x128xi32, #tpu.memory_space<hbm>>
        tpu.enqueue_dma source(%dma_start3A_110 : memref<40x128xi32, #tpu.memory_space<hbm>>) target(%arg9 : memref<40x128xi32, #tpu.memory_space<vmem>>) target_semaphore(%run_scoped3A : memref<!tpu.dma_semaphore, #tpu.memory_space<semaphore_mem>>)
        %dma_wait3A = arith.constant 40 : i32
        %dma_wait3A_111 = arith.constant 0 : i32
        %dma_wait3A_112 = tpu.memref_slice %arg4[%arg1, %dma_wait3A, %dma_wait3A_111] : memref<16x80x128xi32, #tpu.memory_space<hbm>> -> memref<1x40x128xi32, #tpu.memory_space<hbm>>
        %dma_wait3A_113 = tpu.memref_squeeze %dma_wait3A_112 : memref<1x40x128xi32, #tpu.memory_space<hbm>> -> memref<40x128xi32, #tpu.memory_space<hbm>>
        %dma_wait3A_114 = arith.constant 40 : i32
        %dma_wait3A_115 = arith.constant 0 : i32
        %dma_wait3A_116 = tpu.memref_slice %arg4[%arg1, %dma_wait3A_114, %dma_wait3A_115] : memref<16x80x128xi32, #tpu.memory_space<hbm>> -> memref<1x40x128xi32, #tpu.memory_space<hbm>>
        %dma_wait3A_117 = tpu.memref_squeeze %dma_wait3A_116 : memref<1x40x128xi32, #tpu.memory_space<hbm>> -> memref<40x128xi32, #tpu.memory_space<hbm>>
        tpu.wait_dma2 semaphore(%run_scoped3A : memref<!tpu.dma_semaphore, #tpu.memory_space<semaphore_mem>>) src(%dma_wait3A_117 : memref<40x128xi32, #tpu.memory_space<hbm>>) dst(%arg9 : memref<40x128xi32, #tpu.memory_space<vmem>>)
        tpu.yield
      }) : () -> ()
      "tpu.region"() ({
        %run_scoped3A = tpu.sem_alloc : memref<!tpu.dma_semaphore, #tpu.memory_space<semaphore_mem>>
        %dma_start3A_103 = arith.constant 40 : i32
        %dma_start3A_104 = arith.constant 0 : i32
        %dma_start3A_105 = tpu.memref_slice %arg5[%arg1, %dma_start3A_103, %dma_start3A_104] : memref<16x80x128xi32, #tpu.memory_space<hbm>> -> memref<1x40x128xi32, #tpu.memory_space<hbm>>
        %dma_start3A_106 = tpu.memref_squeeze %dma_start3A_105 : memref<1x40x128xi32, #tpu.memory_space<hbm>> -> memref<40x128xi32, #tpu.memory_space<hbm>>
        %dma_start3A_107 = arith.constant 40 : i32
        %dma_start3A_108 = arith.constant 0 : i32
        %dma_start3A_109 = tpu.memref_slice %arg5[%arg1, %dma_start3A_107, %dma_start3A_108] : memref<16x80x128xi32, #tpu.memory_space<hbm>> -> memref<1x40x128xi32, #tpu.memory_space<hbm>>
        %dma_start3A_110 = tpu.memref_squeeze %dma_start3A_109 : memref<1x40x128xi32, #tpu.memory_space<hbm>> -> memref<40x128xi32, #tpu.memory_space<hbm>>
        tpu.enqueue_dma source(%dma_start3A_110 : memref<40x128xi32, #tpu.memory_space<hbm>>) target(%arg10 : memref<40x128xi32, #tpu.memory_space<vmem>>) target_semaphore(%run_scoped3A : memref<!tpu.dma_semaphore, #tpu.memory_space<semaphore_mem>>)
        %dma_wait3A = arith.constant 40 : i32
        %dma_wait3A_111 = arith.constant 0 : i32
        %dma_wait3A_112 = tpu.memref_slice %arg5[%arg1, %dma_wait3A, %dma_wait3A_111] : memref<16x80x128xi32, #tpu.memory_space<hbm>> -> memref<1x40x128xi32, #tpu.memory_space<hbm>>
        %dma_wait3A_113 = tpu.memref_squeeze %dma_wait3A_112 : memref<1x40x128xi32, #tpu.memory_space<hbm>> -> memref<40x128xi32, #tpu.memory_space<hbm>>
        %dma_wait3A_114 = arith.constant 40 : i32
        %dma_wait3A_115 = arith.constant 0 : i32
        %dma_wait3A_116 = tpu.memref_slice %arg5[%arg1, %dma_wait3A_114, %dma_wait3A_115] : memref<16x80x128xi32, #tpu.memory_space<hbm>> -> memref<1x40x128xi32, #tpu.memory_space<hbm>>
        %dma_wait3A_117 = tpu.memref_squeeze %dma_wait3A_116 : memref<1x40x128xi32, #tpu.memory_space<hbm>> -> memref<40x128xi32, #tpu.memory_space<hbm>>
        tpu.wait_dma2 semaphore(%run_scoped3A : memref<!tpu.dma_semaphore, #tpu.memory_space<semaphore_mem>>) src(%dma_wait3A_117 : memref<40x128xi32, #tpu.memory_space<hbm>>) dst(%arg10 : memref<40x128xi32, #tpu.memory_space<vmem>>)
        tpu.yield
      }) : () -> ()
      %dma_start3A_52 = arith.constant 0 : i32
      %dma_start3A_53 = arith.constant 0 : i32
      %dma_start3A_54 = arith.constant 0 : i32
      %dma_start3A_55 = tpu.memref_slice %arg11[%dma_start3A_53, %dma_start3A_54] : memref<128x128xf32, #tpu.memory_space<vmem>> -> memref<64x128xf32, #tpu.memory_space<vmem>>
      %dma_start3A_56 = arith.constant 0 : i32
      %dma_start3A_57 = tpu.memref_slice %arg9[%dma_start3A_52, %dma_start3A_56] : memref<40x128xi32, #tpu.memory_space<vmem>> -> memref<1x64xi32, #tpu.memory_space<vmem>>
      %dma_start3A_58 = tpu.memref_squeeze %dma_start3A_57 : memref<1x64xi32, #tpu.memory_space<vmem>> -> memref<64xi32, #tpu.memory_space<vmem>>
      %dma_start3A_59 = arith.constant 0 : i32
      %dma_start3A_60 = arith.constant 0 : i32
      %dma_start3A_61 = tpu.memref_slice %arg2[%dma_start3A_59, %dma_start3A_60] : memref<10000x128xf32, #tpu.memory_space<hbm>> -> memref<10000x128xf32, #tpu.memory_space<hbm>>
      tpu.enqueue_indirect_dma source(%dma_start3A_61 : memref<10000x128xf32, #tpu.memory_space<hbm>>) target(%dma_start3A_55 : memref<64x128xf32, #tpu.memory_space<vmem>>) offsets(%dma_start3A_58 : memref<64xi32, #tpu.memory_space<vmem>>) semaphore(%arg14 : memref<!tpu.dma_semaphore, #tpu.memory_space<semaphore_mem>>)
      %dma_start3A_62 = arith.constant 0 : i32
      %dma_start3A_63 = arith.constant 64 : i32
      %dma_start3A_64 = arith.constant 0 : i32
      %dma_start3A_65 = tpu.memref_slice %arg11[%dma_start3A_63, %dma_start3A_64] : memref<128x128xf32, #tpu.memory_space<vmem>> -> memref<64x128xf32, #tpu.memory_space<vmem>>
      %dma_start3A_66 = arith.constant 64 : i32
      %dma_start3A_67 = tpu.memref_slice %arg9[%dma_start3A_62, %dma_start3A_66] : memref<40x128xi32, #tpu.memory_space<vmem>> -> memref<1x64xi32, #tpu.memory_space<vmem>>
      %dma_start3A_68 = tpu.memref_squeeze %dma_start3A_67 : memref<1x64xi32, #tpu.memory_space<vmem>> -> memref<64xi32, #tpu.memory_space<vmem>>
      %dma_start3A_69 = arith.constant 0 : i32
      %dma_start3A_70 = arith.constant 0 : i32
      %dma_start3A_71 = tpu.memref_slice %arg2[%dma_start3A_69, %dma_start3A_70] : memref<10000x128xf32, #tpu.memory_space<hbm>> -> memref<10000x128xf32, #tpu.memory_space<hbm>>
      tpu.enqueue_indirect_dma source(%dma_start3A_71 : memref<10000x128xf32, #tpu.memory_space<hbm>>) target(%dma_start3A_65 : memref<64x128xf32, #tpu.memory_space<vmem>>) offsets(%dma_start3A_68 : memref<64xi32, #tpu.memory_space<vmem>>) semaphore(%arg15 : memref<!tpu.dma_semaphore, #tpu.memory_space<semaphore_mem>>)
      %dma_start3A_72 = arith.constant 1 : i32
      %dma_start3A_73 = arith.constant 0 : i32
      %dma_start3A_74 = arith.constant 0 : i32
      %dma_start3A_75 = tpu.memref_slice %arg12[%dma_start3A_73, %dma_start3A_74] : memref<128x128xf32, #tpu.memory_space<vmem>> -> memref<64x128xf32, #tpu.memory_space<vmem>>
      %dma_start3A_76 = arith.constant 0 : i32
      %dma_start3A_77 = tpu.memref_slice %arg9[%dma_start3A_72, %dma_start3A_76] : memref<40x128xi32, #tpu.memory_space<vmem>> -> memref<1x64xi32, #tpu.memory_space<vmem>>
      %dma_start3A_78 = tpu.memref_squeeze %dma_start3A_77 : memref<1x64xi32, #tpu.memory_space<vmem>> -> memref<64xi32, #tpu.memory_space<vmem>>
      %dma_start3A_79 = arith.constant 0 : i32
      %dma_start3A_80 = arith.constant 0 : i32
      %dma_start3A_81 = tpu.memref_slice %arg2[%dma_start3A_79, %dma_start3A_80] : memref<10000x128xf32, #tpu.memory_space<hbm>> -> memref<10000x128xf32, #tpu.memory_space<hbm>>
      tpu.enqueue_indirect_dma source(%dma_start3A_81 : memref<10000x128xf32, #tpu.memory_space<hbm>>) target(%dma_start3A_75 : memref<64x128xf32, #tpu.memory_space<vmem>>) offsets(%dma_start3A_78 : memref<64xi32, #tpu.memory_space<vmem>>) semaphore(%arg16 : memref<!tpu.dma_semaphore, #tpu.memory_space<semaphore_mem>>)
      %dma_start3A_82 = arith.constant 1 : i32
      %dma_start3A_83 = arith.constant 64 : i32
      %dma_start3A_84 = arith.constant 0 : i32
      %dma_start3A_85 = tpu.memref_slice %arg12[%dma_start3A_83, %dma_start3A_84] : memref<128x128xf32, #tpu.memory_space<vmem>> -> memref<64x128xf32, #tpu.memory_space<vmem>>
      %dma_start3A_86 = arith.constant 64 : i32
      %dma_start3A_87 = tpu.memref_slice %arg9[%dma_start3A_82, %dma_start3A_86] : memref<40x128xi32, #tpu.memory_space<vmem>> -> memref<1x64xi32, #tpu.memory_space<vmem>>
      %dma_start3A_88 = tpu.memref_squeeze %dma_start3A_87 : memref<1x64xi32, #tpu.memory_space<vmem>> -> memref<64xi32, #tpu.memory_space<vmem>>
      %dma_start3A_89 = arith.constant 0 : i32
      %dma_start3A_90 = arith.constant 0 : i32
      %dma_start3A_91 = tpu.memref_slice %arg2[%dma_start3A_89, %dma_start3A_90] : memref<10000x128xf32, #tpu.memory_space<hbm>> -> memref<10000x128xf32, #tpu.memory_space<hbm>>
      tpu.enqueue_indirect_dma source(%dma_start3A_91 : memref<10000x128xf32, #tpu.memory_space<hbm>>) target(%dma_start3A_85 : memref<64x128xf32, #tpu.memory_space<vmem>>) offsets(%dma_start3A_88 : memref<64xi32, #tpu.memory_space<vmem>>) semaphore(%arg17 : memref<!tpu.dma_semaphore, #tpu.memory_space<semaphore_mem>>)
      %scan3A_92 = arith.constant 0 : i32
      %scan3A_93 = arith.constant 0 : i32
      %scan3A_94 = arith.constant 20 : i32
      %scan3A_95 = arith.addi %scan3A_93, %scan3A_94 : i32
      %scan3A_96 = arith.constant 1 : i32
      scf.for %scan3A_103 = %scan3A_93 to %scan3A_95 step %scan3A_96  : i32 {
        %mul3A_104 = arith.constant 2 : i32
        %mul3A_105 = arith.muli %scan3A_103, %mul3A_104 : i32
        %add3A = arith.constant 0 : i32
        %add3A_106 = arith.addi %mul3A_105, %add3A : i32
        %dma_wait3A = arith.constant 0 : i32
        %dma_wait3A_107 = arith.constant 0 : i32
        %dma_wait3A_108 = tpu.memref_slice %arg11[%dma_wait3A, %dma_wait3A_107] : memref<128x128xf32, #tpu.memory_space<vmem>> -> memref<64x128xf32, #tpu.memory_space<vmem>>
        %dma_wait3A_109 = arith.constant 0 : i32
        %dma_wait3A_110 = tpu.memref_slice %arg9[%add3A_106, %dma_wait3A_109] : memref<40x128xi32, #tpu.memory_space<vmem>> -> memref<1x64xi32, #tpu.memory_space<vmem>>
        %dma_wait3A_111 = tpu.memref_squeeze %dma_wait3A_110 : memref<1x64xi32, #tpu.memory_space<vmem>> -> memref<64xi32, #tpu.memory_space<vmem>>
        %dma_wait3A_112 = arith.constant 0 : i32
        %dma_wait3A_113 = arith.constant 0 : i32
        %dma_wait3A_114 = tpu.memref_slice %arg2[%dma_wait3A_112, %dma_wait3A_113] : memref<10000x128xf32, #tpu.memory_space<hbm>> -> memref<10000x128xf32, #tpu.memory_space<hbm>>
        tpu.wait_indirect_dma semaphore(%arg14 : memref<!tpu.dma_semaphore, #tpu.memory_space<semaphore_mem>>) src(%dma_wait3A_114 : memref<10000x128xf32, #tpu.memory_space<hbm>>) dst(%dma_wait3A_108 : memref<64x128xf32, #tpu.memory_space<vmem>>)
        %dma_wait3A_115 = arith.constant 64 : i32
        %dma_wait3A_116 = arith.constant 0 : i32
        %dma_wait3A_117 = tpu.memref_slice %arg11[%dma_wait3A_115, %dma_wait3A_116] : memref<128x128xf32, #tpu.memory_space<vmem>> -> memref<64x128xf32, #tpu.memory_space<vmem>>
        %dma_wait3A_118 = arith.constant 64 : i32
        %dma_wait3A_119 = tpu.memref_slice %arg9[%add3A_106, %dma_wait3A_118] : memref<40x128xi32, #tpu.memory_space<vmem>> -> memref<1x64xi32, #tpu.memory_space<vmem>>
        %dma_wait3A_120 = tpu.memref_squeeze %dma_wait3A_119 : memref<1x64xi32, #tpu.memory_space<vmem>> -> memref<64xi32, #tpu.memory_space<vmem>>
        %dma_wait3A_121 = arith.constant 0 : i32
        %dma_wait3A_122 = arith.constant 0 : i32
        %dma_wait3A_123 = tpu.memref_slice %arg2[%dma_wait3A_121, %dma_wait3A_122] : memref<10000x128xf32, #tpu.memory_space<hbm>> -> memref<10000x128xf32, #tpu.memory_space<hbm>>
        tpu.wait_indirect_dma semaphore(%arg15 : memref<!tpu.dma_semaphore, #tpu.memory_space<semaphore_mem>>) src(%dma_wait3A_123 : memref<10000x128xf32, #tpu.memory_space<hbm>>) dst(%dma_wait3A_117 : memref<64x128xf32, #tpu.memory_space<vmem>>)
        "tpu.region"() ({
          %run_scoped3A = tpu.sem_alloc : memref<!tpu.dma_semaphore, #tpu.memory_space<semaphore_mem>>
          %dma_start3A_157 = arith.constant 0 : i32
          %dma_start3A_158 = tpu.memref_slice %arg10[%add3A_106, %dma_start3A_157] : memref<40x128xi32, #tpu.memory_space<vmem>> -> memref<1x128xi32, #tpu.memory_space<vmem>>
          %dma_start3A_159 = tpu.memref_squeeze %dma_start3A_158 : memref<1x128xi32, #tpu.memory_space<vmem>> -> memref<128xi32, #tpu.memory_space<vmem>>
          %dma_start3A_160 = arith.constant 0 : i32
          %dma_start3A_161 = arith.constant 0 : i32
          %dma_start3A_162 = tpu.memref_slice %arg13[%dma_start3A_160, %dma_start3A_161] : memref<10240x128xf32, #tpu.memory_space<vmem_shared>> -> memref<10240x128xf32, #tpu.memory_space<vmem_shared>>
          tpu.enqueue_indirect_dma source(%arg11 : memref<128x128xf32, #tpu.memory_space<vmem>>) target(%dma_start3A_162 : memref<10240x128xf32, #tpu.memory_space<vmem_shared>>) offsets(%dma_start3A_159 : memref<128xi32, #tpu.memory_space<vmem>>) semaphore(%run_scoped3A : memref<!tpu.dma_semaphore, #tpu.memory_space<semaphore_mem>>) {add = true}
          %dma_wait3A_163 = arith.constant 0 : i32
          %dma_wait3A_164 = tpu.memref_slice %arg10[%add3A_106, %dma_wait3A_163] : memref<40x128xi32, #tpu.memory_space<vmem>> -> memref<1x128xi32, #tpu.memory_space<vmem>>
          %dma_wait3A_165 = tpu.memref_squeeze %dma_wait3A_164 : memref<1x128xi32, #tpu.memory_space<vmem>> -> memref<128xi32, #tpu.memory_space<vmem>>
          %dma_wait3A_166 = arith.constant 0 : i32
          %dma_wait3A_167 = arith.constant 0 : i32
          %dma_wait3A_168 = tpu.memref_slice %arg13[%dma_wait3A_166, %dma_wait3A_167] : memref<10240x128xf32, #tpu.memory_space<vmem_shared>> -> memref<10240x128xf32, #tpu.memory_space<vmem_shared>>
          tpu.wait_indirect_dma semaphore(%run_scoped3A : memref<!tpu.dma_semaphore, #tpu.memory_space<semaphore_mem>>) src(%arg11 : memref<128x128xf32, #tpu.memory_space<vmem>>) dst(%dma_wait3A_168 : memref<10240x128xf32, #tpu.memory_space<vmem_shared>>)
          tpu.yield
        }) : () -> ()
        %add3A_124 = arith.constant 2 : i32
        %add3A_125 = arith.addi %add3A_106, %add3A_124 : i32
        %lt3A = arith.constant 40 : i32
        %lt3A_126 = arith.cmpi slt, %add3A_125, %lt3A : i32
        %convert_element_type3A_127 = arith.extui %lt3A_126 : i1 to i32
        %cond3A_128 = arith.constant 0 : i32
        %cond3A_129 = arith.cmpi ne, %convert_element_type3A_127, %cond3A_128 : i32
        scf.if %cond3A_129 {
          %add3A_157 = arith.constant 2 : i32
          %add3A_158 = arith.addi %add3A_106, %add3A_157 : i32
          %dma_start3A_159 = arith.constant 0 : i32
          %dma_start3A_160 = arith.constant 0 : i32
          %dma_start3A_161 = tpu.memref_slice %arg11[%dma_start3A_159, %dma_start3A_160] : memref<128x128xf32, #tpu.memory_space<vmem>> -> memref<64x128xf32, #tpu.memory_space<vmem>>
          %dma_start3A_162 = arith.constant 0 : i32
          %dma_start3A_163 = tpu.memref_slice %arg9[%add3A_158, %dma_start3A_162] : memref<40x128xi32, #tpu.memory_space<vmem>> -> memref<1x64xi32, #tpu.memory_space<vmem>>
          %dma_start3A_164 = tpu.memref_squeeze %dma_start3A_163 : memref<1x64xi32, #tpu.memory_space<vmem>> -> memref<64xi32, #tpu.memory_space<vmem>>
          %dma_start3A_165 = arith.constant 0 : i32
          %dma_start3A_166 = arith.constant 0 : i32
          %dma_start3A_167 = tpu.memref_slice %arg2[%dma_start3A_165, %dma_start3A_166] : memref<10000x128xf32, #tpu.memory_space<hbm>> -> memref<10000x128xf32, #tpu.memory_space<hbm>>
          tpu.enqueue_indirect_dma source(%dma_start3A_167 : memref<10000x128xf32, #tpu.memory_space<hbm>>) target(%dma_start3A_161 : memref<64x128xf32, #tpu.memory_space<vmem>>) offsets(%dma_start3A_164 : memref<64xi32, #tpu.memory_space<vmem>>) semaphore(%arg14 : memref<!tpu.dma_semaphore, #tpu.memory_space<semaphore_mem>>)
          %dma_start3A_168 = arith.constant 64 : i32
          %dma_start3A_169 = arith.constant 0 : i32
          %dma_start3A_170 = tpu.memref_slice %arg11[%dma_start3A_168, %dma_start3A_169] : memref<128x128xf32, #tpu.memory_space<vmem>> -> memref<64x128xf32, #tpu.memory_space<vmem>>
          %dma_start3A_171 = arith.constant 64 : i32
          %dma_start3A_172 = tpu.memref_slice %arg9[%add3A_158, %dma_start3A_171] : memref<40x128xi32, #tpu.memory_space<vmem>> -> memref<1x64xi32, #tpu.memory_space<vmem>>
          %dma_start3A_173 = tpu.memref_squeeze %dma_start3A_172 : memref<1x64xi32, #tpu.memory_space<vmem>> -> memref<64xi32, #tpu.memory_space<vmem>>
          %dma_start3A_174 = arith.constant 0 : i32
          %dma_start3A_175 = arith.constant 0 : i32
          %dma_start3A_176 = tpu.memref_slice %arg2[%dma_start3A_174, %dma_start3A_175] : memref<10000x128xf32, #tpu.memory_space<hbm>> -> memref<10000x128xf32, #tpu.memory_space<hbm>>
          tpu.enqueue_indirect_dma source(%dma_start3A_176 : memref<10000x128xf32, #tpu.memory_space<hbm>>) target(%dma_start3A_170 : memref<64x128xf32, #tpu.memory_space<vmem>>) offsets(%dma_start3A_173 : memref<64xi32, #tpu.memory_space<vmem>>) semaphore(%arg15 : memref<!tpu.dma_semaphore, #tpu.memory_space<semaphore_mem>>)
        } else {
        }
        %add3A_130 = arith.constant 1 : i32
        %add3A_131 = arith.addi %mul3A_105, %add3A_130 : i32
        %dma_wait3A_132 = arith.constant 0 : i32
        %dma_wait3A_133 = arith.constant 0 : i32
        %dma_wait3A_134 = tpu.memref_slice %arg12[%dma_wait3A_132, %dma_wait3A_133] : memref<128x128xf32, #tpu.memory_space<vmem>> -> memref<64x128xf32, #tpu.memory_space<vmem>>
        %dma_wait3A_135 = arith.constant 0 : i32
        %dma_wait3A_136 = tpu.memref_slice %arg9[%add3A_131, %dma_wait3A_135] : memref<40x128xi32, #tpu.memory_space<vmem>> -> memref<1x64xi32, #tpu.memory_space<vmem>>
        %dma_wait3A_137 = tpu.memref_squeeze %dma_wait3A_136 : memref<1x64xi32, #tpu.memory_space<vmem>> -> memref<64xi32, #tpu.memory_space<vmem>>
        %dma_wait3A_138 = arith.constant 0 : i32
        %dma_wait3A_139 = arith.constant 0 : i32
        %dma_wait3A_140 = tpu.memref_slice %arg2[%dma_wait3A_138, %dma_wait3A_139] : memref<10000x128xf32, #tpu.memory_space<hbm>> -> memref<10000x128xf32, #tpu.memory_space<hbm>>
        tpu.wait_indirect_dma semaphore(%arg16 : memref<!tpu.dma_semaphore, #tpu.memory_space<semaphore_mem>>) src(%dma_wait3A_140 : memref<10000x128xf32, #tpu.memory_space<hbm>>) dst(%dma_wait3A_134 : memref<64x128xf32, #tpu.memory_space<vmem>>)
        %dma_wait3A_141 = arith.constant 64 : i32
        %dma_wait3A_142 = arith.constant 0 : i32
        %dma_wait3A_143 = tpu.memref_slice %arg12[%dma_wait3A_141, %dma_wait3A_142] : memref<128x128xf32, #tpu.memory_space<vmem>> -> memref<64x128xf32, #tpu.memory_space<vmem>>
        %dma_wait3A_144 = arith.constant 64 : i32
        %dma_wait3A_145 = tpu.memref_slice %arg9[%add3A_131, %dma_wait3A_144] : memref<40x128xi32, #tpu.memory_space<vmem>> -> memref<1x64xi32, #tpu.memory_space<vmem>>
        %dma_wait3A_146 = tpu.memref_squeeze %dma_wait3A_145 : memref<1x64xi32, #tpu.memory_space<vmem>> -> memref<64xi32, #tpu.memory_space<vmem>>
        %dma_wait3A_147 = arith.constant 0 : i32
        %dma_wait3A_148 = arith.constant 0 : i32
        %dma_wait3A_149 = tpu.memref_slice %arg2[%dma_wait3A_147, %dma_wait3A_148] : memref<10000x128xf32, #tpu.memory_space<hbm>> -> memref<10000x128xf32, #tpu.memory_space<hbm>>
        tpu.wait_indirect_dma semaphore(%arg17 : memref<!tpu.dma_semaphore, #tpu.memory_space<semaphore_mem>>) src(%dma_wait3A_149 : memref<10000x128xf32, #tpu.memory_space<hbm>>) dst(%dma_wait3A_143 : memref<64x128xf32, #tpu.memory_space<vmem>>)
        "tpu.region"() ({
          %run_scoped3A = tpu.sem_alloc : memref<!tpu.dma_semaphore, #tpu.memory_space<semaphore_mem>>
          %dma_start3A_157 = arith.constant 0 : i32
          %dma_start3A_158 = tpu.memref_slice %arg10[%add3A_131, %dma_start3A_157] : memref<40x128xi32, #tpu.memory_space<vmem>> -> memref<1x128xi32, #tpu.memory_space<vmem>>
          %dma_start3A_159 = tpu.memref_squeeze %dma_start3A_158 : memref<1x128xi32, #tpu.memory_space<vmem>> -> memref<128xi32, #tpu.memory_space<vmem>>
          %dma_start3A_160 = arith.constant 0 : i32
          %dma_start3A_161 = arith.constant 0 : i32
          %dma_start3A_162 = tpu.memref_slice %arg13[%dma_start3A_160, %dma_start3A_161] : memref<10240x128xf32, #tpu.memory_space<vmem_shared>> -> memref<10240x128xf32, #tpu.memory_space<vmem_shared>>
          tpu.enqueue_indirect_dma source(%arg12 : memref<128x128xf32, #tpu.memory_space<vmem>>) target(%dma_start3A_162 : memref<10240x128xf32, #tpu.memory_space<vmem_shared>>) offsets(%dma_start3A_159 : memref<128xi32, #tpu.memory_space<vmem>>) semaphore(%run_scoped3A : memref<!tpu.dma_semaphore, #tpu.memory_space<semaphore_mem>>) {add = true}
          %dma_wait3A_163 = arith.constant 0 : i32
          %dma_wait3A_164 = tpu.memref_slice %arg10[%add3A_131, %dma_wait3A_163] : memref<40x128xi32, #tpu.memory_space<vmem>> -> memref<1x128xi32, #tpu.memory_space<vmem>>
          %dma_wait3A_165 = tpu.memref_squeeze %dma_wait3A_164 : memref<1x128xi32, #tpu.memory_space<vmem>> -> memref<128xi32, #tpu.memory_space<vmem>>
          %dma_wait3A_166 = arith.constant 0 : i32
          %dma_wait3A_167 = arith.constant 0 : i32
          %dma_wait3A_168 = tpu.memref_slice %arg13[%dma_wait3A_166, %dma_wait3A_167] : memref<10240x128xf32, #tpu.memory_space<vmem_shared>> -> memref<10240x128xf32, #tpu.memory_space<vmem_shared>>
          tpu.wait_indirect_dma semaphore(%run_scoped3A : memref<!tpu.dma_semaphore, #tpu.memory_space<semaphore_mem>>) src(%arg12 : memref<128x128xf32, #tpu.memory_space<vmem>>) dst(%dma_wait3A_168 : memref<10240x128xf32, #tpu.memory_space<vmem_shared>>)
          tpu.yield
        }) : () -> ()
        %add3A_150 = arith.constant 2 : i32
        %add3A_151 = arith.addi %add3A_131, %add3A_150 : i32
        %lt3A_152 = arith.constant 40 : i32
        %lt3A_153 = arith.cmpi slt, %add3A_151, %lt3A_152 : i32
        %convert_element_type3A_154 = arith.extui %lt3A_153 : i1 to i32
        %cond3A_155 = arith.constant 0 : i32
        %cond3A_156 = arith.cmpi ne, %convert_element_type3A_154, %cond3A_155 : i32
        scf.if %cond3A_156 {
          %add3A_157 = arith.constant 2 : i32
          %add3A_158 = arith.addi %add3A_131, %add3A_157 : i32
          %dma_start3A_159 = arith.constant 0 : i32
          %dma_start3A_160 = arith.constant 0 : i32
          %dma_start3A_161 = tpu.memref_slice %arg12[%dma_start3A_159, %dma_start3A_160] : memref<128x128xf32, #tpu.memory_space<vmem>> -> memref<64x128xf32, #tpu.memory_space<vmem>>
          %dma_start3A_162 = arith.constant 0 : i32
          %dma_start3A_163 = tpu.memref_slice %arg9[%add3A_158, %dma_start3A_162] : memref<40x128xi32, #tpu.memory_space<vmem>> -> memref<1x64xi32, #tpu.memory_space<vmem>>
          %dma_start3A_164 = tpu.memref_squeeze %dma_start3A_163 : memref<1x64xi32, #tpu.memory_space<vmem>> -> memref<64xi32, #tpu.memory_space<vmem>>
          %dma_start3A_165 = arith.constant 0 : i32
          %dma_start3A_166 = arith.constant 0 : i32
          %dma_start3A_167 = tpu.memref_slice %arg2[%dma_start3A_165, %dma_start3A_166] : memref<10000x128xf32, #tpu.memory_space<hbm>> -> memref<10000x128xf32, #tpu.memory_space<hbm>>
          tpu.enqueue_indirect_dma source(%dma_start3A_167 : memref<10000x128xf32, #tpu.memory_space<hbm>>) target(%dma_start3A_161 : memref<64x128xf32, #tpu.memory_space<vmem>>) offsets(%dma_start3A_164 : memref<64xi32, #tpu.memory_space<vmem>>) semaphore(%arg16 : memref<!tpu.dma_semaphore, #tpu.memory_space<semaphore_mem>>)
          %dma_start3A_168 = arith.constant 64 : i32
          %dma_start3A_169 = arith.constant 0 : i32
          %dma_start3A_170 = tpu.memref_slice %arg12[%dma_start3A_168, %dma_start3A_169] : memref<128x128xf32, #tpu.memory_space<vmem>> -> memref<64x128xf32, #tpu.memory_space<vmem>>
          %dma_start3A_171 = arith.constant 64 : i32
          %dma_start3A_172 = tpu.memref_slice %arg9[%add3A_158, %dma_start3A_171] : memref<40x128xi32, #tpu.memory_space<vmem>> -> memref<1x64xi32, #tpu.memory_space<vmem>>
          %dma_start3A_173 = tpu.memref_squeeze %dma_start3A_172 : memref<1x64xi32, #tpu.memory_space<vmem>> -> memref<64xi32, #tpu.memory_space<vmem>>
          %dma_start3A_174 = arith.constant 0 : i32
          %dma_start3A_175 = arith.constant 0 : i32
          %dma_start3A_176 = tpu.memref_slice %arg2[%dma_start3A_174, %dma_start3A_175] : memref<10000x128xf32, #tpu.memory_space<hbm>> -> memref<10000x128xf32, #tpu.memory_space<hbm>>
          tpu.enqueue_indirect_dma source(%dma_start3A_176 : memref<10000x128xf32, #tpu.memory_space<hbm>>) target(%dma_start3A_170 : memref<64x128xf32, #tpu.memory_space<vmem>>) offsets(%dma_start3A_173 : memref<64xi32, #tpu.memory_space<vmem>>) semaphore(%arg17 : memref<!tpu.dma_semaphore, #tpu.memory_space<semaphore_mem>>)
        } else {
        }
      }
      %scan3A_97 = arith.constant 20 : i32
      %barrier3A_98 = arith.constant 0 : index
      tpu.barrier barrier_id(%barrier3A_98)
      %mul3A_99 = arith.constant 640 : i32
      %mul3A_100 = arith.muli %arg1, %mul3A_99 : i32
      %mul3A_101 = arith.constant 640 : i32
      %mul3A_102 = arith.muli %arg1, %mul3A_101 : i32
      "tpu.region"() ({
        %run_scoped3A = tpu.sem_alloc : memref<!tpu.dma_semaphore, #tpu.memory_space<semaphore_mem>>
        %dma_start3A_103 = arith.constant 0 : i32
        %dma_start3A_104 = tpu.memref_slice %arg7[%mul3A_102, %dma_start3A_103] : memref<10240x128xf32, #tpu.memory_space<hbm>> -> memref<640x128xf32, #tpu.memory_space<hbm>>
        %dma_start3A_105 = arith.constant 0 : i32
        %dma_start3A_106 = tpu.memref_slice %arg13[%mul3A_100, %dma_start3A_105] : memref<10240x128xf32, #tpu.memory_space<vmem_shared>> -> memref<640x128xf32, #tpu.memory_space<vmem_shared>>
        tpu.enqueue_dma source(%dma_start3A_106 : memref<640x128xf32, #tpu.memory_space<vmem_shared>>) target(%dma_start3A_104 : memref<640x128xf32, #tpu.memory_space<hbm>>) target_semaphore(%run_scoped3A : memref<!tpu.dma_semaphore, #tpu.memory_space<semaphore_mem>>)
        %dma_wait3A = arith.constant 0 : i32
        %dma_wait3A_107 = tpu.memref_slice %arg7[%mul3A_102, %dma_wait3A] : memref<10240x128xf32, #tpu.memory_space<hbm>> -> memref<640x128xf32, #tpu.memory_space<hbm>>
        %dma_wait3A_108 = arith.constant 0 : i32
        %dma_wait3A_109 = tpu.memref_slice %arg13[%mul3A_100, %dma_wait3A_108] : memref<10240x128xf32, #tpu.memory_space<vmem_shared>> -> memref<640x128xf32, #tpu.memory_space<vmem_shared>>
        tpu.wait_dma2 semaphore(%run_scoped3A : memref<!tpu.dma_semaphore, #tpu.memory_space<semaphore_mem>>) src(%dma_wait3A_109 : memref<640x128xf32, #tpu.memory_space<vmem_shared>>) dst(%dma_wait3A_107 : memref<640x128xf32, #tpu.memory_space<hbm>>)
        tpu.yield
      }) : () -> ()
    } else {
    }
    %eq3A_3 = arith.constant 1 : i32
    %eq3A_4 = arith.cmpi eq, %arg0, %eq3A_3 : i32
    %convert_element_type3A_5 = arith.extui %eq3A_4 : i1 to i32
    %cond3A_6 = arith.constant 0 : i32
    %cond3A_7 = arith.cmpi ne, %convert_element_type3A_5, %cond3A_6 : i32
    scf.if %cond3A_7 {
      "tpu.region"() ({
        %run_scoped3A = tpu.sem_alloc : memref<!tpu.dma_semaphore, #tpu.memory_space<semaphore_mem>>
        %dma_start3A_103 = arith.constant 0 : i32
        %dma_start3A_104 = arith.constant 0 : i32
        %dma_start3A_105 = tpu.memref_slice %arg4[%arg1, %dma_start3A_103, %dma_start3A_104] : memref<16x80x128xi32, #tpu.memory_space<hbm>> -> memref<1x40x128xi32, #tpu.memory_space<hbm>>
        %dma_start3A_106 = tpu.memref_squeeze %dma_start3A_105 : memref<1x40x128xi32, #tpu.memory_space<hbm>> -> memref<40x128xi32, #tpu.memory_space<hbm>>
        %dma_start3A_107 = arith.constant 0 : i32
        %dma_start3A_108 = arith.constant 0 : i32
        %dma_start3A_109 = tpu.memref_slice %arg4[%arg1, %dma_start3A_107, %dma_start3A_108] : memref<16x80x128xi32, #tpu.memory_space<hbm>> -> memref<1x40x128xi32, #tpu.memory_space<hbm>>
        %dma_start3A_110 = tpu.memref_squeeze %dma_start3A_109 : memref<1x40x128xi32, #tpu.memory_space<hbm>> -> memref<40x128xi32, #tpu.memory_space<hbm>>
        tpu.enqueue_dma source(%dma_start3A_110 : memref<40x128xi32, #tpu.memory_space<hbm>>) target(%arg9 : memref<40x128xi32, #tpu.memory_space<vmem>>) target_semaphore(%run_scoped3A : memref<!tpu.dma_semaphore, #tpu.memory_space<semaphore_mem>>)
        %dma_wait3A = arith.constant 0 : i32
        %dma_wait3A_111 = arith.constant 0 : i32
        %dma_wait3A_112 = tpu.memref_slice %arg4[%arg1, %dma_wait3A, %dma_wait3A_111] : memref<16x80x128xi32, #tpu.memory_space<hbm>> -> memref<1x40x128xi32, #tpu.memory_space<hbm>>
        %dma_wait3A_113 = tpu.memref_squeeze %dma_wait3A_112 : memref<1x40x128xi32, #tpu.memory_space<hbm>> -> memref<40x128xi32, #tpu.memory_space<hbm>>
        %dma_wait3A_114 = arith.constant 0 : i32
        %dma_wait3A_115 = arith.constant 0 : i32
        %dma_wait3A_116 = tpu.memref_slice %arg4[%arg1, %dma_wait3A_114, %dma_wait3A_115] : memref<16x80x128xi32, #tpu.memory_space<hbm>> -> memref<1x40x128xi32, #tpu.memory_space<hbm>>
        %dma_wait3A_117 = tpu.memref_squeeze %dma_wait3A_116 : memref<1x40x128xi32, #tpu.memory_space<hbm>> -> memref<40x128xi32, #tpu.memory_space<hbm>>
        tpu.wait_dma2 semaphore(%run_scoped3A : memref<!tpu.dma_semaphore, #tpu.memory_space<semaphore_mem>>) src(%dma_wait3A_117 : memref<40x128xi32, #tpu.memory_space<hbm>>) dst(%arg9 : memref<40x128xi32, #tpu.memory_space<vmem>>)
        tpu.yield
      }) : () -> ()
      "tpu.region"() ({
        %run_scoped3A = tpu.sem_alloc : memref<!tpu.dma_semaphore, #tpu.memory_space<semaphore_mem>>
        %dma_start3A_103 = arith.constant 0 : i32
        %dma_start3A_104 = arith.constant 0 : i32
        %dma_start3A_105 = tpu.memref_slice %arg5[%arg1, %dma_start3A_103, %dma_start3A_104] : memref<16x80x128xi32, #tpu.memory_space<hbm>> -> memref<1x40x128xi32, #tpu.memory_space<hbm>>
        %dma_start3A_106 = tpu.memref_squeeze %dma_start3A_105 : memref<1x40x128xi32, #tpu.memory_space<hbm>> -> memref<40x128xi32, #tpu.memory_space<hbm>>
        %dma_start3A_107 = arith.constant 0 : i32
        %dma_start3A_108 = arith.constant 0 : i32
        %dma_start3A_109 = tpu.memref_slice %arg5[%arg1, %dma_start3A_107, %dma_start3A_108] : memref<16x80x128xi32, #tpu.memory_space<hbm>> -> memref<1x40x128xi32, #tpu.memory_space<hbm>>
        %dma_start3A_110 = tpu.memref_squeeze %dma_start3A_109 : memref<1x40x128xi32, #tpu.memory_space<hbm>> -> memref<40x128xi32, #tpu.memory_space<hbm>>
        tpu.enqueue_dma source(%dma_start3A_110 : memref<40x128xi32, #tpu.memory_space<hbm>>) target(%arg10 : memref<40x128xi32, #tpu.memory_space<vmem>>) target_semaphore(%run_scoped3A : memref<!tpu.dma_semaphore, #tpu.memory_space<semaphore_mem>>)
        %dma_wait3A = arith.constant 0 : i32
        %dma_wait3A_111 = arith.constant 0 : i32
        %dma_wait3A_112 = tpu.memref_slice %arg5[%arg1, %dma_wait3A, %dma_wait3A_111] : memref<16x80x128xi32, #tpu.memory_space<hbm>> -> memref<1x40x128xi32, #tpu.memory_space<hbm>>
        %dma_wait3A_113 = tpu.memref_squeeze %dma_wait3A_112 : memref<1x40x128xi32, #tpu.memory_space<hbm>> -> memref<40x128xi32, #tpu.memory_space<hbm>>
        %dma_wait3A_114 = arith.constant 0 : i32
        %dma_wait3A_115 = arith.constant 0 : i32
        %dma_wait3A_116 = tpu.memref_slice %arg5[%arg1, %dma_wait3A_114, %dma_wait3A_115] : memref<16x80x128xi32, #tpu.memory_space<hbm>> -> memref<1x40x128xi32, #tpu.memory_space<hbm>>
        %dma_wait3A_117 = tpu.memref_squeeze %dma_wait3A_116 : memref<1x40x128xi32, #tpu.memory_space<hbm>> -> memref<40x128xi32, #tpu.memory_space<hbm>>
        tpu.wait_dma2 semaphore(%run_scoped3A : memref<!tpu.dma_semaphore, #tpu.memory_space<semaphore_mem>>) src(%dma_wait3A_117 : memref<40x128xi32, #tpu.memory_space<hbm>>) dst(%arg10 : memref<40x128xi32, #tpu.memory_space<vmem>>)
        tpu.yield
      }) : () -> ()
      %dma_start3A = arith.constant 0 : i32
      %dma_start3A_8 = arith.constant 0 : i32
      %dma_start3A_9 = arith.constant 0 : i32
      %dma_start3A_10 = tpu.memref_slice %arg11[%dma_start3A_8, %dma_start3A_9] : memref<128x128xf32, #tpu.memory_space<vmem>> -> memref<64x128xf32, #tpu.memory_space<vmem>>
      %dma_start3A_11 = arith.constant 0 : i32
      %dma_start3A_12 = tpu.memref_slice %arg9[%dma_start3A, %dma_start3A_11] : memref<40x128xi32, #tpu.memory_space<vmem>> -> memref<1x64xi32, #tpu.memory_space<vmem>>
      %dma_start3A_13 = tpu.memref_squeeze %dma_start3A_12 : memref<1x64xi32, #tpu.memory_space<vmem>> -> memref<64xi32, #tpu.memory_space<vmem>>
      %dma_start3A_14 = arith.constant 0 : i32
      %dma_start3A_15 = arith.constant 0 : i32
      %dma_start3A_16 = tpu.memref_slice %arg3[%dma_start3A_14, %dma_start3A_15] : memref<10000x128xf32, #tpu.memory_space<hbm>> -> memref<10000x128xf32, #tpu.memory_space<hbm>>
      tpu.enqueue_indirect_dma source(%dma_start3A_16 : memref<10000x128xf32, #tpu.memory_space<hbm>>) target(%dma_start3A_10 : memref<64x128xf32, #tpu.memory_space<vmem>>) offsets(%dma_start3A_13 : memref<64xi32, #tpu.memory_space<vmem>>) semaphore(%arg14 : memref<!tpu.dma_semaphore, #tpu.memory_space<semaphore_mem>>)
      %dma_start3A_17 = arith.constant 0 : i32
      %dma_start3A_18 = arith.constant 64 : i32
      %dma_start3A_19 = arith.constant 0 : i32
      %dma_start3A_20 = tpu.memref_slice %arg11[%dma_start3A_18, %dma_start3A_19] : memref<128x128xf32, #tpu.memory_space<vmem>> -> memref<64x128xf32, #tpu.memory_space<vmem>>
      %dma_start3A_21 = arith.constant 64 : i32
      %dma_start3A_22 = tpu.memref_slice %arg9[%dma_start3A_17, %dma_start3A_21] : memref<40x128xi32, #tpu.memory_space<vmem>> -> memref<1x64xi32, #tpu.memory_space<vmem>>
      %dma_start3A_23 = tpu.memref_squeeze %dma_start3A_22 : memref<1x64xi32, #tpu.memory_space<vmem>> -> memref<64xi32, #tpu.memory_space<vmem>>
      %dma_start3A_24 = arith.constant 0 : i32
      %dma_start3A_25 = arith.constant 0 : i32
      %dma_start3A_26 = tpu.memref_slice %arg3[%dma_start3A_24, %dma_start3A_25] : memref<10000x128xf32, #tpu.memory_space<hbm>> -> memref<10000x128xf32, #tpu.memory_space<hbm>>
      tpu.enqueue_indirect_dma source(%dma_start3A_26 : memref<10000x128xf32, #tpu.memory_space<hbm>>) target(%dma_start3A_20 : memref<64x128xf32, #tpu.memory_space<vmem>>) offsets(%dma_start3A_23 : memref<64xi32, #tpu.memory_space<vmem>>) semaphore(%arg15 : memref<!tpu.dma_semaphore, #tpu.memory_space<semaphore_mem>>)
      %dma_start3A_27 = arith.constant 1 : i32
      %dma_start3A_28 = arith.constant 0 : i32
      %dma_start3A_29 = arith.constant 0 : i32
      %dma_start3A_30 = tpu.memref_slice %arg12[%dma_start3A_28, %dma_start3A_29] : memref<128x128xf32, #tpu.memory_space<vmem>> -> memref<64x128xf32, #tpu.memory_space<vmem>>
      %dma_start3A_31 = arith.constant 0 : i32
      %dma_start3A_32 = tpu.memref_slice %arg9[%dma_start3A_27, %dma_start3A_31] : memref<40x128xi32, #tpu.memory_space<vmem>> -> memref<1x64xi32, #tpu.memory_space<vmem>>
      %dma_start3A_33 = tpu.memref_squeeze %dma_start3A_32 : memref<1x64xi32, #tpu.memory_space<vmem>> -> memref<64xi32, #tpu.memory_space<vmem>>
      %dma_start3A_34 = arith.constant 0 : i32
      %dma_start3A_35 = arith.constant 0 : i32
      %dma_start3A_36 = tpu.memref_slice %arg3[%dma_start3A_34, %dma_start3A_35] : memref<10000x128xf32, #tpu.memory_space<hbm>> -> memref<10000x128xf32, #tpu.memory_space<hbm>>
      tpu.enqueue_indirect_dma source(%dma_start3A_36 : memref<10000x128xf32, #tpu.memory_space<hbm>>) target(%dma_start3A_30 : memref<64x128xf32, #tpu.memory_space<vmem>>) offsets(%dma_start3A_33 : memref<64xi32, #tpu.memory_space<vmem>>) semaphore(%arg16 : memref<!tpu.dma_semaphore, #tpu.memory_space<semaphore_mem>>)
      %dma_start3A_37 = arith.constant 1 : i32
      %dma_start3A_38 = arith.constant 64 : i32
      %dma_start3A_39 = arith.constant 0 : i32
      %dma_start3A_40 = tpu.memref_slice %arg12[%dma_start3A_38, %dma_start3A_39] : memref<128x128xf32, #tpu.memory_space<vmem>> -> memref<64x128xf32, #tpu.memory_space<vmem>>
      %dma_start3A_41 = arith.constant 64 : i32
      %dma_start3A_42 = tpu.memref_slice %arg9[%dma_start3A_37, %dma_start3A_41] : memref<40x128xi32, #tpu.memory_space<vmem>> -> memref<1x64xi32, #tpu.memory_space<vmem>>
      %dma_start3A_43 = tpu.memref_squeeze %dma_start3A_42 : memref<1x64xi32, #tpu.memory_space<vmem>> -> memref<64xi32, #tpu.memory_space<vmem>>
      %dma_start3A_44 = arith.constant 0 : i32
      %dma_start3A_45 = arith.constant 0 : i32
      %dma_start3A_46 = tpu.memref_slice %arg3[%dma_start3A_44, %dma_start3A_45] : memref<10000x128xf32, #tpu.memory_space<hbm>> -> memref<10000x128xf32, #tpu.memory_space<hbm>>
      tpu.enqueue_indirect_dma source(%dma_start3A_46 : memref<10000x128xf32, #tpu.memory_space<hbm>>) target(%dma_start3A_40 : memref<64x128xf32, #tpu.memory_space<vmem>>) offsets(%dma_start3A_43 : memref<64xi32, #tpu.memory_space<vmem>>) semaphore(%arg17 : memref<!tpu.dma_semaphore, #tpu.memory_space<semaphore_mem>>)
      %scan3A = arith.constant 0 : i32
      %scan3A_47 = arith.constant 0 : i32
      %scan3A_48 = arith.constant 20 : i32
      %scan3A_49 = arith.addi %scan3A_47, %scan3A_48 : i32
      %scan3A_50 = arith.constant 1 : i32
      scf.for %scan3A_103 = %scan3A_47 to %scan3A_49 step %scan3A_50  : i32 {
        %mul3A_104 = arith.constant 2 : i32
        %mul3A_105 = arith.muli %scan3A_103, %mul3A_104 : i32
        %add3A = arith.constant 0 : i32
        %add3A_106 = arith.addi %mul3A_105, %add3A : i32
        %dma_wait3A = arith.constant 0 : i32
        %dma_wait3A_107 = arith.constant 0 : i32
        %dma_wait3A_108 = tpu.memref_slice %arg11[%dma_wait3A, %dma_wait3A_107] : memref<128x128xf32, #tpu.memory_space<vmem>> -> memref<64x128xf32, #tpu.memory_space<vmem>>
        %dma_wait3A_109 = arith.constant 0 : i32
        %dma_wait3A_110 = tpu.memref_slice %arg9[%add3A_106, %dma_wait3A_109] : memref<40x128xi32, #tpu.memory_space<vmem>> -> memref<1x64xi32, #tpu.memory_space<vmem>>
        %dma_wait3A_111 = tpu.memref_squeeze %dma_wait3A_110 : memref<1x64xi32, #tpu.memory_space<vmem>> -> memref<64xi32, #tpu.memory_space<vmem>>
        %dma_wait3A_112 = arith.constant 0 : i32
        %dma_wait3A_113 = arith.constant 0 : i32
        %dma_wait3A_114 = tpu.memref_slice %arg3[%dma_wait3A_112, %dma_wait3A_113] : memref<10000x128xf32, #tpu.memory_space<hbm>> -> memref<10000x128xf32, #tpu.memory_space<hbm>>
        tpu.wait_indirect_dma semaphore(%arg14 : memref<!tpu.dma_semaphore, #tpu.memory_space<semaphore_mem>>) src(%dma_wait3A_114 : memref<10000x128xf32, #tpu.memory_space<hbm>>) dst(%dma_wait3A_108 : memref<64x128xf32, #tpu.memory_space<vmem>>)
        %dma_wait3A_115 = arith.constant 64 : i32
        %dma_wait3A_116 = arith.constant 0 : i32
        %dma_wait3A_117 = tpu.memref_slice %arg11[%dma_wait3A_115, %dma_wait3A_116] : memref<128x128xf32, #tpu.memory_space<vmem>> -> memref<64x128xf32, #tpu.memory_space<vmem>>
        %dma_wait3A_118 = arith.constant 64 : i32
        %dma_wait3A_119 = tpu.memref_slice %arg9[%add3A_106, %dma_wait3A_118] : memref<40x128xi32, #tpu.memory_space<vmem>> -> memref<1x64xi32, #tpu.memory_space<vmem>>
        %dma_wait3A_120 = tpu.memref_squeeze %dma_wait3A_119 : memref<1x64xi32, #tpu.memory_space<vmem>> -> memref<64xi32, #tpu.memory_space<vmem>>
        %dma_wait3A_121 = arith.constant 0 : i32
        %dma_wait3A_122 = arith.constant 0 : i32
        %dma_wait3A_123 = tpu.memref_slice %arg3[%dma_wait3A_121, %dma_wait3A_122] : memref<10000x128xf32, #tpu.memory_space<hbm>> -> memref<10000x128xf32, #tpu.memory_space<hbm>>
        tpu.wait_indirect_dma semaphore(%arg15 : memref<!tpu.dma_semaphore, #tpu.memory_space<semaphore_mem>>) src(%dma_wait3A_123 : memref<10000x128xf32, #tpu.memory_space<hbm>>) dst(%dma_wait3A_117 : memref<64x128xf32, #tpu.memory_space<vmem>>)
        "tpu.region"() ({
          %run_scoped3A = tpu.sem_alloc : memref<!tpu.dma_semaphore, #tpu.memory_space<semaphore_mem>>
          %dma_start3A_157 = arith.constant 0 : i32
          %dma_start3A_158 = tpu.memref_slice %arg10[%add3A_106, %dma_start3A_157] : memref<40x128xi32, #tpu.memory_space<vmem>> -> memref<1x128xi32, #tpu.memory_space<vmem>>
          %dma_start3A_159 = tpu.memref_squeeze %dma_start3A_158 : memref<1x128xi32, #tpu.memory_space<vmem>> -> memref<128xi32, #tpu.memory_space<vmem>>
          %dma_start3A_160 = arith.constant 0 : i32
          %dma_start3A_161 = arith.constant 0 : i32
          %dma_start3A_162 = tpu.memref_slice %arg13[%dma_start3A_160, %dma_start3A_161] : memref<10240x128xf32, #tpu.memory_space<vmem_shared>> -> memref<10240x128xf32, #tpu.memory_space<vmem_shared>>
          tpu.enqueue_indirect_dma source(%arg11 : memref<128x128xf32, #tpu.memory_space<vmem>>) target(%dma_start3A_162 : memref<10240x128xf32, #tpu.memory_space<vmem_shared>>) offsets(%dma_start3A_159 : memref<128xi32, #tpu.memory_space<vmem>>) semaphore(%run_scoped3A : memref<!tpu.dma_semaphore, #tpu.memory_space<semaphore_mem>>) {add = true}
          %dma_wait3A_163 = arith.constant 0 : i32
          %dma_wait3A_164 = tpu.memref_slice %arg10[%add3A_106, %dma_wait3A_163] : memref<40x128xi32, #tpu.memory_space<vmem>> -> memref<1x128xi32, #tpu.memory_space<vmem>>
          %dma_wait3A_165 = tpu.memref_squeeze %dma_wait3A_164 : memref<1x128xi32, #tpu.memory_space<vmem>> -> memref<128xi32, #tpu.memory_space<vmem>>
          %dma_wait3A_166 = arith.constant 0 : i32
          %dma_wait3A_167 = arith.constant 0 : i32
          %dma_wait3A_168 = tpu.memref_slice %arg13[%dma_wait3A_166, %dma_wait3A_167] : memref<10240x128xf32, #tpu.memory_space<vmem_shared>> -> memref<10240x128xf32, #tpu.memory_space<vmem_shared>>
          tpu.wait_indirect_dma semaphore(%run_scoped3A : memref<!tpu.dma_semaphore, #tpu.memory_space<semaphore_mem>>) src(%arg11 : memref<128x128xf32, #tpu.memory_space<vmem>>) dst(%dma_wait3A_168 : memref<10240x128xf32, #tpu.memory_space<vmem_shared>>)
          tpu.yield
        }) : () -> ()
        %add3A_124 = arith.constant 2 : i32
        %add3A_125 = arith.addi %add3A_106, %add3A_124 : i32
        %lt3A = arith.constant 40 : i32
        %lt3A_126 = arith.cmpi slt, %add3A_125, %lt3A : i32
        %convert_element_type3A_127 = arith.extui %lt3A_126 : i1 to i32
        %cond3A_128 = arith.constant 0 : i32
        %cond3A_129 = arith.cmpi ne, %convert_element_type3A_127, %cond3A_128 : i32
        scf.if %cond3A_129 {
          %add3A_157 = arith.constant 2 : i32
          %add3A_158 = arith.addi %add3A_106, %add3A_157 : i32
          %dma_start3A_159 = arith.constant 0 : i32
          %dma_start3A_160 = arith.constant 0 : i32
          %dma_start3A_161 = tpu.memref_slice %arg11[%dma_start3A_159, %dma_start3A_160] : memref<128x128xf32, #tpu.memory_space<vmem>> -> memref<64x128xf32, #tpu.memory_space<vmem>>
          %dma_start3A_162 = arith.constant 0 : i32
          %dma_start3A_163 = tpu.memref_slice %arg9[%add3A_158, %dma_start3A_162] : memref<40x128xi32, #tpu.memory_space<vmem>> -> memref<1x64xi32, #tpu.memory_space<vmem>>
          %dma_start3A_164 = tpu.memref_squeeze %dma_start3A_163 : memref<1x64xi32, #tpu.memory_space<vmem>> -> memref<64xi32, #tpu.memory_space<vmem>>
          %dma_start3A_165 = arith.constant 0 : i32
          %dma_start3A_166 = arith.constant 0 : i32
          %dma_start3A_167 = tpu.memref_slice %arg3[%dma_start3A_165, %dma_start3A_166] : memref<10000x128xf32, #tpu.memory_space<hbm>> -> memref<10000x128xf32, #tpu.memory_space<hbm>>
          tpu.enqueue_indirect_dma source(%dma_start3A_167 : memref<10000x128xf32, #tpu.memory_space<hbm>>) target(%dma_start3A_161 : memref<64x128xf32, #tpu.memory_space<vmem>>) offsets(%dma_start3A_164 : memref<64xi32, #tpu.memory_space<vmem>>) semaphore(%arg14 : memref<!tpu.dma_semaphore, #tpu.memory_space<semaphore_mem>>)
          %dma_start3A_168 = arith.constant 64 : i32
          %dma_start3A_169 = arith.constant 0 : i32
          %dma_start3A_170 = tpu.memref_slice %arg11[%dma_start3A_168, %dma_start3A_169] : memref<128x128xf32, #tpu.memory_space<vmem>> -> memref<64x128xf32, #tpu.memory_space<vmem>>
          %dma_start3A_171 = arith.constant 64 : i32
          %dma_start3A_172 = tpu.memref_slice %arg9[%add3A_158, %dma_start3A_171] : memref<40x128xi32, #tpu.memory_space<vmem>> -> memref<1x64xi32, #tpu.memory_space<vmem>>
          %dma_start3A_173 = tpu.memref_squeeze %dma_start3A_172 : memref<1x64xi32, #tpu.memory_space<vmem>> -> memref<64xi32, #tpu.memory_space<vmem>>
          %dma_start3A_174 = arith.constant 0 : i32
          %dma_start3A_175 = arith.constant 0 : i32
          %dma_start3A_176 = tpu.memref_slice %arg3[%dma_start3A_174, %dma_start3A_175] : memref<10000x128xf32, #tpu.memory_space<hbm>> -> memref<10000x128xf32, #tpu.memory_space<hbm>>
          tpu.enqueue_indirect_dma source(%dma_start3A_176 : memref<10000x128xf32, #tpu.memory_space<hbm>>) target(%dma_start3A_170 : memref<64x128xf32, #tpu.memory_space<vmem>>) offsets(%dma_start3A_173 : memref<64xi32, #tpu.memory_space<vmem>>) semaphore(%arg15 : memref<!tpu.dma_semaphore, #tpu.memory_space<semaphore_mem>>)
        } else {
        }
        %add3A_130 = arith.constant 1 : i32
        %add3A_131 = arith.addi %mul3A_105, %add3A_130 : i32
        %dma_wait3A_132 = arith.constant 0 : i32
        %dma_wait3A_133 = arith.constant 0 : i32
        %dma_wait3A_134 = tpu.memref_slice %arg12[%dma_wait3A_132, %dma_wait3A_133] : memref<128x128xf32, #tpu.memory_space<vmem>> -> memref<64x128xf32, #tpu.memory_space<vmem>>
        %dma_wait3A_135 = arith.constant 0 : i32
        %dma_wait3A_136 = tpu.memref_slice %arg9[%add3A_131, %dma_wait3A_135] : memref<40x128xi32, #tpu.memory_space<vmem>> -> memref<1x64xi32, #tpu.memory_space<vmem>>
        %dma_wait3A_137 = tpu.memref_squeeze %dma_wait3A_136 : memref<1x64xi32, #tpu.memory_space<vmem>> -> memref<64xi32, #tpu.memory_space<vmem>>
        %dma_wait3A_138 = arith.constant 0 : i32
        %dma_wait3A_139 = arith.constant 0 : i32
        %dma_wait3A_140 = tpu.memref_slice %arg3[%dma_wait3A_138, %dma_wait3A_139] : memref<10000x128xf32, #tpu.memory_space<hbm>> -> memref<10000x128xf32, #tpu.memory_space<hbm>>
        tpu.wait_indirect_dma semaphore(%arg16 : memref<!tpu.dma_semaphore, #tpu.memory_space<semaphore_mem>>) src(%dma_wait3A_140 : memref<10000x128xf32, #tpu.memory_space<hbm>>) dst(%dma_wait3A_134 : memref<64x128xf32, #tpu.memory_space<vmem>>)
        %dma_wait3A_141 = arith.constant 64 : i32
        %dma_wait3A_142 = arith.constant 0 : i32
        %dma_wait3A_143 = tpu.memref_slice %arg12[%dma_wait3A_141, %dma_wait3A_142] : memref<128x128xf32, #tpu.memory_space<vmem>> -> memref<64x128xf32, #tpu.memory_space<vmem>>
        %dma_wait3A_144 = arith.constant 64 : i32
        %dma_wait3A_145 = tpu.memref_slice %arg9[%add3A_131, %dma_wait3A_144] : memref<40x128xi32, #tpu.memory_space<vmem>> -> memref<1x64xi32, #tpu.memory_space<vmem>>
        %dma_wait3A_146 = tpu.memref_squeeze %dma_wait3A_145 : memref<1x64xi32, #tpu.memory_space<vmem>> -> memref<64xi32, #tpu.memory_space<vmem>>
        %dma_wait3A_147 = arith.constant 0 : i32
        %dma_wait3A_148 = arith.constant 0 : i32
        %dma_wait3A_149 = tpu.memref_slice %arg3[%dma_wait3A_147, %dma_wait3A_148] : memref<10000x128xf32, #tpu.memory_space<hbm>> -> memref<10000x128xf32, #tpu.memory_space<hbm>>
        tpu.wait_indirect_dma semaphore(%arg17 : memref<!tpu.dma_semaphore, #tpu.memory_space<semaphore_mem>>) src(%dma_wait3A_149 : memref<10000x128xf32, #tpu.memory_space<hbm>>) dst(%dma_wait3A_143 : memref<64x128xf32, #tpu.memory_space<vmem>>)
        "tpu.region"() ({
          %run_scoped3A = tpu.sem_alloc : memref<!tpu.dma_semaphore, #tpu.memory_space<semaphore_mem>>
          %dma_start3A_157 = arith.constant 0 : i32
          %dma_start3A_158 = tpu.memref_slice %arg10[%add3A_131, %dma_start3A_157] : memref<40x128xi32, #tpu.memory_space<vmem>> -> memref<1x128xi32, #tpu.memory_space<vmem>>
          %dma_start3A_159 = tpu.memref_squeeze %dma_start3A_158 : memref<1x128xi32, #tpu.memory_space<vmem>> -> memref<128xi32, #tpu.memory_space<vmem>>
          %dma_start3A_160 = arith.constant 0 : i32
          %dma_start3A_161 = arith.constant 0 : i32
          %dma_start3A_162 = tpu.memref_slice %arg13[%dma_start3A_160, %dma_start3A_161] : memref<10240x128xf32, #tpu.memory_space<vmem_shared>> -> memref<10240x128xf32, #tpu.memory_space<vmem_shared>>
          tpu.enqueue_indirect_dma source(%arg12 : memref<128x128xf32, #tpu.memory_space<vmem>>) target(%dma_start3A_162 : memref<10240x128xf32, #tpu.memory_space<vmem_shared>>) offsets(%dma_start3A_159 : memref<128xi32, #tpu.memory_space<vmem>>) semaphore(%run_scoped3A : memref<!tpu.dma_semaphore, #tpu.memory_space<semaphore_mem>>) {add = true}
          %dma_wait3A_163 = arith.constant 0 : i32
          %dma_wait3A_164 = tpu.memref_slice %arg10[%add3A_131, %dma_wait3A_163] : memref<40x128xi32, #tpu.memory_space<vmem>> -> memref<1x128xi32, #tpu.memory_space<vmem>>
          %dma_wait3A_165 = tpu.memref_squeeze %dma_wait3A_164 : memref<1x128xi32, #tpu.memory_space<vmem>> -> memref<128xi32, #tpu.memory_space<vmem>>
          %dma_wait3A_166 = arith.constant 0 : i32
          %dma_wait3A_167 = arith.constant 0 : i32
          %dma_wait3A_168 = tpu.memref_slice %arg13[%dma_wait3A_166, %dma_wait3A_167] : memref<10240x128xf32, #tpu.memory_space<vmem_shared>> -> memref<10240x128xf32, #tpu.memory_space<vmem_shared>>
          tpu.wait_indirect_dma semaphore(%run_scoped3A : memref<!tpu.dma_semaphore, #tpu.memory_space<semaphore_mem>>) src(%arg12 : memref<128x128xf32, #tpu.memory_space<vmem>>) dst(%dma_wait3A_168 : memref<10240x128xf32, #tpu.memory_space<vmem_shared>>)
          tpu.yield
        }) : () -> ()
        %add3A_150 = arith.constant 2 : i32
        %add3A_151 = arith.addi %add3A_131, %add3A_150 : i32
        %lt3A_152 = arith.constant 40 : i32
        %lt3A_153 = arith.cmpi slt, %add3A_151, %lt3A_152 : i32
        %convert_element_type3A_154 = arith.extui %lt3A_153 : i1 to i32
        %cond3A_155 = arith.constant 0 : i32
        %cond3A_156 = arith.cmpi ne, %convert_element_type3A_154, %cond3A_155 : i32
        scf.if %cond3A_156 {
          %add3A_157 = arith.constant 2 : i32
          %add3A_158 = arith.addi %add3A_131, %add3A_157 : i32
          %dma_start3A_159 = arith.constant 0 : i32
          %dma_start3A_160 = arith.constant 0 : i32
          %dma_start3A_161 = tpu.memref_slice %arg12[%dma_start3A_159, %dma_start3A_160] : memref<128x128xf32, #tpu.memory_space<vmem>> -> memref<64x128xf32, #tpu.memory_space<vmem>>
          %dma_start3A_162 = arith.constant 0 : i32
          %dma_start3A_163 = tpu.memref_slice %arg9[%add3A_158, %dma_start3A_162] : memref<40x128xi32, #tpu.memory_space<vmem>> -> memref<1x64xi32, #tpu.memory_space<vmem>>
          %dma_start3A_164 = tpu.memref_squeeze %dma_start3A_163 : memref<1x64xi32, #tpu.memory_space<vmem>> -> memref<64xi32, #tpu.memory_space<vmem>>
          %dma_start3A_165 = arith.constant 0 : i32
          %dma_start3A_166 = arith.constant 0 : i32
          %dma_start3A_167 = tpu.memref_slice %arg3[%dma_start3A_165, %dma_start3A_166] : memref<10000x128xf32, #tpu.memory_space<hbm>> -> memref<10000x128xf32, #tpu.memory_space<hbm>>
          tpu.enqueue_indirect_dma source(%dma_start3A_167 : memref<10000x128xf32, #tpu.memory_space<hbm>>) target(%dma_start3A_161 : memref<64x128xf32, #tpu.memory_space<vmem>>) offsets(%dma_start3A_164 : memref<64xi32, #tpu.memory_space<vmem>>) semaphore(%arg16 : memref<!tpu.dma_semaphore, #tpu.memory_space<semaphore_mem>>)
          %dma_start3A_168 = arith.constant 64 : i32
          %dma_start3A_169 = arith.constant 0 : i32
          %dma_start3A_170 = tpu.memref_slice %arg12[%dma_start3A_168, %dma_start3A_169] : memref<128x128xf32, #tpu.memory_space<vmem>> -> memref<64x128xf32, #tpu.memory_space<vmem>>
          %dma_start3A_171 = arith.constant 64 : i32
          %dma_start3A_172 = tpu.memref_slice %arg9[%add3A_158, %dma_start3A_171] : memref<40x128xi32, #tpu.memory_space<vmem>> -> memref<1x64xi32, #tpu.memory_space<vmem>>
          %dma_start3A_173 = tpu.memref_squeeze %dma_start3A_172 : memref<1x64xi32, #tpu.memory_space<vmem>> -> memref<64xi32, #tpu.memory_space<vmem>>
          %dma_start3A_174 = arith.constant 0 : i32
          %dma_start3A_175 = arith.constant 0 : i32
          %dma_start3A_176 = tpu.memref_slice %arg3[%dma_start3A_174, %dma_start3A_175] : memref<10000x128xf32, #tpu.memory_space<hbm>> -> memref<10000x128xf32, #tpu.memory_space<hbm>>
          tpu.enqueue_indirect_dma source(%dma_start3A_176 : memref<10000x128xf32, #tpu.memory_space<hbm>>) target(%dma_start3A_170 : memref<64x128xf32, #tpu.memory_space<vmem>>) offsets(%dma_start3A_173 : memref<64xi32, #tpu.memory_space<vmem>>) semaphore(%arg17 : memref<!tpu.dma_semaphore, #tpu.memory_space<semaphore_mem>>)
        } else {
        }
      }
      %scan3A_51 = arith.constant 20 : i32
      "tpu.region"() ({
        %run_scoped3A = tpu.sem_alloc : memref<!tpu.dma_semaphore, #tpu.memory_space<semaphore_mem>>
        %dma_start3A_103 = arith.constant 40 : i32
        %dma_start3A_104 = arith.constant 0 : i32
        %dma_start3A_105 = tpu.memref_slice %arg4[%arg1, %dma_start3A_103, %dma_start3A_104] : memref<16x80x128xi32, #tpu.memory_space<hbm>> -> memref<1x40x128xi32, #tpu.memory_space<hbm>>
        %dma_start3A_106 = tpu.memref_squeeze %dma_start3A_105 : memref<1x40x128xi32, #tpu.memory_space<hbm>> -> memref<40x128xi32, #tpu.memory_space<hbm>>
        %dma_start3A_107 = arith.constant 40 : i32
        %dma_start3A_108 = arith.constant 0 : i32
        %dma_start3A_109 = tpu.memref_slice %arg4[%arg1, %dma_start3A_107, %dma_start3A_108] : memref<16x80x128xi32, #tpu.memory_space<hbm>> -> memref<1x40x128xi32, #tpu.memory_space<hbm>>
        %dma_start3A_110 = tpu.memref_squeeze %dma_start3A_109 : memref<1x40x128xi32, #tpu.memory_space<hbm>> -> memref<40x128xi32, #tpu.memory_space<hbm>>
        tpu.enqueue_dma source(%dma_start3A_110 : memref<40x128xi32, #tpu.memory_space<hbm>>) target(%arg9 : memref<40x128xi32, #tpu.memory_space<vmem>>) target_semaphore(%run_scoped3A : memref<!tpu.dma_semaphore, #tpu.memory_space<semaphore_mem>>)
        %dma_wait3A = arith.constant 40 : i32
        %dma_wait3A_111 = arith.constant 0 : i32
        %dma_wait3A_112 = tpu.memref_slice %arg4[%arg1, %dma_wait3A, %dma_wait3A_111] : memref<16x80x128xi32, #tpu.memory_space<hbm>> -> memref<1x40x128xi32, #tpu.memory_space<hbm>>
        %dma_wait3A_113 = tpu.memref_squeeze %dma_wait3A_112 : memref<1x40x128xi32, #tpu.memory_space<hbm>> -> memref<40x128xi32, #tpu.memory_space<hbm>>
        %dma_wait3A_114 = arith.constant 40 : i32
        %dma_wait3A_115 = arith.constant 0 : i32
        %dma_wait3A_116 = tpu.memref_slice %arg4[%arg1, %dma_wait3A_114, %dma_wait3A_115] : memref<16x80x128xi32, #tpu.memory_space<hbm>> -> memref<1x40x128xi32, #tpu.memory_space<hbm>>
        %dma_wait3A_117 = tpu.memref_squeeze %dma_wait3A_116 : memref<1x40x128xi32, #tpu.memory_space<hbm>> -> memref<40x128xi32, #tpu.memory_space<hbm>>
        tpu.wait_dma2 semaphore(%run_scoped3A : memref<!tpu.dma_semaphore, #tpu.memory_space<semaphore_mem>>) src(%dma_wait3A_117 : memref<40x128xi32, #tpu.memory_space<hbm>>) dst(%arg9 : memref<40x128xi32, #tpu.memory_space<vmem>>)
        tpu.yield
      }) : () -> ()
      "tpu.region"() ({
        %run_scoped3A = tpu.sem_alloc : memref<!tpu.dma_semaphore, #tpu.memory_space<semaphore_mem>>
        %dma_start3A_103 = arith.constant 40 : i32
        %dma_start3A_104 = arith.constant 0 : i32
        %dma_start3A_105 = tpu.memref_slice %arg5[%arg1, %dma_start3A_103, %dma_start3A_104] : memref<16x80x128xi32, #tpu.memory_space<hbm>> -> memref<1x40x128xi32, #tpu.memory_space<hbm>>
        %dma_start3A_106 = tpu.memref_squeeze %dma_start3A_105 : memref<1x40x128xi32, #tpu.memory_space<hbm>> -> memref<40x128xi32, #tpu.memory_space<hbm>>
        %dma_start3A_107 = arith.constant 40 : i32
        %dma_start3A_108 = arith.constant 0 : i32
        %dma_start3A_109 = tpu.memref_slice %arg5[%arg1, %dma_start3A_107, %dma_start3A_108] : memref<16x80x128xi32, #tpu.memory_space<hbm>> -> memref<1x40x128xi32, #tpu.memory_space<hbm>>
        %dma_start3A_110 = tpu.memref_squeeze %dma_start3A_109 : memref<1x40x128xi32, #tpu.memory_space<hbm>> -> memref<40x128xi32, #tpu.memory_space<hbm>>
        tpu.enqueue_dma source(%dma_start3A_110 : memref<40x128xi32, #tpu.memory_space<hbm>>) target(%arg10 : memref<40x128xi32, #tpu.memory_space<vmem>>) target_semaphore(%run_scoped3A : memref<!tpu.dma_semaphore, #tpu.memory_space<semaphore_mem>>)
        %dma_wait3A = arith.constant 40 : i32
        %dma_wait3A_111 = arith.constant 0 : i32
        %dma_wait3A_112 = tpu.memref_slice %arg5[%arg1, %dma_wait3A, %dma_wait3A_111] : memref<16x80x128xi32, #tpu.memory_space<hbm>> -> memref<1x40x128xi32, #tpu.memory_space<hbm>>
        %dma_wait3A_113 = tpu.memref_squeeze %dma_wait3A_112 : memref<1x40x128xi32, #tpu.memory_space<hbm>> -> memref<40x128xi32, #tpu.memory_space<hbm>>
        %dma_wait3A_114 = arith.constant 40 : i32
        %dma_wait3A_115 = arith.constant 0 : i32
        %dma_wait3A_116 = tpu.memref_slice %arg5[%arg1, %dma_wait3A_114, %dma_wait3A_115] : memref<16x80x128xi32, #tpu.memory_space<hbm>> -> memref<1x40x128xi32, #tpu.memory_space<hbm>>
        %dma_wait3A_117 = tpu.memref_squeeze %dma_wait3A_116 : memref<1x40x128xi32, #tpu.memory_space<hbm>> -> memref<40x128xi32, #tpu.memory_space<hbm>>
        tpu.wait_dma2 semaphore(%run_scoped3A : memref<!tpu.dma_semaphore, #tpu.memory_space<semaphore_mem>>) src(%dma_wait3A_117 : memref<40x128xi32, #tpu.memory_space<hbm>>) dst(%arg10 : memref<40x128xi32, #tpu.memory_space<vmem>>)
        tpu.yield
      }) : () -> ()
      %dma_start3A_52 = arith.constant 0 : i32
      %dma_start3A_53 = arith.constant 0 : i32
      %dma_start3A_54 = arith.constant 0 : i32
      %dma_start3A_55 = tpu.memref_slice %arg11[%dma_start3A_53, %dma_start3A_54] : memref<128x128xf32, #tpu.memory_space<vmem>> -> memref<64x128xf32, #tpu.memory_space<vmem>>
      %dma_start3A_56 = arith.constant 0 : i32
      %dma_start3A_57 = tpu.memref_slice %arg9[%dma_start3A_52, %dma_start3A_56] : memref<40x128xi32, #tpu.memory_space<vmem>> -> memref<1x64xi32, #tpu.memory_space<vmem>>
      %dma_start3A_58 = tpu.memref_squeeze %dma_start3A_57 : memref<1x64xi32, #tpu.memory_space<vmem>> -> memref<64xi32, #tpu.memory_space<vmem>>
      %dma_start3A_59 = arith.constant 0 : i32
      %dma_start3A_60 = arith.constant 0 : i32
      %dma_start3A_61 = tpu.memref_slice %arg3[%dma_start3A_59, %dma_start3A_60] : memref<10000x128xf32, #tpu.memory_space<hbm>> -> memref<10000x128xf32, #tpu.memory_space<hbm>>
      tpu.enqueue_indirect_dma source(%dma_start3A_61 : memref<10000x128xf32, #tpu.memory_space<hbm>>) target(%dma_start3A_55 : memref<64x128xf32, #tpu.memory_space<vmem>>) offsets(%dma_start3A_58 : memref<64xi32, #tpu.memory_space<vmem>>) semaphore(%arg14 : memref<!tpu.dma_semaphore, #tpu.memory_space<semaphore_mem>>)
      %dma_start3A_62 = arith.constant 0 : i32
      %dma_start3A_63 = arith.constant 64 : i32
      %dma_start3A_64 = arith.constant 0 : i32
      %dma_start3A_65 = tpu.memref_slice %arg11[%dma_start3A_63, %dma_start3A_64] : memref<128x128xf32, #tpu.memory_space<vmem>> -> memref<64x128xf32, #tpu.memory_space<vmem>>
      %dma_start3A_66 = arith.constant 64 : i32
      %dma_start3A_67 = tpu.memref_slice %arg9[%dma_start3A_62, %dma_start3A_66] : memref<40x128xi32, #tpu.memory_space<vmem>> -> memref<1x64xi32, #tpu.memory_space<vmem>>
      %dma_start3A_68 = tpu.memref_squeeze %dma_start3A_67 : memref<1x64xi32, #tpu.memory_space<vmem>> -> memref<64xi32, #tpu.memory_space<vmem>>
      %dma_start3A_69 = arith.constant 0 : i32
      %dma_start3A_70 = arith.constant 0 : i32
      %dma_start3A_71 = tpu.memref_slice %arg3[%dma_start3A_69, %dma_start3A_70] : memref<10000x128xf32, #tpu.memory_space<hbm>> -> memref<10000x128xf32, #tpu.memory_space<hbm>>
      tpu.enqueue_indirect_dma source(%dma_start3A_71 : memref<10000x128xf32, #tpu.memory_space<hbm>>) target(%dma_start3A_65 : memref<64x128xf32, #tpu.memory_space<vmem>>) offsets(%dma_start3A_68 : memref<64xi32, #tpu.memory_space<vmem>>) semaphore(%arg15 : memref<!tpu.dma_semaphore, #tpu.memory_space<semaphore_mem>>)
      %dma_start3A_72 = arith.constant 1 : i32
      %dma_start3A_73 = arith.constant 0 : i32
      %dma_start3A_74 = arith.constant 0 : i32
      %dma_start3A_75 = tpu.memref_slice %arg12[%dma_start3A_73, %dma_start3A_74] : memref<128x128xf32, #tpu.memory_space<vmem>> -> memref<64x128xf32, #tpu.memory_space<vmem>>
      %dma_start3A_76 = arith.constant 0 : i32
      %dma_start3A_77 = tpu.memref_slice %arg9[%dma_start3A_72, %dma_start3A_76] : memref<40x128xi32, #tpu.memory_space<vmem>> -> memref<1x64xi32, #tpu.memory_space<vmem>>
      %dma_start3A_78 = tpu.memref_squeeze %dma_start3A_77 : memref<1x64xi32, #tpu.memory_space<vmem>> -> memref<64xi32, #tpu.memory_space<vmem>>
      %dma_start3A_79 = arith.constant 0 : i32
      %dma_start3A_80 = arith.constant 0 : i32
      %dma_start3A_81 = tpu.memref_slice %arg3[%dma_start3A_79, %dma_start3A_80] : memref<10000x128xf32, #tpu.memory_space<hbm>> -> memref<10000x128xf32, #tpu.memory_space<hbm>>
      tpu.enqueue_indirect_dma source(%dma_start3A_81 : memref<10000x128xf32, #tpu.memory_space<hbm>>) target(%dma_start3A_75 : memref<64x128xf32, #tpu.memory_space<vmem>>) offsets(%dma_start3A_78 : memref<64xi32, #tpu.memory_space<vmem>>) semaphore(%arg16 : memref<!tpu.dma_semaphore, #tpu.memory_space<semaphore_mem>>)
      %dma_start3A_82 = arith.constant 1 : i32
      %dma_start3A_83 = arith.constant 64 : i32
      %dma_start3A_84 = arith.constant 0 : i32
      %dma_start3A_85 = tpu.memref_slice %arg12[%dma_start3A_83, %dma_start3A_84] : memref<128x128xf32, #tpu.memory_space<vmem>> -> memref<64x128xf32, #tpu.memory_space<vmem>>
      %dma_start3A_86 = arith.constant 64 : i32
      %dma_start3A_87 = tpu.memref_slice %arg9[%dma_start3A_82, %dma_start3A_86] : memref<40x128xi32, #tpu.memory_space<vmem>> -> memref<1x64xi32, #tpu.memory_space<vmem>>
      %dma_start3A_88 = tpu.memref_squeeze %dma_start3A_87 : memref<1x64xi32, #tpu.memory_space<vmem>> -> memref<64xi32, #tpu.memory_space<vmem>>
      %dma_start3A_89 = arith.constant 0 : i32
      %dma_start3A_90 = arith.constant 0 : i32
      %dma_start3A_91 = tpu.memref_slice %arg3[%dma_start3A_89, %dma_start3A_90] : memref<10000x128xf32, #tpu.memory_space<hbm>> -> memref<10000x128xf32, #tpu.memory_space<hbm>>
      tpu.enqueue_indirect_dma source(%dma_start3A_91 : memref<10000x128xf32, #tpu.memory_space<hbm>>) target(%dma_start3A_85 : memref<64x128xf32, #tpu.memory_space<vmem>>) offsets(%dma_start3A_88 : memref<64xi32, #tpu.memory_space<vmem>>) semaphore(%arg17 : memref<!tpu.dma_semaphore, #tpu.memory_space<semaphore_mem>>)
      %scan3A_92 = arith.constant 0 : i32
      %scan3A_93 = arith.constant 0 : i32
      %scan3A_94 = arith.constant 20 : i32
      %scan3A_95 = arith.addi %scan3A_93, %scan3A_94 : i32
      %scan3A_96 = arith.constant 1 : i32
      scf.for %scan3A_103 = %scan3A_93 to %scan3A_95 step %scan3A_96  : i32 {
        %mul3A_104 = arith.constant 2 : i32
        %mul3A_105 = arith.muli %scan3A_103, %mul3A_104 : i32
        %add3A = arith.constant 0 : i32
        %add3A_106 = arith.addi %mul3A_105, %add3A : i32
        %dma_wait3A = arith.constant 0 : i32
        %dma_wait3A_107 = arith.constant 0 : i32
        %dma_wait3A_108 = tpu.memref_slice %arg11[%dma_wait3A, %dma_wait3A_107] : memref<128x128xf32, #tpu.memory_space<vmem>> -> memref<64x128xf32, #tpu.memory_space<vmem>>
        %dma_wait3A_109 = arith.constant 0 : i32
        %dma_wait3A_110 = tpu.memref_slice %arg9[%add3A_106, %dma_wait3A_109] : memref<40x128xi32, #tpu.memory_space<vmem>> -> memref<1x64xi32, #tpu.memory_space<vmem>>
        %dma_wait3A_111 = tpu.memref_squeeze %dma_wait3A_110 : memref<1x64xi32, #tpu.memory_space<vmem>> -> memref<64xi32, #tpu.memory_space<vmem>>
        %dma_wait3A_112 = arith.constant 0 : i32
        %dma_wait3A_113 = arith.constant 0 : i32
        %dma_wait3A_114 = tpu.memref_slice %arg3[%dma_wait3A_112, %dma_wait3A_113] : memref<10000x128xf32, #tpu.memory_space<hbm>> -> memref<10000x128xf32, #tpu.memory_space<hbm>>
        tpu.wait_indirect_dma semaphore(%arg14 : memref<!tpu.dma_semaphore, #tpu.memory_space<semaphore_mem>>) src(%dma_wait3A_114 : memref<10000x128xf32, #tpu.memory_space<hbm>>) dst(%dma_wait3A_108 : memref<64x128xf32, #tpu.memory_space<vmem>>)
        %dma_wait3A_115 = arith.constant 64 : i32
        %dma_wait3A_116 = arith.constant 0 : i32
        %dma_wait3A_117 = tpu.memref_slice %arg11[%dma_wait3A_115, %dma_wait3A_116] : memref<128x128xf32, #tpu.memory_space<vmem>> -> memref<64x128xf32, #tpu.memory_space<vmem>>
        %dma_wait3A_118 = arith.constant 64 : i32
        %dma_wait3A_119 = tpu.memref_slice %arg9[%add3A_106, %dma_wait3A_118] : memref<40x128xi32, #tpu.memory_space<vmem>> -> memref<1x64xi32, #tpu.memory_space<vmem>>
        %dma_wait3A_120 = tpu.memref_squeeze %dma_wait3A_119 : memref<1x64xi32, #tpu.memory_space<vmem>> -> memref<64xi32, #tpu.memory_space<vmem>>
        %dma_wait3A_121 = arith.constant 0 : i32
        %dma_wait3A_122 = arith.constant 0 : i32
        %dma_wait3A_123 = tpu.memref_slice %arg3[%dma_wait3A_121, %dma_wait3A_122] : memref<10000x128xf32, #tpu.memory_space<hbm>> -> memref<10000x128xf32, #tpu.memory_space<hbm>>
        tpu.wait_indirect_dma semaphore(%arg15 : memref<!tpu.dma_semaphore, #tpu.memory_space<semaphore_mem>>) src(%dma_wait3A_123 : memref<10000x128xf32, #tpu.memory_space<hbm>>) dst(%dma_wait3A_117 : memref<64x128xf32, #tpu.memory_space<vmem>>)
        "tpu.region"() ({
          %run_scoped3A = tpu.sem_alloc : memref<!tpu.dma_semaphore, #tpu.memory_space<semaphore_mem>>
          %dma_start3A_157 = arith.constant 0 : i32
          %dma_start3A_158 = tpu.memref_slice %arg10[%add3A_106, %dma_start3A_157] : memref<40x128xi32, #tpu.memory_space<vmem>> -> memref<1x128xi32, #tpu.memory_space<vmem>>
          %dma_start3A_159 = tpu.memref_squeeze %dma_start3A_158 : memref<1x128xi32, #tpu.memory_space<vmem>> -> memref<128xi32, #tpu.memory_space<vmem>>
          %dma_start3A_160 = arith.constant 0 : i32
          %dma_start3A_161 = arith.constant 0 : i32
          %dma_start3A_162 = tpu.memref_slice %arg13[%dma_start3A_160, %dma_start3A_161] : memref<10240x128xf32, #tpu.memory_space<vmem_shared>> -> memref<10240x128xf32, #tpu.memory_space<vmem_shared>>
          tpu.enqueue_indirect_dma source(%arg11 : memref<128x128xf32, #tpu.memory_space<vmem>>) target(%dma_start3A_162 : memref<10240x128xf32, #tpu.memory_space<vmem_shared>>) offsets(%dma_start3A_159 : memref<128xi32, #tpu.memory_space<vmem>>) semaphore(%run_scoped3A : memref<!tpu.dma_semaphore, #tpu.memory_space<semaphore_mem>>) {add = true}
          %dma_wait3A_163 = arith.constant 0 : i32
          %dma_wait3A_164 = tpu.memref_slice %arg10[%add3A_106, %dma_wait3A_163] : memref<40x128xi32, #tpu.memory_space<vmem>> -> memref<1x128xi32, #tpu.memory_space<vmem>>
          %dma_wait3A_165 = tpu.memref_squeeze %dma_wait3A_164 : memref<1x128xi32, #tpu.memory_space<vmem>> -> memref<128xi32, #tpu.memory_space<vmem>>
          %dma_wait3A_166 = arith.constant 0 : i32
          %dma_wait3A_167 = arith.constant 0 : i32
          %dma_wait3A_168 = tpu.memref_slice %arg13[%dma_wait3A_166, %dma_wait3A_167] : memref<10240x128xf32, #tpu.memory_space<vmem_shared>> -> memref<10240x128xf32, #tpu.memory_space<vmem_shared>>
          tpu.wait_indirect_dma semaphore(%run_scoped3A : memref<!tpu.dma_semaphore, #tpu.memory_space<semaphore_mem>>) src(%arg11 : memref<128x128xf32, #tpu.memory_space<vmem>>) dst(%dma_wait3A_168 : memref<10240x128xf32, #tpu.memory_space<vmem_shared>>)
          tpu.yield
        }) : () -> ()
        %add3A_124 = arith.constant 2 : i32
        %add3A_125 = arith.addi %add3A_106, %add3A_124 : i32
        %lt3A = arith.constant 40 : i32
        %lt3A_126 = arith.cmpi slt, %add3A_125, %lt3A : i32
        %convert_element_type3A_127 = arith.extui %lt3A_126 : i1 to i32
        %cond3A_128 = arith.constant 0 : i32
        %cond3A_129 = arith.cmpi ne, %convert_element_type3A_127, %cond3A_128 : i32
        scf.if %cond3A_129 {
          %add3A_157 = arith.constant 2 : i32
          %add3A_158 = arith.addi %add3A_106, %add3A_157 : i32
          %dma_start3A_159 = arith.constant 0 : i32
          %dma_start3A_160 = arith.constant 0 : i32
          %dma_start3A_161 = tpu.memref_slice %arg11[%dma_start3A_159, %dma_start3A_160] : memref<128x128xf32, #tpu.memory_space<vmem>> -> memref<64x128xf32, #tpu.memory_space<vmem>>
          %dma_start3A_162 = arith.constant 0 : i32
          %dma_start3A_163 = tpu.memref_slice %arg9[%add3A_158, %dma_start3A_162] : memref<40x128xi32, #tpu.memory_space<vmem>> -> memref<1x64xi32, #tpu.memory_space<vmem>>
          %dma_start3A_164 = tpu.memref_squeeze %dma_start3A_163 : memref<1x64xi32, #tpu.memory_space<vmem>> -> memref<64xi32, #tpu.memory_space<vmem>>
          %dma_start3A_165 = arith.constant 0 : i32
          %dma_start3A_166 = arith.constant 0 : i32
          %dma_start3A_167 = tpu.memref_slice %arg3[%dma_start3A_165, %dma_start3A_166] : memref<10000x128xf32, #tpu.memory_space<hbm>> -> memref<10000x128xf32, #tpu.memory_space<hbm>>
          tpu.enqueue_indirect_dma source(%dma_start3A_167 : memref<10000x128xf32, #tpu.memory_space<hbm>>) target(%dma_start3A_161 : memref<64x128xf32, #tpu.memory_space<vmem>>) offsets(%dma_start3A_164 : memref<64xi32, #tpu.memory_space<vmem>>) semaphore(%arg14 : memref<!tpu.dma_semaphore, #tpu.memory_space<semaphore_mem>>)
          %dma_start3A_168 = arith.constant 64 : i32
          %dma_start3A_169 = arith.constant 0 : i32
          %dma_start3A_170 = tpu.memref_slice %arg11[%dma_start3A_168, %dma_start3A_169] : memref<128x128xf32, #tpu.memory_space<vmem>> -> memref<64x128xf32, #tpu.memory_space<vmem>>
          %dma_start3A_171 = arith.constant 64 : i32
          %dma_start3A_172 = tpu.memref_slice %arg9[%add3A_158, %dma_start3A_171] : memref<40x128xi32, #tpu.memory_space<vmem>> -> memref<1x64xi32, #tpu.memory_space<vmem>>
          %dma_start3A_173 = tpu.memref_squeeze %dma_start3A_172 : memref<1x64xi32, #tpu.memory_space<vmem>> -> memref<64xi32, #tpu.memory_space<vmem>>
          %dma_start3A_174 = arith.constant 0 : i32
          %dma_start3A_175 = arith.constant 0 : i32
          %dma_start3A_176 = tpu.memref_slice %arg3[%dma_start3A_174, %dma_start3A_175] : memref<10000x128xf32, #tpu.memory_space<hbm>> -> memref<10000x128xf32, #tpu.memory_space<hbm>>
          tpu.enqueue_indirect_dma source(%dma_start3A_176 : memref<10000x128xf32, #tpu.memory_space<hbm>>) target(%dma_start3A_170 : memref<64x128xf32, #tpu.memory_space<vmem>>) offsets(%dma_start3A_173 : memref<64xi32, #tpu.memory_space<vmem>>) semaphore(%arg15 : memref<!tpu.dma_semaphore, #tpu.memory_space<semaphore_mem>>)
        } else {
        }
        %add3A_130 = arith.constant 1 : i32
        %add3A_131 = arith.addi %mul3A_105, %add3A_130 : i32
        %dma_wait3A_132 = arith.constant 0 : i32
        %dma_wait3A_133 = arith.constant 0 : i32
        %dma_wait3A_134 = tpu.memref_slice %arg12[%dma_wait3A_132, %dma_wait3A_133] : memref<128x128xf32, #tpu.memory_space<vmem>> -> memref<64x128xf32, #tpu.memory_space<vmem>>
        %dma_wait3A_135 = arith.constant 0 : i32
        %dma_wait3A_136 = tpu.memref_slice %arg9[%add3A_131, %dma_wait3A_135] : memref<40x128xi32, #tpu.memory_space<vmem>> -> memref<1x64xi32, #tpu.memory_space<vmem>>
        %dma_wait3A_137 = tpu.memref_squeeze %dma_wait3A_136 : memref<1x64xi32, #tpu.memory_space<vmem>> -> memref<64xi32, #tpu.memory_space<vmem>>
        %dma_wait3A_138 = arith.constant 0 : i32
        %dma_wait3A_139 = arith.constant 0 : i32
        %dma_wait3A_140 = tpu.memref_slice %arg3[%dma_wait3A_138, %dma_wait3A_139] : memref<10000x128xf32, #tpu.memory_space<hbm>> -> memref<10000x128xf32, #tpu.memory_space<hbm>>
        tpu.wait_indirect_dma semaphore(%arg16 : memref<!tpu.dma_semaphore, #tpu.memory_space<semaphore_mem>>) src(%dma_wait3A_140 : memref<10000x128xf32, #tpu.memory_space<hbm>>) dst(%dma_wait3A_134 : memref<64x128xf32, #tpu.memory_space<vmem>>)
        %dma_wait3A_141 = arith.constant 64 : i32
        %dma_wait3A_142 = arith.constant 0 : i32
        %dma_wait3A_143 = tpu.memref_slice %arg12[%dma_wait3A_141, %dma_wait3A_142] : memref<128x128xf32, #tpu.memory_space<vmem>> -> memref<64x128xf32, #tpu.memory_space<vmem>>
        %dma_wait3A_144 = arith.constant 64 : i32
        %dma_wait3A_145 = tpu.memref_slice %arg9[%add3A_131, %dma_wait3A_144] : memref<40x128xi32, #tpu.memory_space<vmem>> -> memref<1x64xi32, #tpu.memory_space<vmem>>
        %dma_wait3A_146 = tpu.memref_squeeze %dma_wait3A_145 : memref<1x64xi32, #tpu.memory_space<vmem>> -> memref<64xi32, #tpu.memory_space<vmem>>
        %dma_wait3A_147 = arith.constant 0 : i32
        %dma_wait3A_148 = arith.constant 0 : i32
        %dma_wait3A_149 = tpu.memref_slice %arg3[%dma_wait3A_147, %dma_wait3A_148] : memref<10000x128xf32, #tpu.memory_space<hbm>> -> memref<10000x128xf32, #tpu.memory_space<hbm>>
        tpu.wait_indirect_dma semaphore(%arg17 : memref<!tpu.dma_semaphore, #tpu.memory_space<semaphore_mem>>) src(%dma_wait3A_149 : memref<10000x128xf32, #tpu.memory_space<hbm>>) dst(%dma_wait3A_143 : memref<64x128xf32, #tpu.memory_space<vmem>>)
        "tpu.region"() ({
          %run_scoped3A = tpu.sem_alloc : memref<!tpu.dma_semaphore, #tpu.memory_space<semaphore_mem>>
          %dma_start3A_157 = arith.constant 0 : i32
          %dma_start3A_158 = tpu.memref_slice %arg10[%add3A_131, %dma_start3A_157] : memref<40x128xi32, #tpu.memory_space<vmem>> -> memref<1x128xi32, #tpu.memory_space<vmem>>
          %dma_start3A_159 = tpu.memref_squeeze %dma_start3A_158 : memref<1x128xi32, #tpu.memory_space<vmem>> -> memref<128xi32, #tpu.memory_space<vmem>>
          %dma_start3A_160 = arith.constant 0 : i32
          %dma_start3A_161 = arith.constant 0 : i32
          %dma_start3A_162 = tpu.memref_slice %arg13[%dma_start3A_160, %dma_start3A_161] : memref<10240x128xf32, #tpu.memory_space<vmem_shared>> -> memref<10240x128xf32, #tpu.memory_space<vmem_shared>>
          tpu.enqueue_indirect_dma source(%arg12 : memref<128x128xf32, #tpu.memory_space<vmem>>) target(%dma_start3A_162 : memref<10240x128xf32, #tpu.memory_space<vmem_shared>>) offsets(%dma_start3A_159 : memref<128xi32, #tpu.memory_space<vmem>>) semaphore(%run_scoped3A : memref<!tpu.dma_semaphore, #tpu.memory_space<semaphore_mem>>) {add = true}
          %dma_wait3A_163 = arith.constant 0 : i32
          %dma_wait3A_164 = tpu.memref_slice %arg10[%add3A_131, %dma_wait3A_163] : memref<40x128xi32, #tpu.memory_space<vmem>> -> memref<1x128xi32, #tpu.memory_space<vmem>>
          %dma_wait3A_165 = tpu.memref_squeeze %dma_wait3A_164 : memref<1x128xi32, #tpu.memory_space<vmem>> -> memref<128xi32, #tpu.memory_space<vmem>>
          %dma_wait3A_166 = arith.constant 0 : i32
          %dma_wait3A_167 = arith.constant 0 : i32
          %dma_wait3A_168 = tpu.memref_slice %arg13[%dma_wait3A_166, %dma_wait3A_167] : memref<10240x128xf32, #tpu.memory_space<vmem_shared>> -> memref<10240x128xf32, #tpu.memory_space<vmem_shared>>
          tpu.wait_indirect_dma semaphore(%run_scoped3A : memref<!tpu.dma_semaphore, #tpu.memory_space<semaphore_mem>>) src(%arg12 : memref<128x128xf32, #tpu.memory_space<vmem>>) dst(%dma_wait3A_168 : memref<10240x128xf32, #tpu.memory_space<vmem_shared>>)
          tpu.yield
        }) : () -> ()
        %add3A_150 = arith.constant 2 : i32
        %add3A_151 = arith.addi %add3A_131, %add3A_150 : i32
        %lt3A_152 = arith.constant 40 : i32
        %lt3A_153 = arith.cmpi slt, %add3A_151, %lt3A_152 : i32
        %convert_element_type3A_154 = arith.extui %lt3A_153 : i1 to i32
        %cond3A_155 = arith.constant 0 : i32
        %cond3A_156 = arith.cmpi ne, %convert_element_type3A_154, %cond3A_155 : i32
        scf.if %cond3A_156 {
          %add3A_157 = arith.constant 2 : i32
          %add3A_158 = arith.addi %add3A_131, %add3A_157 : i32
          %dma_start3A_159 = arith.constant 0 : i32
          %dma_start3A_160 = arith.constant 0 : i32
          %dma_start3A_161 = tpu.memref_slice %arg12[%dma_start3A_159, %dma_start3A_160] : memref<128x128xf32, #tpu.memory_space<vmem>> -> memref<64x128xf32, #tpu.memory_space<vmem>>
          %dma_start3A_162 = arith.constant 0 : i32
          %dma_start3A_163 = tpu.memref_slice %arg9[%add3A_158, %dma_start3A_162] : memref<40x128xi32, #tpu.memory_space<vmem>> -> memref<1x64xi32, #tpu.memory_space<vmem>>
          %dma_start3A_164 = tpu.memref_squeeze %dma_start3A_163 : memref<1x64xi32, #tpu.memory_space<vmem>> -> memref<64xi32, #tpu.memory_space<vmem>>
          %dma_start3A_165 = arith.constant 0 : i32
          %dma_start3A_166 = arith.constant 0 : i32
          %dma_start3A_167 = tpu.memref_slice %arg3[%dma_start3A_165, %dma_start3A_166] : memref<10000x128xf32, #tpu.memory_space<hbm>> -> memref<10000x128xf32, #tpu.memory_space<hbm>>
          tpu.enqueue_indirect_dma source(%dma_start3A_167 : memref<10000x128xf32, #tpu.memory_space<hbm>>) target(%dma_start3A_161 : memref<64x128xf32, #tpu.memory_space<vmem>>) offsets(%dma_start3A_164 : memref<64xi32, #tpu.memory_space<vmem>>) semaphore(%arg16 : memref<!tpu.dma_semaphore, #tpu.memory_space<semaphore_mem>>)
          %dma_start3A_168 = arith.constant 64 : i32
          %dma_start3A_169 = arith.constant 0 : i32
          %dma_start3A_170 = tpu.memref_slice %arg12[%dma_start3A_168, %dma_start3A_169] : memref<128x128xf32, #tpu.memory_space<vmem>> -> memref<64x128xf32, #tpu.memory_space<vmem>>
          %dma_start3A_171 = arith.constant 64 : i32
          %dma_start3A_172 = tpu.memref_slice %arg9[%add3A_158, %dma_start3A_171] : memref<40x128xi32, #tpu.memory_space<vmem>> -> memref<1x64xi32, #tpu.memory_space<vmem>>
          %dma_start3A_173 = tpu.memref_squeeze %dma_start3A_172 : memref<1x64xi32, #tpu.memory_space<vmem>> -> memref<64xi32, #tpu.memory_space<vmem>>
          %dma_start3A_174 = arith.constant 0 : i32
          %dma_start3A_175 = arith.constant 0 : i32
          %dma_start3A_176 = tpu.memref_slice %arg3[%dma_start3A_174, %dma_start3A_175] : memref<10000x128xf32, #tpu.memory_space<hbm>> -> memref<10000x128xf32, #tpu.memory_space<hbm>>
          tpu.enqueue_indirect_dma source(%dma_start3A_176 : memref<10000x128xf32, #tpu.memory_space<hbm>>) target(%dma_start3A_170 : memref<64x128xf32, #tpu.memory_space<vmem>>) offsets(%dma_start3A_173 : memref<64xi32, #tpu.memory_space<vmem>>) semaphore(%arg17 : memref<!tpu.dma_semaphore, #tpu.memory_space<semaphore_mem>>)
        } else {
        }
      }
      %scan3A_97 = arith.constant 20 : i32
      %barrier3A_98 = arith.constant 0 : index
      tpu.barrier barrier_id(%barrier3A_98)
      %mul3A_99 = arith.constant 640 : i32
      %mul3A_100 = arith.muli %arg1, %mul3A_99 : i32
      %mul3A_101 = arith.constant 640 : i32
      %mul3A_102 = arith.muli %arg1, %mul3A_101 : i32
      "tpu.region"() ({
        %run_scoped3A = tpu.sem_alloc : memref<!tpu.dma_semaphore, #tpu.memory_space<semaphore_mem>>
        %dma_start3A_103 = arith.constant 0 : i32
        %dma_start3A_104 = tpu.memref_slice %arg8[%mul3A_102, %dma_start3A_103] : memref<10240x128xf32, #tpu.memory_space<hbm>> -> memref<640x128xf32, #tpu.memory_space<hbm>>
        %dma_start3A_105 = arith.constant 0 : i32
        %dma_start3A_106 = tpu.memref_slice %arg13[%mul3A_100, %dma_start3A_105] : memref<10240x128xf32, #tpu.memory_space<vmem_shared>> -> memref<640x128xf32, #tpu.memory_space<vmem_shared>>
        tpu.enqueue_dma source(%dma_start3A_106 : memref<640x128xf32, #tpu.memory_space<vmem_shared>>) target(%dma_start3A_104 : memref<640x128xf32, #tpu.memory_space<hbm>>) target_semaphore(%run_scoped3A : memref<!tpu.dma_semaphore, #tpu.memory_space<semaphore_mem>>)
        %dma_wait3A = arith.constant 0 : i32
        %dma_wait3A_107 = tpu.memref_slice %arg8[%mul3A_102, %dma_wait3A] : memref<10240x128xf32, #tpu.memory_space<hbm>> -> memref<640x128xf32, #tpu.memory_space<hbm>>
        %dma_wait3A_108 = arith.constant 0 : i32
        %dma_wait3A_109 = tpu.memref_slice %arg13[%mul3A_100, %dma_wait3A_108] : memref<10240x128xf32, #tpu.memory_space<vmem_shared>> -> memref<640x128xf32, #tpu.memory_space<vmem_shared>>
        tpu.wait_dma2 semaphore(%run_scoped3A : memref<!tpu.dma_semaphore, #tpu.memory_space<semaphore_mem>>) src(%dma_wait3A_109 : memref<640x128xf32, #tpu.memory_space<vmem_shared>>) dst(%dma_wait3A_107 : memref<640x128xf32, #tpu.memory_space<hbm>>)
        tpu.yield
      }) : () -> ()
    } else {
    }
    return
  }
}

module attributes {stable_mosaic.version = 14 : i64} {
  func.func @_tc_body(%arg0: i32, %arg1: memref<2000x128xf32, #tpu.memory_space<vmem>>, %arg2: memref<2000x128xf32, #tpu.memory_space<vmem>>, %arg3: memref<2000x128xf32, #tpu.memory_space<vmem>>, %arg4: memref<2000x128xf32, #tpu.memory_space<vmem>>, %arg5: memref<2x2000x128xf32, #tpu.memory_space<vmem>>, %arg6: memref<128x256xf32, #tpu.memory_space<vmem>>, %arg7: memref<128x256xf32, #tpu.memory_space<vmem>>, %arg8: memref<128x256xf32, #tpu.memory_space<vmem>>, %arg9: memref<1x256xf32, #tpu.memory_space<vmem>>, %arg10: memref<1x256xf32, #tpu.memory_space<vmem>>, %arg11: memref<2000x128xf32, #tpu.memory_space<vmem>>, %arg12: memref<2000x128xf32, #tpu.memory_space<vmem>>) attributes {dimension_semantics = [#tpu.dimension_semantics<arbitrary>], iteration_bounds = array<i64: 5>, scalar_prefetch = 0 : i64, scratch_operands = 0 : i64, tpu.core_type = #tpu.core_type<tc>, window_params = [{transform_indices = @transform_0, window_bounds = array<i64: 2000, 128>}, {transform_indices = @transform_1, window_bounds = array<i64: 2000, 128>}, {transform_indices = @transform_2, window_bounds = array<i64: 2000, 128>}, {transform_indices = @transform_3, window_bounds = array<i64: 2000, 128>}, {transform_indices = @transform_4, window_bounds = array<i64: 2, 2000, 128>}, {pipeline_mode = #tpu.pipeline_mode<synchronous>, transform_indices = @transform_5, window_bounds = array<i64: 128, 256>}, {pipeline_mode = #tpu.pipeline_mode<synchronous>, transform_indices = @transform_6, window_bounds = array<i64: 128, 256>}, {pipeline_mode = #tpu.pipeline_mode<synchronous>, transform_indices = @transform_7, window_bounds = array<i64: 128, 256>}, {pipeline_mode = #tpu.pipeline_mode<synchronous>, transform_indices = @transform_8, window_bounds = array<i64: 1, 256>}, {pipeline_mode = #tpu.pipeline_mode<synchronous>, transform_indices = @transform_9, window_bounds = array<i64: 1, 256>}, {transform_indices = @transform_10, window_bounds = array<i64: 2000, 128>}, {transform_indices = @transform_11, window_bounds = array<i64: 2000, 128>}]} {
    %get3A = arith.constant 0 : index
    %get3A_0 = arith.constant 0 : index
    %get3A_1 = vector.load %arg3[%get3A, %get3A_0] : memref<2000x128xf32, #tpu.memory_space<vmem>>, vector<2000x128xf32>
    %get3A_2 = arith.constant 0 : index
    %get3A_3 = arith.constant 0 : index
    %get3A_4 = vector.load %arg6[%get3A_2, %get3A_3] : memref<128x256xf32, #tpu.memory_space<vmem>>, vector<128x256xf32>
    %dot_general3A = arith.constant dense<0.000000e+00> : vector<2000x256xf32>
    %dot_general3A_5 = tpu.matmul %get3A_1, %get3A_4, %dot_general3A {dimension_numbers = #tpu.dot_dimension_numbers<[1], [0], [0], [1], [0, 0, 1, 1], [], []>, precision = #tpu.contract_precision<fp32>, transpose_lhs_hint = false} : vector<2000x128xf32>, vector<128x256xf32>, vector<2000x256xf32> -> vector<2000x256xf32>
    %get3A_6 = arith.constant 0 : index
    %get3A_7 = arith.constant 0 : index
    %get3A_8 = vector.load %arg4[%get3A_6, %get3A_7] : memref<2000x128xf32, #tpu.memory_space<vmem>>, vector<2000x128xf32>
    %get3A_9 = arith.constant 0 : index
    %get3A_10 = arith.constant 0 : index
    %get3A_11 = vector.load %arg7[%get3A_9, %get3A_10] : memref<128x256xf32, #tpu.memory_space<vmem>>, vector<128x256xf32>
    %dot_general3A_12 = arith.constant dense<0.000000e+00> : vector<2000x256xf32>
    %dot_general3A_13 = tpu.matmul %get3A_8, %get3A_11, %dot_general3A_12 {dimension_numbers = #tpu.dot_dimension_numbers<[1], [0], [0], [1], [0, 0, 1, 1], [], []>, precision = #tpu.contract_precision<fp32>, transpose_lhs_hint = false} : vector<2000x128xf32>, vector<128x256xf32>, vector<2000x256xf32> -> vector<2000x256xf32>
    %add3A = arith.addf %dot_general3A_5, %dot_general3A_13 : vector<2000x256xf32>
    %get3A_14 = arith.constant 0 : index
    %get3A_15 = arith.constant 0 : index
    %get3A_16 = arith.constant 0 : index
    %get3A_17 = vector.load %arg5[%get3A_14, %get3A_15, %get3A_16] : memref<2x2000x128xf32, #tpu.memory_space<vmem>>, vector<1x2000x128xf32>
    %get3A_18 = vector.shape_cast %get3A_17 : vector<1x2000x128xf32> to vector<2000x128xf32>
    %get3A_19 = arith.constant 1 : index
    %get3A_20 = arith.constant 0 : index
    %get3A_21 = arith.constant 0 : index
    %get3A_22 = vector.load %arg5[%get3A_19, %get3A_20, %get3A_21] : memref<2x2000x128xf32, #tpu.memory_space<vmem>>, vector<1x2000x128xf32>
    %get3A_23 = vector.shape_cast %get3A_22 : vector<1x2000x128xf32> to vector<2000x128xf32>
    %add3A_24 = arith.addf %get3A_18, %get3A_23 : vector<2000x128xf32>
    %get3A_25 = arith.constant 0 : index
    %get3A_26 = arith.constant 0 : index
    %get3A_27 = vector.load %arg8[%get3A_25, %get3A_26] : memref<128x256xf32, #tpu.memory_space<vmem>>, vector<128x256xf32>
    %dot_general3A_28 = arith.constant dense<0.000000e+00> : vector<2000x256xf32>
    %dot_general3A_29 = tpu.matmul %add3A_24, %get3A_27, %dot_general3A_28 {dimension_numbers = #tpu.dot_dimension_numbers<[1], [0], [0], [1], [0, 0, 1, 1], [], []>, precision = #tpu.contract_precision<fp32>, transpose_lhs_hint = false} : vector<2000x128xf32>, vector<128x256xf32>, vector<2000x256xf32> -> vector<2000x256xf32>
    %add3A_30 = arith.addf %add3A, %dot_general3A_29 : vector<2000x256xf32>
    %get3A_31 = arith.constant 0 : index
    %get3A_32 = arith.constant 0 : index
    %get3A_33 = vector.load %arg1[%get3A_31, %get3A_32] : memref<2000x128xf32, #tpu.memory_space<vmem>>, vector<2000x128xf32>
    %get3A_34 = arith.constant 0 : index
    %get3A_35 = arith.constant 0 : index
    %get3A_36 = vector.load %arg2[%get3A_34, %get3A_35] : memref<2000x128xf32, #tpu.memory_space<vmem>>, vector<2000x128xf32>
    %concatenate3A = tpu.concatenate %get3A_33, %get3A_36 in 1 : vector<2000x128xf32>, vector<2000x128xf32> -> vector<2000x256xf32>
    %add3A_37 = arith.addf %concatenate3A, %add3A_30 : vector<2000x256xf32>
    %reduce_sum3A = arith.constant dense<0.000000e+00> : vector<2000xf32>
    %reduce_sum3A_38 = vector.multi_reduction <add>, %add3A_37, %reduce_sum3A [1] : vector<2000x256xf32> to vector<2000xf32>
    %broadcast_in_dim3A = vector.shape_cast %reduce_sum3A_38 : vector<2000xf32> to vector<2000x1xf32>
    %div3A = arith.constant 2.560000e+02 : f32
    %div3A_39 = vector.broadcast %div3A : f32 to vector<2000x1xf32>
    %div3A_40 = arith.divf %broadcast_in_dim3A, %div3A_39 : vector<2000x1xf32>
    %sub3A = vector.broadcast %div3A_40 : vector<2000x1xf32> to vector<2000x256xf32>
    %sub3A_41 = arith.subf %add3A_37, %sub3A : vector<2000x256xf32>
    %mul3A = arith.mulf %sub3A_41, %sub3A_41 : vector<2000x256xf32>
    %reduce_sum3A_42 = arith.constant dense<0.000000e+00> : vector<2000xf32>
    %reduce_sum3A_43 = vector.multi_reduction <add>, %mul3A, %reduce_sum3A_42 [1] : vector<2000x256xf32> to vector<2000xf32>
    %broadcast_in_dim3A_44 = vector.shape_cast %reduce_sum3A_43 : vector<2000xf32> to vector<2000x1xf32>
    %div3A_45 = arith.constant 2.560000e+02 : f32
    %div3A_46 = vector.broadcast %div3A_45 : f32 to vector<2000x1xf32>
    %div3A_47 = arith.divf %broadcast_in_dim3A_44, %div3A_46 : vector<2000x1xf32>
    %add3A_48 = arith.constant 9.99999974E-6 : f32
    %add3A_49 = vector.broadcast %add3A_48 : f32 to vector<2000x1xf32>
    %add3A_50 = arith.addf %div3A_47, %add3A_49 : vector<2000x1xf32>
    %rsqrt3A = math.rsqrt %add3A_50 : vector<2000x1xf32>
    %mul3A_51 = vector.broadcast %rsqrt3A : vector<2000x1xf32> to vector<2000x256xf32>
    %mul3A_52 = arith.mulf %sub3A_41, %mul3A_51 : vector<2000x256xf32>
    %get3A_53 = arith.constant 0 : index
    %get3A_54 = arith.constant 0 : index
    %get3A_55 = vector.load %arg9[%get3A_53, %get3A_54] : memref<1x256xf32, #tpu.memory_space<vmem>>, vector<1x256xf32>
    %mul3A_56 = vector.broadcast %get3A_55 : vector<1x256xf32> to vector<2000x256xf32>
    %mul3A_57 = arith.mulf %mul3A_52, %mul3A_56 : vector<2000x256xf32>
    %get3A_58 = arith.constant 0 : index
    %get3A_59 = arith.constant 0 : index
    %get3A_60 = vector.load %arg10[%get3A_58, %get3A_59] : memref<1x256xf32, #tpu.memory_space<vmem>>, vector<1x256xf32>
    %add3A_61 = vector.broadcast %get3A_60 : vector<1x256xf32> to vector<2000x256xf32>
    %add3A_62 = arith.addf %mul3A_57, %add3A_61 : vector<2000x256xf32>
    %max3A = arith.constant 0.000000e+00 : f32
    %max3A_63 = vector.broadcast %max3A : f32 to vector<2000x256xf32>
    %max3A_64 = arith.maximumf %add3A_62, %max3A_63 : vector<2000x256xf32>
    %slice3A = vector.extract_strided_slice %max3A_64 {offsets = [0, 0], sizes = [2000, 128], strides = [1, 1]} : vector<2000x256xf32> to vector<2000x128xf32>
    %swap3A = arith.constant 0 : index
    %swap3A_65 = arith.constant 0 : index
    %swap3A_66 = vector.load %arg11[%swap3A, %swap3A_65] : memref<2000x128xf32, #tpu.memory_space<vmem>>, vector<2000x128xf32>
    tpu.vector_store %arg11[%swap3A, %swap3A_65], %slice3A {strides = array<i32>} : memref<2000x128xf32, #tpu.memory_space<vmem>>, vector<2000x128xf32>,
    %slice3A_67 = vector.extract_strided_slice %max3A_64 {offsets = [0, 128], sizes = [2000, 128], strides = [1, 1]} : vector<2000x256xf32> to vector<2000x128xf32>
    %swap3A_68 = arith.constant 0 : index
    %swap3A_69 = arith.constant 0 : index
    %swap3A_70 = vector.load %arg12[%swap3A_68, %swap3A_69] : memref<2000x128xf32, #tpu.memory_space<vmem>>, vector<2000x128xf32>
    tpu.vector_store %arg12[%swap3A_68, %swap3A_69], %slice3A_67 {strides = array<i32>} : memref<2000x128xf32, #tpu.memory_space<vmem>>, vector<2000x128xf32>,
    return
  }
  func.func @transform_0(%arg0: i32) -> (i32, i32) {
    %c0_i32 = arith.constant 0 : i32
    %c0_i32_0 = arith.constant 0 : i32
    return %arg0, %c0_i32 : i32, i32
  }
  func.func @transform_1(%arg0: i32) -> (i32, i32) {
    %c0_i32 = arith.constant 0 : i32
    %c0_i32_0 = arith.constant 0 : i32
    return %arg0, %c0_i32 : i32, i32
  }
  func.func @transform_2(%arg0: i32) -> (i32, i32) {
    %c0_i32 = arith.constant 0 : i32
    %c0_i32_0 = arith.constant 0 : i32
    return %arg0, %c0_i32 : i32, i32
  }
  func.func @transform_3(%arg0: i32) -> (i32, i32) {
    %c0_i32 = arith.constant 0 : i32
    %c0_i32_0 = arith.constant 0 : i32
    return %arg0, %c0_i32 : i32, i32
  }
  func.func @transform_4(%arg0: i32) -> (i32, i32, i32) {
    %c0_i32 = arith.constant 0 : i32
    %c0_i32_0 = arith.constant 0 : i32
    %c0_i32_1 = arith.constant 0 : i32
    return %c0_i32, %arg0, %c0_i32_0 : i32, i32, i32
  }
  func.func @transform_5(%arg0: i32) -> (i32, i32) {
    %c0_i32 = arith.constant 0 : i32
    %c0_i32_0 = arith.constant 0 : i32
    %c0_i32_1 = arith.constant 0 : i32
    return %c0_i32, %c0_i32_0 : i32, i32
  }
  func.func @transform_6(%arg0: i32) -> (i32, i32) {
    %c0_i32 = arith.constant 0 : i32
    %c0_i32_0 = arith.constant 0 : i32
    %c0_i32_1 = arith.constant 0 : i32
    return %c0_i32, %c0_i32_0 : i32, i32
  }
  func.func @transform_7(%arg0: i32) -> (i32, i32) {
    %c0_i32 = arith.constant 0 : i32
    %c0_i32_0 = arith.constant 0 : i32
    %c0_i32_1 = arith.constant 0 : i32
    return %c0_i32, %c0_i32_0 : i32, i32
  }
  func.func @transform_8(%arg0: i32) -> (i32, i32) {
    %c0_i32 = arith.constant 0 : i32
    %c0_i32_0 = arith.constant 0 : i32
    %c0_i32_1 = arith.constant 0 : i32
    return %c0_i32, %c0_i32_0 : i32, i32
  }
  func.func @transform_9(%arg0: i32) -> (i32, i32) {
    %c0_i32 = arith.constant 0 : i32
    %c0_i32_0 = arith.constant 0 : i32
    %c0_i32_1 = arith.constant 0 : i32
    return %c0_i32, %c0_i32_0 : i32, i32
  }
  func.func @transform_10(%arg0: i32) -> (i32, i32) {
    %c0_i32 = arith.constant 0 : i32
    %c0_i32_0 = arith.constant 0 : i32
    return %arg0, %c0_i32 : i32, i32
  }
  func.func @transform_11(%arg0: i32) -> (i32, i32) {
    %c0_i32 = arith.constant 0 : i32
    %c0_i32_0 = arith.constant 0 : i32
    return %arg0, %c0_i32 : i32, i32
  }
}

module attributes {stable_mosaic.version = 14 : i64} {
  func.func @_tc_body(%arg0: i32, %arg1: memref<2000x128xf32, #tpu.memory_space<vmem>>, %arg2: memref<2000x128xf32, #tpu.memory_space<vmem>>, %arg3: memref<2000x128xf32, #tpu.memory_space<vmem>>, %arg4: memref<2000x128xf32, #tpu.memory_space<vmem>>, %arg5: memref<2x2000x128xf32, #tpu.memory_space<vmem>>, %arg6: memref<128x256xf32, #tpu.memory_space<vmem>>, %arg7: memref<128x256xf32, #tpu.memory_space<vmem>>, %arg8: memref<128x256xf32, #tpu.memory_space<vmem>>, %arg9: memref<1x256xf32, #tpu.memory_space<vmem>>, %arg10: memref<1x256xf32, #tpu.memory_space<vmem>>, %arg11: memref<2000x256xf32, #tpu.memory_space<vmem>>) attributes {dimension_semantics = [#tpu.dimension_semantics<arbitrary>], iteration_bounds = array<i64: 5>, scalar_prefetch = 0 : i64, scratch_operands = 0 : i64, tpu.core_type = #tpu.core_type<tc>, window_params = [{transform_indices = @transform_0, window_bounds = array<i64: 2000, 128>}, {transform_indices = @transform_1, window_bounds = array<i64: 2000, 128>}, {transform_indices = @transform_2, window_bounds = array<i64: 2000, 128>}, {transform_indices = @transform_3, window_bounds = array<i64: 2000, 128>}, {transform_indices = @transform_4, window_bounds = array<i64: 2, 2000, 128>}, {pipeline_mode = #tpu.pipeline_mode<synchronous>, transform_indices = @transform_5, window_bounds = array<i64: 128, 256>}, {pipeline_mode = #tpu.pipeline_mode<synchronous>, transform_indices = @transform_6, window_bounds = array<i64: 128, 256>}, {pipeline_mode = #tpu.pipeline_mode<synchronous>, transform_indices = @transform_7, window_bounds = array<i64: 128, 256>}, {pipeline_mode = #tpu.pipeline_mode<synchronous>, transform_indices = @transform_8, window_bounds = array<i64: 1, 256>}, {pipeline_mode = #tpu.pipeline_mode<synchronous>, transform_indices = @transform_9, window_bounds = array<i64: 1, 256>}, {transform_indices = @transform_10, window_bounds = array<i64: 2000, 256>}]} {
    %get3A = arith.constant 0 : index
    %get3A_0 = arith.constant 0 : index
    %get3A_1 = vector.load %arg3[%get3A, %get3A_0] : memref<2000x128xf32, #tpu.memory_space<vmem>>, vector<2000x128xf32>
    %get3A_2 = arith.constant 0 : index
    %get3A_3 = arith.constant 0 : index
    %get3A_4 = vector.load %arg6[%get3A_2, %get3A_3] : memref<128x256xf32, #tpu.memory_space<vmem>>, vector<128x256xf32>
    %dot_general3A = arith.constant dense<0.000000e+00> : vector<2000x256xf32>
    %dot_general3A_5 = tpu.matmul %get3A_1, %get3A_4, %dot_general3A {dimension_numbers = #tpu.dot_dimension_numbers<[1], [0], [0], [1], [0, 0, 1, 1], [], []>, precision = #tpu.contract_precision<fp32>, transpose_lhs_hint = false} : vector<2000x128xf32>, vector<128x256xf32>, vector<2000x256xf32> -> vector<2000x256xf32>
    %get3A_6 = arith.constant 0 : index
    %get3A_7 = arith.constant 0 : index
    %get3A_8 = vector.load %arg4[%get3A_6, %get3A_7] : memref<2000x128xf32, #tpu.memory_space<vmem>>, vector<2000x128xf32>
    %get3A_9 = arith.constant 0 : index
    %get3A_10 = arith.constant 0 : index
    %get3A_11 = vector.load %arg7[%get3A_9, %get3A_10] : memref<128x256xf32, #tpu.memory_space<vmem>>, vector<128x256xf32>
    %dot_general3A_12 = arith.constant dense<0.000000e+00> : vector<2000x256xf32>
    %dot_general3A_13 = tpu.matmul %get3A_8, %get3A_11, %dot_general3A_12 {dimension_numbers = #tpu.dot_dimension_numbers<[1], [0], [0], [1], [0, 0, 1, 1], [], []>, precision = #tpu.contract_precision<fp32>, transpose_lhs_hint = false} : vector<2000x128xf32>, vector<128x256xf32>, vector<2000x256xf32> -> vector<2000x256xf32>
    %add3A = arith.addf %dot_general3A_5, %dot_general3A_13 : vector<2000x256xf32>
    %get3A_14 = arith.constant 0 : index
    %get3A_15 = arith.constant 0 : index
    %get3A_16 = arith.constant 0 : index
    %get3A_17 = vector.load %arg5[%get3A_14, %get3A_15, %get3A_16] : memref<2x2000x128xf32, #tpu.memory_space<vmem>>, vector<1x2000x128xf32>
    %get3A_18 = vector.shape_cast %get3A_17 : vector<1x2000x128xf32> to vector<2000x128xf32>
    %get3A_19 = arith.constant 1 : index
    %get3A_20 = arith.constant 0 : index
    %get3A_21 = arith.constant 0 : index
    %get3A_22 = vector.load %arg5[%get3A_19, %get3A_20, %get3A_21] : memref<2x2000x128xf32, #tpu.memory_space<vmem>>, vector<1x2000x128xf32>
    %get3A_23 = vector.shape_cast %get3A_22 : vector<1x2000x128xf32> to vector<2000x128xf32>
    %add3A_24 = arith.addf %get3A_18, %get3A_23 : vector<2000x128xf32>
    %get3A_25 = arith.constant 0 : index
    %get3A_26 = arith.constant 0 : index
    %get3A_27 = vector.load %arg8[%get3A_25, %get3A_26] : memref<128x256xf32, #tpu.memory_space<vmem>>, vector<128x256xf32>
    %dot_general3A_28 = arith.constant dense<0.000000e+00> : vector<2000x256xf32>
    %dot_general3A_29 = tpu.matmul %add3A_24, %get3A_27, %dot_general3A_28 {dimension_numbers = #tpu.dot_dimension_numbers<[1], [0], [0], [1], [0, 0, 1, 1], [], []>, precision = #tpu.contract_precision<fp32>, transpose_lhs_hint = false} : vector<2000x128xf32>, vector<128x256xf32>, vector<2000x256xf32> -> vector<2000x256xf32>
    %add3A_30 = arith.addf %add3A, %dot_general3A_29 : vector<2000x256xf32>
    %get3A_31 = arith.constant 0 : index
    %get3A_32 = arith.constant 0 : index
    %get3A_33 = vector.load %arg1[%get3A_31, %get3A_32] : memref<2000x128xf32, #tpu.memory_space<vmem>>, vector<2000x128xf32>
    %get3A_34 = arith.constant 0 : index
    %get3A_35 = arith.constant 0 : index
    %get3A_36 = vector.load %arg2[%get3A_34, %get3A_35] : memref<2000x128xf32, #tpu.memory_space<vmem>>, vector<2000x128xf32>
    %concatenate3A = tpu.concatenate %get3A_33, %get3A_36 in 1 : vector<2000x128xf32>, vector<2000x128xf32> -> vector<2000x256xf32>
    %add3A_37 = arith.addf %concatenate3A, %add3A_30 : vector<2000x256xf32>
    %reduce_sum3A = arith.constant dense<0.000000e+00> : vector<2000xf32>
    %reduce_sum3A_38 = vector.multi_reduction <add>, %add3A_37, %reduce_sum3A [1] : vector<2000x256xf32> to vector<2000xf32>
    %broadcast_in_dim3A = vector.shape_cast %reduce_sum3A_38 : vector<2000xf32> to vector<2000x1xf32>
    %div3A = arith.constant 2.560000e+02 : f32
    %div3A_39 = vector.broadcast %div3A : f32 to vector<2000x1xf32>
    %div3A_40 = arith.divf %broadcast_in_dim3A, %div3A_39 : vector<2000x1xf32>
    %sub3A = vector.broadcast %div3A_40 : vector<2000x1xf32> to vector<2000x256xf32>
    %sub3A_41 = arith.subf %add3A_37, %sub3A : vector<2000x256xf32>
    %mul3A = arith.mulf %sub3A_41, %sub3A_41 : vector<2000x256xf32>
    %reduce_sum3A_42 = arith.constant dense<0.000000e+00> : vector<2000xf32>
    %reduce_sum3A_43 = vector.multi_reduction <add>, %mul3A, %reduce_sum3A_42 [1] : vector<2000x256xf32> to vector<2000xf32>
    %broadcast_in_dim3A_44 = vector.shape_cast %reduce_sum3A_43 : vector<2000xf32> to vector<2000x1xf32>
    %div3A_45 = arith.constant 2.560000e+02 : f32
    %div3A_46 = vector.broadcast %div3A_45 : f32 to vector<2000x1xf32>
    %div3A_47 = arith.divf %broadcast_in_dim3A_44, %div3A_46 : vector<2000x1xf32>
    %add3A_48 = arith.constant 9.99999974E-6 : f32
    %add3A_49 = vector.broadcast %add3A_48 : f32 to vector<2000x1xf32>
    %add3A_50 = arith.addf %div3A_47, %add3A_49 : vector<2000x1xf32>
    %rsqrt3A = math.rsqrt %add3A_50 : vector<2000x1xf32>
    %mul3A_51 = vector.broadcast %rsqrt3A : vector<2000x1xf32> to vector<2000x256xf32>
    %mul3A_52 = arith.mulf %sub3A_41, %mul3A_51 : vector<2000x256xf32>
    %get3A_53 = arith.constant 0 : index
    %get3A_54 = arith.constant 0 : index
    %get3A_55 = vector.load %arg9[%get3A_53, %get3A_54] : memref<1x256xf32, #tpu.memory_space<vmem>>, vector<1x256xf32>
    %mul3A_56 = vector.broadcast %get3A_55 : vector<1x256xf32> to vector<2000x256xf32>
    %mul3A_57 = arith.mulf %mul3A_52, %mul3A_56 : vector<2000x256xf32>
    %get3A_58 = arith.constant 0 : index
    %get3A_59 = arith.constant 0 : index
    %get3A_60 = vector.load %arg10[%get3A_58, %get3A_59] : memref<1x256xf32, #tpu.memory_space<vmem>>, vector<1x256xf32>
    %add3A_61 = vector.broadcast %get3A_60 : vector<1x256xf32> to vector<2000x256xf32>
    %add3A_62 = arith.addf %mul3A_57, %add3A_61 : vector<2000x256xf32>
    %max3A = arith.constant 0.000000e+00 : f32
    %max3A_63 = vector.broadcast %max3A : f32 to vector<2000x256xf32>
    %max3A_64 = arith.maximumf %add3A_62, %max3A_63 : vector<2000x256xf32>
    %swap3A = arith.constant 0 : index
    %swap3A_65 = arith.constant 0 : index
    %swap3A_66 = vector.load %arg11[%swap3A, %swap3A_65] : memref<2000x256xf32, #tpu.memory_space<vmem>>, vector<2000x256xf32>
    tpu.vector_store %arg11[%swap3A, %swap3A_65], %max3A_64 {strides = array<i32>} : memref<2000x256xf32, #tpu.memory_space<vmem>>, vector<2000x256xf32>,
    return
  }
  func.func @transform_0(%arg0: i32) -> (i32, i32) {
    %c0_i32 = arith.constant 0 : i32
    %c0_i32_0 = arith.constant 0 : i32
    return %arg0, %c0_i32 : i32, i32
  }
  func.func @transform_1(%arg0: i32) -> (i32, i32) {
    %c0_i32 = arith.constant 0 : i32
    %c0_i32_0 = arith.constant 0 : i32
    return %arg0, %c0_i32 : i32, i32
  }
  func.func @transform_2(%arg0: i32) -> (i32, i32) {
    %c0_i32 = arith.constant 0 : i32
    %c0_i32_0 = arith.constant 0 : i32
    return %arg0, %c0_i32 : i32, i32
  }
  func.func @transform_3(%arg0: i32) -> (i32, i32) {
    %c0_i32 = arith.constant 0 : i32
    %c0_i32_0 = arith.constant 0 : i32
    return %arg0, %c0_i32 : i32, i32
  }
  func.func @transform_4(%arg0: i32) -> (i32, i32, i32) {
    %c0_i32 = arith.constant 0 : i32
    %c0_i32_0 = arith.constant 0 : i32
    %c0_i32_1 = arith.constant 0 : i32
    return %c0_i32, %arg0, %c0_i32_0 : i32, i32, i32
  }
  func.func @transform_5(%arg0: i32) -> (i32, i32) {
    %c0_i32 = arith.constant 0 : i32
    %c0_i32_0 = arith.constant 0 : i32
    %c0_i32_1 = arith.constant 0 : i32
    return %c0_i32, %c0_i32_0 : i32, i32
  }
  func.func @transform_6(%arg0: i32) -> (i32, i32) {
    %c0_i32 = arith.constant 0 : i32
    %c0_i32_0 = arith.constant 0 : i32
    %c0_i32_1 = arith.constant 0 : i32
    return %c0_i32, %c0_i32_0 : i32, i32
  }
  func.func @transform_7(%arg0: i32) -> (i32, i32) {
    %c0_i32 = arith.constant 0 : i32
    %c0_i32_0 = arith.constant 0 : i32
    %c0_i32_1 = arith.constant 0 : i32
    return %c0_i32, %c0_i32_0 : i32, i32
  }
  func.func @transform_8(%arg0: i32) -> (i32, i32) {
    %c0_i32 = arith.constant 0 : i32
    %c0_i32_0 = arith.constant 0 : i32
    %c0_i32_1 = arith.constant 0 : i32
    return %c0_i32, %c0_i32_0 : i32, i32
  }
  func.func @transform_9(%arg0: i32) -> (i32, i32) {
    %c0_i32 = arith.constant 0 : i32
    %c0_i32_0 = arith.constant 0 : i32
    %c0_i32_1 = arith.constant 0 : i32
    return %c0_i32, %c0_i32_0 : i32, i32
  }
  func.func @transform_10(%arg0: i32) -> (i32, i32) {
    %c0_i32 = arith.constant 0 : i32
    %c0_i32_0 = arith.constant 0 : i32
    return %arg0, %c0_i32 : i32, i32
  }
}

</mosaic_0001>

<sc_bundles>
// kernel: kernel.12.cloned.1.call-start
scs
__scs_entry_jumppad:
0x0: {  	(pc) =	sbr.rel $0x88, $3  }
0x1: {  	(tag) =	ssettag $0x0;
	lr =	simm.s32 $0x1  }
0x2: {  	[smem:$0x3F9A] =	sst lr;
	_ =	strace $0xD0000000  }
0x3: {  	_ = 	snop  }
0x4: {  	_ = 	snop  }
0x5: {  	_ = 	snop  }
0x6: {  	_ = 	snop  }
0x7: {  	_ = 	snop  }
__scs_overlays_trampoline_lowered:
0x8: {  	[smem:$0x3FA9] =	sst s0  }
0x9: {  	[smem:$0x3FAA] =	sst s1  }
0xa: {  	[smem:$0x3FAB] =	sst s2  }
0xb: {  	[smem:$0x3FAC] =	sst s3  }
0xc: {  	[smem:$0x3FAD] =	sst s4  }
0xd: {  	[smem:$0x3FAE] =	sst s5  }
0xe: {  	[smem:$0x3FAF] =	sst s6  }
0xf: {  	[smem:$0x3FB0] =	sst s7  }
0x10: {  	[smem:$0x3FB1] =	sst s8  }
0x11: {  	[smem:$0x3FB2] =	sst s9;
	s0 =	simm.s32 @!p0 $0x0  }
0x12: {  	s1 =	sld [smem:$0x3F98];
	s0 =	simm.s32 @p0 $0x1  }
0x13: {  	[smem:$0x3FB3] =	sst s0;
	s0 =	simm.s32 @!p1 $0x0  }
0x14: {  	s2 =	sld [smem:$0x3F97];
	s0 =	simm.s32 @p1 $0x1  }
0x15: {  	[smem:$0x3FB4] =	sst s0;
	s0 =	simm.s32 @!p2 $0x0  }
0x16: {  	s3 =	sld [smem:$0x3FDB];
	s0 =	simm.s32 @p2 $0x1  }
0x17: {  	s4 =	simm.s32 $0x1BF5;
	[smem:$0x3FB6] =	sst s0  }
0x18: {  	s0 =	sld [smem:$0x3F99];
	_ =	swait.ge [sflag:s4], $0x0  }
0x19: {  	s7 =	sld [smem:$0x3F9A]  }
0x1a: {  	s8 =	sadd.s32 $0xFFFFE003, lr  }
0x1b: {  	s9 =	sadd.s32 $0xFFFFFEF7, lr;
	s5 =	simm.s32 $0xFFFFFFFF;
	p2 =	slt.u32 s8, $0xFFFFF086  }
0x1c: {  	p1 =	slt.u32 s9, $0xF7A;
	s5 =	simm.s32 @!p2 $0x0  }
0x1d: {  	s5 =	simm.s32 @p1 $0x1;
	p0 =	seq.s32 s7, s2  }
0x1e: {  	s7 =	smul.u32 @!p0 $0xF7A, s2;
	p2 =	seq.s32 @!p0 s5, $0x0  }
0x1f: {  	s9 =	smul.u32 $0xF7A, s1;
	s8 =	simm.s32 @!p0 $0x1BF5;
	p2 =	por !p2, p0  }
0x20: {  	[sflag:s8] =	ssyncset.s32 @!p0 $0xFFFFF086;
	s6 =	sadd.s32 @!p0 s3, s7;
	s7 =	simm.s32 @!p0 $0x108  }
0x21: {  	s3 =	sadd.s32 s3, s9;
	s6 =	sadd.s32 @!p0 $0x88, s6;
	s7 =	simm.s32 @p2 $0x1082  }
0x22: {  	[simem:s7], [sflag:s8] =	dma.local @!p0 [hbm:s6], $0xF7A  }
0x23: {  	s9 =	sor.u32 $0xD0000000, s2;
	s6 =	simm.s32 $0x108;
	_ =	swait.ge @!p0 [sflag:s8], $0x0  }
0x24: {  	s3 =	sadd.s32 $0x88, s3;
	s6 =	simm.s32 @!p1 $0x1082;
	[sflag:s4] =	ssyncset.s32 $0xFFFFF086  }
0x25: {  	[simem:s6], [sflag:s4] =	dma.local [hbm:s3], $0xF7A  }
0x26: {  	[smem:$0x3F9A] =	sst s1;
	(tag) =	ssettag s2;
	_ =	strace s9  }
0x27: {  	s1 =	sld [smem:$0x3FAA]  }
0x28: {  	s2 =	sld [smem:$0x3FAB]  }
0x29: {  	s4 =	sld [smem:$0x3FAD]  }
0x2a: {  	p0 =	seq.s32 s5, $0x0;
	s5 =	sld [smem:$0x3FAE]  }
0x2b: {  	s6 =	sld [smem:$0x3FAF]  }
0x2c: {  	s7 =	sld [smem:$0x3FB0]  }
0x2d: {  	s3 =	simm.s32 $0x108;
	s8 =	sld [smem:$0x3FB1]  }
0x2e: {  	s3 =	simm.s32 @!p0 $0x1082;
	s9 =	sld [smem:$0x3FB2]  }
0x2f: {  	lr =	sadd.s32 s0, s3;
	s0 =	sld [smem:$0x3FA9]  }
0x30: {  	s3 =	sld [smem:$0x3FAC]  }
0x31: {  	[smem:$0x3FB5] =	sst s10  }
0x32: {  	s10 =	sld [smem:$0x3FB3];
	_ =	sdelay $0x3  }
0x33: {  	p0 =	seq.s32 s10, $0x1;
	s10 =	sld [smem:$0x3FB5];
	_ =	sdelay $0x3  }
0x34: {  	[smem:$0x3FB5] =	sst s10  }
0x35: {  	s10 =	sld [smem:$0x3FB4];
	_ =	sdelay $0x3  }
0x36: {  	p1 =	seq.s32 s10, $0x1;
	s10 =	sld [smem:$0x3FB5];
	_ =	sdelay $0x3  }
0x37: {  	[smem:$0x3FB5] =	sst s10  }
0x38: {  	s10 =	sld [smem:$0x3FB6]  }
0x39: {  	_ = 	snop;
	(pc) =	sbr.ind lr, $3  }
0x3a: {  	_ = 	snop  }
0x3b: {  	_ = 	snop  }
0x3c: {  	p2 =	seq.s32 s10, $0x1;
	s10 =	sld [smem:$0x3FB5]  }
0x3d: {  	_ =	shalt  }
0x3e: {  	_ =	shalt  }
0x3f: {  	_ =	shalt  }
0x40: {  	_ =	shalt  }
0x41: {  	_ =	shalt  }
0x42: {  	_ =	shalt  }
0x43: {  	_ =	shalt  }
0x44: {  	_ =	shalt  }
0x45: {  	_ =	shalt  }
0x46: {  	_ =	shalt  }
0x47: {  	_ =	shalt  }
0x48: {  	_ =	shalt  }
0x49: {  	_ =	shalt  }
0x4a: {  	_ =	shalt  }
0x4b: {  	_ =	shalt  }
0x4c: {  	_ =	shalt  }
0x4d: {  	_ =	shalt  }
0x4e: {  	_ =	shalt  }
0x4f: {  	_ =	shalt  }
0x50: {  	_ =	shalt  }
0x51: {  	_ =	shalt  }
0x52: {  	_ =	shalt  }
0x53: {  	_ =	shalt  }
0x54: {  	_ =	shalt  }
0x55: {  	_ =	shalt  }
0x56: {  	_ =	shalt  }
0x57: {  	_ =	shalt  }
0x58: {  	_ =	shalt  }
0x59: {  	_ =	shalt  }
0x5a: {  	_ =	shalt  }
0x5b: {  	_ =	shalt  }
0x5c: {  	_ =	shalt  }
0x5d: {  	_ =	shalt  }
0x5e: {  	_ =	shalt  }
0x5f: {  	_ =	shalt  }
0x60: {  	_ =	shalt  }
0x61: {  	_ =	shalt  }
0x62: {  	_ =	shalt  }
0x63: {  	_ =	shalt  }
0x64: {  	_ =	shalt  }
0x65: {  	_ =	shalt  }
0x66: {  	_ =	shalt  }
0x67: {  	_ =	shalt  }
0x68: {  	_ =	shalt  }
0x69: {  	_ =	shalt  }
0x6a: {  	_ =	shalt  }
0x6b: {  	_ =	shalt  }
0x6c: {  	_ =	shalt  }
0x6d: {  	_ =	shalt  }
0x6e: {  	_ =	shalt  }
0x6f: {  	_ =	shalt  }
0x70: {  	_ =	shalt  }
0x71: {  	_ =	shalt  }
0x72: {  	_ =	shalt  }
0x73: {  	_ =	shalt  }
0x74: {  	_ =	shalt  }
0x75: {  	_ =	shalt  }
0x76: {  	_ =	shalt  }
0x77: {  	_ =	shalt  }
0x78: {  	_ =	shalt  }
0x79: {  	_ =	shalt  }
0x7a: {  	_ =	shalt  }
0x7b: {  	_ =	shalt  }
0x7c: {  	_ =	shalt  }
0x7d: {  	_ =	shalt  }
0x7e: {  	_ =	shalt  }
0x7f: {  	_ =	shalt  }
0x80: {  	_ =	shalt  }
0x81: {  	_ =	shalt  }
0x82: {  	_ =	shalt  }
0x83: {  	_ =	shalt  }
0x84: {  	_ =	shalt  }
0x85: {  	_ =	shalt  }
0x86: {  	_ =	shalt  }
0x87: {  	_ =	shalt  }
.Lfunc_end0:
.L_simem_size_0:
called_computation.1_lowered:
.L_overlay_start_0:
0x88: {  	s2 =	sld [smem:$0x3FD9]  }
0x89: {  	s3 =	sld [smem:$0x3FFE];
	_ =	sdelay $0x1  }
0x8a: {  	s1 =	srdreg.scid  }
0x8b: {  	s0 =	sand.u32 $0x1, s1  }
0x8c: {  	s17 =	sshll.u32 s0, $0xA;
	s2 =	sadd.s32 s3, s2  }
0x8d: {  	s2 =	sadd.s32 s2, s17  }
0x8e: {  	[smem:$0x3FC1] =	sst s2  }
0x8f: {  	_ = 	snop  }
0x90: {  	s2 =	sld [smem:$0x3FD0];
	(tm) =	ssettm $0x1  }
0x91: {  	s18 =	sld [smem:$0x3FFB];
	_ =	sdelay $0x3  }
0x92: {  	_ =	strace s18  }
0x93: {  	s3 =	sld [smem:$0x3FFC];
	_ =	sdelay $0x3  }
0x94: {  	_ =	strace s3  }
0x95: {  	s3 =	sld [smem:$0x3FFD];
	_ =	sdelay $0x3  }
0x96: {  	_ =	strace s3  }
0x97: {  	_ =	strace $0x8FFFFFFF  }
0x98: {  	s19 =	sld [smem:$0x3FDB];
	_ =	sdelay $0x1  }
0x99: {  	s4 =	simm.s32 $_scs_section_size  }
0x9a: {  	s5 =	simm.s32 $_size__tile_overlayer_lowered;
	s6 =	simm.s32 $_tile_overlayer_lowered  }
0x9b: {  	s22 =	simm.s32 $0x1BFF;
	s21 =	sshll.u32 s6, $0x1;
	s3 =	sadd.s32 s4, s19  }
0x9c: {  	s7 =	simm.s32 $0x0;
	s20 =	sshll.u32 s5, $0x1;
	s5 =	sadd.s32 s21, s3  }
0x9d: {  	[timem:s7], [sflag:s22] =	dma.local [hbm:s5], s20  }
0x9e: {  	_ =	swait.ge [sflag:s22], s20  }
0x9f: {  	s4 =	ssub.s32 $0x0, s20;
	[sflag:s22] =	ssyncset.done $0x0  }
0xa0: {  	[sflag:s22] =	ssyncadd.s32 s4;
	_ =	sdelay $0x1  }
0xa1: {  	s23 =	simm.s32 $0x1B8B  }
0xa2: {  	_ =	swait.ge [sflag:s23], $0x1  }
0xa3: {  	[sflag:s23] =	ssyncset.done $0x0  }
0xa4: {  	s25 =	simm.s32 $0x1B8E;
	s24 =	sld [smem:$0x3FFE];
	[sflag:s23] =	ssyncadd.s32 $0xFFFFFFFF  }
0xa5: {  	s26 =	simm.s32 $execute0_lowered;
	[smem:$0x3FD2] =	sst s25  }
0xa6: {  	s5 =	sshll.u32 s26, $0x1;
	_ =	strace $0x80000046;
	[dreg:$0x1] =	wrdreg $0xFFFFFFFF  }
0xa7: {  	s28 =	simm.s32 $_size_execute0_lowered;
	s3 =	sadd.s32 s3, s5;
	[dreg:$0x0] =	wrdreg $0x0  }
0xa8: {  	s5 =	sshll.u32 s28, $0x1;
	[dreg:$0x2] =	wrdreg s3  }
0xa9: {  	[dreg:$0x3] =	wrdreg s5  }
0xaa: {  	[dreg:$0x4] =	wrdreg $0xC0  }
0xab: {  	_ =	task [dreg:s7], $0x5FFFF  }
0xac: {  	[dreg:$0x1] =	wrdreg $0xFFFFFFFF  }
0xad: {  	[dreg:$0x0] =	wrdreg $0x60  }
0xae: {  	[dreg:$0x2] =	wrdreg s24  }
0xaf: {  	[dreg:$0x3] =	wrdreg s2  }
0xb0: {  	[dreg:$0x4] =	wrdreg $0xA8000  }
0xb1: {  	[dreg:$0x5] =	wrdreg $0xA  }
0xb2: {  	_ =	task.clear_ibuf [dreg:s7], $0x6FFFF;
	_ =	strace $0x90000046  }
0xb3: {  	s29 =	simm.s32 $0xA;
	_ =	strace $0x80000048  }
0xb4: {  	_ =	swait.ge [sflag:s29], $0x1  }
0xb5: {  	[sflag:s29] =	ssyncadd.s32 $0xFFFFFFFF  }
0xb6: {  	_ =	strace $0x90000048  }
0xb7: {  	_ =	sfence  }
0xb8: {  	s30 =	sld [smem:$0x0];
	_ =	sdelay $0x2  }
0xb9: {  	s31 =	sshll.u32 s1, $0xD;
	s1 =	sshrl.u32 s1, $0x2  }
0xba: {  	s3 =	sand.u32 $0x4000, s31;
	s1 =	sadd.s32 s1, s30  }
0xbb: {  	s0 =	sor.u32 s3, s0;
	s1 =	sshll.u32 s1, $0x11  }
0xbc: {  	s0 =	sor.u32 s1, s0  }
0xbd: {  	s0 =	sadd.s32 $0x8F2B, s0  }
0xbe: {  	[sflag:s0] =	ssyncadd.remote.s32 $0x1  }
0xbf: {  	_ =	sfence.sel $0xFFFF  }
0xc0: {  	[dreg:$0x0] =	wrdreg $0xFFFFFFFF;
	(pc) =	sbr.abs _section_cstart, $3  }
0xc1: {  	[dreg:$0x1] =	wrdreg $0xFFFFFFFF  }
0xc2: {  	_ =	task.clear_ibuf [dreg:s7], $0x2FFFF;
	_ =	strace $0x9FFFFFFF  }
0xc3: {  	(tm) =	ssettm $0x7FFFFFFF  }
tec
execute0_lowered:
.L_overlay_start_1:
0x0: {  	(tag) =	ssettag $0x1  }
0x1: {  	s0 =	rddreg [dreg:$0x0]  }
0x2: {  	s2 =	rddreg [dreg:$0x2]  }
0x3: {  	s1 =	simm.s32 $0x0;
	s5 =	srdreg.scid;
	s3 =	stileid.u32  }
0x4: {  	s17 =	simm.s32 $0x5;
	s18 =	simm.s32 $0x1400;
	s19 =	simm.s32 $0x40  }
0x5: {  	s20 =	simm.s32 $0x2800;
	s21 =	simm.s32 $0x4800;
	s28 =	simm.s32 $0x2  }
0x6: {  	s29 =	simm.s32 $0x3;
	s30 =	simm.s32 $0x4;
	s31 =	simm.s32 $0x2700  }
0x7: {  	[smem:$0x7FF] =	sst s1;
	s4 =	sadd.s32 $0x5E00, s0;
	s6 =	sadd.s32 $0x2D000, s0  }
0x8: {  	s22 =	sadd.s32 $0x54200, s0;
	s8 =	sadd.s32 $0x59200, s0;
	s5 =	sand.u32 $0x1, s5  }
0x9: {  	s7 =	sadd.s32 $0x5E200, s0;
	s11 =	smul.u32 $0x50000, s3;
	s0 =	sadd.s32 $0x60A00, s0  }
0xa: {  	s9 =	smul.u32 $0x2800, s3;
	s25 =	sshll.u32 s3, $0x6;
	_ =	strace $0x80000047  }
0xb: {  	s10 =	ssub.s32 $0x2, s5;
	[dreg:$0x4] =	wrdreg s0;
	p0 =	seq.s32 s5, $0x1  }
0xc: {  	s5 =	simm.s32 $0x0;
	s23 =	sshrl.u32 s10, $0x1;
	s24 =	sshrl.u32 s11, $0x2  }
0xd: {  	s12 =	sshrl.u32 s9, $0x3;
	s0 =	ssub.s32 s10, s23;
	s16 =	sadd.s32 s24, s2  }
.Ltmp0:
0xe: {  	s10 =	sor.u32 $0x1C05, s25;
	s11 =	sadd.s32 s22, s12;
	(pc) =	sbr.rel .LBB2_1-.Ltmp0, $4  }
0xf: {  	s26 =	sadd.s32 $0x280, s12;
	s12 =	sadd.s32 s8, s12;
	s23 =	simm.s32 $0x6800  }
0x10: {  	s24 =	simm.s32 $0xC0;
	s25 =	simm.s32 $0x8800;
	s13 =	sadd.s32 s22, s26  }
0x11: {  	s14 =	sadd.s32 s8, s26;
	s15 =	smax.u32 s0, $0x1;
	s16 =	sshrl.u32 s16, $0x3  }
0x12: {  	s22 =	simm.s32 $0x80;
	s26 =	simm.s32 $0x1;
	s0 =	simm.s32 $0x2780  }
.LBB2_11:
0x13: {  	[tilespmem:s25], [sflag:$0x4] =	stream.indirect.gather [hbm4b:s6+s19], $0x80, s8, s19, $0xb8;
	[tilespmem:$0x1E800] =	vst v63  }
0x14: {  	s1 =	rddreg [dreg:$0x4]  }
.LBB2_12:
0x15: {  	_ =	swait.ge [sflag:s26], $0x2000  }
0x16: {  	[sflag:s26] =	ssyncset.done $0x0  }
0x17: {  	[sflag:s26] =	ssyncadd.s32 $0xFFFFE000  }
0x18: {  	_ =	swait.ge [sflag:s28], $0x2000  }
0x19: {  	[sflag:s28] =	ssyncset.done $0x0  }
0x1a: {  	[sflag:s28] =	ssyncadd.s32 $0xFFFFE000  }
0x1b: {  	[spmem:s2] =	stream.indirect.scatter.add.f32 [tilespmem:s20], [sflag:$0x5], $0x80, s31, s22, $0xb8;
	[tilespmem:$0x1E800] =	vst v63  }
0x1c: {  	_ =	swait.ge [sflag:s17], $0x4000  }
0x1d: {  	[sflag:s17] =	ssyncset.done $0x0  }
0x1e: {  	[sflag:s17] =	ssyncadd.s32 $0xFFFFC000  }
0x1f: {  	_ =	swait.ge [sflag:s29], $0x2000  }
0x20: {  	[sflag:s29] =	ssyncset.done $0x0  }
0x21: {  	[sflag:s29] =	ssyncadd.s32 $0xFFFFE000  }
0x22: {  	_ =	swait.ge [sflag:s30], $0x2000  }
0x23: {  	[sflag:s30] =	ssyncset.done $0x0  }
0x24: {  	[sflag:s30] =	ssyncadd.s32 $0xFFFFE000  }
0x25: {  	[spmem:s2] =	stream.indirect.scatter.add.f32 [tilespmem:s23], [sflag:$0x5], $0x80, s0, s22, $0xb8;
	[tilespmem:$0x1E800] =	vst v63  }
0x26: {  	_ =	swait.ge [sflag:s17], $0x4000  }
0x27: {  	s5 =	sadd.s32 $0x1, s5;
	[sflag:s17] =	ssyncset.done $0x0  }
0x28: {  	p1 =	sne.s32 s5, s15;
	[sflag:s17] =	ssyncadd.s32 $0xFFFFC000  }
.Ltmp1:
0x29: {  	s1 =	sadd.s32 s1, s9;
	[bflag:$0x0] =	sbarrier.arrive $0xFFFF;
	(pc) =	sbr.rel @!p1 .LBB2_13-.Ltmp1, $4  }
0x2a: {  	[hbm:s1], [sflag:s10] =	dma.local [spmem:s16], $0x2800  }
0x2b: {  	_ =	swait.ge [sflag:s17], $0x2800  }
0x2c: {  	[sflag:s17] =	ssyncset.done $0x0  }
0x2d: {  	[sflag:s17] =	ssyncadd.s32 $0xFFFFD800  }
.LBB2_1:
0x2e: {  	[spmem:s16], [sflag:s10] =	dma.local [hbm:s7], $0x2800  }
0x2f: {  	_ =	swait.ge [sflag:s17], $0x2800  }
0x30: {  	[sflag:s17] =	ssyncset.done $0x0  }
0x31: {  	[sflag:s17] =	ssyncadd.s32 $0xFFFFD800  }
0x32: {  	s1 =	simm.s32 $0x0;
	[bflag:$0x0] =	sbarrier.arrive $0xFFFF  }
0x33: {  	[tilespmem:s1], [sflag:$0x5] =	stream.linear.gather [hbm4b:s11+s1], $0x1400, $0x38;
	[tilespmem:$0x1E800] =	vst v63  }
0x34: {  	_ =	swait.ge [sflag:s17], $0x1400  }
0x35: {  	[sflag:s17] =	ssyncset.done $0x0  }
.Ltmp2:
0x36: {  	[sflag:s17] =	ssyncadd.s32 $0xFFFFEC00;
	(pc) =	sbr.rel @!p0 .LBB2_2-.Ltmp2, $4  }
0x37: {  	[tilespmem:s18], [sflag:$0x5] =	stream.linear.gather [hbm4b:s12+s1], $0x1400, $0x38;
	[tilespmem:$0x1E800] =	vst v63  }
0x38: {  	_ =	swait.ge [sflag:s17], $0x1400  }
0x39: {  	[sflag:s17] =	ssyncset.done $0x0  }
0x3a: {  	s1 =	simm.s32 $0x0;
	[sflag:s17] =	ssyncadd.s32 $0xFFFFEC00  }
0x3b: {  	[tilespmem:s20], [sflag:$0x1] =	stream.indirect.gather [hbm4b:s6+s19], $0x80, s1, s19, $0xb8;
	[tilespmem:$0x1E800] =	vst v63  }
0x3c: {  	_ = 	snop  }
0x3d: {  	[tilespmem:s21], [sflag:$0x2] =	stream.indirect.gather [hbm4b:s6+s19], $0x80, s19, s19, $0xb8;
	[tilespmem:$0x1E800] =	vst v63  }
0x3e: {  	_ = 	snop  }
0x3f: {  	[tilespmem:s23], [sflag:$0x3] =	stream.indirect.gather [hbm4b:s6+s19], $0x80, s22, s19, $0xb8;
	[tilespmem:$0x1E800] =	vst v63  }
0x40: {  	_ = 	snop  }
0x41: {  	[tilespmem:s25], [sflag:$0x4] =	stream.indirect.gather [hbm4b:s6+s19], $0x80, s24, s19, $0xb8;
	[tilespmem:$0x1E800] =	vst v63  }
0x42: {  	_ =	swait.ge [sflag:s26], $0x2000  }
0x43: {  	[sflag:s26] =	ssyncset.done $0x0  }
0x44: {  	[sflag:s26] =	ssyncadd.s32 $0xFFFFE000  }
0x45: {  	_ =	swait.ge [sflag:s28], $0x2000  }
0x46: {  	[sflag:s28] =	ssyncset.done $0x0  }
0x47: {  	s8 =	simm.s32 $0x1400;
	[sflag:s28] =	ssyncadd.s32 $0xFFFFE000  }
0x48: {  	[spmem:s2] =	stream.indirect.scatter.add.f32 [tilespmem:s20], [sflag:$0x5], $0x80, s8, s22, $0xb8;
	[tilespmem:$0x1E800] =	vst v63  }
0x49: {  	_ =	swait.ge [sflag:s17], $0x4000  }
0x4a: {  	[sflag:s17] =	ssyncset.done $0x0  }
0x4b: {  	s3 =	simm.s32 $0x100;
	[sflag:s17] =	ssyncadd.s32 $0xFFFFC000  }
0x4c: {  	[tilespmem:s20], [sflag:$0x1] =	stream.indirect.gather [hbm4b:s6+s19], $0x80, s3, s19, $0xb8;
	[tilespmem:$0x1E800] =	vst v63  }
0x4d: {  	s8 =	simm.s32 $0x140  }
0x4e: {  	[tilespmem:s21], [sflag:$0x2] =	stream.indirect.gather [hbm4b:s6+s19], $0x80, s8, s19, $0xb8;
	[tilespmem:$0x1E800] =	vst v63  }
0x4f: {  	_ =	swait.ge [sflag:s29], $0x2000  }
0x50: {  	[sflag:s29] =	ssyncset.done $0x0  }
0x51: {  	[sflag:s29] =	ssyncadd.s32 $0xFFFFE000  }
0x52: {  	_ =	swait.ge [sflag:s30], $0x2000  }
0x53: {  	[sflag:s30] =	ssyncset.done $0x0  }
0x54: {  	s3 =	simm.s32 $0x1480;
	[sflag:s30] =	ssyncadd.s32 $0xFFFFE000  }
0x55: {  	[spmem:s2] =	stream.indirect.scatter.add.f32 [tilespmem:s23], [sflag:$0x5], $0x80, s3, s22, $0xb8;
	[tilespmem:$0x1E800] =	vst v63  }
0x56: {  	_ =	swait.ge [sflag:s17], $0x4000  }
0x57: {  	[sflag:s17] =	ssyncset.done $0x0  }
0x58: {  	s8 =	simm.s32 $0x180;
	[sflag:s17] =	ssyncadd.s32 $0xFFFFC000  }
0x59: {  	[tilespmem:s23], [sflag:$0x3] =	stream.indirect.gather [hbm4b:s6+s19], $0x80, s8, s19, $0xb8;
	[tilespmem:$0x1E800] =	vst v63  }
0x5a: {  	s1 =	simm.s32 $0x400;
	s8 =	simm.s32 $0x1C0  }
.LBB2_8:
0x5b: {  	[tilespmem:s25], [sflag:$0x4] =	stream.indirect.gather [hbm4b:s6+s19], $0x80, s8, s19, $0xb8;
	[tilespmem:$0x1E800] =	vst v63  }
0x5c: {  	s3 =	smov.u32 s1  }
0x5d: {  	p1 =	sne.s32 s1, $0x4800;
	s1 =	sadd.s32 $0x400, s1;
	_ =	swait.ge [sflag:s26], $0x2000  }
0x5e: {  	[sflag:s26] =	ssyncset.done $0x0  }
0x5f: {  	[sflag:s26] =	ssyncadd.s32 $0xFFFFE000  }
0x60: {  	_ =	swait.ge [sflag:s28], $0x2000  }
0x61: {  	s3 =	sshra.s32 s3, $0x2;
	[sflag:s28] =	ssyncset.done $0x0  }
0x62: {  	s8 =	sadd.s32 $0x1400, s3;
	[sflag:s28] =	ssyncadd.s32 $0xFFFFE000  }
0x63: {  	[spmem:s2] =	stream.indirect.scatter.add.f32 [tilespmem:s20], [sflag:$0x5], $0x80, s8, s22, $0xb8;
	[tilespmem:$0x1E800] =	vst v63  }
0x64: {  	_ =	swait.ge [sflag:s17], $0x4000  }
0x65: {  	[sflag:s17] =	ssyncset.done $0x0  }
0x66: {  	s8 =	sadd.s32 $0x100, s3;
	[sflag:s17] =	ssyncadd.s32 $0xFFFFC000  }
0x67: {  	[tilespmem:s20], [sflag:$0x1] =	stream.indirect.gather [hbm4b:s6+s19], $0x80, s8, s19, $0xb8;
	[tilespmem:$0x1E800] =	vst v63  }
0x68: {  	s8 =	sadd.s32 $0x140, s3  }
0x69: {  	[tilespmem:s21], [sflag:$0x2] =	stream.indirect.gather [hbm4b:s6+s19], $0x80, s8, s19, $0xb8;
	[tilespmem:$0x1E800] =	vst v63  }
0x6a: {  	_ =	swait.ge [sflag:s29], $0x2000  }
0x6b: {  	[sflag:s29] =	ssyncset.done $0x0  }
0x6c: {  	[sflag:s29] =	ssyncadd.s32 $0xFFFFE000  }
0x6d: {  	_ =	swait.ge [sflag:s30], $0x2000  }
0x6e: {  	[sflag:s30] =	ssyncset.done $0x0  }
0x6f: {  	s8 =	sadd.s32 $0x1480, s3;
	[sflag:s30] =	ssyncadd.s32 $0xFFFFE000  }
0x70: {  	[spmem:s2] =	stream.indirect.scatter.add.f32 [tilespmem:s23], [sflag:$0x5], $0x80, s8, s22, $0xb8;
	[tilespmem:$0x1E800] =	vst v63  }
.Ltmp3:
0x71: {  	_ =	swait.ge [sflag:s17], $0x4000;
	(pc) =	sbr.rel @p1 .LBB2_8-.Ltmp3, $4  }
0x72: {  	[sflag:s17] =	ssyncset.done $0x0  }
0x73: {  	s8 =	sadd.s32 $0x180, s3;
	[sflag:s17] =	ssyncadd.s32 $0xFFFFC000  }
0x74: {  	[tilespmem:s23], [sflag:$0x3] =	stream.indirect.gather [hbm4b:s6+s19], $0x80, s8, s19, $0xb8;
	[tilespmem:$0x1E800] =	vst v63  }
0x75: {  	s8 =	sadd.s32 $0x1C0, s3  }
0x76: {  	[tilespmem:s25], [sflag:$0x4] =	stream.indirect.gather [hbm4b:s6+s19], $0x80, s8, s19, $0xb8;
	[tilespmem:$0x1E800] =	vst v63  }
0x77: {  	_ =	swait.ge [sflag:s26], $0x2000  }
0x78: {  	[sflag:s26] =	ssyncset.done $0x0  }
0x79: {  	[sflag:s26] =	ssyncadd.s32 $0xFFFFE000  }
0x7a: {  	_ =	swait.ge [sflag:s28], $0x2000  }
0x7b: {  	[sflag:s28] =	ssyncset.done $0x0  }
0x7c: {  	[sflag:s28] =	ssyncadd.s32 $0xFFFFE000  }
0x7d: {  	[spmem:s2] =	stream.indirect.scatter.add.f32 [tilespmem:s20], [sflag:$0x5], $0x80, s31, s22, $0xb8;
	[tilespmem:$0x1E800] =	vst v63  }
0x7e: {  	_ =	swait.ge [sflag:s17], $0x4000  }
0x7f: {  	[sflag:s17] =	ssyncset.done $0x0  }
0x80: {  	[sflag:s17] =	ssyncadd.s32 $0xFFFFC000  }
0x81: {  	_ =	swait.ge [sflag:s29], $0x2000  }
0x82: {  	[sflag:s29] =	ssyncset.done $0x0  }
0x83: {  	[sflag:s29] =	ssyncadd.s32 $0xFFFFE000  }
0x84: {  	_ =	swait.ge [sflag:s30], $0x2000  }
0x85: {  	[sflag:s30] =	ssyncset.done $0x0  }
0x86: {  	[sflag:s30] =	ssyncadd.s32 $0xFFFFE000  }
0x87: {  	[spmem:s2] =	stream.indirect.scatter.add.f32 [tilespmem:s23], [sflag:$0x5], $0x80, s0, s22, $0xb8;
	[tilespmem:$0x1E800] =	vst v63  }
0x88: {  	_ =	swait.ge [sflag:s17], $0x4000  }
0x89: {  	[sflag:s17] =	ssyncset.done $0x0  }
0x8a: {  	s1 =	simm.s32 $0x0;
	[sflag:s17] =	ssyncadd.s32 $0xFFFFC000  }
0x8b: {  	[tilespmem:s1], [sflag:$0x5] =	stream.linear.gather [hbm4b:s13+s1], $0x1400, $0x38;
	[tilespmem:$0x1E800] =	vst v63  }
0x8c: {  	_ =	swait.ge [sflag:s17], $0x1400  }
0x8d: {  	[sflag:s17] =	ssyncset.done $0x0  }
0x8e: {  	[sflag:s17] =	ssyncadd.s32 $0xFFFFEC00  }
0x8f: {  	[tilespmem:s18], [sflag:$0x5] =	stream.linear.gather [hbm4b:s14+s1], $0x1400, $0x38;
	[tilespmem:$0x1E800] =	vst v63  }
0x90: {  	_ =	swait.ge [sflag:s17], $0x1400  }
0x91: {  	[sflag:s17] =	ssyncset.done $0x0  }
0x92: {  	[sflag:s17] =	ssyncadd.s32 $0xFFFFEC00  }
0x93: {  	[tilespmem:s20], [sflag:$0x1] =	stream.indirect.gather [hbm4b:s6+s19], $0x80, s1, s19, $0xb8;
	[tilespmem:$0x1E800] =	vst v63  }
0x94: {  	_ = 	snop  }
0x95: {  	[tilespmem:s21], [sflag:$0x2] =	stream.indirect.gather [hbm4b:s6+s19], $0x80, s19, s19, $0xb8;
	[tilespmem:$0x1E800] =	vst v63  }
0x96: {  	_ = 	snop  }
0x97: {  	[tilespmem:s23], [sflag:$0x3] =	stream.indirect.gather [hbm4b:s6+s19], $0x80, s22, s19, $0xb8;
	[tilespmem:$0x1E800] =	vst v63  }
0x98: {  	_ = 	snop  }
0x99: {  	[tilespmem:s25], [sflag:$0x4] =	stream.indirect.gather [hbm4b:s6+s19], $0x80, s24, s19, $0xb8;
	[tilespmem:$0x1E800] =	vst v63  }
0x9a: {  	_ =	swait.ge [sflag:s26], $0x2000  }
0x9b: {  	[sflag:s26] =	ssyncset.done $0x0  }
0x9c: {  	[sflag:s26] =	ssyncadd.s32 $0xFFFFE000  }
0x9d: {  	_ =	swait.ge [sflag:s28], $0x2000  }
0x9e: {  	[sflag:s28] =	ssyncset.done $0x0  }
0x9f: {  	s8 =	simm.s32 $0x1400;
	[sflag:s28] =	ssyncadd.s32 $0xFFFFE000  }
0xa0: {  	[spmem:s2] =	stream.indirect.scatter.add.f32 [tilespmem:s20], [sflag:$0x5], $0x80, s8, s22, $0xb8;
	[tilespmem:$0x1E800] =	vst v63  }
0xa1: {  	_ =	swait.ge [sflag:s17], $0x4000  }
0xa2: {  	[sflag:s17] =	ssyncset.done $0x0  }
0xa3: {  	s3 =	simm.s32 $0x100;
	[sflag:s17] =	ssyncadd.s32 $0xFFFFC000  }
0xa4: {  	[tilespmem:s20], [sflag:$0x1] =	stream.indirect.gather [hbm4b:s6+s19], $0x80, s3, s19, $0xb8;
	[tilespmem:$0x1E800] =	vst v63  }
0xa5: {  	s8 =	simm.s32 $0x140  }
0xa6: {  	[tilespmem:s21], [sflag:$0x2] =	stream.indirect.gather [hbm4b:s6+s19], $0x80, s8, s19, $0xb8;
	[tilespmem:$0x1E800] =	vst v63  }
0xa7: {  	_ =	swait.ge [sflag:s29], $0x2000  }
0xa8: {  	[sflag:s29] =	ssyncset.done $0x0  }
0xa9: {  	[sflag:s29] =	ssyncadd.s32 $0xFFFFE000  }
0xaa: {  	_ =	swait.ge [sflag:s30], $0x2000  }
0xab: {  	[sflag:s30] =	ssyncset.done $0x0  }
0xac: {  	s3 =	simm.s32 $0x1480;
	[sflag:s30] =	ssyncadd.s32 $0xFFFFE000  }
0xad: {  	[spmem:s2] =	stream.indirect.scatter.add.f32 [tilespmem:s23], [sflag:$0x5], $0x80, s3, s22, $0xb8;
	[tilespmem:$0x1E800] =	vst v63  }
0xae: {  	_ =	swait.ge [sflag:s17], $0x4000  }
0xaf: {  	[sflag:s17] =	ssyncset.done $0x0  }
0xb0: {  	s8 =	simm.s32 $0x180;
	[sflag:s17] =	ssyncadd.s32 $0xFFFFC000  }
0xb1: {  	[tilespmem:s23], [sflag:$0x3] =	stream.indirect.gather [hbm4b:s6+s19], $0x80, s8, s19, $0xb8;
	[tilespmem:$0x1E800] =	vst v63  }
0xb2: {  	s1 =	simm.s32 $0x400;
	s8 =	simm.s32 $0x1C0  }
.LBB2_10:
0xb3: {  	[tilespmem:s25], [sflag:$0x4] =	stream.indirect.gather [hbm4b:s6+s19], $0x80, s8, s19, $0xb8;
	[tilespmem:$0x1E800] =	vst v63  }
0xb4: {  	s3 =	smov.u32 s1  }
0xb5: {  	p1 =	sne.s32 s1, $0x4800;
	s1 =	sadd.s32 $0x400, s1;
	_ =	swait.ge [sflag:s26], $0x2000  }
0xb6: {  	[sflag:s26] =	ssyncset.done $0x0  }
0xb7: {  	[sflag:s26] =	ssyncadd.s32 $0xFFFFE000  }
0xb8: {  	_ =	swait.ge [sflag:s28], $0x2000  }
0xb9: {  	s3 =	sshra.s32 s3, $0x2;
	[sflag:s28] =	ssyncset.done $0x0  }
0xba: {  	s8 =	sadd.s32 $0x1400, s3;
	[sflag:s28] =	ssyncadd.s32 $0xFFFFE000  }
0xbb: {  	[spmem:s2] =	stream.indirect.scatter.add.f32 [tilespmem:s20], [sflag:$0x5], $0x80, s8, s22, $0xb8;
	[tilespmem:$0x1E800] =	vst v63  }
0xbc: {  	_ =	swait.ge [sflag:s17], $0x4000  }
0xbd: {  	[sflag:s17] =	ssyncset.done $0x0  }
0xbe: {  	s8 =	sadd.s32 $0x100, s3;
	[sflag:s17] =	ssyncadd.s32 $0xFFFFC000  }
0xbf: {  	[tilespmem:s20], [sflag:$0x1] =	stream.indirect.gather [hbm4b:s6+s19], $0x80, s8, s19, $0xb8;
	[tilespmem:$0x1E800] =	vst v63  }
0xc0: {  	s8 =	sadd.s32 $0x140, s3  }
0xc1: {  	[tilespmem:s21], [sflag:$0x2] =	stream.indirect.gather [hbm4b:s6+s19], $0x80, s8, s19, $0xb8;
	[tilespmem:$0x1E800] =	vst v63  }
0xc2: {  	_ =	swait.ge [sflag:s29], $0x2000  }
0xc3: {  	[sflag:s29] =	ssyncset.done $0x0  }
0xc4: {  	[sflag:s29] =	ssyncadd.s32 $0xFFFFE000  }
0xc5: {  	_ =	swait.ge [sflag:s30], $0x2000  }
0xc6: {  	[sflag:s30] =	ssyncset.done $0x0  }
0xc7: {  	s8 =	sadd.s32 $0x1480, s3;
	[sflag:s30] =	ssyncadd.s32 $0xFFFFE000  }
0xc8: {  	[spmem:s2] =	stream.indirect.scatter.add.f32 [tilespmem:s23], [sflag:$0x5], $0x80, s8, s22, $0xb8;
	[tilespmem:$0x1E800] =	vst v63  }
.Ltmp4:
0xc9: {  	_ =	swait.ge [sflag:s17], $0x4000;
	(pc) =	sbr.rel @p1 .LBB2_10-.Ltmp4, $4  }
0xca: {  	[sflag:s17] =	ssyncset.done $0x0  }
0xcb: {  	s8 =	sadd.s32 $0x180, s3;
	[sflag:s17] =	ssyncadd.s32 $0xFFFFC000  }
0xcc: {  	[tilespmem:s23], [sflag:$0x3] =	stream.indirect.gather [hbm4b:s6+s19], $0x80, s8, s19, $0xb8;
	[tilespmem:$0x1E800] =	vst v63  }
0xcd: {  	s8 =	sadd.s32 $0x1C0, s3  }
.Ltmp5:
0xce: {  	_ = 	snop;
	(pc) =	sbr.rel .LBB2_11-.Ltmp5, $1  }
0xcf: {  	_ =	sdelay $0x3  }
.LBB2_2:
0xd0: {  	[tilespmem:s20], [sflag:$0x1] =	stream.indirect.gather [hbm4b:s4+s19], $0x80, s1, s19, $0xb8;
	[tilespmem:$0x1E800] =	vst v63  }
0xd1: {  	_ = 	snop  }
0xd2: {  	[tilespmem:s21], [sflag:$0x2] =	stream.indirect.gather [hbm4b:s4+s19], $0x80, s19, s19, $0xb8;
	[tilespmem:$0x1E800] =	vst v63  }
0xd3: {  	_ = 	snop  }
0xd4: {  	[tilespmem:s23], [sflag:$0x3] =	stream.indirect.gather [hbm4b:s4+s19], $0x80, s22, s19, $0xb8;
	[tilespmem:$0x1E800] =	vst v63  }
0xd5: {  	_ = 	snop  }
0xd6: {  	[tilespmem:s25], [sflag:$0x4] =	stream.indirect.gather [hbm4b:s4+s19], $0x80, s24, s19, $0xb8;
	[tilespmem:$0x1E800] =	vst v63  }
0xd7: {  	_ =	swait.ge [sflag:s26], $0x2000  }
0xd8: {  	[sflag:s26] =	ssyncset.done $0x0  }
0xd9: {  	[sflag:s26] =	ssyncadd.s32 $0xFFFFE000  }
0xda: {  	_ =	swait.ge [sflag:s28], $0x2000  }
0xdb: {  	[sflag:s28] =	ssyncset.done $0x0  }
0xdc: {  	s8 =	simm.s32 $0x1400;
	[sflag:s28] =	ssyncadd.s32 $0xFFFFE000  }
0xdd: {  	[spmem:s2] =	stream.indirect.scatter.add.f32 [tilespmem:s20], [sflag:$0x5], $0x80, s8, s22, $0xb8;
	[tilespmem:$0x1E800] =	vst v63  }
0xde: {  	_ =	swait.ge [sflag:s17], $0x4000  }
0xdf: {  	[sflag:s17] =	ssyncset.done $0x0  }
0xe0: {  	s3 =	simm.s32 $0x100;
	[sflag:s17] =	ssyncadd.s32 $0xFFFFC000  }
0xe1: {  	[tilespmem:s20], [sflag:$0x1] =	stream.indirect.gather [hbm4b:s4+s19], $0x80, s3, s19, $0xb8;
	[tilespmem:$0x1E800] =	vst v63  }
0xe2: {  	s8 =	simm.s32 $0x140  }
0xe3: {  	[tilespmem:s21], [sflag:$0x2] =	stream.indirect.gather [hbm4b:s4+s19], $0x80, s8, s19, $0xb8;
	[tilespmem:$0x1E800] =	vst v63  }
0xe4: {  	_ =	swait.ge [sflag:s29], $0x2000  }
0xe5: {  	[sflag:s29] =	ssyncset.done $0x0  }
0xe6: {  	[sflag:s29] =	ssyncadd.s32 $0xFFFFE000  }
0xe7: {  	_ =	swait.ge [sflag:s30], $0x2000  }
0xe8: {  	[sflag:s30] =	ssyncset.done $0x0  }
0xe9: {  	s3 =	simm.s32 $0x1480;
	[sflag:s30] =	ssyncadd.s32 $0xFFFFE000  }
0xea: {  	[spmem:s2] =	stream.indirect.scatter.add.f32 [tilespmem:s23], [sflag:$0x5], $0x80, s3, s22, $0xb8;
	[tilespmem:$0x1E800] =	vst v63  }
0xeb: {  	_ =	swait.ge [sflag:s17], $0x4000  }
0xec: {  	[sflag:s17] =	ssyncset.done $0x0  }
0xed: {  	s8 =	simm.s32 $0x180;
	[sflag:s17] =	ssyncadd.s32 $0xFFFFC000  }
0xee: {  	[tilespmem:s23], [sflag:$0x3] =	stream.indirect.gather [hbm4b:s4+s19], $0x80, s8, s19, $0xb8;
	[tilespmem:$0x1E800] =	vst v63  }
0xef: {  	s1 =	simm.s32 $0x400;
	s8 =	simm.s32 $0x1C0  }
.LBB2_3:
0xf0: {  	[tilespmem:s25], [sflag:$0x4] =	stream.indirect.gather [hbm4b:s4+s19], $0x80, s8, s19, $0xb8;
	[tilespmem:$0x1E800] =	vst v63  }
0xf1: {  	s8 =	smov.u32 s1  }
0xf2: {  	p1 =	sne.s32 s1, $0x4800;
	s1 =	sadd.s32 $0x400, s1;
	_ =	swait.ge [sflag:s26], $0x2000  }
0xf3: {  	[sflag:s26] =	ssyncset.done $0x0  }
0xf4: {  	[sflag:s26] =	ssyncadd.s32 $0xFFFFE000  }
0xf5: {  	_ =	swait.ge [sflag:s28], $0x2000  }
0xf6: {  	s8 =	sshra.s32 s8, $0x2;
	[sflag:s28] =	ssyncset.done $0x0  }
0xf7: {  	s3 =	sadd.s32 $0x1400, s8;
	[sflag:s28] =	ssyncadd.s32 $0xFFFFE000  }
0xf8: {  	[spmem:s2] =	stream.indirect.scatter.add.f32 [tilespmem:s20], [sflag:$0x5], $0x80, s3, s22, $0xb8;
	[tilespmem:$0x1E800] =	vst v63  }
0xf9: {  	_ =	swait.ge [sflag:s17], $0x4000  }
0xfa: {  	[sflag:s17] =	ssyncset.done $0x0  }
0xfb: {  	s3 =	sadd.s32 $0x100, s8;
	[sflag:s17] =	ssyncadd.s32 $0xFFFFC000  }
0xfc: {  	[tilespmem:s20], [sflag:$0x1] =	stream.indirect.gather [hbm4b:s4+s19], $0x80, s3, s19, $0xb8;
	[tilespmem:$0x1E800] =	vst v63  }
0xfd: {  	s3 =	sadd.s32 $0x140, s8  }
0xfe: {  	[tilespmem:s21], [sflag:$0x2] =	stream.indirect.gather [hbm4b:s4+s19], $0x80, s3, s19, $0xb8;
	[tilespmem:$0x1E800] =	vst v63  }
0xff: {  	_ =	swait.ge [sflag:s29], $0x2000  }
0x100: {  	[sflag:s29] =	ssyncset.done $0x0  }
0x101: {  	[sflag:s29] =	ssyncadd.s32 $0xFFFFE000  }
0x102: {  	_ =	swait.ge [sflag:s30], $0x2000  }
0x103: {  	[sflag:s30] =	ssyncset.done $0x0  }
0x104: {  	s3 =	sadd.s32 $0x1480, s8;
	[sflag:s30] =	ssyncadd.s32 $0xFFFFE000  }
0x105: {  	[spmem:s2] =	stream.indirect.scatter.add.f32 [tilespmem:s23], [sflag:$0x5], $0x80, s3, s22, $0xb8;
	[tilespmem:$0x1E800] =	vst v63  }
.Ltmp6:
0x106: {  	_ =	swait.ge [sflag:s17], $0x4000;
	(pc) =	sbr.rel @p1 .LBB2_3-.Ltmp6, $4  }
0x107: {  	[sflag:s17] =	ssyncset.done $0x0  }
0x108: {  	s3 =	sadd.s32 $0x180, s8;
	[sflag:s17] =	ssyncadd.s32 $0xFFFFC000  }
0x109: {  	[tilespmem:s23], [sflag:$0x3] =	stream.indirect.gather [hbm4b:s4+s19], $0x80, s3, s19, $0xb8;
	[tilespmem:$0x1E800] =	vst v63  }
0x10a: {  	s8 =	sadd.s32 $0x1C0, s8  }
0x10b: {  	[tilespmem:s25], [sflag:$0x4] =	stream.indirect.gather [hbm4b:s4+s19], $0x80, s8, s19, $0xb8;
	[tilespmem:$0x1E800] =	vst v63  }
0x10c: {  	_ =	swait.ge [sflag:s26], $0x2000  }
0x10d: {  	[sflag:s26] =	ssyncset.done $0x0  }
0x10e: {  	[sflag:s26] =	ssyncadd.s32 $0xFFFFE000  }
0x10f: {  	_ =	swait.ge [sflag:s28], $0x2000  }
0x110: {  	[sflag:s28] =	ssyncset.done $0x0  }
0x111: {  	[sflag:s28] =	ssyncadd.s32 $0xFFFFE000  }
0x112: {  	[spmem:s2] =	stream.indirect.scatter.add.f32 [tilespmem:s20], [sflag:$0x5], $0x80, s31, s22, $0xb8;
	[tilespmem:$0x1E800] =	vst v63  }
0x113: {  	_ =	swait.ge [sflag:s17], $0x4000  }
0x114: {  	[sflag:s17] =	ssyncset.done $0x0  }
0x115: {  	[sflag:s17] =	ssyncadd.s32 $0xFFFFC000  }
0x116: {  	_ =	swait.ge [sflag:s29], $0x2000  }
0x117: {  	[sflag:s29] =	ssyncset.done $0x0  }
0x118: {  	[sflag:s29] =	ssyncadd.s32 $0xFFFFE000  }
0x119: {  	_ =	swait.ge [sflag:s30], $0x2000  }
0x11a: {  	[sflag:s30] =	ssyncset.done $0x0  }
0x11b: {  	[sflag:s30] =	ssyncadd.s32 $0xFFFFE000  }
0x11c: {  	[spmem:s2] =	stream.indirect.scatter.add.f32 [tilespmem:s23], [sflag:$0x5], $0x80, s0, s22, $0xb8;
	[tilespmem:$0x1E800] =	vst v63  }
0x11d: {  	_ =	swait.ge [sflag:s17], $0x4000  }
0x11e: {  	[sflag:s17] =	ssyncset.done $0x0  }
0x11f: {  	s1 =	simm.s32 $0x0;
	[sflag:s17] =	ssyncadd.s32 $0xFFFFC000  }
0x120: {  	[tilespmem:s1], [sflag:$0x5] =	stream.linear.gather [hbm4b:s13+s1], $0x1400, $0x38;
	[tilespmem:$0x1E800] =	vst v63  }
0x121: {  	_ =	swait.ge [sflag:s17], $0x1400  }
0x122: {  	[sflag:s17] =	ssyncset.done $0x0  }
0x123: {  	[sflag:s17] =	ssyncadd.s32 $0xFFFFEC00  }
0x124: {  	[tilespmem:s18], [sflag:$0x5] =	stream.linear.gather [hbm4b:s14+s1], $0x1400, $0x38;
	[tilespmem:$0x1E800] =	vst v63  }
0x125: {  	_ =	swait.ge [sflag:s17], $0x1400  }
0x126: {  	[sflag:s17] =	ssyncset.done $0x0  }
0x127: {  	[sflag:s17] =	ssyncadd.s32 $0xFFFFEC00  }
0x128: {  	[tilespmem:s20], [sflag:$0x1] =	stream.indirect.gather [hbm4b:s4+s19], $0x80, s1, s19, $0xb8;
	[tilespmem:$0x1E800] =	vst v63  }
0x129: {  	_ = 	snop  }
0x12a: {  	[tilespmem:s21], [sflag:$0x2] =	stream.indirect.gather [hbm4b:s4+s19], $0x80, s19, s19, $0xb8;
	[tilespmem:$0x1E800] =	vst v63  }
0x12b: {  	_ = 	snop  }
0x12c: {  	[tilespmem:s23], [sflag:$0x3] =	stream.indirect.gather [hbm4b:s4+s19], $0x80, s22, s19, $0xb8;
	[tilespmem:$0x1E800] =	vst v63  }
0x12d: {  	_ = 	snop  }
0x12e: {  	[tilespmem:s25], [sflag:$0x4] =	stream.indirect.gather [hbm4b:s4+s19], $0x80, s24, s19, $0xb8;
	[tilespmem:$0x1E800] =	vst v63  }
0x12f: {  	_ =	swait.ge [sflag:s26], $0x2000  }
0x130: {  	[sflag:s26] =	ssyncset.done $0x0  }
0x131: {  	[sflag:s26] =	ssyncadd.s32 $0xFFFFE000  }
0x132: {  	_ =	swait.ge [sflag:s28], $0x2000  }
0x133: {  	[sflag:s28] =	ssyncset.done $0x0  }
0x134: {  	s8 =	simm.s32 $0x1400;
	[sflag:s28] =	ssyncadd.s32 $0xFFFFE000  }
0x135: {  	[spmem:s2] =	stream.indirect.scatter.add.f32 [tilespmem:s20], [sflag:$0x5], $0x80, s8, s22, $0xb8;
	[tilespmem:$0x1E800] =	vst v63  }
0x136: {  	_ =	swait.ge [sflag:s17], $0x4000  }
0x137: {  	[sflag:s17] =	ssyncset.done $0x0  }
0x138: {  	s3 =	simm.s32 $0x100;
	[sflag:s17] =	ssyncadd.s32 $0xFFFFC000  }
0x139: {  	[tilespmem:s20], [sflag:$0x1] =	stream.indirect.gather [hbm4b:s4+s19], $0x80, s3, s19, $0xb8;
	[tilespmem:$0x1E800] =	vst v63  }
0x13a: {  	s8 =	simm.s32 $0x140  }
0x13b: {  	[tilespmem:s21], [sflag:$0x2] =	stream.indirect.gather [hbm4b:s4+s19], $0x80, s8, s19, $0xb8;
	[tilespmem:$0x1E800] =	vst v63  }
0x13c: {  	_ =	swait.ge [sflag:s29], $0x2000  }
0x13d: {  	[sflag:s29] =	ssyncset.done $0x0  }
0x13e: {  	[sflag:s29] =	ssyncadd.s32 $0xFFFFE000  }
0x13f: {  	_ =	swait.ge [sflag:s30], $0x2000  }
0x140: {  	[sflag:s30] =	ssyncset.done $0x0  }
0x141: {  	s3 =	simm.s32 $0x1480;
	[sflag:s30] =	ssyncadd.s32 $0xFFFFE000  }
0x142: {  	[spmem:s2] =	stream.indirect.scatter.add.f32 [tilespmem:s23], [sflag:$0x5], $0x80, s3, s22, $0xb8;
	[tilespmem:$0x1E800] =	vst v63  }
0x143: {  	_ =	swait.ge [sflag:s17], $0x4000  }
0x144: {  	[sflag:s17] =	ssyncset.done $0x0  }
0x145: {  	s8 =	simm.s32 $0x180;
	[sflag:s17] =	ssyncadd.s32 $0xFFFFC000  }
0x146: {  	[tilespmem:s23], [sflag:$0x3] =	stream.indirect.gather [hbm4b:s4+s19], $0x80, s8, s19, $0xb8;
	[tilespmem:$0x1E800] =	vst v63  }
0x147: {  	s1 =	simm.s32 $0x400;
	s8 =	simm.s32 $0x1C0  }
.LBB2_5:
0x148: {  	[tilespmem:s25], [sflag:$0x4] =	stream.indirect.gather [hbm4b:s4+s19], $0x80, s8, s19, $0xb8;
	[tilespmem:$0x1E800] =	vst v63  }
0x149: {  	s3 =	smov.u32 s1  }
0x14a: {  	p1 =	seq.s32 s1, $0x4800;
	s1 =	sadd.s32 $0x400, s1;
	_ =	swait.ge [sflag:s26], $0x2000  }
0x14b: {  	[sflag:s26] =	ssyncset.done $0x0  }
0x14c: {  	[sflag:s26] =	ssyncadd.s32 $0xFFFFE000  }
0x14d: {  	_ =	swait.ge [sflag:s28], $0x2000  }
0x14e: {  	s3 =	sshra.s32 s3, $0x2;
	[sflag:s28] =	ssyncset.done $0x0  }
0x14f: {  	s8 =	sadd.s32 $0x1400, s3;
	[sflag:s28] =	ssyncadd.s32 $0xFFFFE000  }
0x150: {  	[spmem:s2] =	stream.indirect.scatter.add.f32 [tilespmem:s20], [sflag:$0x5], $0x80, s8, s22, $0xb8;
	[tilespmem:$0x1E800] =	vst v63  }
0x151: {  	_ =	swait.ge [sflag:s17], $0x4000  }
0x152: {  	[sflag:s17] =	ssyncset.done $0x0  }
0x153: {  	s8 =	sadd.s32 $0x100, s3;
	[sflag:s17] =	ssyncadd.s32 $0xFFFFC000  }
0x154: {  	[tilespmem:s20], [sflag:$0x1] =	stream.indirect.gather [hbm4b:s4+s19], $0x80, s8, s19, $0xb8;
	[tilespmem:$0x1E800] =	vst v63  }
0x155: {  	s8 =	sadd.s32 $0x140, s3  }
0x156: {  	[tilespmem:s21], [sflag:$0x2] =	stream.indirect.gather [hbm4b:s4+s19], $0x80, s8, s19, $0xb8;
	[tilespmem:$0x1E800] =	vst v63  }
0x157: {  	_ =	swait.ge [sflag:s29], $0x2000  }
0x158: {  	[sflag:s29] =	ssyncset.done $0x0  }
0x159: {  	[sflag:s29] =	ssyncadd.s32 $0xFFFFE000  }
0x15a: {  	_ =	swait.ge [sflag:s30], $0x2000  }
0x15b: {  	[sflag:s30] =	ssyncset.done $0x0  }
0x15c: {  	s8 =	sadd.s32 $0x1480, s3;
	[sflag:s30] =	ssyncadd.s32 $0xFFFFE000  }
0x15d: {  	[spmem:s2] =	stream.indirect.scatter.add.f32 [tilespmem:s23], [sflag:$0x5], $0x80, s8, s22, $0xb8;
	[tilespmem:$0x1E800] =	vst v63  }
.Ltmp7:
0x15e: {  	_ =	swait.ge [sflag:s17], $0x4000;
	(pc) =	sbr.rel @!p1 .LBB2_5-.Ltmp7, $4  }
0x15f: {  	[sflag:s17] =	ssyncset.done $0x0  }
0x160: {  	s8 =	sadd.s32 $0x180, s3;
	[sflag:s17] =	ssyncadd.s32 $0xFFFFC000  }
0x161: {  	[tilespmem:s23], [sflag:$0x3] =	stream.indirect.gather [hbm4b:s4+s19], $0x80, s8, s19, $0xb8;
	[tilespmem:$0x1E800] =	vst v63  }
0x162: {  	s8 =	sadd.s32 $0x1C0, s3  }
.Ltmp8:
0x163: {  	(pc) =	sbr.rel .LBB2_12-.Ltmp8, $3  }
0x164: {  	_ =	sdelay $0x1  }
0x165: {  	[tilespmem:s25], [sflag:$0x4] =	stream.indirect.gather [hbm4b:s4+s19], $0x80, s8, s19, $0xb8;
	[tilespmem:$0x1E800] =	vst v63  }
0x166: {  	s1 =	rddreg [dreg:$0x1]  }
.LBB2_13:
0x167: {  	_ =	sfence.sel $0x180000  }
0x168: {  	[bflag:$0x0] =	sbarrier.arrive $0xFFFF  }
0x169: {  	_ =	strace $0x90000047  }
0x16a: {  	s0 =	stileid.u32;
	[bflag:$0x2] =	sbarrier.arrive $0xFFFF  }
0x16b: {  	p0 =	sne.s32 s0, $0x0;
	s0 =	rddreg [dreg:$0x3]  }
0x16c: {  	s0 =	sadd.s32 @!p0 $0x100000, s0  }
0x16d: {  	[sflag:s0] =	ssyncadd.tile.s32 @!p0 $0x1;
	_ =	shalt  }
.Lfunc_end2:
_tile_overlayer_lowered:
.L_overlay_start_2:
0x16e: {  	(tag) =	ssettag $0x2  }
0x16f: {  	s0 =	rddreg [dreg:$0x0];
	s2 =	stileid.u32  }
0x170: {  	s1 =	rddreg [dreg:$0x1];
	p0 =	sne.s32 s2, $0x0  }
0x171: {  	s3 =	rddreg [dreg:$0x2];
	[bflag:$0x3] =	sbarrier.arrive $0xFFFF;
	s2 =	simm.s32 @!p0 $0x1C05  }
0x172: {  	[timem:s3], [sflag:s2] =	dma.local @!p0 [hbm:s0], s1  }
0x173: {  	s0 =	simm.s32 @!p0 $0x5  }
0x174: {  	_ =	swait.ge @!p0 [sflag:s0], s1  }
0x175: {  	s1 =	ssub.s32 @!p0 $0x0, s1;
	[sflag:s0] =	ssyncset.done @!p0 $0x0  }
0x176: {  	[sflag:s0] =	ssyncadd.s32 @!p0 s1  }
0x177: {  	[bflag:$0x3] =	sbarrier.arrive $0xFFFF  }
0x178: {  	_ =	shalt  }

// kernel: kernel.15.cloned.1.call-start
scs
__scs_entry_jumppad:
0x0: {  	(pc) =	sbr.rel $0x88, $3  }
0x1: {  	(tag) =	ssettag $0x0;
	lr =	simm.s32 $0x1  }
0x2: {  	[smem:$0x3F9A] =	sst lr;
	_ =	strace $0xD0000000  }
0x3: {  	_ = 	snop  }
0x4: {  	_ = 	snop  }
0x5: {  	_ = 	snop  }
0x6: {  	_ = 	snop  }
0x7: {  	_ = 	snop  }
__scs_overlays_trampoline_lowered:
0x8: {  	[smem:$0x3FA9] =	sst s0  }
0x9: {  	[smem:$0x3FAA] =	sst s1  }
0xa: {  	[smem:$0x3FAB] =	sst s2  }
0xb: {  	[smem:$0x3FAC] =	sst s3  }
0xc: {  	[smem:$0x3FAD] =	sst s4  }
0xd: {  	[smem:$0x3FAE] =	sst s5  }
0xe: {  	[smem:$0x3FAF] =	sst s6  }
0xf: {  	[smem:$0x3FB0] =	sst s7  }
0x10: {  	[smem:$0x3FB1] =	sst s8  }
0x11: {  	[smem:$0x3FB2] =	sst s9;
	s0 =	simm.s32 @!p0 $0x0  }
0x12: {  	s1 =	sld [smem:$0x3F98];
	s0 =	simm.s32 @p0 $0x1  }
0x13: {  	[smem:$0x3FB3] =	sst s0;
	s0 =	simm.s32 @!p1 $0x0  }
0x14: {  	s2 =	sld [smem:$0x3F97];
	s0 =	simm.s32 @p1 $0x1  }
0x15: {  	[smem:$0x3FB4] =	sst s0;
	s0 =	simm.s32 @!p2 $0x0  }
0x16: {  	s3 =	sld [smem:$0x3FDB];
	s0 =	simm.s32 @p2 $0x1  }
0x17: {  	s4 =	simm.s32 $0x1BF5;
	[smem:$0x3FB6] =	sst s0  }
0x18: {  	s0 =	sld [smem:$0x3F99];
	_ =	swait.ge [sflag:s4], $0x0  }
0x19: {  	s7 =	sld [smem:$0x3F9A]  }
0x1a: {  	s8 =	sadd.s32 $0xFFFFE003, lr  }
0x1b: {  	s9 =	sadd.s32 $0xFFFFFEF7, lr;
	s5 =	simm.s32 $0xFFFFFFFF;
	p2 =	slt.u32 s8, $0xFFFFF086  }
0x1c: {  	p1 =	slt.u32 s9, $0xF7A;
	s5 =	simm.s32 @!p2 $0x0  }
0x1d: {  	s5 =	simm.s32 @p1 $0x1;
	p0 =	seq.s32 s7, s2  }
0x1e: {  	s7 =	smul.u32 @!p0 $0xF7A, s2;
	p2 =	seq.s32 @!p0 s5, $0x0  }
0x1f: {  	s9 =	smul.u32 $0xF7A, s1;
	s8 =	simm.s32 @!p0 $0x1BF5;
	p2 =	por !p2, p0  }
0x20: {  	[sflag:s8] =	ssyncset.s32 @!p0 $0xFFFFF086;
	s6 =	sadd.s32 @!p0 s3, s7;
	s7 =	simm.s32 @!p0 $0x108  }
0x21: {  	s3 =	sadd.s32 s3, s9;
	s6 =	sadd.s32 @!p0 $0x88, s6;
	s7 =	simm.s32 @p2 $0x1082  }
0x22: {  	[simem:s7], [sflag:s8] =	dma.local @!p0 [hbm:s6], $0xF7A  }
0x23: {  	s9 =	sor.u32 $0xD0000000, s2;
	s6 =	simm.s32 $0x108;
	_ =	swait.ge @!p0 [sflag:s8], $0x0  }
0x24: {  	s3 =	sadd.s32 $0x88, s3;
	s6 =	simm.s32 @!p1 $0x1082;
	[sflag:s4] =	ssyncset.s32 $0xFFFFF086  }
0x25: {  	[simem:s6], [sflag:s4] =	dma.local [hbm:s3], $0xF7A  }
0x26: {  	[smem:$0x3F9A] =	sst s1;
	(tag) =	ssettag s2;
	_ =	strace s9  }
0x27: {  	s1 =	sld [smem:$0x3FAA]  }
0x28: {  	s2 =	sld [smem:$0x3FAB]  }
0x29: {  	s4 =	sld [smem:$0x3FAD]  }
0x2a: {  	p0 =	seq.s32 s5, $0x0;
	s5 =	sld [smem:$0x3FAE]  }
0x2b: {  	s6 =	sld [smem:$0x3FAF]  }
0x2c: {  	s7 =	sld [smem:$0x3FB0]  }
0x2d: {  	s3 =	simm.s32 $0x108;
	s8 =	sld [smem:$0x3FB1]  }
0x2e: {  	s3 =	simm.s32 @!p0 $0x1082;
	s9 =	sld [smem:$0x3FB2]  }
0x2f: {  	lr =	sadd.s32 s0, s3;
	s0 =	sld [smem:$0x3FA9]  }
0x30: {  	s3 =	sld [smem:$0x3FAC]  }
0x31: {  	[smem:$0x3FB5] =	sst s10  }
0x32: {  	s10 =	sld [smem:$0x3FB3];
	_ =	sdelay $0x3  }
0x33: {  	p0 =	seq.s32 s10, $0x1;
	s10 =	sld [smem:$0x3FB5];
	_ =	sdelay $0x3  }
0x34: {  	[smem:$0x3FB5] =	sst s10  }
0x35: {  	s10 =	sld [smem:$0x3FB4];
	_ =	sdelay $0x3  }
0x36: {  	p1 =	seq.s32 s10, $0x1;
	s10 =	sld [smem:$0x3FB5];
	_ =	sdelay $0x3  }
0x37: {  	[smem:$0x3FB5] =	sst s10  }
0x38: {  	s10 =	sld [smem:$0x3FB6]  }
0x39: {  	_ = 	snop;
	(pc) =	sbr.ind lr, $3  }
0x3a: {  	_ = 	snop  }
0x3b: {  	_ = 	snop  }
0x3c: {  	p2 =	seq.s32 s10, $0x1;
	s10 =	sld [smem:$0x3FB5]  }
0x3d: {  	_ =	shalt  }
0x3e: {  	_ =	shalt  }
0x3f: {  	_ =	shalt  }
0x40: {  	_ =	shalt  }
0x41: {  	_ =	shalt  }
0x42: {  	_ =	shalt  }
0x43: {  	_ =	shalt  }
0x44: {  	_ =	shalt  }
0x45: {  	_ =	shalt  }
0x46: {  	_ =	shalt  }
0x47: {  	_ =	shalt  }
0x48: {  	_ =	shalt  }
0x49: {  	_ =	shalt  }
0x4a: {  	_ =	shalt  }
0x4b: {  	_ =	shalt  }
0x4c: {  	_ =	shalt  }
0x4d: {  	_ =	shalt  }
0x4e: {  	_ =	shalt  }
0x4f: {  	_ =	shalt  }
0x50: {  	_ =	shalt  }
0x51: {  	_ =	shalt  }
0x52: {  	_ =	shalt  }
0x53: {  	_ =	shalt  }
0x54: {  	_ =	shalt  }
0x55: {  	_ =	shalt  }
0x56: {  	_ =	shalt  }
0x57: {  	_ =	shalt  }
0x58: {  	_ =	shalt  }
0x59: {  	_ =	shalt  }
0x5a: {  	_ =	shalt  }
0x5b: {  	_ =	shalt  }
0x5c: {  	_ =	shalt  }
0x5d: {  	_ =	shalt  }
0x5e: {  	_ =	shalt  }
0x5f: {  	_ =	shalt  }
0x60: {  	_ =	shalt  }
0x61: {  	_ =	shalt  }
0x62: {  	_ =	shalt  }
0x63: {  	_ =	shalt  }
0x64: {  	_ =	shalt  }
0x65: {  	_ =	shalt  }
0x66: {  	_ =	shalt  }
0x67: {  	_ =	shalt  }
0x68: {  	_ =	shalt  }
0x69: {  	_ =	shalt  }
0x6a: {  	_ =	shalt  }
0x6b: {  	_ =	shalt  }
0x6c: {  	_ =	shalt  }
0x6d: {  	_ =	shalt  }
0x6e: {  	_ =	shalt  }
0x6f: {  	_ =	shalt  }
0x70: {  	_ =	shalt  }
0x71: {  	_ =	shalt  }
0x72: {  	_ =	shalt  }
0x73: {  	_ =	shalt  }
0x74: {  	_ =	shalt  }
0x75: {  	_ =	shalt  }
0x76: {  	_ =	shalt  }
0x77: {  	_ =	shalt  }
0x78: {  	_ =	shalt  }
0x79: {  	_ =	shalt  }
0x7a: {  	_ =	shalt  }
0x7b: {  	_ =	shalt  }
0x7c: {  	_ =	shalt  }
0x7d: {  	_ =	shalt  }
0x7e: {  	_ =	shalt  }
0x7f: {  	_ =	shalt  }
0x80: {  	_ =	shalt  }
0x81: {  	_ =	shalt  }
0x82: {  	_ =	shalt  }
0x83: {  	_ =	shalt  }
0x84: {  	_ =	shalt  }
0x85: {  	_ =	shalt  }
0x86: {  	_ =	shalt  }
0x87: {  	_ =	shalt  }
.Lfunc_end0:
.L_simem_size_0:
called_computation.2_lowered:
.L_overlay_start_0:
0x88: {  	s2 =	sld [smem:$0x3FD9]  }
0x89: {  	s3 =	sld [smem:$0x3FFE];
	_ =	sdelay $0x1  }
0x8a: {  	s1 =	srdreg.scid  }
0x8b: {  	s0 =	sand.u32 $0x1, s1  }
0x8c: {  	s17 =	sshll.u32 s0, $0xA;
	s2 =	sadd.s32 s3, s2  }
0x8d: {  	s2 =	sadd.s32 s2, s17  }
0x8e: {  	[smem:$0x3FC1] =	sst s2  }
0x8f: {  	_ = 	snop  }
0x90: {  	s2 =	sld [smem:$0x3FD0];
	(tm) =	ssettm $0x1  }
0x91: {  	s18 =	sld [smem:$0x3FFB];
	_ =	sdelay $0x3  }
0x92: {  	_ =	strace s18  }
0x93: {  	s3 =	sld [smem:$0x3FFC];
	_ =	sdelay $0x3  }
0x94: {  	_ =	strace s3  }
0x95: {  	s3 =	sld [smem:$0x3FFD];
	_ =	sdelay $0x3  }
0x96: {  	_ =	strace s3  }
0x97: {  	_ =	strace $0x8FFFFFFF  }
0x98: {  	s19 =	sld [smem:$0x3FDB];
	_ =	sdelay $0x1  }
0x99: {  	s4 =	simm.s32 $_scs_section_size  }
0x9a: {  	s5 =	simm.s32 $_size__tile_overlayer_lowered;
	s6 =	simm.s32 $_tile_overlayer_lowered  }
0x9b: {  	s22 =	simm.s32 $0x1BFF;
	s21 =	sshll.u32 s6, $0x1;
	s3 =	sadd.s32 s4, s19  }
0x9c: {  	s7 =	simm.s32 $0x0;
	s20 =	sshll.u32 s5, $0x1;
	s5 =	sadd.s32 s21, s3  }
0x9d: {  	[timem:s7], [sflag:s22] =	dma.local [hbm:s5], s20  }
0x9e: {  	_ =	swait.ge [sflag:s22], s20  }
0x9f: {  	s4 =	ssub.s32 $0x0, s20;
	[sflag:s22] =	ssyncset.done $0x0  }
0xa0: {  	[sflag:s22] =	ssyncadd.s32 s4;
	_ =	sdelay $0x1  }
0xa1: {  	s23 =	simm.s32 $0x1B8B  }
0xa2: {  	_ =	swait.ge [sflag:s23], $0x1  }
0xa3: {  	[sflag:s23] =	ssyncset.done $0x0  }
0xa4: {  	s25 =	simm.s32 $0x1B8E;
	s24 =	sld [smem:$0x3FFE];
	[sflag:s23] =	ssyncadd.s32 $0xFFFFFFFF  }
0xa5: {  	s26 =	simm.s32 $execute0_lowered;
	[smem:$0x3FD2] =	sst s25  }
0xa6: {  	s5 =	sshll.u32 s26, $0x1;
	_ =	strace $0x8000004C;
	[dreg:$0x1] =	wrdreg $0xFFFFFFFF  }
0xa7: {  	s28 =	simm.s32 $_size_execute0_lowered;
	s3 =	sadd.s32 s3, s5;
	[dreg:$0x0] =	wrdreg $0x0  }
0xa8: {  	s5 =	sshll.u32 s28, $0x1;
	[dreg:$0x2] =	wrdreg s3  }
0xa9: {  	[dreg:$0x3] =	wrdreg s5  }
0xaa: {  	[dreg:$0x4] =	wrdreg $0xC0  }
0xab: {  	_ =	task [dreg:s7], $0x5FFFF  }
0xac: {  	[dreg:$0x1] =	wrdreg $0xFFFFFFFF  }
0xad: {  	[dreg:$0x0] =	wrdreg $0x60  }
0xae: {  	[dreg:$0x2] =	wrdreg s24  }
0xaf: {  	[dreg:$0x3] =	wrdreg s2  }
0xb0: {  	[dreg:$0x4] =	wrdreg $0xA8000  }
0xb1: {  	[dreg:$0x5] =	wrdreg $0x9  }
0xb2: {  	_ =	task.clear_ibuf [dreg:s7], $0x6FFFF;
	_ =	strace $0x9000004C  }
0xb3: {  	s29 =	simm.s32 $0x9;
	_ =	strace $0x8000004E  }
0xb4: {  	_ =	swait.ge [sflag:s29], $0x1  }
0xb5: {  	[sflag:s29] =	ssyncadd.s32 $0xFFFFFFFF  }
0xb6: {  	_ =	strace $0x9000004E  }
0xb7: {  	_ =	sfence  }
0xb8: {  	s30 =	sld [smem:$0x0];
	_ =	sdelay $0x2  }
0xb9: {  	s31 =	sshll.u32 s1, $0xD;
	s1 =	sshrl.u32 s1, $0x2  }
0xba: {  	s3 =	sand.u32 $0x4000, s31;
	s1 =	sadd.s32 s1, s30  }
0xbb: {  	s0 =	sor.u32 s3, s0;
	s1 =	sshll.u32 s1, $0x11  }
0xbc: {  	s0 =	sor.u32 s1, s0  }
0xbd: {  	s0 =	sadd.s32 $0x8F2B, s0  }
0xbe: {  	[sflag:s0] =	ssyncadd.remote.s32 $0x1  }
0xbf: {  	_ =	sfence.sel $0xFFFF  }
0xc0: {  	[dreg:$0x0] =	wrdreg $0xFFFFFFFF;
	(pc) =	sbr.abs _section_cstart, $3  }
0xc1: {  	[dreg:$0x1] =	wrdreg $0xFFFFFFFF  }
0xc2: {  	_ =	task.clear_ibuf [dreg:s7], $0x2FFFF;
	_ =	strace $0x9FFFFFFF  }
0xc3: {  	(tm) =	ssettm $0x7FFFFFFF  }
tec
execute0_lowered:
.L_overlay_start_1:
0x0: {  	(tag) =	ssettag $0x1  }
0x1: {  	s0 =	rddreg [dreg:$0x0]  }
0x2: {  	s2 =	rddreg [dreg:$0x2]  }
0x3: {  	s1 =	simm.s32 $0x0;
	s5 =	srdreg.scid;
	s3 =	stileid.u32  }
0x4: {  	s17 =	simm.s32 $0x5;
	s18 =	simm.s32 $0x1400;
	s19 =	simm.s32 $0x40  }
0x5: {  	s20 =	simm.s32 $0x2800;
	s21 =	simm.s32 $0x4800;
	s28 =	simm.s32 $0x2  }
0x6: {  	s29 =	simm.s32 $0x3;
	s30 =	simm.s32 $0x4;
	s31 =	simm.s32 $0x2700  }
0x7: {  	[smem:$0x7FF] =	sst s1;
	s4 =	sadd.s32 $0x60A00, s0;
	s6 =	sadd.s32 $0x5E00, s0  }
0x8: {  	s22 =	sadd.s32 $0x54200, s0;
	s8 =	sadd.s32 $0x59200, s0;
	s5 =	sand.u32 $0x1, s5  }
0x9: {  	s7 =	sadd.s32 $0x5E200, s0;
	s11 =	smul.u32 $0x50000, s3;
	s0 =	sadd.s32 $0xD8A00, s0  }
0xa: {  	s9 =	smul.u32 $0x2800, s3;
	s25 =	sshll.u32 s3, $0x6;
	_ =	strace $0x8000004D  }
0xb: {  	s10 =	ssub.s32 $0x2, s5;
	[dreg:$0x4] =	wrdreg s0;
	p0 =	seq.s32 s5, $0x1  }
0xc: {  	s5 =	simm.s32 $0x0;
	s23 =	sshrl.u32 s10, $0x1;
	s24 =	sshrl.u32 s11, $0x2  }
0xd: {  	s12 =	sshrl.u32 s9, $0x3;
	s0 =	ssub.s32 s10, s23;
	s16 =	sadd.s32 s24, s2  }
.Ltmp0:
0xe: {  	s10 =	sor.u32 $0x1C05, s25;
	s11 =	sadd.s32 s22, s12;
	(pc) =	sbr.rel .LBB2_1-.Ltmp0, $4  }
0xf: {  	s26 =	sadd.s32 $0x280, s12;
	s12 =	sadd.s32 s8, s12;
	s23 =	simm.s32 $0x6800  }
0x10: {  	s24 =	simm.s32 $0xC0;
	s25 =	simm.s32 $0x8800;
	s13 =	sadd.s32 s22, s26  }
0x11: {  	s14 =	sadd.s32 s8, s26;
	s15 =	smax.u32 s0, $0x1;
	s16 =	sshrl.u32 s16, $0x3  }
0x12: {  	s22 =	simm.s32 $0x80;
	s26 =	simm.s32 $0x1;
	s0 =	simm.s32 $0x2780  }
.LBB2_11:
0x13: {  	[tilespmem:s25], [sflag:$0x4] =	stream.indirect.gather [hbm4b:s6+s19], $0x80, s8, s19, $0xb8;
	[tilespmem:$0x1E800] =	vst v63  }
0x14: {  	s1 =	rddreg [dreg:$0x4]  }
.LBB2_12:
0x15: {  	_ =	swait.ge [sflag:s26], $0x2000  }
0x16: {  	[sflag:s26] =	ssyncset.done $0x0  }
0x17: {  	[sflag:s26] =	ssyncadd.s32 $0xFFFFE000  }
0x18: {  	_ =	swait.ge [sflag:s28], $0x2000  }
0x19: {  	[sflag:s28] =	ssyncset.done $0x0  }
0x1a: {  	[sflag:s28] =	ssyncadd.s32 $0xFFFFE000  }
0x1b: {  	[spmem:s2] =	stream.indirect.scatter.add.f32 [tilespmem:s20], [sflag:$0x5], $0x80, s31, s22, $0xb8;
	[tilespmem:$0x1E800] =	vst v63  }
0x1c: {  	_ =	swait.ge [sflag:s17], $0x4000  }
0x1d: {  	[sflag:s17] =	ssyncset.done $0x0  }
0x1e: {  	[sflag:s17] =	ssyncadd.s32 $0xFFFFC000  }
0x1f: {  	_ =	swait.ge [sflag:s29], $0x2000  }
0x20: {  	[sflag:s29] =	ssyncset.done $0x0  }
0x21: {  	[sflag:s29] =	ssyncadd.s32 $0xFFFFE000  }
0x22: {  	_ =	swait.ge [sflag:s30], $0x2000  }
0x23: {  	[sflag:s30] =	ssyncset.done $0x0  }
0x24: {  	[sflag:s30] =	ssyncadd.s32 $0xFFFFE000  }
0x25: {  	[spmem:s2] =	stream.indirect.scatter.add.f32 [tilespmem:s23], [sflag:$0x5], $0x80, s0, s22, $0xb8;
	[tilespmem:$0x1E800] =	vst v63  }
0x26: {  	_ =	swait.ge [sflag:s17], $0x4000  }
0x27: {  	s5 =	sadd.s32 $0x1, s5;
	[sflag:s17] =	ssyncset.done $0x0  }
0x28: {  	p1 =	sne.s32 s5, s15;
	[sflag:s17] =	ssyncadd.s32 $0xFFFFC000  }
.Ltmp1:
0x29: {  	s1 =	sadd.s32 s1, s9;
	[bflag:$0x0] =	sbarrier.arrive $0xFFFF;
	(pc) =	sbr.rel @!p1 .LBB2_13-.Ltmp1, $4  }
0x2a: {  	[hbm:s1], [sflag:s10] =	dma.local [spmem:s16], $0x2800  }
0x2b: {  	_ =	swait.ge [sflag:s17], $0x2800  }
0x2c: {  	[sflag:s17] =	ssyncset.done $0x0  }
0x2d: {  	[sflag:s17] =	ssyncadd.s32 $0xFFFFD800  }
.LBB2_1:
0x2e: {  	[spmem:s16], [sflag:s10] =	dma.local [hbm:s7], $0x2800  }
0x2f: {  	_ =	swait.ge [sflag:s17], $0x2800  }
0x30: {  	[sflag:s17] =	ssyncset.done $0x0  }
0x31: {  	[sflag:s17] =	ssyncadd.s32 $0xFFFFD800  }
0x32: {  	s1 =	simm.s32 $0x0;
	[bflag:$0x0] =	sbarrier.arrive $0xFFFF  }
0x33: {  	[tilespmem:s1], [sflag:$0x5] =	stream.linear.gather [hbm4b:s11+s1], $0x1400, $0x38;
	[tilespmem:$0x1E800] =	vst v63  }
0x34: {  	_ =	swait.ge [sflag:s17], $0x1400  }
0x35: {  	[sflag:s17] =	ssyncset.done $0x0  }
.Ltmp2:
0x36: {  	[sflag:s17] =	ssyncadd.s32 $0xFFFFEC00;
	(pc) =	sbr.rel @!p0 .LBB2_2-.Ltmp2, $4  }
0x37: {  	[tilespmem:s18], [sflag:$0x5] =	stream.linear.gather [hbm4b:s12+s1], $0x1400, $0x38;
	[tilespmem:$0x1E800] =	vst v63  }
0x38: {  	_ =	swait.ge [sflag:s17], $0x1400  }
0x39: {  	[sflag:s17] =	ssyncset.done $0x0  }
0x3a: {  	s1 =	simm.s32 $0x0;
	[sflag:s17] =	ssyncadd.s32 $0xFFFFEC00  }
0x3b: {  	[tilespmem:s20], [sflag:$0x1] =	stream.indirect.gather [hbm4b:s6+s19], $0x80, s1, s19, $0xb8;
	[tilespmem:$0x1E800] =	vst v63  }
0x3c: {  	_ = 	snop  }
0x3d: {  	[tilespmem:s21], [sflag:$0x2] =	stream.indirect.gather [hbm4b:s6+s19], $0x80, s19, s19, $0xb8;
	[tilespmem:$0x1E800] =	vst v63  }
0x3e: {  	_ = 	snop  }
0x3f: {  	[tilespmem:s23], [sflag:$0x3] =	stream.indirect.gather [hbm4b:s6+s19], $0x80, s22, s19, $0xb8;
	[tilespmem:$0x1E800] =	vst v63  }
0x40: {  	_ = 	snop  }
0x41: {  	[tilespmem:s25], [sflag:$0x4] =	stream.indirect.gather [hbm4b:s6+s19], $0x80, s24, s19, $0xb8;
	[tilespmem:$0x1E800] =	vst v63  }
0x42: {  	_ =	swait.ge [sflag:s26], $0x2000  }
0x43: {  	[sflag:s26] =	ssyncset.done $0x0  }
0x44: {  	[sflag:s26] =	ssyncadd.s32 $0xFFFFE000  }
0x45: {  	_ =	swait.ge [sflag:s28], $0x2000  }
0x46: {  	[sflag:s28] =	ssyncset.done $0x0  }
0x47: {  	s8 =	simm.s32 $0x1400;
	[sflag:s28] =	ssyncadd.s32 $0xFFFFE000  }
0x48: {  	[spmem:s2] =	stream.indirect.scatter.add.f32 [tilespmem:s20], [sflag:$0x5], $0x80, s8, s22, $0xb8;
	[tilespmem:$0x1E800] =	vst v63  }
0x49: {  	_ =	swait.ge [sflag:s17], $0x4000  }
0x4a: {  	[sflag:s17] =	ssyncset.done $0x0  }
0x4b: {  	s3 =	simm.s32 $0x100;
	[sflag:s17] =	ssyncadd.s32 $0xFFFFC000  }
0x4c: {  	[tilespmem:s20], [sflag:$0x1] =	stream.indirect.gather [hbm4b:s6+s19], $0x80, s3, s19, $0xb8;
	[tilespmem:$0x1E800] =	vst v63  }
0x4d: {  	s8 =	simm.s32 $0x140  }
0x4e: {  	[tilespmem:s21], [sflag:$0x2] =	stream.indirect.gather [hbm4b:s6+s19], $0x80, s8, s19, $0xb8;
	[tilespmem:$0x1E800] =	vst v63  }
0x4f: {  	_ =	swait.ge [sflag:s29], $0x2000  }
0x50: {  	[sflag:s29] =	ssyncset.done $0x0  }
0x51: {  	[sflag:s29] =	ssyncadd.s32 $0xFFFFE000  }
0x52: {  	_ =	swait.ge [sflag:s30], $0x2000  }
0x53: {  	[sflag:s30] =	ssyncset.done $0x0  }
0x54: {  	s3 =	simm.s32 $0x1480;
	[sflag:s30] =	ssyncadd.s32 $0xFFFFE000  }
0x55: {  	[spmem:s2] =	stream.indirect.scatter.add.f32 [tilespmem:s23], [sflag:$0x5], $0x80, s3, s22, $0xb8;
	[tilespmem:$0x1E800] =	vst v63  }
0x56: {  	_ =	swait.ge [sflag:s17], $0x4000  }
0x57: {  	[sflag:s17] =	ssyncset.done $0x0  }
0x58: {  	s8 =	simm.s32 $0x180;
	[sflag:s17] =	ssyncadd.s32 $0xFFFFC000  }
0x59: {  	[tilespmem:s23], [sflag:$0x3] =	stream.indirect.gather [hbm4b:s6+s19], $0x80, s8, s19, $0xb8;
	[tilespmem:$0x1E800] =	vst v63  }
0x5a: {  	s1 =	simm.s32 $0x400;
	s8 =	simm.s32 $0x1C0  }
.LBB2_8:
0x5b: {  	[tilespmem:s25], [sflag:$0x4] =	stream.indirect.gather [hbm4b:s6+s19], $0x80, s8, s19, $0xb8;
	[tilespmem:$0x1E800] =	vst v63  }
0x5c: {  	s3 =	smov.u32 s1  }
0x5d: {  	p1 =	sne.s32 s1, $0x4800;
	s1 =	sadd.s32 $0x400, s1;
	_ =	swait.ge [sflag:s26], $0x2000  }
0x5e: {  	[sflag:s26] =	ssyncset.done $0x0  }
0x5f: {  	[sflag:s26] =	ssyncadd.s32 $0xFFFFE000  }
0x60: {  	_ =	swait.ge [sflag:s28], $0x2000  }
0x61: {  	s3 =	sshra.s32 s3, $0x2;
	[sflag:s28] =	ssyncset.done $0x0  }
0x62: {  	s8 =	sadd.s32 $0x1400, s3;
	[sflag:s28] =	ssyncadd.s32 $0xFFFFE000  }
0x63: {  	[spmem:s2] =	stream.indirect.scatter.add.f32 [tilespmem:s20], [sflag:$0x5], $0x80, s8, s22, $0xb8;
	[tilespmem:$0x1E800] =	vst v63  }
0x64: {  	_ =	swait.ge [sflag:s17], $0x4000  }
0x65: {  	[sflag:s17] =	ssyncset.done $0x0  }
0x66: {  	s8 =	sadd.s32 $0x100, s3;
	[sflag:s17] =	ssyncadd.s32 $0xFFFFC000  }
0x67: {  	[tilespmem:s20], [sflag:$0x1] =	stream.indirect.gather [hbm4b:s6+s19], $0x80, s8, s19, $0xb8;
	[tilespmem:$0x1E800] =	vst v63  }
0x68: {  	s8 =	sadd.s32 $0x140, s3  }
0x69: {  	[tilespmem:s21], [sflag:$0x2] =	stream.indirect.gather [hbm4b:s6+s19], $0x80, s8, s19, $0xb8;
	[tilespmem:$0x1E800] =	vst v63  }
0x6a: {  	_ =	swait.ge [sflag:s29], $0x2000  }
0x6b: {  	[sflag:s29] =	ssyncset.done $0x0  }
0x6c: {  	[sflag:s29] =	ssyncadd.s32 $0xFFFFE000  }
0x6d: {  	_ =	swait.ge [sflag:s30], $0x2000  }
0x6e: {  	[sflag:s30] =	ssyncset.done $0x0  }
0x6f: {  	s8 =	sadd.s32 $0x1480, s3;
	[sflag:s30] =	ssyncadd.s32 $0xFFFFE000  }
0x70: {  	[spmem:s2] =	stream.indirect.scatter.add.f32 [tilespmem:s23], [sflag:$0x5], $0x80, s8, s22, $0xb8;
	[tilespmem:$0x1E800] =	vst v63  }
.Ltmp3:
0x71: {  	_ =	swait.ge [sflag:s17], $0x4000;
	(pc) =	sbr.rel @p1 .LBB2_8-.Ltmp3, $4  }
0x72: {  	[sflag:s17] =	ssyncset.done $0x0  }
0x73: {  	s8 =	sadd.s32 $0x180, s3;
	[sflag:s17] =	ssyncadd.s32 $0xFFFFC000  }
0x74: {  	[tilespmem:s23], [sflag:$0x3] =	stream.indirect.gather [hbm4b:s6+s19], $0x80, s8, s19, $0xb8;
	[tilespmem:$0x1E800] =	vst v63  }
0x75: {  	s8 =	sadd.s32 $0x1C0, s3  }
0x76: {  	[tilespmem:s25], [sflag:$0x4] =	stream.indirect.gather [hbm4b:s6+s19], $0x80, s8, s19, $0xb8;
	[tilespmem:$0x1E800] =	vst v63  }
0x77: {  	_ =	swait.ge [sflag:s26], $0x2000  }
0x78: {  	[sflag:s26] =	ssyncset.done $0x0  }
0x79: {  	[sflag:s26] =	ssyncadd.s32 $0xFFFFE000  }
0x7a: {  	_ =	swait.ge [sflag:s28], $0x2000  }
0x7b: {  	[sflag:s28] =	ssyncset.done $0x0  }
0x7c: {  	[sflag:s28] =	ssyncadd.s32 $0xFFFFE000  }
0x7d: {  	[spmem:s2] =	stream.indirect.scatter.add.f32 [tilespmem:s20], [sflag:$0x5], $0x80, s31, s22, $0xb8;
	[tilespmem:$0x1E800] =	vst v63  }
0x7e: {  	_ =	swait.ge [sflag:s17], $0x4000  }
0x7f: {  	[sflag:s17] =	ssyncset.done $0x0  }
0x80: {  	[sflag:s17] =	ssyncadd.s32 $0xFFFFC000  }
0x81: {  	_ =	swait.ge [sflag:s29], $0x2000  }
0x82: {  	[sflag:s29] =	ssyncset.done $0x0  }
0x83: {  	[sflag:s29] =	ssyncadd.s32 $0xFFFFE000  }
0x84: {  	_ =	swait.ge [sflag:s30], $0x2000  }
0x85: {  	[sflag:s30] =	ssyncset.done $0x0  }
0x86: {  	[sflag:s30] =	ssyncadd.s32 $0xFFFFE000  }
0x87: {  	[spmem:s2] =	stream.indirect.scatter.add.f32 [tilespmem:s23], [sflag:$0x5], $0x80, s0, s22, $0xb8;
	[tilespmem:$0x1E800] =	vst v63  }
0x88: {  	_ =	swait.ge [sflag:s17], $0x4000  }
0x89: {  	[sflag:s17] =	ssyncset.done $0x0  }
0x8a: {  	s1 =	simm.s32 $0x0;
	[sflag:s17] =	ssyncadd.s32 $0xFFFFC000  }
0x8b: {  	[tilespmem:s1], [sflag:$0x5] =	stream.linear.gather [hbm4b:s13+s1], $0x1400, $0x38;
	[tilespmem:$0x1E800] =	vst v63  }
0x8c: {  	_ =	swait.ge [sflag:s17], $0x1400  }
0x8d: {  	[sflag:s17] =	ssyncset.done $0x0  }
0x8e: {  	[sflag:s17] =	ssyncadd.s32 $0xFFFFEC00  }
0x8f: {  	[tilespmem:s18], [sflag:$0x5] =	stream.linear.gather [hbm4b:s14+s1], $0x1400, $0x38;
	[tilespmem:$0x1E800] =	vst v63  }
0x90: {  	_ =	swait.ge [sflag:s17], $0x1400  }
0x91: {  	[sflag:s17] =	ssyncset.done $0x0  }
0x92: {  	[sflag:s17] =	ssyncadd.s32 $0xFFFFEC00  }
0x93: {  	[tilespmem:s20], [sflag:$0x1] =	stream.indirect.gather [hbm4b:s6+s19], $0x80, s1, s19, $0xb8;
	[tilespmem:$0x1E800] =	vst v63  }
0x94: {  	_ = 	snop  }
0x95: {  	[tilespmem:s21], [sflag:$0x2] =	stream.indirect.gather [hbm4b:s6+s19], $0x80, s19, s19, $0xb8;
	[tilespmem:$0x1E800] =	vst v63  }
0x96: {  	_ = 	snop  }
0x97: {  	[tilespmem:s23], [sflag:$0x3] =	stream.indirect.gather [hbm4b:s6+s19], $0x80, s22, s19, $0xb8;
	[tilespmem:$0x1E800] =	vst v63  }
0x98: {  	_ = 	snop  }
0x99: {  	[tilespmem:s25], [sflag:$0x4] =	stream.indirect.gather [hbm4b:s6+s19], $0x80, s24, s19, $0xb8;
	[tilespmem:$0x1E800] =	vst v63  }
0x9a: {  	_ =	swait.ge [sflag:s26], $0x2000  }
0x9b: {  	[sflag:s26] =	ssyncset.done $0x0  }
0x9c: {  	[sflag:s26] =	ssyncadd.s32 $0xFFFFE000  }
0x9d: {  	_ =	swait.ge [sflag:s28], $0x2000  }
0x9e: {  	[sflag:s28] =	ssyncset.done $0x0  }
0x9f: {  	s8 =	simm.s32 $0x1400;
	[sflag:s28] =	ssyncadd.s32 $0xFFFFE000  }
0xa0: {  	[spmem:s2] =	stream.indirect.scatter.add.f32 [tilespmem:s20], [sflag:$0x5], $0x80, s8, s22, $0xb8;
	[tilespmem:$0x1E800] =	vst v63  }
0xa1: {  	_ =	swait.ge [sflag:s17], $0x4000  }
0xa2: {  	[sflag:s17] =	ssyncset.done $0x0  }
0xa3: {  	s3 =	simm.s32 $0x100;
	[sflag:s17] =	ssyncadd.s32 $0xFFFFC000  }
0xa4: {  	[tilespmem:s20], [sflag:$0x1] =	stream.indirect.gather [hbm4b:s6+s19], $0x80, s3, s19, $0xb8;
	[tilespmem:$0x1E800] =	vst v63  }
0xa5: {  	s8 =	simm.s32 $0x140  }
0xa6: {  	[tilespmem:s21], [sflag:$0x2] =	stream.indirect.gather [hbm4b:s6+s19], $0x80, s8, s19, $0xb8;
	[tilespmem:$0x1E800] =	vst v63  }
0xa7: {  	_ =	swait.ge [sflag:s29], $0x2000  }
0xa8: {  	[sflag:s29] =	ssyncset.done $0x0  }
0xa9: {  	[sflag:s29] =	ssyncadd.s32 $0xFFFFE000  }
0xaa: {  	_ =	swait.ge [sflag:s30], $0x2000  }
0xab: {  	[sflag:s30] =	ssyncset.done $0x0  }
0xac: {  	s3 =	simm.s32 $0x1480;
	[sflag:s30] =	ssyncadd.s32 $0xFFFFE000  }
0xad: {  	[spmem:s2] =	stream.indirect.scatter.add.f32 [tilespmem:s23], [sflag:$0x5], $0x80, s3, s22, $0xb8;
	[tilespmem:$0x1E800] =	vst v63  }
0xae: {  	_ =	swait.ge [sflag:s17], $0x4000  }
0xaf: {  	[sflag:s17] =	ssyncset.done $0x0  }
0xb0: {  	s8 =	simm.s32 $0x180;
	[sflag:s17] =	ssyncadd.s32 $0xFFFFC000  }
0xb1: {  	[tilespmem:s23], [sflag:$0x3] =	stream.indirect.gather [hbm4b:s6+s19], $0x80, s8, s19, $0xb8;
	[tilespmem:$0x1E800] =	vst v63  }
0xb2: {  	s1 =	simm.s32 $0x400;
	s8 =	simm.s32 $0x1C0  }
.LBB2_10:
0xb3: {  	[tilespmem:s25], [sflag:$0x4] =	stream.indirect.gather [hbm4b:s6+s19], $0x80, s8, s19, $0xb8;
	[tilespmem:$0x1E800] =	vst v63  }
0xb4: {  	s3 =	smov.u32 s1  }
0xb5: {  	p1 =	sne.s32 s1, $0x4800;
	s1 =	sadd.s32 $0x400, s1;
	_ =	swait.ge [sflag:s26], $0x2000  }
0xb6: {  	[sflag:s26] =	ssyncset.done $0x0  }
0xb7: {  	[sflag:s26] =	ssyncadd.s32 $0xFFFFE000  }
0xb8: {  	_ =	swait.ge [sflag:s28], $0x2000  }
0xb9: {  	s3 =	sshra.s32 s3, $0x2;
	[sflag:s28] =	ssyncset.done $0x0  }
0xba: {  	s8 =	sadd.s32 $0x1400, s3;
	[sflag:s28] =	ssyncadd.s32 $0xFFFFE000  }
0xbb: {  	[spmem:s2] =	stream.indirect.scatter.add.f32 [tilespmem:s20], [sflag:$0x5], $0x80, s8, s22, $0xb8;
	[tilespmem:$0x1E800] =	vst v63  }
0xbc: {  	_ =	swait.ge [sflag:s17], $0x4000  }
0xbd: {  	[sflag:s17] =	ssyncset.done $0x0  }
0xbe: {  	s8 =	sadd.s32 $0x100, s3;
	[sflag:s17] =	ssyncadd.s32 $0xFFFFC000  }
0xbf: {  	[tilespmem:s20], [sflag:$0x1] =	stream.indirect.gather [hbm4b:s6+s19], $0x80, s8, s19, $0xb8;
	[tilespmem:$0x1E800] =	vst v63  }
0xc0: {  	s8 =	sadd.s32 $0x140, s3  }
0xc1: {  	[tilespmem:s21], [sflag:$0x2] =	stream.indirect.gather [hbm4b:s6+s19], $0x80, s8, s19, $0xb8;
	[tilespmem:$0x1E800] =	vst v63  }
0xc2: {  	_ =	swait.ge [sflag:s29], $0x2000  }
0xc3: {  	[sflag:s29] =	ssyncset.done $0x0  }
0xc4: {  	[sflag:s29] =	ssyncadd.s32 $0xFFFFE000  }
0xc5: {  	_ =	swait.ge [sflag:s30], $0x2000  }
0xc6: {  	[sflag:s30] =	ssyncset.done $0x0  }
0xc7: {  	s8 =	sadd.s32 $0x1480, s3;
	[sflag:s30] =	ssyncadd.s32 $0xFFFFE000  }
0xc8: {  	[spmem:s2] =	stream.indirect.scatter.add.f32 [tilespmem:s23], [sflag:$0x5], $0x80, s8, s22, $0xb8;
	[tilespmem:$0x1E800] =	vst v63  }
.Ltmp4:
0xc9: {  	_ =	swait.ge [sflag:s17], $0x4000;
	(pc) =	sbr.rel @p1 .LBB2_10-.Ltmp4, $4  }
0xca: {  	[sflag:s17] =	ssyncset.done $0x0  }
0xcb: {  	s8 =	sadd.s32 $0x180, s3;
	[sflag:s17] =	ssyncadd.s32 $0xFFFFC000  }
0xcc: {  	[tilespmem:s23], [sflag:$0x3] =	stream.indirect.gather [hbm4b:s6+s19], $0x80, s8, s19, $0xb8;
	[tilespmem:$0x1E800] =	vst v63  }
0xcd: {  	s8 =	sadd.s32 $0x1C0, s3  }
.Ltmp5:
0xce: {  	_ = 	snop;
	(pc) =	sbr.rel .LBB2_11-.Ltmp5, $1  }
0xcf: {  	_ =	sdelay $0x3  }
.LBB2_2:
0xd0: {  	[tilespmem:s20], [sflag:$0x1] =	stream.indirect.gather [hbm4b:s4+s19], $0x80, s1, s19, $0xb8;
	[tilespmem:$0x1E800] =	vst v63  }
0xd1: {  	_ = 	snop  }
0xd2: {  	[tilespmem:s21], [sflag:$0x2] =	stream.indirect.gather [hbm4b:s4+s19], $0x80, s19, s19, $0xb8;
	[tilespmem:$0x1E800] =	vst v63  }
0xd3: {  	_ = 	snop  }
0xd4: {  	[tilespmem:s23], [sflag:$0x3] =	stream.indirect.gather [hbm4b:s4+s19], $0x80, s22, s19, $0xb8;
	[tilespmem:$0x1E800] =	vst v63  }
0xd5: {  	_ = 	snop  }
0xd6: {  	[tilespmem:s25], [sflag:$0x4] =	stream.indirect.gather [hbm4b:s4+s19], $0x80, s24, s19, $0xb8;
	[tilespmem:$0x1E800] =	vst v63  }
0xd7: {  	_ =	swait.ge [sflag:s26], $0x2000  }
0xd8: {  	[sflag:s26] =	ssyncset.done $0x0  }
0xd9: {  	[sflag:s26] =	ssyncadd.s32 $0xFFFFE000  }
0xda: {  	_ =	swait.ge [sflag:s28], $0x2000  }
0xdb: {  	[sflag:s28] =	ssyncset.done $0x0  }
0xdc: {  	s8 =	simm.s32 $0x1400;
	[sflag:s28] =	ssyncadd.s32 $0xFFFFE000  }
0xdd: {  	[spmem:s2] =	stream.indirect.scatter.add.f32 [tilespmem:s20], [sflag:$0x5], $0x80, s8, s22, $0xb8;
	[tilespmem:$0x1E800] =	vst v63  }
0xde: {  	_ =	swait.ge [sflag:s17], $0x4000  }
0xdf: {  	[sflag:s17] =	ssyncset.done $0x0  }
0xe0: {  	s3 =	simm.s32 $0x100;
	[sflag:s17] =	ssyncadd.s32 $0xFFFFC000  }
0xe1: {  	[tilespmem:s20], [sflag:$0x1] =	stream.indirect.gather [hbm4b:s4+s19], $0x80, s3, s19, $0xb8;
	[tilespmem:$0x1E800] =	vst v63  }
0xe2: {  	s8 =	simm.s32 $0x140  }
0xe3: {  	[tilespmem:s21], [sflag:$0x2] =	stream.indirect.gather [hbm4b:s4+s19], $0x80, s8, s19, $0xb8;
	[tilespmem:$0x1E800] =	vst v63  }
0xe4: {  	_ =	swait.ge [sflag:s29], $0x2000  }
0xe5: {  	[sflag:s29] =	ssyncset.done $0x0  }
0xe6: {  	[sflag:s29] =	ssyncadd.s32 $0xFFFFE000  }
0xe7: {  	_ =	swait.ge [sflag:s30], $0x2000  }
0xe8: {  	[sflag:s30] =	ssyncset.done $0x0  }
0xe9: {  	s3 =	simm.s32 $0x1480;
	[sflag:s30] =	ssyncadd.s32 $0xFFFFE000  }
0xea: {  	[spmem:s2] =	stream.indirect.scatter.add.f32 [tilespmem:s23], [sflag:$0x5], $0x80, s3, s22, $0xb8;
	[tilespmem:$0x1E800] =	vst v63  }
0xeb: {  	_ =	swait.ge [sflag:s17], $0x4000  }
0xec: {  	[sflag:s17] =	ssyncset.done $0x0  }
0xed: {  	s8 =	simm.s32 $0x180;
	[sflag:s17] =	ssyncadd.s32 $0xFFFFC000  }
0xee: {  	[tilespmem:s23], [sflag:$0x3] =	stream.indirect.gather [hbm4b:s4+s19], $0x80, s8, s19, $0xb8;
	[tilespmem:$0x1E800] =	vst v63  }
0xef: {  	s1 =	simm.s32 $0x400;
	s8 =	simm.s32 $0x1C0  }
.LBB2_3:
0xf0: {  	[tilespmem:s25], [sflag:$0x4] =	stream.indirect.gather [hbm4b:s4+s19], $0x80, s8, s19, $0xb8;
	[tilespmem:$0x1E800] =	vst v63  }
0xf1: {  	s8 =	smov.u32 s1  }
0xf2: {  	p1 =	sne.s32 s1, $0x4800;
	s1 =	sadd.s32 $0x400, s1;
	_ =	swait.ge [sflag:s26], $0x2000  }
0xf3: {  	[sflag:s26] =	ssyncset.done $0x0  }
0xf4: {  	[sflag:s26] =	ssyncadd.s32 $0xFFFFE000  }
0xf5: {  	_ =	swait.ge [sflag:s28], $0x2000  }
0xf6: {  	s8 =	sshra.s32 s8, $0x2;
	[sflag:s28] =	ssyncset.done $0x0  }
0xf7: {  	s3 =	sadd.s32 $0x1400, s8;
	[sflag:s28] =	ssyncadd.s32 $0xFFFFE000  }
0xf8: {  	[spmem:s2] =	stream.indirect.scatter.add.f32 [tilespmem:s20], [sflag:$0x5], $0x80, s3, s22, $0xb8;
	[tilespmem:$0x1E800] =	vst v63  }
0xf9: {  	_ =	swait.ge [sflag:s17], $0x4000  }
0xfa: {  	[sflag:s17] =	ssyncset.done $0x0  }
0xfb: {  	s3 =	sadd.s32 $0x100, s8;
	[sflag:s17] =	ssyncadd.s32 $0xFFFFC000  }
0xfc: {  	[tilespmem:s20], [sflag:$0x1] =	stream.indirect.gather [hbm4b:s4+s19], $0x80, s3, s19, $0xb8;
	[tilespmem:$0x1E800] =	vst v63  }
0xfd: {  	s3 =	sadd.s32 $0x140, s8  }
0xfe: {  	[tilespmem:s21], [sflag:$0x2] =	stream.indirect.gather [hbm4b:s4+s19], $0x80, s3, s19, $0xb8;
	[tilespmem:$0x1E800] =	vst v63  }
0xff: {  	_ =	swait.ge [sflag:s29], $0x2000  }
0x100: {  	[sflag:s29] =	ssyncset.done $0x0  }
0x101: {  	[sflag:s29] =	ssyncadd.s32 $0xFFFFE000  }
0x102: {  	_ =	swait.ge [sflag:s30], $0x2000  }
0x103: {  	[sflag:s30] =	ssyncset.done $0x0  }
0x104: {  	s3 =	sadd.s32 $0x1480, s8;
	[sflag:s30] =	ssyncadd.s32 $0xFFFFE000  }
0x105: {  	[spmem:s2] =	stream.indirect.scatter.add.f32 [tilespmem:s23], [sflag:$0x5], $0x80, s3, s22, $0xb8;
	[tilespmem:$0x1E800] =	vst v63  }
.Ltmp6:
0x106: {  	_ =	swait.ge [sflag:s17], $0x4000;
	(pc) =	sbr.rel @p1 .LBB2_3-.Ltmp6, $4  }
0x107: {  	[sflag:s17] =	ssyncset.done $0x0  }
0x108: {  	s3 =	sadd.s32 $0x180, s8;
	[sflag:s17] =	ssyncadd.s32 $0xFFFFC000  }
0x109: {  	[tilespmem:s23], [sflag:$0x3] =	stream.indirect.gather [hbm4b:s4+s19], $0x80, s3, s19, $0xb8;
	[tilespmem:$0x1E800] =	vst v63  }
0x10a: {  	s8 =	sadd.s32 $0x1C0, s8  }
0x10b: {  	[tilespmem:s25], [sflag:$0x4] =	stream.indirect.gather [hbm4b:s4+s19], $0x80, s8, s19, $0xb8;
	[tilespmem:$0x1E800] =	vst v63  }
0x10c: {  	_ =	swait.ge [sflag:s26], $0x2000  }
0x10d: {  	[sflag:s26] =	ssyncset.done $0x0  }
0x10e: {  	[sflag:s26] =	ssyncadd.s32 $0xFFFFE000  }
0x10f: {  	_ =	swait.ge [sflag:s28], $0x2000  }
0x110: {  	[sflag:s28] =	ssyncset.done $0x0  }
0x111: {  	[sflag:s28] =	ssyncadd.s32 $0xFFFFE000  }
0x112: {  	[spmem:s2] =	stream.indirect.scatter.add.f32 [tilespmem:s20], [sflag:$0x5], $0x80, s31, s22, $0xb8;
	[tilespmem:$0x1E800] =	vst v63  }
0x113: {  	_ =	swait.ge [sflag:s17], $0x4000  }
0x114: {  	[sflag:s17] =	ssyncset.done $0x0  }
0x115: {  	[sflag:s17] =	ssyncadd.s32 $0xFFFFC000  }
0x116: {  	_ =	swait.ge [sflag:s29], $0x2000  }
0x117: {  	[sflag:s29] =	ssyncset.done $0x0  }
0x118: {  	[sflag:s29] =	ssyncadd.s32 $0xFFFFE000  }
0x119: {  	_ =	swait.ge [sflag:s30], $0x2000  }
0x11a: {  	[sflag:s30] =	ssyncset.done $0x0  }
0x11b: {  	[sflag:s30] =	ssyncadd.s32 $0xFFFFE000  }
0x11c: {  	[spmem:s2] =	stream.indirect.scatter.add.f32 [tilespmem:s23], [sflag:$0x5], $0x80, s0, s22, $0xb8;
	[tilespmem:$0x1E800] =	vst v63  }
0x11d: {  	_ =	swait.ge [sflag:s17], $0x4000  }
0x11e: {  	[sflag:s17] =	ssyncset.done $0x0  }
0x11f: {  	s1 =	simm.s32 $0x0;
	[sflag:s17] =	ssyncadd.s32 $0xFFFFC000  }
0x120: {  	[tilespmem:s1], [sflag:$0x5] =	stream.linear.gather [hbm4b:s13+s1], $0x1400, $0x38;
	[tilespmem:$0x1E800] =	vst v63  }
0x121: {  	_ =	swait.ge [sflag:s17], $0x1400  }
0x122: {  	[sflag:s17] =	ssyncset.done $0x0  }
0x123: {  	[sflag:s17] =	ssyncadd.s32 $0xFFFFEC00  }
0x124: {  	[tilespmem:s18], [sflag:$0x5] =	stream.linear.gather [hbm4b:s14+s1], $0x1400, $0x38;
	[tilespmem:$0x1E800] =	vst v63  }
0x125: {  	_ =	swait.ge [sflag:s17], $0x1400  }
0x126: {  	[sflag:s17] =	ssyncset.done $0x0  }
0x127: {  	[sflag:s17] =	ssyncadd.s32 $0xFFFFEC00  }
0x128: {  	[tilespmem:s20], [sflag:$0x1] =	stream.indirect.gather [hbm4b:s4+s19], $0x80, s1, s19, $0xb8;
	[tilespmem:$0x1E800] =	vst v63  }
0x129: {  	_ = 	snop  }
0x12a: {  	[tilespmem:s21], [sflag:$0x2] =	stream.indirect.gather [hbm4b:s4+s19], $0x80, s19, s19, $0xb8;
	[tilespmem:$0x1E800] =	vst v63  }
0x12b: {  	_ = 	snop  }
0x12c: {  	[tilespmem:s23], [sflag:$0x3] =	stream.indirect.gather [hbm4b:s4+s19], $0x80, s22, s19, $0xb8;
	[tilespmem:$0x1E800] =	vst v63  }
0x12d: {  	_ = 	snop  }
0x12e: {  	[tilespmem:s25], [sflag:$0x4] =	stream.indirect.gather [hbm4b:s4+s19], $0x80, s24, s19, $0xb8;
	[tilespmem:$0x1E800] =	vst v63  }
0x12f: {  	_ =	swait.ge [sflag:s26], $0x2000  }
0x130: {  	[sflag:s26] =	ssyncset.done $0x0  }
0x131: {  	[sflag:s26] =	ssyncadd.s32 $0xFFFFE000  }
0x132: {  	_ =	swait.ge [sflag:s28], $0x2000  }
0x133: {  	[sflag:s28] =	ssyncset.done $0x0  }
0x134: {  	s8 =	simm.s32 $0x1400;
	[sflag:s28] =	ssyncadd.s32 $0xFFFFE000  }
0x135: {  	[spmem:s2] =	stream.indirect.scatter.add.f32 [tilespmem:s20], [sflag:$0x5], $0x80, s8, s22, $0xb8;
	[tilespmem:$0x1E800] =	vst v63  }
0x136: {  	_ =	swait.ge [sflag:s17], $0x4000  }
0x137: {  	[sflag:s17] =	ssyncset.done $0x0  }
0x138: {  	s3 =	simm.s32 $0x100;
	[sflag:s17] =	ssyncadd.s32 $0xFFFFC000  }
0x139: {  	[tilespmem:s20], [sflag:$0x1] =	stream.indirect.gather [hbm4b:s4+s19], $0x80, s3, s19, $0xb8;
	[tilespmem:$0x1E800] =	vst v63  }
0x13a: {  	s8 =	simm.s32 $0x140  }
0x13b: {  	[tilespmem:s21], [sflag:$0x2] =	stream.indirect.gather [hbm4b:s4+s19], $0x80, s8, s19, $0xb8;
	[tilespmem:$0x1E800] =	vst v63  }
0x13c: {  	_ =	swait.ge [sflag:s29], $0x2000  }
0x13d: {  	[sflag:s29] =	ssyncset.done $0x0  }
0x13e: {  	[sflag:s29] =	ssyncadd.s32 $0xFFFFE000  }
0x13f: {  	_ =	swait.ge [sflag:s30], $0x2000  }
0x140: {  	[sflag:s30] =	ssyncset.done $0x0  }
0x141: {  	s3 =	simm.s32 $0x1480;
	[sflag:s30] =	ssyncadd.s32 $0xFFFFE000  }
0x142: {  	[spmem:s2] =	stream.indirect.scatter.add.f32 [tilespmem:s23], [sflag:$0x5], $0x80, s3, s22, $0xb8;
	[tilespmem:$0x1E800] =	vst v63  }
0x143: {  	_ =	swait.ge [sflag:s17], $0x4000  }
0x144: {  	[sflag:s17] =	ssyncset.done $0x0  }
0x145: {  	s8 =	simm.s32 $0x180;
	[sflag:s17] =	ssyncadd.s32 $0xFFFFC000  }
0x146: {  	[tilespmem:s23], [sflag:$0x3] =	stream.indirect.gather [hbm4b:s4+s19], $0x80, s8, s19, $0xb8;
	[tilespmem:$0x1E800] =	vst v63  }
0x147: {  	s1 =	simm.s32 $0x400;
	s8 =	simm.s32 $0x1C0  }
.LBB2_5:
0x148: {  	[tilespmem:s25], [sflag:$0x4] =	stream.indirect.gather [hbm4b:s4+s19], $0x80, s8, s19, $0xb8;
	[tilespmem:$0x1E800] =	vst v63  }
0x149: {  	s3 =	smov.u32 s1  }
0x14a: {  	p1 =	seq.s32 s1, $0x4800;
	s1 =	sadd.s32 $0x400, s1;
	_ =	swait.ge [sflag:s26], $0x2000  }
0x14b: {  	[sflag:s26] =	ssyncset.done $0x0  }
0x14c: {  	[sflag:s26] =	ssyncadd.s32 $0xFFFFE000  }
0x14d: {  	_ =	swait.ge [sflag:s28], $0x2000  }
0x14e: {  	s3 =	sshra.s32 s3, $0x2;
	[sflag:s28] =	ssyncset.done $0x0  }
0x14f: {  	s8 =	sadd.s32 $0x1400, s3;
	[sflag:s28] =	ssyncadd.s32 $0xFFFFE000  }
0x150: {  	[spmem:s2] =	stream.indirect.scatter.add.f32 [tilespmem:s20], [sflag:$0x5], $0x80, s8, s22, $0xb8;
	[tilespmem:$0x1E800] =	vst v63  }
0x151: {  	_ =	swait.ge [sflag:s17], $0x4000  }
0x152: {  	[sflag:s17] =	ssyncset.done $0x0  }
0x153: {  	s8 =	sadd.s32 $0x100, s3;
	[sflag:s17] =	ssyncadd.s32 $0xFFFFC000  }
0x154: {  	[tilespmem:s20], [sflag:$0x1] =	stream.indirect.gather [hbm4b:s4+s19], $0x80, s8, s19, $0xb8;
	[tilespmem:$0x1E800] =	vst v63  }
0x155: {  	s8 =	sadd.s32 $0x140, s3  }
0x156: {  	[tilespmem:s21], [sflag:$0x2] =	stream.indirect.gather [hbm4b:s4+s19], $0x80, s8, s19, $0xb8;
	[tilespmem:$0x1E800] =	vst v63  }
0x157: {  	_ =	swait.ge [sflag:s29], $0x2000  }
0x158: {  	[sflag:s29] =	ssyncset.done $0x0  }
0x159: {  	[sflag:s29] =	ssyncadd.s32 $0xFFFFE000  }
0x15a: {  	_ =	swait.ge [sflag:s30], $0x2000  }
0x15b: {  	[sflag:s30] =	ssyncset.done $0x0  }
0x15c: {  	s8 =	sadd.s32 $0x1480, s3;
	[sflag:s30] =	ssyncadd.s32 $0xFFFFE000  }
0x15d: {  	[spmem:s2] =	stream.indirect.scatter.add.f32 [tilespmem:s23], [sflag:$0x5], $0x80, s8, s22, $0xb8;
	[tilespmem:$0x1E800] =	vst v63  }
.Ltmp7:
0x15e: {  	_ =	swait.ge [sflag:s17], $0x4000;
	(pc) =	sbr.rel @!p1 .LBB2_5-.Ltmp7, $4  }
0x15f: {  	[sflag:s17] =	ssyncset.done $0x0  }
0x160: {  	s8 =	sadd.s32 $0x180, s3;
	[sflag:s17] =	ssyncadd.s32 $0xFFFFC000  }
0x161: {  	[tilespmem:s23], [sflag:$0x3] =	stream.indirect.gather [hbm4b:s4+s19], $0x80, s8, s19, $0xb8;
	[tilespmem:$0x1E800] =	vst v63  }
0x162: {  	s8 =	sadd.s32 $0x1C0, s3  }
.Ltmp8:
0x163: {  	(pc) =	sbr.rel .LBB2_12-.Ltmp8, $3  }
0x164: {  	_ =	sdelay $0x1  }
0x165: {  	[tilespmem:s25], [sflag:$0x4] =	stream.indirect.gather [hbm4b:s4+s19], $0x80, s8, s19, $0xb8;
	[tilespmem:$0x1E800] =	vst v63  }
0x166: {  	s1 =	rddreg [dreg:$0x1]  }
.LBB2_13:
0x167: {  	_ =	sfence.sel $0x180000  }
0x168: {  	[bflag:$0x0] =	sbarrier.arrive $0xFFFF  }
0x169: {  	_ =	strace $0x9000004D  }
0x16a: {  	s0 =	stileid.u32;
	[bflag:$0x2] =	sbarrier.arrive $0xFFFF  }
0x16b: {  	p0 =	sne.s32 s0, $0x0;
	s0 =	rddreg [dreg:$0x3]  }
0x16c: {  	s0 =	sadd.s32 @!p0 $0x100000, s0  }
0x16d: {  	[sflag:s0] =	ssyncadd.tile.s32 @!p0 $0x1;
	_ =	shalt  }
.Lfunc_end2:
_tile_overlayer_lowered:
.L_overlay_start_2:
0x16e: {  	(tag) =	ssettag $0x2  }
0x16f: {  	s0 =	rddreg [dreg:$0x0];
	s2 =	stileid.u32  }
0x170: {  	s1 =	rddreg [dreg:$0x1];
	p0 =	sne.s32 s2, $0x0  }
0x171: {  	s3 =	rddreg [dreg:$0x2];
	[bflag:$0x3] =	sbarrier.arrive $0xFFFF;
	s2 =	simm.s32 @!p0 $0x1C05  }
0x172: {  	[timem:s3], [sflag:s2] =	dma.local @!p0 [hbm:s0], s1  }
0x173: {  	s0 =	simm.s32 @!p0 $0x5  }
0x174: {  	_ =	swait.ge @!p0 [sflag:s0], s1  }
0x175: {  	s1 =	ssub.s32 @!p0 $0x0, s1;
	[sflag:s0] =	ssyncset.done @!p0 $0x0  }
0x176: {  	[sflag:s0] =	ssyncadd.s32 @!p0 s1  }
0x177: {  	[bflag:$0x3] =	sbarrier.arrive $0xFFFF  }
0x178: {  	_ =	shalt  }

// kernel: kernel.18.cloned.1.call-start
scs
__scs_entry_jumppad:
0x0: {  	(pc) =	sbr.rel $0x88, $3  }
0x1: {  	(tag) =	ssettag $0x0;
	lr =	simm.s32 $0x1  }
0x2: {  	[smem:$0x3F9A] =	sst lr;
	_ =	strace $0xD0000000  }
0x3: {  	_ = 	snop  }
0x4: {  	_ = 	snop  }
0x5: {  	_ = 	snop  }
0x6: {  	_ = 	snop  }
0x7: {  	_ = 	snop  }
__scs_overlays_trampoline_lowered:
0x8: {  	[smem:$0x3FA9] =	sst s0  }
0x9: {  	[smem:$0x3FAA] =	sst s1  }
0xa: {  	[smem:$0x3FAB] =	sst s2  }
0xb: {  	[smem:$0x3FAC] =	sst s3  }
0xc: {  	[smem:$0x3FAD] =	sst s4  }
0xd: {  	[smem:$0x3FAE] =	sst s5  }
0xe: {  	[smem:$0x3FAF] =	sst s6  }
0xf: {  	[smem:$0x3FB0] =	sst s7  }
0x10: {  	[smem:$0x3FB1] =	sst s8  }
0x11: {  	[smem:$0x3FB2] =	sst s9;
	s0 =	simm.s32 @!p0 $0x0  }
0x12: {  	s1 =	sld [smem:$0x3F98];
	s0 =	simm.s32 @p0 $0x1  }
0x13: {  	[smem:$0x3FB3] =	sst s0;
	s0 =	simm.s32 @!p1 $0x0  }
0x14: {  	s2 =	sld [smem:$0x3F97];
	s0 =	simm.s32 @p1 $0x1  }
0x15: {  	[smem:$0x3FB4] =	sst s0;
	s0 =	simm.s32 @!p2 $0x0  }
0x16: {  	s3 =	sld [smem:$0x3FDB];
	s0 =	simm.s32 @p2 $0x1  }
0x17: {  	s4 =	simm.s32 $0x1BF5;
	[smem:$0x3FB6] =	sst s0  }
0x18: {  	s0 =	sld [smem:$0x3F99];
	_ =	swait.ge [sflag:s4], $0x0  }
0x19: {  	s7 =	sld [smem:$0x3F9A]  }
0x1a: {  	s8 =	sadd.s32 $0xFFFFE003, lr  }
0x1b: {  	s9 =	sadd.s32 $0xFFFFFEF7, lr;
	s5 =	simm.s32 $0xFFFFFFFF;
	p2 =	slt.u32 s8, $0xFFFFF086  }
0x1c: {  	p1 =	slt.u32 s9, $0xF7A;
	s5 =	simm.s32 @!p2 $0x0  }
0x1d: {  	s5 =	simm.s32 @p1 $0x1;
	p0 =	seq.s32 s7, s2  }
0x1e: {  	s7 =	smul.u32 @!p0 $0xF7A, s2;
	p2 =	seq.s32 @!p0 s5, $0x0  }
0x1f: {  	s9 =	smul.u32 $0xF7A, s1;
	s8 =	simm.s32 @!p0 $0x1BF5;
	p2 =	por !p2, p0  }
0x20: {  	[sflag:s8] =	ssyncset.s32 @!p0 $0xFFFFF086;
	s6 =	sadd.s32 @!p0 s3, s7;
	s7 =	simm.s32 @!p0 $0x108  }
0x21: {  	s3 =	sadd.s32 s3, s9;
	s6 =	sadd.s32 @!p0 $0x88, s6;
	s7 =	simm.s32 @p2 $0x1082  }
0x22: {  	[simem:s7], [sflag:s8] =	dma.local @!p0 [hbm:s6], $0xF7A  }
0x23: {  	s9 =	sor.u32 $0xD0000000, s2;
	s6 =	simm.s32 $0x108;
	_ =	swait.ge @!p0 [sflag:s8], $0x0  }
0x24: {  	s3 =	sadd.s32 $0x88, s3;
	s6 =	simm.s32 @!p1 $0x1082;
	[sflag:s4] =	ssyncset.s32 $0xFFFFF086  }
0x25: {  	[simem:s6], [sflag:s4] =	dma.local [hbm:s3], $0xF7A  }
0x26: {  	[smem:$0x3F9A] =	sst s1;
	(tag) =	ssettag s2;
	_ =	strace s9  }
0x27: {  	s1 =	sld [smem:$0x3FAA]  }
0x28: {  	s2 =	sld [smem:$0x3FAB]  }
0x29: {  	s4 =	sld [smem:$0x3FAD]  }
0x2a: {  	p0 =	seq.s32 s5, $0x0;
	s5 =	sld [smem:$0x3FAE]  }
0x2b: {  	s6 =	sld [smem:$0x3FAF]  }
0x2c: {  	s7 =	sld [smem:$0x3FB0]  }
0x2d: {  	s3 =	simm.s32 $0x108;
	s8 =	sld [smem:$0x3FB1]  }
0x2e: {  	s3 =	simm.s32 @!p0 $0x1082;
	s9 =	sld [smem:$0x3FB2]  }
0x2f: {  	lr =	sadd.s32 s0, s3;
	s0 =	sld [smem:$0x3FA9]  }
0x30: {  	s3 =	sld [smem:$0x3FAC]  }
0x31: {  	[smem:$0x3FB5] =	sst s10  }
0x32: {  	s10 =	sld [smem:$0x3FB3];
	_ =	sdelay $0x3  }
0x33: {  	p0 =	seq.s32 s10, $0x1;
	s10 =	sld [smem:$0x3FB5];
	_ =	sdelay $0x3  }
0x34: {  	[smem:$0x3FB5] =	sst s10  }
0x35: {  	s10 =	sld [smem:$0x3FB4];
	_ =	sdelay $0x3  }
0x36: {  	p1 =	seq.s32 s10, $0x1;
	s10 =	sld [smem:$0x3FB5];
	_ =	sdelay $0x3  }
0x37: {  	[smem:$0x3FB5] =	sst s10  }
0x38: {  	s10 =	sld [smem:$0x3FB6]  }
0x39: {  	_ = 	snop;
	(pc) =	sbr.ind lr, $3  }
0x3a: {  	_ = 	snop  }
0x3b: {  	_ = 	snop  }
0x3c: {  	p2 =	seq.s32 s10, $0x1;
	s10 =	sld [smem:$0x3FB5]  }
0x3d: {  	_ =	shalt  }
0x3e: {  	_ =	shalt  }
0x3f: {  	_ =	shalt  }
0x40: {  	_ =	shalt  }
0x41: {  	_ =	shalt  }
0x42: {  	_ =	shalt  }
0x43: {  	_ =	shalt  }
0x44: {  	_ =	shalt  }
0x45: {  	_ =	shalt  }
0x46: {  	_ =	shalt  }
0x47: {  	_ =	shalt  }
0x48: {  	_ =	shalt  }
0x49: {  	_ =	shalt  }
0x4a: {  	_ =	shalt  }
0x4b: {  	_ =	shalt  }
0x4c: {  	_ =	shalt  }
0x4d: {  	_ =	shalt  }
0x4e: {  	_ =	shalt  }
0x4f: {  	_ =	shalt  }
0x50: {  	_ =	shalt  }
0x51: {  	_ =	shalt  }
0x52: {  	_ =	shalt  }
0x53: {  	_ =	shalt  }
0x54: {  	_ =	shalt  }
0x55: {  	_ =	shalt  }
0x56: {  	_ =	shalt  }
0x57: {  	_ =	shalt  }
0x58: {  	_ =	shalt  }
0x59: {  	_ =	shalt  }
0x5a: {  	_ =	shalt  }
0x5b: {  	_ =	shalt  }
0x5c: {  	_ =	shalt  }
0x5d: {  	_ =	shalt  }
0x5e: {  	_ =	shalt  }
0x5f: {  	_ =	shalt  }
0x60: {  	_ =	shalt  }
0x61: {  	_ =	shalt  }
0x62: {  	_ =	shalt  }
0x63: {  	_ =	shalt  }
0x64: {  	_ =	shalt  }
0x65: {  	_ =	shalt  }
0x66: {  	_ =	shalt  }
0x67: {  	_ =	shalt  }
0x68: {  	_ =	shalt  }
0x69: {  	_ =	shalt  }
0x6a: {  	_ =	shalt  }
0x6b: {  	_ =	shalt  }
0x6c: {  	_ =	shalt  }
0x6d: {  	_ =	shalt  }
0x6e: {  	_ =	shalt  }
0x6f: {  	_ =	shalt  }
0x70: {  	_ =	shalt  }
0x71: {  	_ =	shalt  }
0x72: {  	_ =	shalt  }
0x73: {  	_ =	shalt  }
0x74: {  	_ =	shalt  }
0x75: {  	_ =	shalt  }
0x76: {  	_ =	shalt  }
0x77: {  	_ =	shalt  }
0x78: {  	_ =	shalt  }
0x79: {  	_ =	shalt  }
0x7a: {  	_ =	shalt  }
0x7b: {  	_ =	shalt  }
0x7c: {  	_ =	shalt  }
0x7d: {  	_ =	shalt  }
0x7e: {  	_ =	shalt  }
0x7f: {  	_ =	shalt  }
0x80: {  	_ =	shalt  }
0x81: {  	_ =	shalt  }
0x82: {  	_ =	shalt  }
0x83: {  	_ =	shalt  }
0x84: {  	_ =	shalt  }
0x85: {  	_ =	shalt  }
0x86: {  	_ =	shalt  }
0x87: {  	_ =	shalt  }
.Lfunc_end0:
.L_simem_size_0:
called_computation.3_lowered:
.L_overlay_start_0:
0x88: {  	s2 =	sld [smem:$0x3FD9]  }
0x89: {  	s3 =	sld [smem:$0x3FFE];
	_ =	sdelay $0x1  }
0x8a: {  	s1 =	srdreg.scid  }
0x8b: {  	s0 =	sand.u32 $0x1, s1  }
0x8c: {  	s17 =	sshll.u32 s0, $0xA;
	s2 =	sadd.s32 s3, s2  }
0x8d: {  	s2 =	sadd.s32 s2, s17  }
0x8e: {  	[smem:$0x3FC1] =	sst s2  }
0x8f: {  	_ = 	snop  }
0x90: {  	s2 =	sld [smem:$0x3FD0];
	(tm) =	ssettm $0x1  }
0x91: {  	s18 =	sld [smem:$0x3FFB];
	_ =	sdelay $0x3  }
0x92: {  	_ =	strace s18  }
0x93: {  	s3 =	sld [smem:$0x3FFC];
	_ =	sdelay $0x3  }
0x94: {  	_ =	strace s3  }
0x95: {  	s3 =	sld [smem:$0x3FFD];
	_ =	sdelay $0x3  }
0x96: {  	_ =	strace s3  }
0x97: {  	_ =	strace $0x8FFFFFFF  }
0x98: {  	s19 =	sld [smem:$0x3FDB];
	_ =	sdelay $0x1  }
0x99: {  	s4 =	simm.s32 $_scs_section_size  }
0x9a: {  	s5 =	simm.s32 $_size__tile_overlayer_lowered;
	s6 =	simm.s32 $_tile_overlayer_lowered  }
0x9b: {  	s22 =	simm.s32 $0x1BFF;
	s21 =	sshll.u32 s6, $0x1;
	s3 =	sadd.s32 s4, s19  }
0x9c: {  	s7 =	simm.s32 $0x0;
	s20 =	sshll.u32 s5, $0x1;
	s5 =	sadd.s32 s21, s3  }
0x9d: {  	[timem:s7], [sflag:s22] =	dma.local [hbm:s5], s20  }
0x9e: {  	_ =	swait.ge [sflag:s22], s20  }
0x9f: {  	s4 =	ssub.s32 $0x0, s20;
	[sflag:s22] =	ssyncset.done $0x0  }
0xa0: {  	[sflag:s22] =	ssyncadd.s32 s4;
	_ =	sdelay $0x1  }
0xa1: {  	s23 =	simm.s32 $0x1B8B  }
0xa2: {  	_ =	swait.ge [sflag:s23], $0x1  }
0xa3: {  	[sflag:s23] =	ssyncset.done $0x0  }
0xa4: {  	s25 =	simm.s32 $0x1B8E;
	s24 =	sld [smem:$0x3FFE];
	[sflag:s23] =	ssyncadd.s32 $0xFFFFFFFF  }
0xa5: {  	s26 =	simm.s32 $execute0_lowered;
	[smem:$0x3FD2] =	sst s25  }
0xa6: {  	s5 =	sshll.u32 s26, $0x1;
	_ =	strace $0x8000004F;
	[dreg:$0x1] =	wrdreg $0xFFFFFFFF  }
0xa7: {  	s28 =	simm.s32 $_size_execute0_lowered;
	s3 =	sadd.s32 s3, s5;
	[dreg:$0x0] =	wrdreg $0x0  }
0xa8: {  	s5 =	sshll.u32 s28, $0x1;
	[dreg:$0x2] =	wrdreg s3  }
0xa9: {  	[dreg:$0x3] =	wrdreg s5  }
0xaa: {  	[dreg:$0x4] =	wrdreg $0xC0  }
0xab: {  	_ =	task [dreg:s7], $0x5FFFF  }
0xac: {  	[dreg:$0x1] =	wrdreg $0xFFFFFFFF  }
0xad: {  	[dreg:$0x0] =	wrdreg $0x60  }
0xae: {  	[dreg:$0x2] =	wrdreg s24  }
0xaf: {  	[dreg:$0x3] =	wrdreg s2  }
0xb0: {  	[dreg:$0x4] =	wrdreg $0xA8000  }
0xb1: {  	[dreg:$0x5] =	wrdreg $0x9  }
0xb2: {  	_ =	task.clear_ibuf [dreg:s7], $0x6FFFF;
	_ =	strace $0x9000004F  }
0xb3: {  	s29 =	simm.s32 $0x9;
	_ =	strace $0x80000051  }
0xb4: {  	_ =	swait.ge [sflag:s29], $0x1  }
0xb5: {  	[sflag:s29] =	ssyncadd.s32 $0xFFFFFFFF  }
0xb6: {  	_ =	strace $0x90000051  }
0xb7: {  	_ =	sfence  }
0xb8: {  	s30 =	sld [smem:$0x0];
	_ =	sdelay $0x2  }
0xb9: {  	s31 =	sshll.u32 s1, $0xD;
	s1 =	sshrl.u32 s1, $0x2  }
0xba: {  	s3 =	sand.u32 $0x4000, s31;
	s1 =	sadd.s32 s1, s30  }
0xbb: {  	s0 =	sor.u32 s3, s0;
	s1 =	sshll.u32 s1, $0x11  }
0xbc: {  	s0 =	sor.u32 s1, s0  }
0xbd: {  	s0 =	sadd.s32 $0x8F2B, s0  }
0xbe: {  	[sflag:s0] =	ssyncadd.remote.s32 $0x1  }
0xbf: {  	_ =	sfence.sel $0xFFFF  }
0xc0: {  	[dreg:$0x0] =	wrdreg $0xFFFFFFFF;
	(pc) =	sbr.abs _section_cstart, $3  }
0xc1: {  	[dreg:$0x1] =	wrdreg $0xFFFFFFFF  }
0xc2: {  	_ =	task.clear_ibuf [dreg:s7], $0x2FFFF;
	_ =	strace $0x9FFFFFFF  }
0xc3: {  	(tm) =	ssettm $0x7FFFFFFF  }
tec
execute0_lowered:
.L_overlay_start_1:
0x0: {  	(tag) =	ssettag $0x1  }
0x1: {  	s0 =	rddreg [dreg:$0x0]  }
0x2: {  	s2 =	rddreg [dreg:$0x2]  }
0x3: {  	s1 =	simm.s32 $0x0;
	s5 =	srdreg.scid;
	s3 =	stileid.u32  }
0x4: {  	s17 =	simm.s32 $0x5;
	s18 =	simm.s32 $0x1400;
	s19 =	simm.s32 $0x40  }
0x5: {  	s20 =	simm.s32 $0x2800;
	s21 =	simm.s32 $0x4800;
	s28 =	simm.s32 $0x2  }
0x6: {  	s29 =	simm.s32 $0x3;
	s30 =	simm.s32 $0x4;
	s31 =	simm.s32 $0x2700  }
0x7: {  	[smem:$0x7FF] =	sst s1;
	s4 =	sadd.s32 $0x60A00, s0;
	s6 =	sadd.s32 $0x5E00, s0  }
0x8: {  	s22 =	sadd.s32 $0x54200, s0;
	s8 =	sadd.s32 $0x59200, s0;
	s5 =	sand.u32 $0x1, s5  }
0x9: {  	s7 =	sadd.s32 $0x5E200, s0;
	s11 =	smul.u32 $0x50000, s3;
	s0 =	sadd.s32 $0xD8A00, s0  }
0xa: {  	s9 =	smul.u32 $0x2800, s3;
	s25 =	sshll.u32 s3, $0x6;
	_ =	strace $0x80000050  }
0xb: {  	s10 =	ssub.s32 $0x2, s5;
	[dreg:$0x4] =	wrdreg s0;
	p0 =	seq.s32 s5, $0x1  }
0xc: {  	s5 =	simm.s32 $0x0;
	s23 =	sshrl.u32 s10, $0x1;
	s24 =	sshrl.u32 s11, $0x2  }
0xd: {  	s12 =	sshrl.u32 s9, $0x3;
	s0 =	ssub.s32 s10, s23;
	s16 =	sadd.s32 s24, s2  }
.Ltmp0:
0xe: {  	s10 =	sor.u32 $0x1C05, s25;
	s11 =	sadd.s32 s22, s12;
	(pc) =	sbr.rel .LBB2_1-.Ltmp0, $4  }
0xf: {  	s26 =	sadd.s32 $0x280, s12;
	s12 =	sadd.s32 s8, s12;
	s23 =	simm.s32 $0x6800  }
0x10: {  	s24 =	simm.s32 $0xC0;
	s25 =	simm.s32 $0x8800;
	s13 =	sadd.s32 s22, s26  }
0x11: {  	s14 =	sadd.s32 s8, s26;
	s15 =	smax.u32 s0, $0x1;
	s16 =	sshrl.u32 s16, $0x3  }
0x12: {  	s22 =	simm.s32 $0x80;
	s26 =	simm.s32 $0x1;
	s0 =	simm.s32 $0x2780  }
.LBB2_11:
0x13: {  	[tilespmem:s25], [sflag:$0x4] =	stream.indirect.gather [hbm4b:s6+s19], $0x80, s8, s19, $0xb8;
	[tilespmem:$0x1E800] =	vst v63  }
0x14: {  	s1 =	rddreg [dreg:$0x4]  }
.LBB2_12:
0x15: {  	_ =	swait.ge [sflag:s26], $0x2000  }
0x16: {  	[sflag:s26] =	ssyncset.done $0x0  }
0x17: {  	[sflag:s26] =	ssyncadd.s32 $0xFFFFE000  }
0x18: {  	_ =	swait.ge [sflag:s28], $0x2000  }
0x19: {  	[sflag:s28] =	ssyncset.done $0x0  }
0x1a: {  	[sflag:s28] =	ssyncadd.s32 $0xFFFFE000  }
0x1b: {  	[spmem:s2] =	stream.indirect.scatter.add.f32 [tilespmem:s20], [sflag:$0x5], $0x80, s31, s22, $0xb8;
	[tilespmem:$0x1E800] =	vst v63  }
0x1c: {  	_ =	swait.ge [sflag:s17], $0x4000  }
0x1d: {  	[sflag:s17] =	ssyncset.done $0x0  }
0x1e: {  	[sflag:s17] =	ssyncadd.s32 $0xFFFFC000  }
0x1f: {  	_ =	swait.ge [sflag:s29], $0x2000  }
0x20: {  	[sflag:s29] =	ssyncset.done $0x0  }
0x21: {  	[sflag:s29] =	ssyncadd.s32 $0xFFFFE000  }
0x22: {  	_ =	swait.ge [sflag:s30], $0x2000  }
0x23: {  	[sflag:s30] =	ssyncset.done $0x0  }
0x24: {  	[sflag:s30] =	ssyncadd.s32 $0xFFFFE000  }
0x25: {  	[spmem:s2] =	stream.indirect.scatter.add.f32 [tilespmem:s23], [sflag:$0x5], $0x80, s0, s22, $0xb8;
	[tilespmem:$0x1E800] =	vst v63  }
0x26: {  	_ =	swait.ge [sflag:s17], $0x4000  }
0x27: {  	s5 =	sadd.s32 $0x1, s5;
	[sflag:s17] =	ssyncset.done $0x0  }
0x28: {  	p1 =	sne.s32 s5, s15;
	[sflag:s17] =	ssyncadd.s32 $0xFFFFC000  }
.Ltmp1:
0x29: {  	s1 =	sadd.s32 s1, s9;
	[bflag:$0x0] =	sbarrier.arrive $0xFFFF;
	(pc) =	sbr.rel @!p1 .LBB2_13-.Ltmp1, $4  }
0x2a: {  	[hbm:s1], [sflag:s10] =	dma.local [spmem:s16], $0x2800  }
0x2b: {  	_ =	swait.ge [sflag:s17], $0x2800  }
0x2c: {  	[sflag:s17] =	ssyncset.done $0x0  }
0x2d: {  	[sflag:s17] =	ssyncadd.s32 $0xFFFFD800  }
.LBB2_1:
0x2e: {  	[spmem:s16], [sflag:s10] =	dma.local [hbm:s7], $0x2800  }
0x2f: {  	_ =	swait.ge [sflag:s17], $0x2800  }
0x30: {  	[sflag:s17] =	ssyncset.done $0x0  }
0x31: {  	[sflag:s17] =	ssyncadd.s32 $0xFFFFD800  }
0x32: {  	s1 =	simm.s32 $0x0;
	[bflag:$0x0] =	sbarrier.arrive $0xFFFF  }
0x33: {  	[tilespmem:s1], [sflag:$0x5] =	stream.linear.gather [hbm4b:s11+s1], $0x1400, $0x38;
	[tilespmem:$0x1E800] =	vst v63  }
0x34: {  	_ =	swait.ge [sflag:s17], $0x1400  }
0x35: {  	[sflag:s17] =	ssyncset.done $0x0  }
.Ltmp2:
0x36: {  	[sflag:s17] =	ssyncadd.s32 $0xFFFFEC00;
	(pc) =	sbr.rel @!p0 .LBB2_2-.Ltmp2, $4  }
0x37: {  	[tilespmem:s18], [sflag:$0x5] =	stream.linear.gather [hbm4b:s12+s1], $0x1400, $0x38;
	[tilespmem:$0x1E800] =	vst v63  }
0x38: {  	_ =	swait.ge [sflag:s17], $0x1400  }
0x39: {  	[sflag:s17] =	ssyncset.done $0x0  }
0x3a: {  	s1 =	simm.s32 $0x0;
	[sflag:s17] =	ssyncadd.s32 $0xFFFFEC00  }
0x3b: {  	[tilespmem:s20], [sflag:$0x1] =	stream.indirect.gather [hbm4b:s6+s19], $0x80, s1, s19, $0xb8;
	[tilespmem:$0x1E800] =	vst v63  }
0x3c: {  	_ = 	snop  }
0x3d: {  	[tilespmem:s21], [sflag:$0x2] =	stream.indirect.gather [hbm4b:s6+s19], $0x80, s19, s19, $0xb8;
	[tilespmem:$0x1E800] =	vst v63  }
0x3e: {  	_ = 	snop  }
0x3f: {  	[tilespmem:s23], [sflag:$0x3] =	stream.indirect.gather [hbm4b:s6+s19], $0x80, s22, s19, $0xb8;
	[tilespmem:$0x1E800] =	vst v63  }
0x40: {  	_ = 	snop  }
0x41: {  	[tilespmem:s25], [sflag:$0x4] =	stream.indirect.gather [hbm4b:s6+s19], $0x80, s24, s19, $0xb8;
	[tilespmem:$0x1E800] =	vst v63  }
0x42: {  	_ =	swait.ge [sflag:s26], $0x2000  }
0x43: {  	[sflag:s26] =	ssyncset.done $0x0  }
0x44: {  	[sflag:s26] =	ssyncadd.s32 $0xFFFFE000  }
0x45: {  	_ =	swait.ge [sflag:s28], $0x2000  }
0x46: {  	[sflag:s28] =	ssyncset.done $0x0  }
0x47: {  	s8 =	simm.s32 $0x1400;
	[sflag:s28] =	ssyncadd.s32 $0xFFFFE000  }
0x48: {  	[spmem:s2] =	stream.indirect.scatter.add.f32 [tilespmem:s20], [sflag:$0x5], $0x80, s8, s22, $0xb8;
	[tilespmem:$0x1E800] =	vst v63  }
0x49: {  	_ =	swait.ge [sflag:s17], $0x4000  }
0x4a: {  	[sflag:s17] =	ssyncset.done $0x0  }
0x4b: {  	s3 =	simm.s32 $0x100;
	[sflag:s17] =	ssyncadd.s32 $0xFFFFC000  }
0x4c: {  	[tilespmem:s20], [sflag:$0x1] =	stream.indirect.gather [hbm4b:s6+s19], $0x80, s3, s19, $0xb8;
	[tilespmem:$0x1E800] =	vst v63  }
0x4d: {  	s8 =	simm.s32 $0x140  }
0x4e: {  	[tilespmem:s21], [sflag:$0x2] =	stream.indirect.gather [hbm4b:s6+s19], $0x80, s8, s19, $0xb8;
	[tilespmem:$0x1E800] =	vst v63  }
0x4f: {  	_ =	swait.ge [sflag:s29], $0x2000  }
0x50: {  	[sflag:s29] =	ssyncset.done $0x0  }
0x51: {  	[sflag:s29] =	ssyncadd.s32 $0xFFFFE000  }
0x52: {  	_ =	swait.ge [sflag:s30], $0x2000  }
0x53: {  	[sflag:s30] =	ssyncset.done $0x0  }
0x54: {  	s3 =	simm.s32 $0x1480;
	[sflag:s30] =	ssyncadd.s32 $0xFFFFE000  }
0x55: {  	[spmem:s2] =	stream.indirect.scatter.add.f32 [tilespmem:s23], [sflag:$0x5], $0x80, s3, s22, $0xb8;
	[tilespmem:$0x1E800] =	vst v63  }
0x56: {  	_ =	swait.ge [sflag:s17], $0x4000  }
0x57: {  	[sflag:s17] =	ssyncset.done $0x0  }
0x58: {  	s8 =	simm.s32 $0x180;
	[sflag:s17] =	ssyncadd.s32 $0xFFFFC000  }
0x59: {  	[tilespmem:s23], [sflag:$0x3] =	stream.indirect.gather [hbm4b:s6+s19], $0x80, s8, s19, $0xb8;
	[tilespmem:$0x1E800] =	vst v63  }
0x5a: {  	s1 =	simm.s32 $0x400;
	s8 =	simm.s32 $0x1C0  }
.LBB2_8:
0x5b: {  	[tilespmem:s25], [sflag:$0x4] =	stream.indirect.gather [hbm4b:s6+s19], $0x80, s8, s19, $0xb8;
	[tilespmem:$0x1E800] =	vst v63  }
0x5c: {  	s3 =	smov.u32 s1  }
0x5d: {  	p1 =	sne.s32 s1, $0x4800;
	s1 =	sadd.s32 $0x400, s1;
	_ =	swait.ge [sflag:s26], $0x2000  }
0x5e: {  	[sflag:s26] =	ssyncset.done $0x0  }
0x5f: {  	[sflag:s26] =	ssyncadd.s32 $0xFFFFE000  }
0x60: {  	_ =	swait.ge [sflag:s28], $0x2000  }
0x61: {  	s3 =	sshra.s32 s3, $0x2;
	[sflag:s28] =	ssyncset.done $0x0  }
0x62: {  	s8 =	sadd.s32 $0x1400, s3;
	[sflag:s28] =	ssyncadd.s32 $0xFFFFE000  }
0x63: {  	[spmem:s2] =	stream.indirect.scatter.add.f32 [tilespmem:s20], [sflag:$0x5], $0x80, s8, s22, $0xb8;
	[tilespmem:$0x1E800] =	vst v63  }
0x64: {  	_ =	swait.ge [sflag:s17], $0x4000  }
0x65: {  	[sflag:s17] =	ssyncset.done $0x0  }
0x66: {  	s8 =	sadd.s32 $0x100, s3;
	[sflag:s17] =	ssyncadd.s32 $0xFFFFC000  }
0x67: {  	[tilespmem:s20], [sflag:$0x1] =	stream.indirect.gather [hbm4b:s6+s19], $0x80, s8, s19, $0xb8;
	[tilespmem:$0x1E800] =	vst v63  }
0x68: {  	s8 =	sadd.s32 $0x140, s3  }
0x69: {  	[tilespmem:s21], [sflag:$0x2] =	stream.indirect.gather [hbm4b:s6+s19], $0x80, s8, s19, $0xb8;
	[tilespmem:$0x1E800] =	vst v63  }
0x6a: {  	_ =	swait.ge [sflag:s29], $0x2000  }
0x6b: {  	[sflag:s29] =	ssyncset.done $0x0  }
0x6c: {  	[sflag:s29] =	ssyncadd.s32 $0xFFFFE000  }
0x6d: {  	_ =	swait.ge [sflag:s30], $0x2000  }
0x6e: {  	[sflag:s30] =	ssyncset.done $0x0  }
0x6f: {  	s8 =	sadd.s32 $0x1480, s3;
	[sflag:s30] =	ssyncadd.s32 $0xFFFFE000  }
0x70: {  	[spmem:s2] =	stream.indirect.scatter.add.f32 [tilespmem:s23], [sflag:$0x5], $0x80, s8, s22, $0xb8;
	[tilespmem:$0x1E800] =	vst v63  }
.Ltmp3:
0x71: {  	_ =	swait.ge [sflag:s17], $0x4000;
	(pc) =	sbr.rel @p1 .LBB2_8-.Ltmp3, $4  }
0x72: {  	[sflag:s17] =	ssyncset.done $0x0  }
0x73: {  	s8 =	sadd.s32 $0x180, s3;
	[sflag:s17] =	ssyncadd.s32 $0xFFFFC000  }
0x74: {  	[tilespmem:s23], [sflag:$0x3] =	stream.indirect.gather [hbm4b:s6+s19], $0x80, s8, s19, $0xb8;
	[tilespmem:$0x1E800] =	vst v63  }
0x75: {  	s8 =	sadd.s32 $0x1C0, s3  }
0x76: {  	[tilespmem:s25], [sflag:$0x4] =	stream.indirect.gather [hbm4b:s6+s19], $0x80, s8, s19, $0xb8;
	[tilespmem:$0x1E800] =	vst v63  }
0x77: {  	_ =	swait.ge [sflag:s26], $0x2000  }
0x78: {  	[sflag:s26] =	ssyncset.done $0x0  }
0x79: {  	[sflag:s26] =	ssyncadd.s32 $0xFFFFE000  }
0x7a: {  	_ =	swait.ge [sflag:s28], $0x2000  }
0x7b: {  	[sflag:s28] =	ssyncset.done $0x0  }
0x7c: {  	[sflag:s28] =	ssyncadd.s32 $0xFFFFE000  }
0x7d: {  	[spmem:s2] =	stream.indirect.scatter.add.f32 [tilespmem:s20], [sflag:$0x5], $0x80, s31, s22, $0xb8;
	[tilespmem:$0x1E800] =	vst v63  }
0x7e: {  	_ =	swait.ge [sflag:s17], $0x4000  }
0x7f: {  	[sflag:s17] =	ssyncset.done $0x0  }
0x80: {  	[sflag:s17] =	ssyncadd.s32 $0xFFFFC000  }
0x81: {  	_ =	swait.ge [sflag:s29], $0x2000  }
0x82: {  	[sflag:s29] =	ssyncset.done $0x0  }
0x83: {  	[sflag:s29] =	ssyncadd.s32 $0xFFFFE000  }
0x84: {  	_ =	swait.ge [sflag:s30], $0x2000  }
0x85: {  	[sflag:s30] =	ssyncset.done $0x0  }
0x86: {  	[sflag:s30] =	ssyncadd.s32 $0xFFFFE000  }
0x87: {  	[spmem:s2] =	stream.indirect.scatter.add.f32 [tilespmem:s23], [sflag:$0x5], $0x80, s0, s22, $0xb8;
	[tilespmem:$0x1E800] =	vst v63  }
0x88: {  	_ =	swait.ge [sflag:s17], $0x4000  }
0x89: {  	[sflag:s17] =	ssyncset.done $0x0  }
0x8a: {  	s1 =	simm.s32 $0x0;
	[sflag:s17] =	ssyncadd.s32 $0xFFFFC000  }
0x8b: {  	[tilespmem:s1], [sflag:$0x5] =	stream.linear.gather [hbm4b:s13+s1], $0x1400, $0x38;
	[tilespmem:$0x1E800] =	vst v63  }
0x8c: {  	_ =	swait.ge [sflag:s17], $0x1400  }
0x8d: {  	[sflag:s17] =	ssyncset.done $0x0  }
0x8e: {  	[sflag:s17] =	ssyncadd.s32 $0xFFFFEC00  }
0x8f: {  	[tilespmem:s18], [sflag:$0x5] =	stream.linear.gather [hbm4b:s14+s1], $0x1400, $0x38;
	[tilespmem:$0x1E800] =	vst v63  }
0x90: {  	_ =	swait.ge [sflag:s17], $0x1400  }
0x91: {  	[sflag:s17] =	ssyncset.done $0x0  }
0x92: {  	[sflag:s17] =	ssyncadd.s32 $0xFFFFEC00  }
0x93: {  	[tilespmem:s20], [sflag:$0x1] =	stream.indirect.gather [hbm4b:s6+s19], $0x80, s1, s19, $0xb8;
	[tilespmem:$0x1E800] =	vst v63  }
0x94: {  	_ = 	snop  }
0x95: {  	[tilespmem:s21], [sflag:$0x2] =	stream.indirect.gather [hbm4b:s6+s19], $0x80, s19, s19, $0xb8;
	[tilespmem:$0x1E800] =	vst v63  }
0x96: {  	_ = 	snop  }
0x97: {  	[tilespmem:s23], [sflag:$0x3] =	stream.indirect.gather [hbm4b:s6+s19], $0x80, s22, s19, $0xb8;
	[tilespmem:$0x1E800] =	vst v63  }
0x98: {  	_ = 	snop  }
0x99: {  	[tilespmem:s25], [sflag:$0x4] =	stream.indirect.gather [hbm4b:s6+s19], $0x80, s24, s19, $0xb8;
	[tilespmem:$0x1E800] =	vst v63  }
0x9a: {  	_ =	swait.ge [sflag:s26], $0x2000  }
0x9b: {  	[sflag:s26] =	ssyncset.done $0x0  }
0x9c: {  	[sflag:s26] =	ssyncadd.s32 $0xFFFFE000  }
0x9d: {  	_ =	swait.ge [sflag:s28], $0x2000  }
0x9e: {  	[sflag:s28] =	ssyncset.done $0x0  }
0x9f: {  	s8 =	simm.s32 $0x1400;
	[sflag:s28] =	ssyncadd.s32 $0xFFFFE000  }
0xa0: {  	[spmem:s2] =	stream.indirect.scatter.add.f32 [tilespmem:s20], [sflag:$0x5], $0x80, s8, s22, $0xb8;
	[tilespmem:$0x1E800] =	vst v63  }
0xa1: {  	_ =	swait.ge [sflag:s17], $0x4000  }
0xa2: {  	[sflag:s17] =	ssyncset.done $0x0  }
0xa3: {  	s3 =	simm.s32 $0x100;
	[sflag:s17] =	ssyncadd.s32 $0xFFFFC000  }
0xa4: {  	[tilespmem:s20], [sflag:$0x1] =	stream.indirect.gather [hbm4b:s6+s19], $0x80, s3, s19, $0xb8;
	[tilespmem:$0x1E800] =	vst v63  }
0xa5: {  	s8 =	simm.s32 $0x140  }
0xa6: {  	[tilespmem:s21], [sflag:$0x2] =	stream.indirect.gather [hbm4b:s6+s19], $0x80, s8, s19, $0xb8;
	[tilespmem:$0x1E800] =	vst v63  }
0xa7: {  	_ =	swait.ge [sflag:s29], $0x2000  }
0xa8: {  	[sflag:s29] =	ssyncset.done $0x0  }
0xa9: {  	[sflag:s29] =	ssyncadd.s32 $0xFFFFE000  }
0xaa: {  	_ =	swait.ge [sflag:s30], $0x2000  }
0xab: {  	[sflag:s30] =	ssyncset.done $0x0  }
0xac: {  	s3 =	simm.s32 $0x1480;
	[sflag:s30] =	ssyncadd.s32 $0xFFFFE000  }
0xad: {  	[spmem:s2] =	stream.indirect.scatter.add.f32 [tilespmem:s23], [sflag:$0x5], $0x80, s3, s22, $0xb8;
	[tilespmem:$0x1E800] =	vst v63  }
0xae: {  	_ =	swait.ge [sflag:s17], $0x4000  }
0xaf: {  	[sflag:s17] =	ssyncset.done $0x0  }
0xb0: {  	s8 =	simm.s32 $0x180;
	[sflag:s17] =	ssyncadd.s32 $0xFFFFC000  }
0xb1: {  	[tilespmem:s23], [sflag:$0x3] =	stream.indirect.gather [hbm4b:s6+s19], $0x80, s8, s19, $0xb8;
	[tilespmem:$0x1E800] =	vst v63  }
0xb2: {  	s1 =	simm.s32 $0x400;
	s8 =	simm.s32 $0x1C0  }
.LBB2_10:
0xb3: {  	[tilespmem:s25], [sflag:$0x4] =	stream.indirect.gather [hbm4b:s6+s19], $0x80, s8, s19, $0xb8;
	[tilespmem:$0x1E800] =	vst v63  }
0xb4: {  	s3 =	smov.u32 s1  }
0xb5: {  	p1 =	sne.s32 s1, $0x4800;
	s1 =	sadd.s32 $0x400, s1;
	_ =	swait.ge [sflag:s26], $0x2000  }
0xb6: {  	[sflag:s26] =	ssyncset.done $0x0  }
0xb7: {  	[sflag:s26] =	ssyncadd.s32 $0xFFFFE000  }
0xb8: {  	_ =	swait.ge [sflag:s28], $0x2000  }
0xb9: {  	s3 =	sshra.s32 s3, $0x2;
	[sflag:s28] =	ssyncset.done $0x0  }
0xba: {  	s8 =	sadd.s32 $0x1400, s3;
	[sflag:s28] =	ssyncadd.s32 $0xFFFFE000  }
0xbb: {  	[spmem:s2] =	stream.indirect.scatter.add.f32 [tilespmem:s20], [sflag:$0x5], $0x80, s8, s22, $0xb8;
	[tilespmem:$0x1E800] =	vst v63  }
0xbc: {  	_ =	swait.ge [sflag:s17], $0x4000  }
0xbd: {  	[sflag:s17] =	ssyncset.done $0x0  }
0xbe: {  	s8 =	sadd.s32 $0x100, s3;
	[sflag:s17] =	ssyncadd.s32 $0xFFFFC000  }
0xbf: {  	[tilespmem:s20], [sflag:$0x1] =	stream.indirect.gather [hbm4b:s6+s19], $0x80, s8, s19, $0xb8;
	[tilespmem:$0x1E800] =	vst v63  }
0xc0: {  	s8 =	sadd.s32 $0x140, s3  }
0xc1: {  	[tilespmem:s21], [sflag:$0x2] =	stream.indirect.gather [hbm4b:s6+s19], $0x80, s8, s19, $0xb8;
	[tilespmem:$0x1E800] =	vst v63  }
0xc2: {  	_ =	swait.ge [sflag:s29], $0x2000  }
0xc3: {  	[sflag:s29] =	ssyncset.done $0x0  }
0xc4: {  	[sflag:s29] =	ssyncadd.s32 $0xFFFFE000  }
0xc5: {  	_ =	swait.ge [sflag:s30], $0x2000  }
0xc6: {  	[sflag:s30] =	ssyncset.done $0x0  }
0xc7: {  	s8 =	sadd.s32 $0x1480, s3;
	[sflag:s30] =	ssyncadd.s32 $0xFFFFE000  }
0xc8: {  	[spmem:s2] =	stream.indirect.scatter.add.f32 [tilespmem:s23], [sflag:$0x5], $0x80, s8, s22, $0xb8;
	[tilespmem:$0x1E800] =	vst v63  }
.Ltmp4:
0xc9: {  	_ =	swait.ge [sflag:s17], $0x4000;
	(pc) =	sbr.rel @p1 .LBB2_10-.Ltmp4, $4  }
0xca: {  	[sflag:s17] =	ssyncset.done $0x0  }
0xcb: {  	s8 =	sadd.s32 $0x180, s3;
	[sflag:s17] =	ssyncadd.s32 $0xFFFFC000  }
0xcc: {  	[tilespmem:s23], [sflag:$0x3] =	stream.indirect.gather [hbm4b:s6+s19], $0x80, s8, s19, $0xb8;
	[tilespmem:$0x1E800] =	vst v63  }
0xcd: {  	s8 =	sadd.s32 $0x1C0, s3  }
.Ltmp5:
0xce: {  	_ = 	snop;
	(pc) =	sbr.rel .LBB2_11-.Ltmp5, $1  }
0xcf: {  	_ =	sdelay $0x3  }
.LBB2_2:
0xd0: {  	[tilespmem:s20], [sflag:$0x1] =	stream.indirect.gather [hbm4b:s4+s19], $0x80, s1, s19, $0xb8;
	[tilespmem:$0x1E800] =	vst v63  }
0xd1: {  	_ = 	snop  }
0xd2: {  	[tilespmem:s21], [sflag:$0x2] =	stream.indirect.gather [hbm4b:s4+s19], $0x80, s19, s19, $0xb8;
	[tilespmem:$0x1E800] =	vst v63  }
0xd3: {  	_ = 	snop  }
0xd4: {  	[tilespmem:s23], [sflag:$0x3] =	stream.indirect.gather [hbm4b:s4+s19], $0x80, s22, s19, $0xb8;
	[tilespmem:$0x1E800] =	vst v63  }
0xd5: {  	_ = 	snop  }
0xd6: {  	[tilespmem:s25], [sflag:$0x4] =	stream.indirect.gather [hbm4b:s4+s19], $0x80, s24, s19, $0xb8;
	[tilespmem:$0x1E800] =	vst v63  }
0xd7: {  	_ =	swait.ge [sflag:s26], $0x2000  }
0xd8: {  	[sflag:s26] =	ssyncset.done $0x0  }
0xd9: {  	[sflag:s26] =	ssyncadd.s32 $0xFFFFE000  }
0xda: {  	_ =	swait.ge [sflag:s28], $0x2000  }
0xdb: {  	[sflag:s28] =	ssyncset.done $0x0  }
0xdc: {  	s8 =	simm.s32 $0x1400;
	[sflag:s28] =	ssyncadd.s32 $0xFFFFE000  }
0xdd: {  	[spmem:s2] =	stream.indirect.scatter.add.f32 [tilespmem:s20], [sflag:$0x5], $0x80, s8, s22, $0xb8;
	[tilespmem:$0x1E800] =	vst v63  }
0xde: {  	_ =	swait.ge [sflag:s17], $0x4000  }
0xdf: {  	[sflag:s17] =	ssyncset.done $0x0  }
0xe0: {  	s3 =	simm.s32 $0x100;
	[sflag:s17] =	ssyncadd.s32 $0xFFFFC000  }
0xe1: {  	[tilespmem:s20], [sflag:$0x1] =	stream.indirect.gather [hbm4b:s4+s19], $0x80, s3, s19, $0xb8;
	[tilespmem:$0x1E800] =	vst v63  }
0xe2: {  	s8 =	simm.s32 $0x140  }
0xe3: {  	[tilespmem:s21], [sflag:$0x2] =	stream.indirect.gather [hbm4b:s4+s19], $0x80, s8, s19, $0xb8;
	[tilespmem:$0x1E800] =	vst v63  }
0xe4: {  	_ =	swait.ge [sflag:s29], $0x2000  }
0xe5: {  	[sflag:s29] =	ssyncset.done $0x0  }
0xe6: {  	[sflag:s29] =	ssyncadd.s32 $0xFFFFE000  }
0xe7: {  	_ =	swait.ge [sflag:s30], $0x2000  }
0xe8: {  	[sflag:s30] =	ssyncset.done $0x0  }
0xe9: {  	s3 =	simm.s32 $0x1480;
	[sflag:s30] =	ssyncadd.s32 $0xFFFFE000  }
0xea: {  	[spmem:s2] =	stream.indirect.scatter.add.f32 [tilespmem:s23], [sflag:$0x5], $0x80, s3, s22, $0xb8;
	[tilespmem:$0x1E800] =	vst v63  }
0xeb: {  	_ =	swait.ge [sflag:s17], $0x4000  }
0xec: {  	[sflag:s17] =	ssyncset.done $0x0  }
0xed: {  	s8 =	simm.s32 $0x180;
	[sflag:s17] =	ssyncadd.s32 $0xFFFFC000  }
0xee: {  	[tilespmem:s23], [sflag:$0x3] =	stream.indirect.gather [hbm4b:s4+s19], $0x80, s8, s19, $0xb8;
	[tilespmem:$0x1E800] =	vst v63  }
0xef: {  	s1 =	simm.s32 $0x400;
	s8 =	simm.s32 $0x1C0  }
.LBB2_3:
0xf0: {  	[tilespmem:s25], [sflag:$0x4] =	stream.indirect.gather [hbm4b:s4+s19], $0x80, s8, s19, $0xb8;
	[tilespmem:$0x1E800] =	vst v63  }
0xf1: {  	s8 =	smov.u32 s1  }
0xf2: {  	p1 =	sne.s32 s1, $0x4800;
	s1 =	sadd.s32 $0x400, s1;
	_ =	swait.ge [sflag:s26], $0x2000  }
0xf3: {  	[sflag:s26] =	ssyncset.done $0x0  }
0xf4: {  	[sflag:s26] =	ssyncadd.s32 $0xFFFFE000  }
0xf5: {  	_ =	swait.ge [sflag:s28], $0x2000  }
0xf6: {  	s8 =	sshra.s32 s8, $0x2;
	[sflag:s28] =	ssyncset.done $0x0  }
0xf7: {  	s3 =	sadd.s32 $0x1400, s8;
	[sflag:s28] =	ssyncadd.s32 $0xFFFFE000  }
0xf8: {  	[spmem:s2] =	stream.indirect.scatter.add.f32 [tilespmem:s20], [sflag:$0x5], $0x80, s3, s22, $0xb8;
	[tilespmem:$0x1E800] =	vst v63  }
0xf9: {  	_ =	swait.ge [sflag:s17], $0x4000  }
0xfa: {  	[sflag:s17] =	ssyncset.done $0x0  }
0xfb: {  	s3 =	sadd.s32 $0x100, s8;
	[sflag:s17] =	ssyncadd.s32 $0xFFFFC000  }
0xfc: {  	[tilespmem:s20], [sflag:$0x1] =	stream.indirect.gather [hbm4b:s4+s19], $0x80, s3, s19, $0xb8;
	[tilespmem:$0x1E800] =	vst v63  }
0xfd: {  	s3 =	sadd.s32 $0x140, s8  }
0xfe: {  	[tilespmem:s21], [sflag:$0x2] =	stream.indirect.gather [hbm4b:s4+s19], $0x80, s3, s19, $0xb8;
	[tilespmem:$0x1E800] =	vst v63  }
0xff: {  	_ =	swait.ge [sflag:s29], $0x2000  }
0x100: {  	[sflag:s29] =	ssyncset.done $0x0  }
0x101: {  	[sflag:s29] =	ssyncadd.s32 $0xFFFFE000  }
0x102: {  	_ =	swait.ge [sflag:s30], $0x2000  }
0x103: {  	[sflag:s30] =	ssyncset.done $0x0  }
0x104: {  	s3 =	sadd.s32 $0x1480, s8;
	[sflag:s30] =	ssyncadd.s32 $0xFFFFE000  }
0x105: {  	[spmem:s2] =	stream.indirect.scatter.add.f32 [tilespmem:s23], [sflag:$0x5], $0x80, s3, s22, $0xb8;
	[tilespmem:$0x1E800] =	vst v63  }
.Ltmp6:
0x106: {  	_ =	swait.ge [sflag:s17], $0x4000;
	(pc) =	sbr.rel @p1 .LBB2_3-.Ltmp6, $4  }
0x107: {  	[sflag:s17] =	ssyncset.done $0x0  }
0x108: {  	s3 =	sadd.s32 $0x180, s8;
	[sflag:s17] =	ssyncadd.s32 $0xFFFFC000  }
0x109: {  	[tilespmem:s23], [sflag:$0x3] =	stream.indirect.gather [hbm4b:s4+s19], $0x80, s3, s19, $0xb8;
	[tilespmem:$0x1E800] =	vst v63  }
0x10a: {  	s8 =	sadd.s32 $0x1C0, s8  }
0x10b: {  	[tilespmem:s25], [sflag:$0x4] =	stream.indirect.gather [hbm4b:s4+s19], $0x80, s8, s19, $0xb8;
	[tilespmem:$0x1E800] =	vst v63  }
0x10c: {  	_ =	swait.ge [sflag:s26], $0x2000  }
0x10d: {  	[sflag:s26] =	ssyncset.done $0x0  }
0x10e: {  	[sflag:s26] =	ssyncadd.s32 $0xFFFFE000  }
0x10f: {  	_ =	swait.ge [sflag:s28], $0x2000  }
0x110: {  	[sflag:s28] =	ssyncset.done $0x0  }
0x111: {  	[sflag:s28] =	ssyncadd.s32 $0xFFFFE000  }
0x112: {  	[spmem:s2] =	stream.indirect.scatter.add.f32 [tilespmem:s20], [sflag:$0x5], $0x80, s31, s22, $0xb8;
	[tilespmem:$0x1E800] =	vst v63  }
0x113: {  	_ =	swait.ge [sflag:s17], $0x4000  }
0x114: {  	[sflag:s17] =	ssyncset.done $0x0  }
0x115: {  	[sflag:s17] =	ssyncadd.s32 $0xFFFFC000  }
0x116: {  	_ =	swait.ge [sflag:s29], $0x2000  }
0x117: {  	[sflag:s29] =	ssyncset.done $0x0  }
0x118: {  	[sflag:s29] =	ssyncadd.s32 $0xFFFFE000  }
0x119: {  	_ =	swait.ge [sflag:s30], $0x2000  }
0x11a: {  	[sflag:s30] =	ssyncset.done $0x0  }
0x11b: {  	[sflag:s30] =	ssyncadd.s32 $0xFFFFE000  }
0x11c: {  	[spmem:s2] =	stream.indirect.scatter.add.f32 [tilespmem:s23], [sflag:$0x5], $0x80, s0, s22, $0xb8;
	[tilespmem:$0x1E800] =	vst v63  }
0x11d: {  	_ =	swait.ge [sflag:s17], $0x4000  }
0x11e: {  	[sflag:s17] =	ssyncset.done $0x0  }
0x11f: {  	s1 =	simm.s32 $0x0;
	[sflag:s17] =	ssyncadd.s32 $0xFFFFC000  }
0x120: {  	[tilespmem:s1], [sflag:$0x5] =	stream.linear.gather [hbm4b:s13+s1], $0x1400, $0x38;
	[tilespmem:$0x1E800] =	vst v63  }
0x121: {  	_ =	swait.ge [sflag:s17], $0x1400  }
0x122: {  	[sflag:s17] =	ssyncset.done $0x0  }
0x123: {  	[sflag:s17] =	ssyncadd.s32 $0xFFFFEC00  }
0x124: {  	[tilespmem:s18], [sflag:$0x5] =	stream.linear.gather [hbm4b:s14+s1], $0x1400, $0x38;
	[tilespmem:$0x1E800] =	vst v63  }
0x125: {  	_ =	swait.ge [sflag:s17], $0x1400  }
0x126: {  	[sflag:s17] =	ssyncset.done $0x0  }
0x127: {  	[sflag:s17] =	ssyncadd.s32 $0xFFFFEC00  }
0x128: {  	[tilespmem:s20], [sflag:$0x1] =	stream.indirect.gather [hbm4b:s4+s19], $0x80, s1, s19, $0xb8;
	[tilespmem:$0x1E800] =	vst v63  }
0x129: {  	_ = 	snop  }
0x12a: {  	[tilespmem:s21], [sflag:$0x2] =	stream.indirect.gather [hbm4b:s4+s19], $0x80, s19, s19, $0xb8;
	[tilespmem:$0x1E800] =	vst v63  }
0x12b: {  	_ = 	snop  }
0x12c: {  	[tilespmem:s23], [sflag:$0x3] =	stream.indirect.gather [hbm4b:s4+s19], $0x80, s22, s19, $0xb8;
	[tilespmem:$0x1E800] =	vst v63  }
0x12d: {  	_ = 	snop  }
0x12e: {  	[tilespmem:s25], [sflag:$0x4] =	stream.indirect.gather [hbm4b:s4+s19], $0x80, s24, s19, $0xb8;
	[tilespmem:$0x1E800] =	vst v63  }
0x12f: {  	_ =	swait.ge [sflag:s26], $0x2000  }
0x130: {  	[sflag:s26] =	ssyncset.done $0x0  }
0x131: {  	[sflag:s26] =	ssyncadd.s32 $0xFFFFE000  }
0x132: {  	_ =	swait.ge [sflag:s28], $0x2000  }
0x133: {  	[sflag:s28] =	ssyncset.done $0x0  }
0x134: {  	s8 =	simm.s32 $0x1400;
	[sflag:s28] =	ssyncadd.s32 $0xFFFFE000  }
0x135: {  	[spmem:s2] =	stream.indirect.scatter.add.f32 [tilespmem:s20], [sflag:$0x5], $0x80, s8, s22, $0xb8;
	[tilespmem:$0x1E800] =	vst v63  }
0x136: {  	_ =	swait.ge [sflag:s17], $0x4000  }
0x137: {  	[sflag:s17] =	ssyncset.done $0x0  }
0x138: {  	s3 =	simm.s32 $0x100;
	[sflag:s17] =	ssyncadd.s32 $0xFFFFC000  }
0x139: {  	[tilespmem:s20], [sflag:$0x1] =	stream.indirect.gather [hbm4b:s4+s19], $0x80, s3, s19, $0xb8;
	[tilespmem:$0x1E800] =	vst v63  }
0x13a: {  	s8 =	simm.s32 $0x140  }
0x13b: {  	[tilespmem:s21], [sflag:$0x2] =	stream.indirect.gather [hbm4b:s4+s19], $0x80, s8, s19, $0xb8;
	[tilespmem:$0x1E800] =	vst v63  }
0x13c: {  	_ =	swait.ge [sflag:s29], $0x2000  }
0x13d: {  	[sflag:s29] =	ssyncset.done $0x0  }
0x13e: {  	[sflag:s29] =	ssyncadd.s32 $0xFFFFE000  }
0x13f: {  	_ =	swait.ge [sflag:s30], $0x2000  }
0x140: {  	[sflag:s30] =	ssyncset.done $0x0  }
0x141: {  	s3 =	simm.s32 $0x1480;
	[sflag:s30] =	ssyncadd.s32 $0xFFFFE000  }
0x142: {  	[spmem:s2] =	stream.indirect.scatter.add.f32 [tilespmem:s23], [sflag:$0x5], $0x80, s3, s22, $0xb8;
	[tilespmem:$0x1E800] =	vst v63  }
0x143: {  	_ =	swait.ge [sflag:s17], $0x4000  }
0x144: {  	[sflag:s17] =	ssyncset.done $0x0  }
0x145: {  	s8 =	simm.s32 $0x180;
	[sflag:s17] =	ssyncadd.s32 $0xFFFFC000  }
0x146: {  	[tilespmem:s23], [sflag:$0x3] =	stream.indirect.gather [hbm4b:s4+s19], $0x80, s8, s19, $0xb8;
	[tilespmem:$0x1E800] =	vst v63  }
0x147: {  	s1 =	simm.s32 $0x400;
	s8 =	simm.s32 $0x1C0  }
.LBB2_5:
0x148: {  	[tilespmem:s25], [sflag:$0x4] =	stream.indirect.gather [hbm4b:s4+s19], $0x80, s8, s19, $0xb8;
	[tilespmem:$0x1E800] =	vst v63  }
0x149: {  	s3 =	smov.u32 s1  }
0x14a: {  	p1 =	seq.s32 s1, $0x4800;
	s1 =	sadd.s32 $0x400, s1;
	_ =	swait.ge [sflag:s26], $0x2000  }
0x14b: {  	[sflag:s26] =	ssyncset.done $0x0  }
0x14c: {  	[sflag:s26] =	ssyncadd.s32 $0xFFFFE000  }
0x14d: {  	_ =	swait.ge [sflag:s28], $0x2000  }
0x14e: {  	s3 =	sshra.s32 s3, $0x2;
	[sflag:s28] =	ssyncset.done $0x0  }
0x14f: {  	s8 =	sadd.s32 $0x1400, s3;
	[sflag:s28] =	ssyncadd.s32 $0xFFFFE000  }
0x150: {  	[spmem:s2] =	stream.indirect.scatter.add.f32 [tilespmem:s20], [sflag:$0x5], $0x80, s8, s22, $0xb8;
	[tilespmem:$0x1E800] =	vst v63  }
0x151: {  	_ =	swait.ge [sflag:s17], $0x4000  }
0x152: {  	[sflag:s17] =	ssyncset.done $0x0  }
0x153: {  	s8 =	sadd.s32 $0x100, s3;
	[sflag:s17] =	ssyncadd.s32 $0xFFFFC000  }
0x154: {  	[tilespmem:s20], [sflag:$0x1] =	stream.indirect.gather [hbm4b:s4+s19], $0x80, s8, s19, $0xb8;
	[tilespmem:$0x1E800] =	vst v63  }
0x155: {  	s8 =	sadd.s32 $0x140, s3  }
0x156: {  	[tilespmem:s21], [sflag:$0x2] =	stream.indirect.gather [hbm4b:s4+s19], $0x80, s8, s19, $0xb8;
	[tilespmem:$0x1E800] =	vst v63  }
0x157: {  	_ =	swait.ge [sflag:s29], $0x2000  }
0x158: {  	[sflag:s29] =	ssyncset.done $0x0  }
0x159: {  	[sflag:s29] =	ssyncadd.s32 $0xFFFFE000  }
0x15a: {  	_ =	swait.ge [sflag:s30], $0x2000  }
0x15b: {  	[sflag:s30] =	ssyncset.done $0x0  }
0x15c: {  	s8 =	sadd.s32 $0x1480, s3;
	[sflag:s30] =	ssyncadd.s32 $0xFFFFE000  }
0x15d: {  	[spmem:s2] =	stream.indirect.scatter.add.f32 [tilespmem:s23], [sflag:$0x5], $0x80, s8, s22, $0xb8;
	[tilespmem:$0x1E800] =	vst v63  }
.Ltmp7:
0x15e: {  	_ =	swait.ge [sflag:s17], $0x4000;
	(pc) =	sbr.rel @!p1 .LBB2_5-.Ltmp7, $4  }
0x15f: {  	[sflag:s17] =	ssyncset.done $0x0  }
0x160: {  	s8 =	sadd.s32 $0x180, s3;
	[sflag:s17] =	ssyncadd.s32 $0xFFFFC000  }
0x161: {  	[tilespmem:s23], [sflag:$0x3] =	stream.indirect.gather [hbm4b:s4+s19], $0x80, s8, s19, $0xb8;
	[tilespmem:$0x1E800] =	vst v63  }
0x162: {  	s8 =	sadd.s32 $0x1C0, s3  }
.Ltmp8:
0x163: {  	(pc) =	sbr.rel .LBB2_12-.Ltmp8, $3  }
0x164: {  	_ =	sdelay $0x1  }
0x165: {  	[tilespmem:s25], [sflag:$0x4] =	stream.indirect.gather [hbm4b:s4+s19], $0x80, s8, s19, $0xb8;
	[tilespmem:$0x1E800] =	vst v63  }
0x166: {  	s1 =	rddreg [dreg:$0x1]  }
.LBB2_13:
0x167: {  	_ =	sfence.sel $0x180000  }
0x168: {  	[bflag:$0x0] =	sbarrier.arrive $0xFFFF  }
0x169: {  	_ =	strace $0x90000050  }
0x16a: {  	s0 =	stileid.u32;
	[bflag:$0x2] =	sbarrier.arrive $0xFFFF  }
0x16b: {  	p0 =	sne.s32 s0, $0x0;
	s0 =	rddreg [dreg:$0x3]  }
0x16c: {  	s0 =	sadd.s32 @!p0 $0x100000, s0  }
0x16d: {  	[sflag:s0] =	ssyncadd.tile.s32 @!p0 $0x1;
	_ =	shalt  }
.Lfunc_end2:
_tile_overlayer_lowered:
.L_overlay_start_2:
0x16e: {  	(tag) =	ssettag $0x2  }
0x16f: {  	s0 =	rddreg [dreg:$0x0];
	s2 =	stileid.u32  }
0x170: {  	s1 =	rddreg [dreg:$0x1];
	p0 =	sne.s32 s2, $0x0  }
0x171: {  	s3 =	rddreg [dreg:$0x2];
	[bflag:$0x3] =	sbarrier.arrive $0xFFFF;
	s2 =	simm.s32 @!p0 $0x1C05  }
0x172: {  	[timem:s3], [sflag:s2] =	dma.local @!p0 [hbm:s0], s1  }
0x173: {  	s0 =	simm.s32 @!p0 $0x5  }
0x174: {  	_ =	swait.ge @!p0 [sflag:s0], s1  }
0x175: {  	s1 =	ssub.s32 @!p0 $0x0, s1;
	[sflag:s0] =	ssyncset.done @!p0 $0x0  }
0x176: {  	[sflag:s0] =	ssyncadd.s32 @!p0 s1  }
0x177: {  	[bflag:$0x3] =	sbarrier.arrive $0xFFFF  }
0x178: {  	_ =	shalt  }

// kernel: kernel.9.cloned.1.call-start
scs
__scs_entry_jumppad:
0x0: {  	(pc) =	sbr.rel $0x88, $3  }
0x1: {  	(tag) =	ssettag $0x0;
	lr =	simm.s32 $0x1  }
0x2: {  	[smem:$0x3F9A] =	sst lr;
	_ =	strace $0xD0000000  }
0x3: {  	_ = 	snop  }
0x4: {  	_ = 	snop  }
0x5: {  	_ = 	snop  }
0x6: {  	_ = 	snop  }
0x7: {  	_ = 	snop  }
__scs_overlays_trampoline_lowered:
0x8: {  	[smem:$0x3FA9] =	sst s0  }
0x9: {  	[smem:$0x3FAA] =	sst s1  }
0xa: {  	[smem:$0x3FAB] =	sst s2  }
0xb: {  	[smem:$0x3FAC] =	sst s3  }
0xc: {  	[smem:$0x3FAD] =	sst s4  }
0xd: {  	[smem:$0x3FAE] =	sst s5  }
0xe: {  	[smem:$0x3FAF] =	sst s6  }
0xf: {  	[smem:$0x3FB0] =	sst s7  }
0x10: {  	[smem:$0x3FB1] =	sst s8  }
0x11: {  	[smem:$0x3FB2] =	sst s9;
	s0 =	simm.s32 @!p0 $0x0  }
0x12: {  	s1 =	sld [smem:$0x3F98];
	s0 =	simm.s32 @p0 $0x1  }
0x13: {  	[smem:$0x3FB3] =	sst s0;
	s0 =	simm.s32 @!p1 $0x0  }
0x14: {  	s2 =	sld [smem:$0x3F97];
	s0 =	simm.s32 @p1 $0x1  }
0x15: {  	[smem:$0x3FB4] =	sst s0;
	s0 =	simm.s32 @!p2 $0x0  }
0x16: {  	s3 =	sld [smem:$0x3FDB];
	s0 =	simm.s32 @p2 $0x1  }
0x17: {  	s4 =	simm.s32 $0x1BF5;
	[smem:$0x3FB6] =	sst s0  }
0x18: {  	s0 =	sld [smem:$0x3F99];
	_ =	swait.ge [sflag:s4], $0x0  }
0x19: {  	s7 =	sld [smem:$0x3F9A]  }
0x1a: {  	s8 =	sadd.s32 $0xFFFFE003, lr  }
0x1b: {  	s9 =	sadd.s32 $0xFFFFFEF7, lr;
	s5 =	simm.s32 $0xFFFFFFFF;
	p2 =	slt.u32 s8, $0xFFFFF086  }
0x1c: {  	p1 =	slt.u32 s9, $0xF7A;
	s5 =	simm.s32 @!p2 $0x0  }
0x1d: {  	s5 =	simm.s32 @p1 $0x1;
	p0 =	seq.s32 s7, s2  }
0x1e: {  	s7 =	smul.u32 @!p0 $0xF7A, s2;
	p2 =	seq.s32 @!p0 s5, $0x0  }
0x1f: {  	s9 =	smul.u32 $0xF7A, s1;
	s8 =	simm.s32 @!p0 $0x1BF5;
	p2 =	por !p2, p0  }
0x20: {  	[sflag:s8] =	ssyncset.s32 @!p0 $0xFFFFF086;
	s6 =	sadd.s32 @!p0 s3, s7;
	s7 =	simm.s32 @!p0 $0x108  }
0x21: {  	s3 =	sadd.s32 s3, s9;
	s6 =	sadd.s32 @!p0 $0x88, s6;
	s7 =	simm.s32 @p2 $0x1082  }
0x22: {  	[simem:s7], [sflag:s8] =	dma.local @!p0 [hbm:s6], $0xF7A  }
0x23: {  	s9 =	sor.u32 $0xD0000000, s2;
	s6 =	simm.s32 $0x108;
	_ =	swait.ge @!p0 [sflag:s8], $0x0  }
0x24: {  	s3 =	sadd.s32 $0x88, s3;
	s6 =	simm.s32 @!p1 $0x1082;
	[sflag:s4] =	ssyncset.s32 $0xFFFFF086  }
0x25: {  	[simem:s6], [sflag:s4] =	dma.local [hbm:s3], $0xF7A  }
0x26: {  	[smem:$0x3F9A] =	sst s1;
	(tag) =	ssettag s2;
	_ =	strace s9  }
0x27: {  	s1 =	sld [smem:$0x3FAA]  }
0x28: {  	s2 =	sld [smem:$0x3FAB]  }
0x29: {  	s4 =	sld [smem:$0x3FAD]  }
0x2a: {  	p0 =	seq.s32 s5, $0x0;
	s5 =	sld [smem:$0x3FAE]  }
0x2b: {  	s6 =	sld [smem:$0x3FAF]  }
0x2c: {  	s7 =	sld [smem:$0x3FB0]  }
0x2d: {  	s3 =	simm.s32 $0x108;
	s8 =	sld [smem:$0x3FB1]  }
0x2e: {  	s3 =	simm.s32 @!p0 $0x1082;
	s9 =	sld [smem:$0x3FB2]  }
0x2f: {  	lr =	sadd.s32 s0, s3;
	s0 =	sld [smem:$0x3FA9]  }
0x30: {  	s3 =	sld [smem:$0x3FAC]  }
0x31: {  	[smem:$0x3FB5] =	sst s10  }
0x32: {  	s10 =	sld [smem:$0x3FB3];
	_ =	sdelay $0x3  }
0x33: {  	p0 =	seq.s32 s10, $0x1;
	s10 =	sld [smem:$0x3FB5];
	_ =	sdelay $0x3  }
0x34: {  	[smem:$0x3FB5] =	sst s10  }
0x35: {  	s10 =	sld [smem:$0x3FB4];
	_ =	sdelay $0x3  }
0x36: {  	p1 =	seq.s32 s10, $0x1;
	s10 =	sld [smem:$0x3FB5];
	_ =	sdelay $0x3  }
0x37: {  	[smem:$0x3FB5] =	sst s10  }
0x38: {  	s10 =	sld [smem:$0x3FB6]  }
0x39: {  	_ = 	snop;
	(pc) =	sbr.ind lr, $3  }
0x3a: {  	_ = 	snop  }
0x3b: {  	_ = 	snop  }
0x3c: {  	p2 =	seq.s32 s10, $0x1;
	s10 =	sld [smem:$0x3FB5]  }
0x3d: {  	_ =	shalt  }
0x3e: {  	_ =	shalt  }
0x3f: {  	_ =	shalt  }
0x40: {  	_ =	shalt  }
0x41: {  	_ =	shalt  }
0x42: {  	_ =	shalt  }
0x43: {  	_ =	shalt  }
0x44: {  	_ =	shalt  }
0x45: {  	_ =	shalt  }
0x46: {  	_ =	shalt  }
0x47: {  	_ =	shalt  }
0x48: {  	_ =	shalt  }
0x49: {  	_ =	shalt  }
0x4a: {  	_ =	shalt  }
0x4b: {  	_ =	shalt  }
0x4c: {  	_ =	shalt  }
0x4d: {  	_ =	shalt  }
0x4e: {  	_ =	shalt  }
0x4f: {  	_ =	shalt  }
0x50: {  	_ =	shalt  }
0x51: {  	_ =	shalt  }
0x52: {  	_ =	shalt  }
0x53: {  	_ =	shalt  }
0x54: {  	_ =	shalt  }
0x55: {  	_ =	shalt  }
0x56: {  	_ =	shalt  }
0x57: {  	_ =	shalt  }
0x58: {  	_ =	shalt  }
0x59: {  	_ =	shalt  }
0x5a: {  	_ =	shalt  }
0x5b: {  	_ =	shalt  }
0x5c: {  	_ =	shalt  }
0x5d: {  	_ =	shalt  }
0x5e: {  	_ =	shalt  }
0x5f: {  	_ =	shalt  }
0x60: {  	_ =	shalt  }
0x61: {  	_ =	shalt  }
0x62: {  	_ =	shalt  }
0x63: {  	_ =	shalt  }
0x64: {  	_ =	shalt  }
0x65: {  	_ =	shalt  }
0x66: {  	_ =	shalt  }
0x67: {  	_ =	shalt  }
0x68: {  	_ =	shalt  }
0x69: {  	_ =	shalt  }
0x6a: {  	_ =	shalt  }
0x6b: {  	_ =	shalt  }
0x6c: {  	_ =	shalt  }
0x6d: {  	_ =	shalt  }
0x6e: {  	_ =	shalt  }
0x6f: {  	_ =	shalt  }
0x70: {  	_ =	shalt  }
0x71: {  	_ =	shalt  }
0x72: {  	_ =	shalt  }
0x73: {  	_ =	shalt  }
0x74: {  	_ =	shalt  }
0x75: {  	_ =	shalt  }
0x76: {  	_ =	shalt  }
0x77: {  	_ =	shalt  }
0x78: {  	_ =	shalt  }
0x79: {  	_ =	shalt  }
0x7a: {  	_ =	shalt  }
0x7b: {  	_ =	shalt  }
0x7c: {  	_ =	shalt  }
0x7d: {  	_ =	shalt  }
0x7e: {  	_ =	shalt  }
0x7f: {  	_ =	shalt  }
0x80: {  	_ =	shalt  }
0x81: {  	_ =	shalt  }
0x82: {  	_ =	shalt  }
0x83: {  	_ =	shalt  }
0x84: {  	_ =	shalt  }
0x85: {  	_ =	shalt  }
0x86: {  	_ =	shalt  }
0x87: {  	_ =	shalt  }
.Lfunc_end0:
.L_simem_size_0:
called_computation_lowered:
.L_overlay_start_0:
0x88: {  	s2 =	sld [smem:$0x3FD9]  }
0x89: {  	s3 =	sld [smem:$0x3FFE];
	_ =	sdelay $0x1  }
0x8a: {  	s1 =	srdreg.scid  }
0x8b: {  	s0 =	sand.u32 $0x1, s1  }
0x8c: {  	s17 =	sshll.u32 s0, $0xA;
	s2 =	sadd.s32 s3, s2  }
0x8d: {  	s2 =	sadd.s32 s2, s17  }
0x8e: {  	[smem:$0x3FC1] =	sst s2  }
0x8f: {  	_ = 	snop  }
0x90: {  	(tm) =	ssettm $0x1  }
0x91: {  	s18 =	sld [smem:$0x3FFB];
	_ =	sdelay $0x3  }
0x92: {  	_ =	strace s18  }
0x93: {  	s2 =	sld [smem:$0x3FFC];
	_ =	sdelay $0x3  }
0x94: {  	_ =	strace s2  }
0x95: {  	s2 =	sld [smem:$0x3FFD];
	_ =	sdelay $0x3  }
0x96: {  	_ =	strace s2  }
0x97: {  	_ =	strace $0x8FFFFFFF  }
0x98: {  	s19 =	sld [smem:$0x3FDB];
	_ =	sdelay $0x1  }
0x99: {  	s20 =	simm.s32 $_scs_section_size  }
0x9a: {  	s4 =	simm.s32 $_size__tile_overlayer_lowered;
	s5 =	simm.s32 $_tile_overlayer_lowered  }
0x9b: {  	s6 =	simm.s32 $0x1BFF;
	s21 =	sshll.u32 s5, $0x1;
	s3 =	sadd.s32 s20, s19  }
0x9c: {  	s22 =	simm.s32 $0x0;
	s4 =	sshll.u32 s4, $0x1;
	s5 =	sadd.s32 s21, s3  }
0x9d: {  	[timem:s22], [sflag:s6] =	dma.local [hbm:s5], s4  }
0x9e: {  	_ =	swait.ge [sflag:s6], s4  }
0x9f: {  	s4 =	ssub.s32 $0x0, s4;
	[sflag:s6] =	ssyncset.done $0x0  }
0xa0: {  	[sflag:s6] =	ssyncadd.s32 s4;
	_ =	sdelay $0x1  }
0xa1: {  	s23 =	simm.s32 $0x1B8B  }
0xa2: {  	_ =	swait.ge [sflag:s23], $0x1  }
0xa3: {  	[sflag:s23] =	ssyncset.done $0x0  }
0xa4: {  	[sflag:s23] =	ssyncadd.s32 $0xFFFFFFFF  }
0xa5: {  	s4 =	sld [smem:$0x0]  }
0xa6: {  	s5 =	sand.u32 $0xFFFFFFFE, s1  }
0xa7: {  	p0 =	sne.s32 s1, s5  }
0xa8: {  	s5 =	sshll.u32 @p0 s5, $0xE  }
0xa9: {  	s5 =	sadd.s32 @p0 $0x11B8D, s5;
	s6 =	sshll.u32 @p0 s4, $0x11  }
0xaa: {  	s5 =	sor.u32 @p0 s6, s5  }
0xab: {  	[sflag:s5] =	ssyncadd.remote.s32 @p0 $0x1;
	_ =	sdelay $0x1  }
0xac: {  	s5 =	simm.s32 @p0 $0x1B8D  }
0xad: {  	_ =	swait.eq @p0 [sflag:s5], $0x1  }
0xae: {  	[sflag:s5] =	ssyncadd.s32 @p0 $0xFFFFFFFF  }
0xaf: {  	s6 =	sshll.u32 @!p0 s1, $0xE  }
0xb0: {  	s6 =	sor.u32 @!p0 $0x4000, s6;
	s5 =	simm.s32 @!p0 $0x1B8D  }
0xb1: {  	s4 =	sshll.u32 @!p0 s4, $0x11;
	s6 =	sadd.s32 @!p0 $0x11B8D, s6;
	_ =	swait.eq @!p0 [sflag:s5], $0x1  }
0xb2: {  	s4 =	sor.u32 @!p0 s4, s6;
	[sflag:s5] =	ssyncadd.s32 @!p0 $0xFFFFFFFF  }
0xb3: {  	s25 =	simm.s32 $0x1B8E;
	s24 =	sld [smem:$0x3FFE];
	[sflag:s4] =	ssyncadd.remote.s32 @!p0 $0x1  }
0xb4: {  	s26 =	simm.s32 $execute0_lowered;
	[smem:$0x3FD2] =	sst s25  }
0xb5: {  	s5 =	sshll.u32 s26, $0x1;
	_ =	strace $0x80000049;
	[dreg:$0x1] =	wrdreg $0xFFFFFFFF  }
0xb6: {  	s28 =	simm.s32 $_size_execute0_lowered;
	s3 =	sadd.s32 s3, s5;
	[dreg:$0x0] =	wrdreg $0x0  }
0xb7: {  	s5 =	sshll.u32 s28, $0x1;
	[dreg:$0x2] =	wrdreg s3  }
0xb8: {  	[dreg:$0x3] =	wrdreg s5  }
0xb9: {  	[dreg:$0x4] =	wrdreg $0xC0  }
0xba: {  	_ =	task [dreg:s22], $0x5FFFF  }
0xbb: {  	[dreg:$0x1] =	wrdreg $0xFFFFFFFF  }
0xbc: {  	[dreg:$0x0] =	wrdreg $0x60  }
0xbd: {  	[dreg:$0x2] =	wrdreg s24  }
0xbe: {  	[dreg:$0x3] =	wrdreg $0x94000  }
0xbf: {  	[dreg:$0x4] =	wrdreg $0x9  }
0xc0: {  	_ =	task.clear_ibuf [dreg:s22], $0x5FFFF;
	_ =	strace $0x90000049  }
0xc1: {  	s29 =	simm.s32 $0x9;
	_ =	strace $0x8000004B  }
0xc2: {  	_ =	swait.ge [sflag:s29], $0x1  }
0xc3: {  	[sflag:s29] =	ssyncadd.s32 $0xFFFFFFFF  }
0xc4: {  	_ =	strace $0x9000004B  }
0xc5: {  	_ =	sfence  }
0xc6: {  	s30 =	sld [smem:$0x0];
	_ =	sdelay $0x2  }
0xc7: {  	s31 =	sshll.u32 s1, $0xD;
	s1 =	sshrl.u32 s1, $0x2  }
0xc8: {  	s4 =	sand.u32 $0x4000, s31;
	s1 =	sadd.s32 s1, s30  }
0xc9: {  	s0 =	sor.u32 s4, s0;
	s1 =	sshll.u32 s1, $0x11  }
0xca: {  	s0 =	sor.u32 s1, s0  }
0xcb: {  	s0 =	sadd.s32 $0x8F2B, s0  }
0xcc: {  	[sflag:s0] =	ssyncadd.remote.s32 $0x1  }
0xcd: {  	_ =	sfence.sel $0xFFFF  }
0xce: {  	[dreg:$0x0] =	wrdreg $0xFFFFFFFF;
	(pc) =	sbr.abs _section_cstart, $3  }
0xcf: {  	[dreg:$0x1] =	wrdreg $0xFFFFFFFF  }
0xd0: {  	_ =	task.clear_ibuf [dreg:s22], $0x2FFFF;
	_ =	strace $0x9FFFFFFF  }
0xd1: {  	(tm) =	ssettm $0x7FFFFFFF  }
tec
execute0_lowered:
.L_overlay_start_1:
0x0: {  	(tag) =	ssettag $0x1  }
0x1: {  	s5 =	rddreg [dreg:$0x0];
	s0 =	srdreg.scid  }
0x2: {  	s2 =	rddreg [dreg:$0x1];
	s1 =	stileid.u32;
	s3 =	simm.s32 $0x0  }
0x3: {  	s16 =	simm.s32 $0x5400;
	s17 =	simm.s32 $0x1;
	s7 =	smul.u32 $0x1400, s1  }
0x4: {  	s18 =	simm.s32 $0x80;
	s19 =	simm.s32 $0x2;
	s23 =	smul.u32 $0x14000, s1  }
0x5: {  	s20 =	simm.s32 $0x3;
	s21 =	simm.s32 $0x4;
	s9 =	smul.u32 $0x50000, s1  }
0x6: {  	s4 =	sand.u32 $0x1, s0;
	s0 =	rddreg [dreg:$0x2];
	s11 =	smul.u32 $0xA0000, s1  }
0x7: {  	s22 =	simm.s32 $0x1300;
	[smem:$0x7FF] =	sst s3;
	s6 =	smul.u32 $0x14000, s4  }
0x8: {  	s12 =	sadd.s32 $0x56AA00, s5;
	s29 =	sshll.u32 s1, $0x6;
	s8 =	smul.u32 $0x140000, s4  }
0x9: {  	_ =	strace $0x8000004A;
	s24 =	smul.u32 $0xA00000, s4;
	s10 =	ssub.s32 $0x2, s4  }
0xa: {  	s4 =	sadd.s32 $0x5E200, s5;
	s25 =	sshrl.u32 s10, $0x1;
	s26 =	sshrl.u32 s9, $0x2  }
0xb: {  	s6 =	sadd.s32 s7, s6;
	s7 =	sadd.s32 s23, s8;
	s10 =	ssub.s32 s10, s25  }
0xc: {  	s28 =	sadd.s32 s11, s24;
	s14 =	sadd.s32 s26, s2;
	s23 =	simm.s32 $0x1380  }
0xd: {  	s24 =	simm.s32 $0x0;
	s6 =	sshrl.u32 s6, $0x3;
	s7 =	sshrl.u32 s7, $0x3  }
0xe: {  	s30 =	sshrl.u32 s28, $0x3;
	s11 =	sor.u32 $0xC000, s28;
	s15 =	sor.u32 $0x8000, s28  }
0xf: {  	s10 =	smax.u32 s10, $0x1;
	s6 =	sadd.s32 s6, s5;
	s13 =	sadd.s32 s7, s5  }
0x10: {  	s5 =	sor.u32 $0x1C05, s29;
	s7 =	sadd.s32 s12, s30;
	s11 =	sshrl.u32 s11, $0x3  }
0x11: {  	s31 =	sshrl.u32 s15, $0x3;
	s15 =	simm.s32 $0x1400;
	s6 =	sadd.s32 $0x59200, s6  }
0x12: {  	s8 =	sadd.s32 $0x800, s7;
	s9 =	sadd.s32 $0x88A00, s13;
	s11 =	sadd.s32 s11, s12  }
0x13: {  	s12 =	sadd.s32 s31, s12;
	s13 =	sshrl.u32 s14, $0x3;
	s14 =	simm.s32 $0x5  }
.LBB2_1:
0x14: {  	[spmem:s13], [sflag:s5] =	dma.local [hbm:s4], $0x2800  }
0x15: {  	_ =	swait.ge [sflag:s14], $0x2800  }
0x16: {  	[sflag:s14] =	ssyncset.done $0x0  }
0x17: {  	[sflag:s14] =	ssyncadd.s32 $0xFFFFD800  }
0x18: {  	[tilespmem:s3], [sflag:$0x5] =	stream.linear.gather [hbm4b:s6+s3], $0x1400, $0x38;
	[tilespmem:$0x1D400] =	vst v63  }
0x19: {  	_ =	swait.ge [sflag:s14], $0x1400  }
0x1a: {  	[sflag:s14] =	ssyncset.done $0x0  }
0x1b: {  	[sflag:s14] =	ssyncadd.s32 $0xFFFFEC00  }
0x1c: {  	[bflag:$0x0] =	sbarrier.arrive $0xFFFF  }
0x1d: {  	[tilespmem:s15], [sflag:$0x1] =	stream.linear.gather [hbm4b:s7+s3], $0x4000, $0x38;
	[tilespmem:$0x1D400] =	vst v63  }
0x1e: {  	_ = 	snop  }
0x1f: {  	[tilespmem:s16], [sflag:$0x2] =	stream.linear.gather [hbm4b:s8+s3], $0x4000, $0x38;
	[tilespmem:$0x1D400] =	vst v63  }
0x20: {  	_ =	swait.ge [sflag:s17], $0x4000  }
0x21: {  	[sflag:s17] =	ssyncset.done $0x0  }
0x22: {  	s25 =	simm.s32 $0x0;
	[sflag:s17] =	ssyncadd.s32 $0xFFFFC000  }
0x23: {  	[spmem:s2] =	stream.indirect.scatter.add.f32 [tilespmem:s15], [sflag:$0x3], $0x80, s25, s18, $0xb8;
	[tilespmem:$0x1D400] =	vst v63  }
0x24: {  	_ =	swait.ge [sflag:s19], $0x4000  }
0x25: {  	[sflag:s19] =	ssyncset.done $0x0  }
0x26: {  	[sflag:s19] =	ssyncadd.s32 $0xFFFFC000  }
0x27: {  	[spmem:s2] =	stream.indirect.scatter.add.f32 [tilespmem:s16], [sflag:$0x4], $0x80, s18, s18, $0xb8;
	[tilespmem:$0x1D400] =	vst v63  }
0x28: {  	_ =	swait.ge [sflag:s20], $0x4000  }
0x29: {  	[sflag:s20] =	ssyncset.done $0x0  }
0x2a: {  	s31 =	sadd.s32 $0x0, s12;
	[sflag:s20] =	ssyncadd.s32 $0xFFFFC000  }
0x2b: {  	[tilespmem:s15], [sflag:$0x1] =	stream.linear.gather [hbm4b:s31+s3], $0x4000, $0x38;
	[tilespmem:$0x1D400] =	vst v63  }
0x2c: {  	_ =	swait.ge [sflag:s21], $0x4000  }
0x2d: {  	s28 =	sadd.s32 $0x0, s11;
	[sflag:s21] =	ssyncset.done $0x0  }
0x2e: {  	s26 =	simm.s32 $0x180;
	s25 =	simm.s32 $0x1000;
	[sflag:s21] =	ssyncadd.s32 $0xFFFFC000  }
.LBB2_2:
0x2f: {  	[tilespmem:s16], [sflag:$0x2] =	stream.linear.gather [hbm4b:s28+s3], $0x4000, $0x38;
	[tilespmem:$0x1D400] =	vst v63  }
0x30: {  	s28 =	smov.u32 s25  }
0x31: {  	p0 =	sne.s32 s25, $0x12000;
	s25 =	sadd.s32 $0x1000, s25;
	_ =	swait.ge [sflag:s17], $0x4000  }
0x32: {  	[sflag:s17] =	ssyncset.done $0x0  }
0x33: {  	s29 =	sadd.s32 $0xFFFFFF80, s26;
	[sflag:s17] =	ssyncadd.s32 $0xFFFFC000  }
0x34: {  	[spmem:s2] =	stream.indirect.scatter.add.f32 [tilespmem:s15], [sflag:$0x3], $0x80, s29, s18, $0xb8;
	[tilespmem:$0x1D400] =	vst v63  }
0x35: {  	_ =	swait.ge [sflag:s19], $0x4000  }
0x36: {  	[sflag:s19] =	ssyncset.done $0x0  }
0x37: {  	[sflag:s19] =	ssyncadd.s32 $0xFFFFC000  }
0x38: {  	[spmem:s2] =	stream.indirect.scatter.add.f32 [tilespmem:s16], [sflag:$0x4], $0x80, s26, s18, $0xb8;
	[tilespmem:$0x1D400] =	vst v63  }
0x39: {  	_ =	swait.ge [sflag:s20], $0x4000  }
0x3a: {  	[sflag:s20] =	ssyncset.done $0x0  }
.Ltmp0:
0x3b: {  	s29 =	sadd.s32 s28, s12;
	[sflag:s20] =	ssyncadd.s32 $0xFFFFC000;
	(pc) =	sbr.rel @p0 .LBB2_2-.Ltmp0, $4  }
0x3c: {  	[tilespmem:s15], [sflag:$0x1] =	stream.linear.gather [hbm4b:s29+s3], $0x4000, $0x38;
	[tilespmem:$0x1D400] =	vst v63  }
0x3d: {  	_ =	swait.ge [sflag:s21], $0x4000  }
0x3e: {  	[sflag:s21] =	ssyncset.done $0x0  }
0x3f: {  	s28 =	sadd.s32 s28, s11;
	s26 =	sadd.s32 $0x100, s26;
	[sflag:s21] =	ssyncadd.s32 $0xFFFFC000  }
0x40: {  	[tilespmem:s16], [sflag:$0x2] =	stream.linear.gather [hbm4b:s28+s3], $0x4000, $0x38;
	[tilespmem:$0x1D400] =	vst v63  }
0x41: {  	_ =	swait.ge [sflag:s17], $0x4000  }
0x42: {  	[sflag:s17] =	ssyncset.done $0x0  }
0x43: {  	[sflag:s17] =	ssyncadd.s32 $0xFFFFC000  }
0x44: {  	[spmem:s2] =	stream.indirect.scatter.add.f32 [tilespmem:s15], [sflag:$0x3], $0x80, s22, s18, $0xb8;
	[tilespmem:$0x1D400] =	vst v63  }
0x45: {  	_ =	swait.ge [sflag:s19], $0x4000  }
0x46: {  	[sflag:s19] =	ssyncset.done $0x0  }
0x47: {  	[sflag:s19] =	ssyncadd.s32 $0xFFFFC000  }
0x48: {  	[spmem:s2] =	stream.indirect.scatter.add.f32 [tilespmem:s16], [sflag:$0x4], $0x80, s23, s18, $0xb8;
	[tilespmem:$0x1D400] =	vst v63  }
0x49: {  	_ =	swait.ge [sflag:s20], $0x4000  }
0x4a: {  	[sflag:s20] =	ssyncset.done $0x0  }
0x4b: {  	[sflag:s20] =	ssyncadd.s32 $0xFFFFC000  }
0x4c: {  	_ =	swait.ge [sflag:s21], $0x4000  }
0x4d: {  	s24 =	sadd.s32 $0x1, s24;
	[sflag:s21] =	ssyncset.done $0x0  }
0x4e: {  	p0 =	sne.s32 s24, s10;
	[sflag:s21] =	ssyncadd.s32 $0xFFFFC000  }
.Ltmp1:
0x4f: {  	[bflag:$0x0] =	sbarrier.arrive $0xFFFF;
	(pc) =	sbr.rel @p0 .LBB2_1-.Ltmp1, $4  }
0x50: {  	[hbm:s9], [sflag:s5] =	dma.local [spmem:s13], $0x2800  }
0x51: {  	_ =	swait.ge [sflag:s14], $0x2800  }
0x52: {  	[sflag:s14] =	ssyncset.done $0x0  }
0x53: {  	[sflag:s14] =	ssyncadd.s32 $0xFFFFD800  }
0x54: {  	_ =	sfence.sel $0x180000  }
0x55: {  	[bflag:$0x0] =	sbarrier.arrive $0xFFFF  }
0x56: {  	p0 =	sne.s32 s1, $0x0;
	_ =	strace $0x9000004A  }
0x57: {  	s0 =	sadd.s32 @!p0 $0x100000, s0;
	[bflag:$0x2] =	sbarrier.arrive $0xFFFF  }
0x58: {  	[sflag:s0] =	ssyncadd.tile.s32 @!p0 $0x1;
	_ =	shalt  }
.Lfunc_end2:
_tile_overlayer_lowered:
.L_overlay_start_2:
0x59: {  	(tag) =	ssettag $0x2  }
0x5a: {  	s0 =	rddreg [dreg:$0x0];
	s2 =	stileid.u32  }
0x5b: {  	s1 =	rddreg [dreg:$0x1];
	p0 =	sne.s32 s2, $0x0  }
0x5c: {  	s3 =	rddreg [dreg:$0x2];
	[bflag:$0x3] =	sbarrier.arrive $0xFFFF;
	s2 =	simm.s32 @!p0 $0x1C05  }
0x5d: {  	[timem:s3], [sflag:s2] =	dma.local @!p0 [hbm:s0], s1  }
0x5e: {  	s0 =	simm.s32 @!p0 $0x5  }
0x5f: {  	_ =	swait.ge @!p0 [sflag:s0], s1  }
0x60: {  	s1 =	ssub.s32 @!p0 $0x0, s1;
	[sflag:s0] =	ssyncset.done @!p0 $0x0  }
0x61: {  	[sflag:s0] =	ssyncadd.s32 @!p0 s1  }
0x62: {  	[bflag:$0x3] =	sbarrier.arrive $0xFFFF  }
0x63: {  	_ =	shalt  }

</sc_bundles>
